<compile_context>
chip_gen: v7x
topology: tpu7x:2x2x1
jax: 0.10.2.dev20260603
libtpu: 0.0.44.dev20260713+nightly
codegen_flags: <defaults>
</compile_context>

<pallas_src>
import functools

import jax
import jax.numpy as jnp
from jax import lax
from jax.experimental import pallas as pl
from jax.experimental.pallas import tpu as pltpu
from jax.experimental.pallas import tpu_sc as plsc

L = 16
K = 2048
NB = 2048
CAP = 4096
T_KV = 32768
N_ROWS = 512
N_WORKERS = 32
ROWS_PER_W = N_ROWS // N_WORKERS
NV_DATA = T_KV // L
NV_SAMPLE = 128
M_SAMPLE = 144


def _iota():
    return lax.iota(jnp.int32, L)


def _keys_from_f32(v):
    bits = lax.bitcast_convert_type(v, jnp.int32)
    return bits ^ (lax.shift_right_arithmetic(bits, 31) & jnp.int32(0x7FFFFFFF))


def _vals_from_keys(k):
    bits = k ^ (lax.shift_right_arithmetic(k, 31) & jnp.int32(0x7FFFFFFF))
    return lax.bitcast_convert_type(bits, jnp.float32)


def _vgather(x, idx):
    return lax.gather(
        x, idx[:, None],
        dimension_numbers=lax.GatherDimensionNumbers(
            offset_dims=(), collapsed_slice_dims=(0,), start_index_map=(0,)),
        slice_sizes=(1,), mode=lax.GatherScatterMode.PROMISE_IN_BOUNDS)


def _splat_last(x):
    return _vgather(x, jnp.full((L,), L - 1, jnp.int32))


def _ks_cumsum(x):
    iota = _iota()
    for s in (1, 2, 4, 8):
        shifted = _vgather(x, jnp.maximum(iota - s, 0))
        x = x + jnp.where(iota >= s, shifted, 0)
    return x


def _scalar(x):
    return lax.reduce_max(x, (0,)) if x.ndim else x


def _lane0(x):
    return lax.squeeze(lax.slice(x, (0,), (1,)), (0,))


def _ds16(j):
    return pl.ds(pl.multiple_of(j * L, L), L)


def _sc_body(scores_hbm, idx_hbm, val_hbm, data, hist, ck_a, ci_a, ck_b, ci_b,
             offs, stage_v, ncnt):
    cid = lax.axis_index("c")
    sid = lax.axis_index("s")
    wid = sid * 2 + cid
    iota = _iota()
    ones = jnp.ones((L,), jnp.int32)
    zeros = jnp.zeros((L,), jnp.int32)

    def zero_hist():
        def z(j, _):
            hist[_ds16(j)] = zeros
            return 0
        lax.fori_loop(0, NB // L, z, 0, unroll=8)

    def hist_range(nv):
        def h(j, _):
            v = data[_ds16(j)]
            nk = ~_keys_from_f32(v)
            d = lax.shift_right_arithmetic(nk, 21) + jnp.int32(1024)
            cnt, last = plsc.scan_count(d)
            plsc.addupdate_scatter(hist, [d], cnt, mask=last)
            return 0
        lax.fori_loop(0, nv, h, 0, unroll=4)

    def find_bucket(target):
        def s(i, carry):
            bkt, run, found = carry
            cs = plsc.cumsum(hist[_ds16(i)]) + run
            ge = cs >= target
            any_ = jnp.any(ge)
            j = _lane0(plsc.all_reduce_ffs(ge))
            bcand = i * L + j
            bkt = jnp.where(jnp.logical_or(found, jnp.logical_not(any_)), bkt, bcand)
            found = jnp.logical_or(found, any_)
            return bkt, _splat_last(cs), found
        bkt, _, _ = lax.fori_loop(
            0, NB // L, s, (jnp.int32(0), jnp.zeros((L,), jnp.int32),
                            jnp.bool_(False)),
            unroll=2)
        return bkt

    def compact(kthr):
        def c(j, carry):
            offm1, idxv = carry
            key = _keys_from_f32(data[_ds16(j)])
            sel = key >= kthr
            pc = plsc.cumsum(jnp.where(sel, 1, 0))
            pos = offm1 + pc
            ok = jnp.logical_and(sel, pos < CAP)
            plsc.store_scatter(ck_a, [pos], key, mask=ok)
            plsc.store_scatter(ci_a, [pos], idxv, mask=ok)
            return (offm1 + _splat_last(pc), idxv + jnp.int32(L))
        offm1, _ = lax.fori_loop(0, NV_DATA, c, (zeros - 1, iota), unroll=8)
        return _lane0(offm1) + 1

    def row_body(t, _carry):
        row = wid * ROWS_PER_W + t
        pltpu.sync_copy(scores_hbm.at[row], data)

        zero_hist()
        hist_range(NV_SAMPLE)
        bkt = find_bucket(jnp.int32(M_SAMPLE))
        kthr = ~(lax.shift_left(bkt - jnp.int32(1024), 21) + jnp.int32(0x1FFFFF))
        raw = compact(kthr)
        ncnt[0] = raw

        @pl.when(jnp.logical_or(raw < K, raw > CAP))
        def _fallback():
            zero_hist()
            hist_range(NV_DATA)
            bkt2 = find_bucket(jnp.int32(K))
            kthr2 = ~(lax.shift_left(bkt2 - jnp.int32(1024), 21)
                      + jnp.int32(0x1FFFFF))
            ncnt[0] = compact(kthr2)

        n_cand = jnp.minimum(ncnt[0], jnp.int32(CAP))

        minkey = jnp.full((L,), -0x80000000, jnp.int32)
        for m in range(8):
            pp = n_cand + iota + (m * L)
            plsc.store_scatter(ck_a, [pp], minkey, mask=pp < CAP)
            plsc.store_scatter(ci_a, [pp], zeros, mask=pp < CAP)
        ng = (n_cand + (8 * L - 1)) // (8 * L)

        for p, (shift, nbp, top) in enumerate(((0, 2048, False),
                                               (11, 2048, False),
                                               (22, 1024, True))):
            src_k, src_i = (ck_a, ci_a) if p % 2 == 0 else (ck_b, ci_b)
            dst_k, dst_i = (ck_b, ci_b) if p % 2 == 0 else (ck_a, ci_a)

            def digit(key):
                nk = ~key
                if top:
                    return lax.shift_right_arithmetic(nk, shift) + jnp.int32(nbp // 2)
                return lax.shift_right_logical(nk, shift) & jnp.int32(0x7FF)

            def zero_offs(j, _):
                offs[_ds16(j)] = zeros
                return 0
            lax.fori_loop(0, nbp // L, zero_offs, 0, unroll=8)

            def sort_hist_step(g, _):
                for u in range(8):
                    j = g * 8 + u
                    d = digit(src_k[_ds16(j)])
                    cnt, last = plsc.scan_count(d)
                    plsc.addupdate_scatter(offs, [d], cnt, mask=last)
                return 0
            lax.fori_loop(0, ng, sort_hist_step, 0)

            def scan_step(i, run):
                v = offs[_ds16(i)]
                cs = plsc.cumsum(v)
                offs[_ds16(i)] = cs - v + run
                return _splat_last(cs) + run
            lax.fori_loop(0, nbp // L, scan_step, zeros, unroll=2)

            def permute_step(g, _):
                for u in range(8):
                    j = g * 8 + u
                    key = src_k[_ds16(j)]
                    idxv = src_i[_ds16(j)]
                    d = digit(key)
                    cnt, last = plsc.scan_count(d)
                    base = plsc.load_gather(offs, [d])
                    pos = base + cnt - 1
                    plsc.store_scatter(dst_k, [pos], key)
                    plsc.store_scatter(dst_i, [pos], idxv)
                    plsc.addupdate_scatter(offs, [d], cnt, mask=last)
                return 0
            lax.fori_loop(0, ng, permute_step, 0)

        def out_step(j, _):
            key = ck_b[_ds16(j)]
            stage_v[_ds16(j)] = _vals_from_keys(key)
            return 0
        lax.fori_loop(0, K // L, out_step, 0, unroll=4)
        pltpu.sync_copy(ci_b.at[pl.ds(0, K)], idx_hbm.at[row])
        pltpu.sync_copy(stage_v, val_hbm.at[row])
        return 0

    lax.fori_loop(0, ROWS_PER_W, row_body, 0)


@jax.jit
def _topk_sc(flat_scores):
    mesh = plsc.VectorSubcoreMesh(core_axis_name="c", subcore_axis_name="s")
    f = pl.kernel(
        _sc_body,
        out_type=(
            jax.ShapeDtypeStruct((N_ROWS, K), jnp.int32),
            jax.ShapeDtypeStruct((N_ROWS, K), jnp.float32),
        ),
        mesh=mesh,
        compiler_params=pltpu.CompilerParams(needs_layout_passes=False),
        scratch_types=[
            pltpu.VMEM((T_KV,), jnp.float32),
            pltpu.VMEM((NB,), jnp.int32),
            pltpu.VMEM((CAP,), jnp.int32),
            pltpu.VMEM((CAP,), jnp.int32),
            pltpu.VMEM((CAP,), jnp.int32),
            pltpu.VMEM((CAP,), jnp.int32),
            pltpu.VMEM((NB,), jnp.int32),
            pltpu.VMEM((K,), jnp.float32),
            pltpu.SMEM((1,), jnp.int32),
        ],
    )
    return f(flat_scores)


def kernel(scores):
    B, T, T_kv = scores.shape
    flat = scores.reshape(B * T, T_kv)
    idx, vals = _topk_sc(flat)
    indices = idx.reshape(B, T, K)
    mask = (vals != -jnp.inf).reshape(B, T, K)
    return indices, mask, jnp.array(K, dtype=jnp.int32)

# --- scband reference (transcript-rebuilt; emitter-appended) ---
"""Pipeline reference for scband-adaptive-top-kselector-40535901340237 (READ-ONLY COPY).

The authoritative reference and input builder live on the scoring server;
editing this copy changes nothing except your own understanding.
"""

import jax, jax.numpy as jnp
import numpy as np

K_BASE = 2048
K_MIN = 256
K_MAX = 4096


def setup_inputs(seed: int = 0) -> dict:
    key = jax.random.key(seed)
    scores = jax.random.normal(key, (32, 16, 32768), dtype=jnp.float32)
    return {"scores": scores}


def reference(scores):
    B, T, T_kv = scores.shape
    k_effective = min(K_BASE, K_MAX, T_kv)
    # masked_fill(scores == -inf, -1e9)
    scores_for_topk = jnp.where(scores == -jnp.inf, jnp.float32(-1000000000.0), scores)
    _, indices = jax.lax.top_k(scores_for_topk, k_effective)
    gathered_scores = jnp.take_along_axis(scores, indices, axis=-1)
    mask = gathered_scores != -jnp.inf
    return indices, mask, jnp.array(k_effective, dtype=jnp.int32)

if __name__ == "__main__":
    import jax
    _d = setup_inputs()
    print(jax.jit(kernel)(*tuple(_d.values())))

</pallas_src>

<mosaic_0001>
#map = affine_map<(d0, d1) -> (0, 0)>
module attributes {stable_mosaic.version = 14 : i64} {
  func.func @_sc_body(%arg0: i32, %arg1: i32, %arg2: memref<512x32768xf32, #tpu.memory_space<hbm>>, %arg3: memref<512x2048xi32, #tpu.memory_space<hbm>>, %arg4: memref<512x2048xf32, #tpu.memory_space<hbm>>, %arg5: memref<32768xf32, #tpu.memory_space<vmem>>, %arg6: memref<2048xi32, #tpu.memory_space<vmem>>, %arg7: memref<4096xi32, #tpu.memory_space<vmem>>, %arg8: memref<4096xi32, #tpu.memory_space<vmem>>, %arg9: memref<4096xi32, #tpu.memory_space<vmem>>, %arg10: memref<4096xi32, #tpu.memory_space<vmem>>, %arg11: memref<2048xi32, #tpu.memory_space<vmem>>, %arg12: memref<2048xf32, #tpu.memory_space<vmem>>, %arg13: memref<1xi32, #tpu.memory_space<smem>>) attributes {dimension_semantics = [#tpu.dimension_semantics<core_parallel>, #tpu.dimension_semantics<subcore_parallel>], iteration_bounds = array<i64: 2, 16>, scalar_prefetch = 0 : i64, scratch_operands = 9 : i64, tpu.core_type = #tpu.core_type<sc_vector_subcore>, window_params = [{transform_indices = #map}, {transform_indices = #map}, {transform_indices = #map}]} {
    %mul3A = arith.constant 2 : i32
    %mul3A_0 = arith.muli %arg1, %mul3A : i32
    %add3A = arith.addi %mul3A_0, %arg0 : i32
    %iota3A = tpu.iota {dimensions = array<i32: 0>} : vector<16xi32>
    %broadcast_in_dim3A = arith.constant 1 : i32
    %broadcast_in_dim3A_1 = vector.broadcast %broadcast_in_dim3A : i32 to vector<16xi32>
    %broadcast_in_dim3A_2 = arith.constant 0 : i32
    %broadcast_in_dim3A_3 = vector.broadcast %broadcast_in_dim3A_2 : i32 to vector<16xi32>
    %scan3A = arith.constant 0 : i32
    %scan3A_4 = arith.constant 0 : i32
    %scan3A_5 = arith.constant 16 : i32
    %scan3A_6 = arith.addi %scan3A_4, %scan3A_5 : i32
    %scan3A_7 = arith.constant 1 : i32
    %scan3A_8 = scf.for %scan3A_10 = %scan3A_4 to %scan3A_6 step %scan3A_7 iter_args(%scan3A_11 = %scan3A) -> (i32)  : i32 {
      %mul3A_12 = arith.constant 16 : i32
      %mul3A_13 = arith.muli %add3A, %mul3A_12 : i32
      %add3A_14 = arith.addi %mul3A_13, %scan3A_10 : i32
      "tpu.region"() ({
        %run_scoped3A = tpu.sem_alloc : memref<!tpu.dma_semaphore, #tpu.memory_space<semaphore_mem>>
        %dma_start3A = arith.constant 0 : i32
        %dma_start3A_291 = tpu.memref_slice %arg2[%add3A_14, %dma_start3A] : memref<512x32768xf32, #tpu.memory_space<hbm>> -> memref<1x32768xf32, #tpu.memory_space<hbm>>
        %dma_start3A_292 = tpu.memref_squeeze %dma_start3A_291 : memref<1x32768xf32, #tpu.memory_space<hbm>> -> memref<32768xf32, #tpu.memory_space<hbm>>
        %dma_start3A_293 = arith.constant 0 : i32
        %dma_start3A_294 = tpu.memref_slice %arg2[%add3A_14, %dma_start3A_293] : memref<512x32768xf32, #tpu.memory_space<hbm>> -> memref<1x32768xf32, #tpu.memory_space<hbm>>
        %dma_start3A_295 = tpu.memref_squeeze %dma_start3A_294 : memref<1x32768xf32, #tpu.memory_space<hbm>> -> memref<32768xf32, #tpu.memory_space<hbm>>
        tpu.enqueue_dma source(%dma_start3A_295 : memref<32768xf32, #tpu.memory_space<hbm>>) target(%arg5 : memref<32768xf32, #tpu.memory_space<vmem>>) target_semaphore(%run_scoped3A : memref<!tpu.dma_semaphore, #tpu.memory_space<semaphore_mem>>)
        %dma_wait3A = arith.constant 0 : i32
        %dma_wait3A_296 = tpu.memref_slice %arg2[%add3A_14, %dma_wait3A] : memref<512x32768xf32, #tpu.memory_space<hbm>> -> memref<1x32768xf32, #tpu.memory_space<hbm>>
        %dma_wait3A_297 = tpu.memref_squeeze %dma_wait3A_296 : memref<1x32768xf32, #tpu.memory_space<hbm>> -> memref<32768xf32, #tpu.memory_space<hbm>>
        %dma_wait3A_298 = arith.constant 0 : i32
        %dma_wait3A_299 = tpu.memref_slice %arg2[%add3A_14, %dma_wait3A_298] : memref<512x32768xf32, #tpu.memory_space<hbm>> -> memref<1x32768xf32, #tpu.memory_space<hbm>>
        %dma_wait3A_300 = tpu.memref_squeeze %dma_wait3A_299 : memref<1x32768xf32, #tpu.memory_space<hbm>> -> memref<32768xf32, #tpu.memory_space<hbm>>
        tpu.wait_dma2 semaphore(%run_scoped3A : memref<!tpu.dma_semaphore, #tpu.memory_space<semaphore_mem>>) src(%dma_wait3A_300 : memref<32768xf32, #tpu.memory_space<hbm>>) dst(%arg5 : memref<32768xf32, #tpu.memory_space<vmem>>)
        tpu.yield
      }) : () -> ()
      %scan3A_15 = arith.constant 0 : i32
      %scan3A_16 = arith.constant 0 : i32
      %scan3A_17 = arith.constant 128 : i32
      %scan3A_18 = arith.addi %scan3A_16, %scan3A_17 : i32
      %scan3A_19 = arith.constant 8 : i32
      %scan3A_20 = scf.for %scan3A_291 = %scan3A_16 to %scan3A_18 step %scan3A_19 iter_args(%scan3A_292 = %scan3A_15) -> (i32)  : i32 {
        %mul3A_293 = arith.constant 16 : i32
        %mul3A_294 = arith.muli %scan3A_291, %mul3A_293 : i32
        %multiple_of3A = tpu.assume_multiple %mul3A_294, 16 : i32
        %swap3A_295 = arith.index_cast %multiple_of3A : i32 to index
        %swap3A_296 = tpu.vector_load %arg6[%swap3A_295] {strides = array<i32>} : memref<2048xi32, #tpu.memory_space<vmem>>, vector<16xi32>,
        tpu.vector_store %arg6[%swap3A_295], %broadcast_in_dim3A_3 {strides = array<i32>} : memref<2048xi32, #tpu.memory_space<vmem>>, vector<16xi32>,
        %scan3A_297 = arith.constant 0 : i32
        %scan3A_298 = arith.constant 1 : i32
        %scan3A_299 = arith.addi %scan3A_291, %scan3A_298 : i32
        %mul3A_300 = arith.constant 16 : i32
        %mul3A_301 = arith.muli %scan3A_299, %mul3A_300 : i32
        %multiple_of3A_302 = tpu.assume_multiple %mul3A_301, 16 : i32
        %swap3A_303 = arith.index_cast %multiple_of3A_302 : i32 to index
        %swap3A_304 = tpu.vector_load %arg6[%swap3A_303] {strides = array<i32>} : memref<2048xi32, #tpu.memory_space<vmem>>, vector<16xi32>,
        tpu.vector_store %arg6[%swap3A_303], %broadcast_in_dim3A_3 {strides = array<i32>} : memref<2048xi32, #tpu.memory_space<vmem>>, vector<16xi32>,
        %scan3A_305 = arith.constant 0 : i32
        %scan3A_306 = arith.constant 2 : i32
        %scan3A_307 = arith.addi %scan3A_291, %scan3A_306 : i32
        %mul3A_308 = arith.constant 16 : i32
        %mul3A_309 = arith.muli %scan3A_307, %mul3A_308 : i32
        %multiple_of3A_310 = tpu.assume_multiple %mul3A_309, 16 : i32
        %swap3A_311 = arith.index_cast %multiple_of3A_310 : i32 to index
        %swap3A_312 = tpu.vector_load %arg6[%swap3A_311] {strides = array<i32>} : memref<2048xi32, #tpu.memory_space<vmem>>, vector<16xi32>,
        tpu.vector_store %arg6[%swap3A_311], %broadcast_in_dim3A_3 {strides = array<i32>} : memref<2048xi32, #tpu.memory_space<vmem>>, vector<16xi32>,
        %scan3A_313 = arith.constant 0 : i32
        %scan3A_314 = arith.constant 3 : i32
        %scan3A_315 = arith.addi %scan3A_291, %scan3A_314 : i32
        %mul3A_316 = arith.constant 16 : i32
        %mul3A_317 = arith.muli %scan3A_315, %mul3A_316 : i32
        %multiple_of3A_318 = tpu.assume_multiple %mul3A_317, 16 : i32
        %swap3A_319 = arith.index_cast %multiple_of3A_318 : i32 to index
        %swap3A_320 = tpu.vector_load %arg6[%swap3A_319] {strides = array<i32>} : memref<2048xi32, #tpu.memory_space<vmem>>, vector<16xi32>,
        tpu.vector_store %arg6[%swap3A_319], %broadcast_in_dim3A_3 {strides = array<i32>} : memref<2048xi32, #tpu.memory_space<vmem>>, vector<16xi32>,
        %scan3A_321 = arith.constant 0 : i32
        %scan3A_322 = arith.constant 4 : i32
        %scan3A_323 = arith.addi %scan3A_291, %scan3A_322 : i32
        %mul3A_324 = arith.constant 16 : i32
        %mul3A_325 = arith.muli %scan3A_323, %mul3A_324 : i32
        %multiple_of3A_326 = tpu.assume_multiple %mul3A_325, 16 : i32
        %swap3A_327 = arith.index_cast %multiple_of3A_326 : i32 to index
        %swap3A_328 = tpu.vector_load %arg6[%swap3A_327] {strides = array<i32>} : memref<2048xi32, #tpu.memory_space<vmem>>, vector<16xi32>,
        tpu.vector_store %arg6[%swap3A_327], %broadcast_in_dim3A_3 {strides = array<i32>} : memref<2048xi32, #tpu.memory_space<vmem>>, vector<16xi32>,
        %scan3A_329 = arith.constant 0 : i32
        %scan3A_330 = arith.constant 5 : i32
        %scan3A_331 = arith.addi %scan3A_291, %scan3A_330 : i32
        %mul3A_332 = arith.constant 16 : i32
        %mul3A_333 = arith.muli %scan3A_331, %mul3A_332 : i32
        %multiple_of3A_334 = tpu.assume_multiple %mul3A_333, 16 : i32
        %swap3A_335 = arith.index_cast %multiple_of3A_334 : i32 to index
        %swap3A_336 = tpu.vector_load %arg6[%swap3A_335] {strides = array<i32>} : memref<2048xi32, #tpu.memory_space<vmem>>, vector<16xi32>,
        tpu.vector_store %arg6[%swap3A_335], %broadcast_in_dim3A_3 {strides = array<i32>} : memref<2048xi32, #tpu.memory_space<vmem>>, vector<16xi32>,
        %scan3A_337 = arith.constant 0 : i32
        %scan3A_338 = arith.constant 6 : i32
        %scan3A_339 = arith.addi %scan3A_291, %scan3A_338 : i32
        %mul3A_340 = arith.constant 16 : i32
        %mul3A_341 = arith.muli %scan3A_339, %mul3A_340 : i32
        %multiple_of3A_342 = tpu.assume_multiple %mul3A_341, 16 : i32
        %swap3A_343 = arith.index_cast %multiple_of3A_342 : i32 to index
        %swap3A_344 = tpu.vector_load %arg6[%swap3A_343] {strides = array<i32>} : memref<2048xi32, #tpu.memory_space<vmem>>, vector<16xi32>,
        tpu.vector_store %arg6[%swap3A_343], %broadcast_in_dim3A_3 {strides = array<i32>} : memref<2048xi32, #tpu.memory_space<vmem>>, vector<16xi32>,
        %scan3A_345 = arith.constant 0 : i32
        %scan3A_346 = arith.constant 7 : i32
        %scan3A_347 = arith.addi %scan3A_291, %scan3A_346 : i32
        %mul3A_348 = arith.constant 16 : i32
        %mul3A_349 = arith.muli %scan3A_347, %mul3A_348 : i32
        %multiple_of3A_350 = tpu.assume_multiple %mul3A_349, 16 : i32
        %swap3A_351 = arith.index_cast %multiple_of3A_350 : i32 to index
        %swap3A_352 = tpu.vector_load %arg6[%swap3A_351] {strides = array<i32>} : memref<2048xi32, #tpu.memory_space<vmem>>, vector<16xi32>,
        tpu.vector_store %arg6[%swap3A_351], %broadcast_in_dim3A_3 {strides = array<i32>} : memref<2048xi32, #tpu.memory_space<vmem>>, vector<16xi32>,
        %scan3A_353 = arith.constant 0 : i32
        scf.yield %scan3A_353 : i32
      }
      %scan3A_21 = arith.constant 128 : i32
      %scan3A_22 = arith.constant 0 : i32
      %scan3A_23 = arith.constant 0 : i32
      %scan3A_24 = arith.constant 128 : i32
      %scan3A_25 = arith.addi %scan3A_23, %scan3A_24 : i32
      %scan3A_26 = arith.constant 4 : i32
      %scan3A_27 = scf.for %scan3A_291 = %scan3A_23 to %scan3A_25 step %scan3A_26 iter_args(%scan3A_292 = %scan3A_22) -> (i32)  : i32 {
        %mul3A_293 = arith.constant 16 : i32
        %mul3A_294 = arith.muli %scan3A_291, %mul3A_293 : i32
        %multiple_of3A = tpu.assume_multiple %mul3A_294, 16 : i32
        %get3A_295 = arith.index_cast %multiple_of3A : i32 to index
        %get3A_296 = tpu.vector_load %arg5[%get3A_295] {strides = array<i32>} : memref<32768xf32, #tpu.memory_space<vmem>>, vector<16xf32>,
        %bitcast_convert_type3A = tpu.bitcast %get3A_296 : vector<16xf32> -> vector<16xi32>
        %shift_right_arithmetic3A = arith.constant 31 : i32
        %shift_right_arithmetic3A_297 = vector.broadcast %shift_right_arithmetic3A : i32 to vector<16xi32>
        %shift_right_arithmetic3A_298 = arith.shrsi %bitcast_convert_type3A, %shift_right_arithmetic3A_297 : vector<16xi32>
        %and3A_299 = arith.constant 2147483647 : i32
        %and3A_300 = vector.broadcast %and3A_299 : i32 to vector<16xi32>
        %and3A_301 = arith.andi %shift_right_arithmetic3A_298, %and3A_300 : vector<16xi32>
        %xor3A = arith.xori %bitcast_convert_type3A, %and3A_301 : vector<16xi32>
        %not3A_302 = arith.constant dense<-1> : vector<16xi32>
        %not3A_303 = arith.xori %xor3A, %not3A_302 : vector<16xi32>
        %shift_right_arithmetic3A_304 = arith.constant 21 : i32
        %shift_right_arithmetic3A_305 = vector.broadcast %shift_right_arithmetic3A_304 : i32 to vector<16xi32>
        %shift_right_arithmetic3A_306 = arith.shrsi %not3A_303, %shift_right_arithmetic3A_305 : vector<16xi32>
        %add3A_307 = arith.constant 1024 : i32
        %add3A_308 = vector.broadcast %add3A_307 : i32 to vector<16xi32>
        %add3A_309 = arith.addi %shift_right_arithmetic3A_306, %add3A_308 : vector<16xi32>
        %broadcast_in_dim3A_310 = arith.constant true
        %broadcast_in_dim3A_311 = vector.broadcast %broadcast_in_dim3A_310 : i1 to vector<16xi1>
        %unique3A, %unique3A_312 = tpu.scan_count mask(%broadcast_in_dim3A_311 : vector<16xi1>) value(%add3A_309 : vector<16xi32>) : vector<16xi1>, vector<16xi32>
        tpu.vector_store_idx %arg6[%add3A_309], %unique3A_312 masked %unique3A {add = true} : memref<2048xi32, #tpu.memory_space<vmem>>[vector<16xi32>], vector<16xi32>, vector<16xi1>
        %scan3A_313 = arith.constant 0 : i32
        %scan3A_314 = arith.constant 1 : i32
        %scan3A_315 = arith.addi %scan3A_291, %scan3A_314 : i32
        %mul3A_316 = arith.constant 16 : i32
        %mul3A_317 = arith.muli %scan3A_315, %mul3A_316 : i32
        %multiple_of3A_318 = tpu.assume_multiple %mul3A_317, 16 : i32
        %get3A_319 = arith.index_cast %multiple_of3A_318 : i32 to index
        %get3A_320 = tpu.vector_load %arg5[%get3A_319] {strides = array<i32>} : memref<32768xf32, #tpu.memory_space<vmem>>, vector<16xf32>,
        %bitcast_convert_type3A_321 = tpu.bitcast %get3A_320 : vector<16xf32> -> vector<16xi32>
        %shift_right_arithmetic3A_322 = arith.constant 31 : i32
        %shift_right_arithmetic3A_323 = vector.broadcast %shift_right_arithmetic3A_322 : i32 to vector<16xi32>
        %shift_right_arithmetic3A_324 = arith.shrsi %bitcast_convert_type3A_321, %shift_right_arithmetic3A_323 : vector<16xi32>
        %and3A_325 = arith.constant 2147483647 : i32
        %and3A_326 = vector.broadcast %and3A_325 : i32 to vector<16xi32>
        %and3A_327 = arith.andi %shift_right_arithmetic3A_324, %and3A_326 : vector<16xi32>
        %xor3A_328 = arith.xori %bitcast_convert_type3A_321, %and3A_327 : vector<16xi32>
        %not3A_329 = arith.constant dense<-1> : vector<16xi32>
        %not3A_330 = arith.xori %xor3A_328, %not3A_329 : vector<16xi32>
        %shift_right_arithmetic3A_331 = arith.constant 21 : i32
        %shift_right_arithmetic3A_332 = vector.broadcast %shift_right_arithmetic3A_331 : i32 to vector<16xi32>
        %shift_right_arithmetic3A_333 = arith.shrsi %not3A_330, %shift_right_arithmetic3A_332 : vector<16xi32>
        %add3A_334 = arith.constant 1024 : i32
        %add3A_335 = vector.broadcast %add3A_334 : i32 to vector<16xi32>
        %add3A_336 = arith.addi %shift_right_arithmetic3A_333, %add3A_335 : vector<16xi32>
        %broadcast_in_dim3A_337 = arith.constant true
        %broadcast_in_dim3A_338 = vector.broadcast %broadcast_in_dim3A_337 : i1 to vector<16xi1>
        %unique3A_339, %unique3A_340 = tpu.scan_count mask(%broadcast_in_dim3A_338 : vector<16xi1>) value(%add3A_336 : vector<16xi32>) : vector<16xi1>, vector<16xi32>
        tpu.vector_store_idx %arg6[%add3A_336], %unique3A_340 masked %unique3A_339 {add = true} : memref<2048xi32, #tpu.memory_space<vmem>>[vector<16xi32>], vector<16xi32>, vector<16xi1>
        %scan3A_341 = arith.constant 0 : i32
        %scan3A_342 = arith.constant 2 : i32
        %scan3A_343 = arith.addi %scan3A_291, %scan3A_342 : i32
        %mul3A_344 = arith.constant 16 : i32
        %mul3A_345 = arith.muli %scan3A_343, %mul3A_344 : i32
        %multiple_of3A_346 = tpu.assume_multiple %mul3A_345, 16 : i32
        %get3A_347 = arith.index_cast %multiple_of3A_346 : i32 to index
        %get3A_348 = tpu.vector_load %arg5[%get3A_347] {strides = array<i32>} : memref<32768xf32, #tpu.memory_space<vmem>>, vector<16xf32>,
        %bitcast_convert_type3A_349 = tpu.bitcast %get3A_348 : vector<16xf32> -> vector<16xi32>
        %shift_right_arithmetic3A_350 = arith.constant 31 : i32
        %shift_right_arithmetic3A_351 = vector.broadcast %shift_right_arithmetic3A_350 : i32 to vector<16xi32>
        %shift_right_arithmetic3A_352 = arith.shrsi %bitcast_convert_type3A_349, %shift_right_arithmetic3A_351 : vector<16xi32>
        %and3A_353 = arith.constant 2147483647 : i32
        %and3A_354 = vector.broadcast %and3A_353 : i32 to vector<16xi32>
        %and3A_355 = arith.andi %shift_right_arithmetic3A_352, %and3A_354 : vector<16xi32>
        %xor3A_356 = arith.xori %bitcast_convert_type3A_349, %and3A_355 : vector<16xi32>
        %not3A_357 = arith.constant dense<-1> : vector<16xi32>
        %not3A_358 = arith.xori %xor3A_356, %not3A_357 : vector<16xi32>
        %shift_right_arithmetic3A_359 = arith.constant 21 : i32
        %shift_right_arithmetic3A_360 = vector.broadcast %shift_right_arithmetic3A_359 : i32 to vector<16xi32>
        %shift_right_arithmetic3A_361 = arith.shrsi %not3A_358, %shift_right_arithmetic3A_360 : vector<16xi32>
        %add3A_362 = arith.constant 1024 : i32
        %add3A_363 = vector.broadcast %add3A_362 : i32 to vector<16xi32>
        %add3A_364 = arith.addi %shift_right_arithmetic3A_361, %add3A_363 : vector<16xi32>
        %broadcast_in_dim3A_365 = arith.constant true
        %broadcast_in_dim3A_366 = vector.broadcast %broadcast_in_dim3A_365 : i1 to vector<16xi1>
        %unique3A_367, %unique3A_368 = tpu.scan_count mask(%broadcast_in_dim3A_366 : vector<16xi1>) value(%add3A_364 : vector<16xi32>) : vector<16xi1>, vector<16xi32>
        tpu.vector_store_idx %arg6[%add3A_364], %unique3A_368 masked %unique3A_367 {add = true} : memref<2048xi32, #tpu.memory_space<vmem>>[vector<16xi32>], vector<16xi32>, vector<16xi1>
        %scan3A_369 = arith.constant 0 : i32
        %scan3A_370 = arith.constant 3 : i32
        %scan3A_371 = arith.addi %scan3A_291, %scan3A_370 : i32
        %mul3A_372 = arith.constant 16 : i32
        %mul3A_373 = arith.muli %scan3A_371, %mul3A_372 : i32
        %multiple_of3A_374 = tpu.assume_multiple %mul3A_373, 16 : i32
        %get3A_375 = arith.index_cast %multiple_of3A_374 : i32 to index
        %get3A_376 = tpu.vector_load %arg5[%get3A_375] {strides = array<i32>} : memref<32768xf32, #tpu.memory_space<vmem>>, vector<16xf32>,
        %bitcast_convert_type3A_377 = tpu.bitcast %get3A_376 : vector<16xf32> -> vector<16xi32>
        %shift_right_arithmetic3A_378 = arith.constant 31 : i32
        %shift_right_arithmetic3A_379 = vector.broadcast %shift_right_arithmetic3A_378 : i32 to vector<16xi32>
        %shift_right_arithmetic3A_380 = arith.shrsi %bitcast_convert_type3A_377, %shift_right_arithmetic3A_379 : vector<16xi32>
        %and3A_381 = arith.constant 2147483647 : i32
        %and3A_382 = vector.broadcast %and3A_381 : i32 to vector<16xi32>
        %and3A_383 = arith.andi %shift_right_arithmetic3A_380, %and3A_382 : vector<16xi32>
        %xor3A_384 = arith.xori %bitcast_convert_type3A_377, %and3A_383 : vector<16xi32>
        %not3A_385 = arith.constant dense<-1> : vector<16xi32>
        %not3A_386 = arith.xori %xor3A_384, %not3A_385 : vector<16xi32>
        %shift_right_arithmetic3A_387 = arith.constant 21 : i32
        %shift_right_arithmetic3A_388 = vector.broadcast %shift_right_arithmetic3A_387 : i32 to vector<16xi32>
        %shift_right_arithmetic3A_389 = arith.shrsi %not3A_386, %shift_right_arithmetic3A_388 : vector<16xi32>
        %add3A_390 = arith.constant 1024 : i32
        %add3A_391 = vector.broadcast %add3A_390 : i32 to vector<16xi32>
        %add3A_392 = arith.addi %shift_right_arithmetic3A_389, %add3A_391 : vector<16xi32>
        %broadcast_in_dim3A_393 = arith.constant true
        %broadcast_in_dim3A_394 = vector.broadcast %broadcast_in_dim3A_393 : i1 to vector<16xi1>
        %unique3A_395, %unique3A_396 = tpu.scan_count mask(%broadcast_in_dim3A_394 : vector<16xi1>) value(%add3A_392 : vector<16xi32>) : vector<16xi1>, vector<16xi32>
        tpu.vector_store_idx %arg6[%add3A_392], %unique3A_396 masked %unique3A_395 {add = true} : memref<2048xi32, #tpu.memory_space<vmem>>[vector<16xi32>], vector<16xi32>, vector<16xi1>
        %scan3A_397 = arith.constant 0 : i32
        scf.yield %scan3A_397 : i32
      }
      %scan3A_28 = arith.constant 128 : i32
      %broadcast_in_dim3A_29 = arith.constant 0 : i32
      %broadcast_in_dim3A_30 = vector.broadcast %broadcast_in_dim3A_29 : i32 to vector<16xi32>
      %scan3A_31 = arith.constant 144 : i32
      %scan3A_32 = arith.constant 0 : i32
      %scan3A_33 = arith.constant false
      %scan3A_34 = arith.constant 0 : i32
      %scan3A_35 = arith.constant 128 : i32
      %scan3A_36 = arith.addi %scan3A_34, %scan3A_35 : i32
      %scan3A_37 = arith.constant 2 : i32
      %scan3A_38:3 = scf.for %scan3A_291 = %scan3A_34 to %scan3A_36 step %scan3A_37 iter_args(%scan3A_292 = %scan3A_32, %scan3A_293 = %broadcast_in_dim3A_30, %scan3A_294 = %scan3A_33) -> (i32, vector<16xi32>, i1)  : i32 {
        %mul3A_295 = arith.constant 16 : i32
        %mul3A_296 = arith.muli %scan3A_291, %mul3A_295 : i32
        %multiple_of3A = tpu.assume_multiple %mul3A_296, 16 : i32
        %get3A_297 = arith.index_cast %multiple_of3A : i32 to index
        %get3A_298 = tpu.vector_load %arg6[%get3A_297] {strides = array<i32>} : memref<2048xi32, #tpu.memory_space<vmem>>, vector<16xi32>,
        %broadcast_in_dim3A_299 = arith.constant true
        %broadcast_in_dim3A_300 = vector.broadcast %broadcast_in_dim3A_299 : i1 to vector<16xi1>
        %masked_cumsum3A = tpu.scan <sum>, %get3A_298 masked %broadcast_in_dim3A_300 : vector<16xi32>, vector<16xi1> -> vector<16xi32>
        %add3A_301 = arith.addi %masked_cumsum3A, %scan3A_293 : vector<16xi32>
        %ge3A = vector.broadcast %scan3A_31 : i32 to vector<16xi32>
        %ge3A_302 = arith.cmpi sge, %add3A_301, %ge3A : vector<16xi32>
        %reduce_or3A = arith.constant 1.000000e+00 : f32
        %reduce_or3A_303 = arith.constant 0.000000e+00 : f32
        %reduce_or3A_304 = vector.broadcast %reduce_or3A : f32 to vector<16xf32>
        %reduce_or3A_305 = vector.broadcast %reduce_or3A_303 : f32 to vector<16xf32>
        %reduce_or3A_306 = arith.select %ge3A_302, %reduce_or3A_304, %reduce_or3A_305 : vector<16xi1>, vector<16xf32>
        %reduce_or3A_307 = arith.constant true
        %reduce_or3A_308 = vector.broadcast %reduce_or3A_307 : i1 to vector<16xi1>
        %reduce_or3A_309 = tpu.scan <max>, %reduce_or3A_306 masked %reduce_or3A_308 : vector<16xf32>, vector<16xi1> -> vector<16xf32>
        %reduce_or3A_310 = vector.extract %reduce_or3A_309[15] : f32 from vector<16xf32>
        %reduce_or3A_311 = arith.constant 0.000000e+00 : f32
        %reduce_or3A_312 = arith.cmpf ogt, %reduce_or3A_310, %reduce_or3A_311 : f32
        %all_reduce_ffs3A = tpu.all_reduce %ge3A_302 {dim = 0 : i64, kind = #tpu.reduction_kind<find_first_set>} : vector<16xi1> -> vector<16xi32>
        %slice3A_313 = vector.extract_strided_slice %all_reduce_ffs3A {offsets = [0], sizes = [1], strides = [1]} : vector<16xi32> to vector<1xi32>
        %squeeze3A_314 = vector.extract %slice3A_313[0] : i32 from vector<1xi32>
        %mul3A_315 = arith.constant 16 : i32
        %mul3A_316 = arith.muli %scan3A_291, %mul3A_315 : i32
        %add3A_317 = arith.addi %mul3A_316, %squeeze3A_314 : i32
        %not3A_318 = arith.constant true
        %not3A_319 = arith.xori %reduce_or3A_312, %not3A_318 : i1
        %or3A_320 = arith.ori %scan3A_294, %not3A_319 : i1
        %select_n3A_321 = arith.select %or3A_320, %scan3A_292, %add3A_317 : i32
        %or3A_322 = arith.ori %scan3A_294, %reduce_or3A_312 : i1
        %broadcast_in_dim3A_323 = arith.constant 15 : i32
        %broadcast_in_dim3A_324 = vector.broadcast %broadcast_in_dim3A_323 : i32 to vector<16xi32>
        %broadcast_in_dim3A_325 = vector.shape_cast %broadcast_in_dim3A_324 : vector<16xi32> to vector<16x1xi32>
        %gather3A = vector.shape_cast %broadcast_in_dim3A_325 : vector<16x1xi32> to vector<16xi32>
        %gather3A_326 = tpu.dynamic_gather %add3A_301[%gather3A] in [0] : vector<16xi32>, vector<16xi32> -> vector<16xi32>
        %scan3A_327 = arith.constant 1 : i32
        %scan3A_328 = arith.addi %scan3A_291, %scan3A_327 : i32
        %mul3A_329 = arith.constant 16 : i32
        %mul3A_330 = arith.muli %scan3A_328, %mul3A_329 : i32
        %multiple_of3A_331 = tpu.assume_multiple %mul3A_330, 16 : i32
        %get3A_332 = arith.index_cast %multiple_of3A_331 : i32 to index
        %get3A_333 = tpu.vector_load %arg6[%get3A_332] {strides = array<i32>} : memref<2048xi32, #tpu.memory_space<vmem>>, vector<16xi32>,
        %broadcast_in_dim3A_334 = arith.constant true
        %broadcast_in_dim3A_335 = vector.broadcast %broadcast_in_dim3A_334 : i1 to vector<16xi1>
        %masked_cumsum3A_336 = tpu.scan <sum>, %get3A_333 masked %broadcast_in_dim3A_335 : vector<16xi32>, vector<16xi1> -> vector<16xi32>
        %add3A_337 = arith.addi %masked_cumsum3A_336, %gather3A_326 : vector<16xi32>
        %ge3A_338 = vector.broadcast %scan3A_31 : i32 to vector<16xi32>
        %ge3A_339 = arith.cmpi sge, %add3A_337, %ge3A_338 : vector<16xi32>
        %reduce_or3A_340 = arith.constant 1.000000e+00 : f32
        %reduce_or3A_341 = arith.constant 0.000000e+00 : f32
        %reduce_or3A_342 = vector.broadcast %reduce_or3A_340 : f32 to vector<16xf32>
        %reduce_or3A_343 = vector.broadcast %reduce_or3A_341 : f32 to vector<16xf32>
        %reduce_or3A_344 = arith.select %ge3A_339, %reduce_or3A_342, %reduce_or3A_343 : vector<16xi1>, vector<16xf32>
        %reduce_or3A_345 = arith.constant true
        %reduce_or3A_346 = vector.broadcast %reduce_or3A_345 : i1 to vector<16xi1>
        %reduce_or3A_347 = tpu.scan <max>, %reduce_or3A_344 masked %reduce_or3A_346 : vector<16xf32>, vector<16xi1> -> vector<16xf32>
        %reduce_or3A_348 = vector.extract %reduce_or3A_347[15] : f32 from vector<16xf32>
        %reduce_or3A_349 = arith.constant 0.000000e+00 : f32
        %reduce_or3A_350 = arith.cmpf ogt, %reduce_or3A_348, %reduce_or3A_349 : f32
        %all_reduce_ffs3A_351 = tpu.all_reduce %ge3A_339 {dim = 0 : i64, kind = #tpu.reduction_kind<find_first_set>} : vector<16xi1> -> vector<16xi32>
        %slice3A_352 = vector.extract_strided_slice %all_reduce_ffs3A_351 {offsets = [0], sizes = [1], strides = [1]} : vector<16xi32> to vector<1xi32>
        %squeeze3A_353 = vector.extract %slice3A_352[0] : i32 from vector<1xi32>
        %mul3A_354 = arith.constant 16 : i32
        %mul3A_355 = arith.muli %scan3A_328, %mul3A_354 : i32
        %add3A_356 = arith.addi %mul3A_355, %squeeze3A_353 : i32
        %not3A_357 = arith.constant true
        %not3A_358 = arith.xori %reduce_or3A_350, %not3A_357 : i1
        %or3A_359 = arith.ori %or3A_322, %not3A_358 : i1
        %select_n3A_360 = arith.select %or3A_359, %select_n3A_321, %add3A_356 : i32
        %or3A_361 = arith.ori %or3A_322, %reduce_or3A_350 : i1
        %broadcast_in_dim3A_362 = arith.constant 15 : i32
        %broadcast_in_dim3A_363 = vector.broadcast %broadcast_in_dim3A_362 : i32 to vector<16xi32>
        %broadcast_in_dim3A_364 = vector.shape_cast %broadcast_in_dim3A_363 : vector<16xi32> to vector<16x1xi32>
        %gather3A_365 = vector.shape_cast %broadcast_in_dim3A_364 : vector<16x1xi32> to vector<16xi32>
        %gather3A_366 = tpu.dynamic_gather %add3A_337[%gather3A_365] in [0] : vector<16xi32>, vector<16xi32> -> vector<16xi32>
        scf.yield %select_n3A_360, %gather3A_366, %or3A_361 : i32, vector<16xi32>, i1
      }
      %scan3A_39 = arith.constant 128 : i32
      %sub3A = arith.constant 1024 : i32
      %sub3A_40 = arith.subi %scan3A_38#0, %sub3A : i32
      %shift_left3A = arith.constant 21 : i32
      %shift_left3A_41 = arith.shli %sub3A_40, %shift_left3A : i32
      %add3A_42 = arith.constant 2097151 : i32
      %add3A_43 = arith.addi %shift_left3A_41, %add3A_42 : i32
      %not3A = arith.constant -1 : i32
      %not3A_44 = arith.xori %add3A_43, %not3A : i32
      %sub3A_45 = arith.constant 1 : i32
      %sub3A_46 = vector.broadcast %sub3A_45 : i32 to vector<16xi32>
      %sub3A_47 = arith.subi %broadcast_in_dim3A_3, %sub3A_46 : vector<16xi32>
      %scan3A_48 = arith.constant 0 : i32
      %scan3A_49 = arith.constant 2048 : i32
      %scan3A_50 = arith.addi %scan3A_48, %scan3A_49 : i32
      %scan3A_51 = arith.constant 8 : i32
      %scan3A_52:2 = scf.for %scan3A_291 = %scan3A_48 to %scan3A_50 step %scan3A_51 iter_args(%scan3A_292 = %sub3A_47, %scan3A_293 = %iota3A) -> (vector<16xi32>, vector<16xi32>)  : i32 {
        %mul3A_294 = arith.constant 16 : i32
        %mul3A_295 = arith.muli %scan3A_291, %mul3A_294 : i32
        %multiple_of3A = tpu.assume_multiple %mul3A_295, 16 : i32
        %get3A_296 = arith.index_cast %multiple_of3A : i32 to index
        %get3A_297 = tpu.vector_load %arg5[%get3A_296] {strides = array<i32>} : memref<32768xf32, #tpu.memory_space<vmem>>, vector<16xf32>,
        %bitcast_convert_type3A = tpu.bitcast %get3A_297 : vector<16xf32> -> vector<16xi32>
        %shift_right_arithmetic3A = arith.constant 31 : i32
        %shift_right_arithmetic3A_298 = vector.broadcast %shift_right_arithmetic3A : i32 to vector<16xi32>
        %shift_right_arithmetic3A_299 = arith.shrsi %bitcast_convert_type3A, %shift_right_arithmetic3A_298 : vector<16xi32>
        %and3A_300 = arith.constant 2147483647 : i32
        %and3A_301 = vector.broadcast %and3A_300 : i32 to vector<16xi32>
        %and3A_302 = arith.andi %shift_right_arithmetic3A_299, %and3A_301 : vector<16xi32>
        %xor3A = arith.xori %bitcast_convert_type3A, %and3A_302 : vector<16xi32>
        %ge3A = vector.broadcast %not3A_44 : i32 to vector<16xi32>
        %ge3A_303 = arith.cmpi sge, %xor3A, %ge3A : vector<16xi32>
        %jit3A_304 = arith.constant 1 : i32
        %jit3A_305 = arith.constant 0 : i32
        %broadcast_in_dim3A_306 = vector.broadcast %jit3A_304 : i32 to vector<16xi32>
        %broadcast_in_dim3A_307 = vector.broadcast %jit3A_305 : i32 to vector<16xi32>
        %select_n3A_308 = arith.select %ge3A_303, %broadcast_in_dim3A_306, %broadcast_in_dim3A_307 : vector<16xi1>, vector<16xi32>
        %broadcast_in_dim3A_309 = arith.constant true
        %broadcast_in_dim3A_310 = vector.broadcast %broadcast_in_dim3A_309 : i1 to vector<16xi1>
        %masked_cumsum3A = tpu.scan <sum>, %select_n3A_308 masked %broadcast_in_dim3A_310 : vector<16xi32>, vector<16xi1> -> vector<16xi32>
        %add3A_311 = arith.addi %scan3A_292, %masked_cumsum3A : vector<16xi32>
        %lt3A_312 = arith.constant 4096 : i32
        %lt3A_313 = vector.broadcast %lt3A_312 : i32 to vector<16xi32>
        %lt3A_314 = arith.cmpi slt, %add3A_311, %lt3A_313 : vector<16xi32>
        %and3A_315 = arith.andi %ge3A_303, %lt3A_314 : vector<16xi1>
        tpu.vector_store_idx %arg7[%add3A_311], %xor3A masked %and3A_315 : memref<4096xi32, #tpu.memory_space<vmem>>[vector<16xi32>], vector<16xi32>, vector<16xi1>
        tpu.vector_store_idx %arg8[%add3A_311], %scan3A_293 masked %and3A_315 : memref<4096xi32, #tpu.memory_space<vmem>>[vector<16xi32>], vector<16xi32>, vector<16xi1>
        %broadcast_in_dim3A_316 = arith.constant 15 : i32
        %broadcast_in_dim3A_317 = vector.broadcast %broadcast_in_dim3A_316 : i32 to vector<16xi32>
        %broadcast_in_dim3A_318 = vector.shape_cast %broadcast_in_dim3A_317 : vector<16xi32> to vector<16x1xi32>
        %gather3A = vector.shape_cast %broadcast_in_dim3A_318 : vector<16x1xi32> to vector<16xi32>
        %gather3A_319 = tpu.dynamic_gather %masked_cumsum3A[%gather3A] in [0] : vector<16xi32>, vector<16xi32> -> vector<16xi32>
        %add3A_320 = arith.addi %scan3A_292, %gather3A_319 : vector<16xi32>
        %add3A_321 = arith.constant 16 : i32
        %add3A_322 = vector.broadcast %add3A_321 : i32 to vector<16xi32>
        %add3A_323 = arith.addi %scan3A_293, %add3A_322 : vector<16xi32>
        %scan3A_324 = arith.constant 1 : i32
        %scan3A_325 = arith.addi %scan3A_291, %scan3A_324 : i32
        %mul3A_326 = arith.constant 16 : i32
        %mul3A_327 = arith.muli %scan3A_325, %mul3A_326 : i32
        %multiple_of3A_328 = tpu.assume_multiple %mul3A_327, 16 : i32
        %get3A_329 = arith.index_cast %multiple_of3A_328 : i32 to index
        %get3A_330 = tpu.vector_load %arg5[%get3A_329] {strides = array<i32>} : memref<32768xf32, #tpu.memory_space<vmem>>, vector<16xf32>,
        %bitcast_convert_type3A_331 = tpu.bitcast %get3A_330 : vector<16xf32> -> vector<16xi32>
        %shift_right_arithmetic3A_332 = arith.constant 31 : i32
        %shift_right_arithmetic3A_333 = vector.broadcast %shift_right_arithmetic3A_332 : i32 to vector<16xi32>
        %shift_right_arithmetic3A_334 = arith.shrsi %bitcast_convert_type3A_331, %shift_right_arithmetic3A_333 : vector<16xi32>
        %and3A_335 = arith.constant 2147483647 : i32
        %and3A_336 = vector.broadcast %and3A_335 : i32 to vector<16xi32>
        %and3A_337 = arith.andi %shift_right_arithmetic3A_334, %and3A_336 : vector<16xi32>
        %xor3A_338 = arith.xori %bitcast_convert_type3A_331, %and3A_337 : vector<16xi32>
        %ge3A_339 = vector.broadcast %not3A_44 : i32 to vector<16xi32>
        %ge3A_340 = arith.cmpi sge, %xor3A_338, %ge3A_339 : vector<16xi32>
        %jit3A_341 = arith.constant 1 : i32
        %jit3A_342 = arith.constant 0 : i32
        %broadcast_in_dim3A_343 = vector.broadcast %jit3A_341 : i32 to vector<16xi32>
        %broadcast_in_dim3A_344 = vector.broadcast %jit3A_342 : i32 to vector<16xi32>
        %select_n3A_345 = arith.select %ge3A_340, %broadcast_in_dim3A_343, %broadcast_in_dim3A_344 : vector<16xi1>, vector<16xi32>
        %broadcast_in_dim3A_346 = arith.constant true
        %broadcast_in_dim3A_347 = vector.broadcast %broadcast_in_dim3A_346 : i1 to vector<16xi1>
        %masked_cumsum3A_348 = tpu.scan <sum>, %select_n3A_345 masked %broadcast_in_dim3A_347 : vector<16xi32>, vector<16xi1> -> vector<16xi32>
        %add3A_349 = arith.addi %add3A_320, %masked_cumsum3A_348 : vector<16xi32>
        %lt3A_350 = arith.constant 4096 : i32
        %lt3A_351 = vector.broadcast %lt3A_350 : i32 to vector<16xi32>
        %lt3A_352 = arith.cmpi slt, %add3A_349, %lt3A_351 : vector<16xi32>
        %and3A_353 = arith.andi %ge3A_340, %lt3A_352 : vector<16xi1>
        tpu.vector_store_idx %arg7[%add3A_349], %xor3A_338 masked %and3A_353 : memref<4096xi32, #tpu.memory_space<vmem>>[vector<16xi32>], vector<16xi32>, vector<16xi1>
        tpu.vector_store_idx %arg8[%add3A_349], %add3A_323 masked %and3A_353 : memref<4096xi32, #tpu.memory_space<vmem>>[vector<16xi32>], vector<16xi32>, vector<16xi1>
        %broadcast_in_dim3A_354 = arith.constant 15 : i32
        %broadcast_in_dim3A_355 = vector.broadcast %broadcast_in_dim3A_354 : i32 to vector<16xi32>
        %broadcast_in_dim3A_356 = vector.shape_cast %broadcast_in_dim3A_355 : vector<16xi32> to vector<16x1xi32>
        %gather3A_357 = vector.shape_cast %broadcast_in_dim3A_356 : vector<16x1xi32> to vector<16xi32>
        %gather3A_358 = tpu.dynamic_gather %masked_cumsum3A_348[%gather3A_357] in [0] : vector<16xi32>, vector<16xi32> -> vector<16xi32>
        %add3A_359 = arith.addi %add3A_320, %gather3A_358 : vector<16xi32>
        %add3A_360 = arith.constant 16 : i32
        %add3A_361 = vector.broadcast %add3A_360 : i32 to vector<16xi32>
        %add3A_362 = arith.addi %add3A_323, %add3A_361 : vector<16xi32>
        %scan3A_363 = arith.constant 2 : i32
        %scan3A_364 = arith.addi %scan3A_291, %scan3A_363 : i32
        %mul3A_365 = arith.constant 16 : i32
        %mul3A_366 = arith.muli %scan3A_364, %mul3A_365 : i32
        %multiple_of3A_367 = tpu.assume_multiple %mul3A_366, 16 : i32
        %get3A_368 = arith.index_cast %multiple_of3A_367 : i32 to index
        %get3A_369 = tpu.vector_load %arg5[%get3A_368] {strides = array<i32>} : memref<32768xf32, #tpu.memory_space<vmem>>, vector<16xf32>,
        %bitcast_convert_type3A_370 = tpu.bitcast %get3A_369 : vector<16xf32> -> vector<16xi32>
        %shift_right_arithmetic3A_371 = arith.constant 31 : i32
        %shift_right_arithmetic3A_372 = vector.broadcast %shift_right_arithmetic3A_371 : i32 to vector<16xi32>
        %shift_right_arithmetic3A_373 = arith.shrsi %bitcast_convert_type3A_370, %shift_right_arithmetic3A_372 : vector<16xi32>
        %and3A_374 = arith.constant 2147483647 : i32
        %and3A_375 = vector.broadcast %and3A_374 : i32 to vector<16xi32>
        %and3A_376 = arith.andi %shift_right_arithmetic3A_373, %and3A_375 : vector<16xi32>
        %xor3A_377 = arith.xori %bitcast_convert_type3A_370, %and3A_376 : vector<16xi32>
        %ge3A_378 = vector.broadcast %not3A_44 : i32 to vector<16xi32>
        %ge3A_379 = arith.cmpi sge, %xor3A_377, %ge3A_378 : vector<16xi32>
        %jit3A_380 = arith.constant 1 : i32
        %jit3A_381 = arith.constant 0 : i32
        %broadcast_in_dim3A_382 = vector.broadcast %jit3A_380 : i32 to vector<16xi32>
        %broadcast_in_dim3A_383 = vector.broadcast %jit3A_381 : i32 to vector<16xi32>
        %select_n3A_384 = arith.select %ge3A_379, %broadcast_in_dim3A_382, %broadcast_in_dim3A_383 : vector<16xi1>, vector<16xi32>
        %broadcast_in_dim3A_385 = arith.constant true
        %broadcast_in_dim3A_386 = vector.broadcast %broadcast_in_dim3A_385 : i1 to vector<16xi1>
        %masked_cumsum3A_387 = tpu.scan <sum>, %select_n3A_384 masked %broadcast_in_dim3A_386 : vector<16xi32>, vector<16xi1> -> vector<16xi32>
        %add3A_388 = arith.addi %add3A_359, %masked_cumsum3A_387 : vector<16xi32>
        %lt3A_389 = arith.constant 4096 : i32
        %lt3A_390 = vector.broadcast %lt3A_389 : i32 to vector<16xi32>
        %lt3A_391 = arith.cmpi slt, %add3A_388, %lt3A_390 : vector<16xi32>
        %and3A_392 = arith.andi %ge3A_379, %lt3A_391 : vector<16xi1>
        tpu.vector_store_idx %arg7[%add3A_388], %xor3A_377 masked %and3A_392 : memref<4096xi32, #tpu.memory_space<vmem>>[vector<16xi32>], vector<16xi32>, vector<16xi1>
        tpu.vector_store_idx %arg8[%add3A_388], %add3A_362 masked %and3A_392 : memref<4096xi32, #tpu.memory_space<vmem>>[vector<16xi32>], vector<16xi32>, vector<16xi1>
        %broadcast_in_dim3A_393 = arith.constant 15 : i32
        %broadcast_in_dim3A_394 = vector.broadcast %broadcast_in_dim3A_393 : i32 to vector<16xi32>
        %broadcast_in_dim3A_395 = vector.shape_cast %broadcast_in_dim3A_394 : vector<16xi32> to vector<16x1xi32>
        %gather3A_396 = vector.shape_cast %broadcast_in_dim3A_395 : vector<16x1xi32> to vector<16xi32>
        %gather3A_397 = tpu.dynamic_gather %masked_cumsum3A_387[%gather3A_396] in [0] : vector<16xi32>, vector<16xi32> -> vector<16xi32>
        %add3A_398 = arith.addi %add3A_359, %gather3A_397 : vector<16xi32>
        %add3A_399 = arith.constant 16 : i32
        %add3A_400 = vector.broadcast %add3A_399 : i32 to vector<16xi32>
        %add3A_401 = arith.addi %add3A_362, %add3A_400 : vector<16xi32>
        %scan3A_402 = arith.constant 3 : i32
        %scan3A_403 = arith.addi %scan3A_291, %scan3A_402 : i32
        %mul3A_404 = arith.constant 16 : i32
        %mul3A_405 = arith.muli %scan3A_403, %mul3A_404 : i32
        %multiple_of3A_406 = tpu.assume_multiple %mul3A_405, 16 : i32
        %get3A_407 = arith.index_cast %multiple_of3A_406 : i32 to index
        %get3A_408 = tpu.vector_load %arg5[%get3A_407] {strides = array<i32>} : memref<32768xf32, #tpu.memory_space<vmem>>, vector<16xf32>,
        %bitcast_convert_type3A_409 = tpu.bitcast %get3A_408 : vector<16xf32> -> vector<16xi32>
        %shift_right_arithmetic3A_410 = arith.constant 31 : i32
        %shift_right_arithmetic3A_411 = vector.broadcast %shift_right_arithmetic3A_410 : i32 to vector<16xi32>
        %shift_right_arithmetic3A_412 = arith.shrsi %bitcast_convert_type3A_409, %shift_right_arithmetic3A_411 : vector<16xi32>
        %and3A_413 = arith.constant 2147483647 : i32
        %and3A_414 = vector.broadcast %and3A_413 : i32 to vector<16xi32>
        %and3A_415 = arith.andi %shift_right_arithmetic3A_412, %and3A_414 : vector<16xi32>
        %xor3A_416 = arith.xori %bitcast_convert_type3A_409, %and3A_415 : vector<16xi32>
        %ge3A_417 = vector.broadcast %not3A_44 : i32 to vector<16xi32>
        %ge3A_418 = arith.cmpi sge, %xor3A_416, %ge3A_417 : vector<16xi32>
        %jit3A_419 = arith.constant 1 : i32
        %jit3A_420 = arith.constant 0 : i32
        %broadcast_in_dim3A_421 = vector.broadcast %jit3A_419 : i32 to vector<16xi32>
        %broadcast_in_dim3A_422 = vector.broadcast %jit3A_420 : i32 to vector<16xi32>
        %select_n3A_423 = arith.select %ge3A_418, %broadcast_in_dim3A_421, %broadcast_in_dim3A_422 : vector<16xi1>, vector<16xi32>
        %broadcast_in_dim3A_424 = arith.constant true
        %broadcast_in_dim3A_425 = vector.broadcast %broadcast_in_dim3A_424 : i1 to vector<16xi1>
        %masked_cumsum3A_426 = tpu.scan <sum>, %select_n3A_423 masked %broadcast_in_dim3A_425 : vector<16xi32>, vector<16xi1> -> vector<16xi32>
        %add3A_427 = arith.addi %add3A_398, %masked_cumsum3A_426 : vector<16xi32>
        %lt3A_428 = arith.constant 4096 : i32
        %lt3A_429 = vector.broadcast %lt3A_428 : i32 to vector<16xi32>
        %lt3A_430 = arith.cmpi slt, %add3A_427, %lt3A_429 : vector<16xi32>
        %and3A_431 = arith.andi %ge3A_418, %lt3A_430 : vector<16xi1>
        tpu.vector_store_idx %arg7[%add3A_427], %xor3A_416 masked %and3A_431 : memref<4096xi32, #tpu.memory_space<vmem>>[vector<16xi32>], vector<16xi32>, vector<16xi1>
        tpu.vector_store_idx %arg8[%add3A_427], %add3A_401 masked %and3A_431 : memref<4096xi32, #tpu.memory_space<vmem>>[vector<16xi32>], vector<16xi32>, vector<16xi1>
        %broadcast_in_dim3A_432 = arith.constant 15 : i32
        %broadcast_in_dim3A_433 = vector.broadcast %broadcast_in_dim3A_432 : i32 to vector<16xi32>
        %broadcast_in_dim3A_434 = vector.shape_cast %broadcast_in_dim3A_433 : vector<16xi32> to vector<16x1xi32>
        %gather3A_435 = vector.shape_cast %broadcast_in_dim3A_434 : vector<16x1xi32> to vector<16xi32>
        %gather3A_436 = tpu.dynamic_gather %masked_cumsum3A_426[%gather3A_435] in [0] : vector<16xi32>, vector<16xi32> -> vector<16xi32>
        %add3A_437 = arith.addi %add3A_398, %gather3A_436 : vector<16xi32>
        %add3A_438 = arith.constant 16 : i32
        %add3A_439 = vector.broadcast %add3A_438 : i32 to vector<16xi32>
        %add3A_440 = arith.addi %add3A_401, %add3A_439 : vector<16xi32>
        %scan3A_441 = arith.constant 4 : i32
        %scan3A_442 = arith.addi %scan3A_291, %scan3A_441 : i32
        %mul3A_443 = arith.constant 16 : i32
        %mul3A_444 = arith.muli %scan3A_442, %mul3A_443 : i32
        %multiple_of3A_445 = tpu.assume_multiple %mul3A_444, 16 : i32
        %get3A_446 = arith.index_cast %multiple_of3A_445 : i32 to index
        %get3A_447 = tpu.vector_load %arg5[%get3A_446] {strides = array<i32>} : memref<32768xf32, #tpu.memory_space<vmem>>, vector<16xf32>,
        %bitcast_convert_type3A_448 = tpu.bitcast %get3A_447 : vector<16xf32> -> vector<16xi32>
        %shift_right_arithmetic3A_449 = arith.constant 31 : i32
        %shift_right_arithmetic3A_450 = vector.broadcast %shift_right_arithmetic3A_449 : i32 to vector<16xi32>
        %shift_right_arithmetic3A_451 = arith.shrsi %bitcast_convert_type3A_448, %shift_right_arithmetic3A_450 : vector<16xi32>
        %and3A_452 = arith.constant 2147483647 : i32
        %and3A_453 = vector.broadcast %and3A_452 : i32 to vector<16xi32>
        %and3A_454 = arith.andi %shift_right_arithmetic3A_451, %and3A_453 : vector<16xi32>
        %xor3A_455 = arith.xori %bitcast_convert_type3A_448, %and3A_454 : vector<16xi32>
        %ge3A_456 = vector.broadcast %not3A_44 : i32 to vector<16xi32>
        %ge3A_457 = arith.cmpi sge, %xor3A_455, %ge3A_456 : vector<16xi32>
        %jit3A_458 = arith.constant 1 : i32
        %jit3A_459 = arith.constant 0 : i32
        %broadcast_in_dim3A_460 = vector.broadcast %jit3A_458 : i32 to vector<16xi32>
        %broadcast_in_dim3A_461 = vector.broadcast %jit3A_459 : i32 to vector<16xi32>
        %select_n3A_462 = arith.select %ge3A_457, %broadcast_in_dim3A_460, %broadcast_in_dim3A_461 : vector<16xi1>, vector<16xi32>
        %broadcast_in_dim3A_463 = arith.constant true
        %broadcast_in_dim3A_464 = vector.broadcast %broadcast_in_dim3A_463 : i1 to vector<16xi1>
        %masked_cumsum3A_465 = tpu.scan <sum>, %select_n3A_462 masked %broadcast_in_dim3A_464 : vector<16xi32>, vector<16xi1> -> vector<16xi32>
        %add3A_466 = arith.addi %add3A_437, %masked_cumsum3A_465 : vector<16xi32>
        %lt3A_467 = arith.constant 4096 : i32
        %lt3A_468 = vector.broadcast %lt3A_467 : i32 to vector<16xi32>
        %lt3A_469 = arith.cmpi slt, %add3A_466, %lt3A_468 : vector<16xi32>
        %and3A_470 = arith.andi %ge3A_457, %lt3A_469 : vector<16xi1>
        tpu.vector_store_idx %arg7[%add3A_466], %xor3A_455 masked %and3A_470 : memref<4096xi32, #tpu.memory_space<vmem>>[vector<16xi32>], vector<16xi32>, vector<16xi1>
        tpu.vector_store_idx %arg8[%add3A_466], %add3A_440 masked %and3A_470 : memref<4096xi32, #tpu.memory_space<vmem>>[vector<16xi32>], vector<16xi32>, vector<16xi1>
        %broadcast_in_dim3A_471 = arith.constant 15 : i32
        %broadcast_in_dim3A_472 = vector.broadcast %broadcast_in_dim3A_471 : i32 to vector<16xi32>
        %broadcast_in_dim3A_473 = vector.shape_cast %broadcast_in_dim3A_472 : vector<16xi32> to vector<16x1xi32>
        %gather3A_474 = vector.shape_cast %broadcast_in_dim3A_473 : vector<16x1xi32> to vector<16xi32>
        %gather3A_475 = tpu.dynamic_gather %masked_cumsum3A_465[%gather3A_474] in [0] : vector<16xi32>, vector<16xi32> -> vector<16xi32>
        %add3A_476 = arith.addi %add3A_437, %gather3A_475 : vector<16xi32>
        %add3A_477 = arith.constant 16 : i32
        %add3A_478 = vector.broadcast %add3A_477 : i32 to vector<16xi32>
        %add3A_479 = arith.addi %add3A_440, %add3A_478 : vector<16xi32>
        %scan3A_480 = arith.constant 5 : i32
        %scan3A_481 = arith.addi %scan3A_291, %scan3A_480 : i32
        %mul3A_482 = arith.constant 16 : i32
        %mul3A_483 = arith.muli %scan3A_481, %mul3A_482 : i32
        %multiple_of3A_484 = tpu.assume_multiple %mul3A_483, 16 : i32
        %get3A_485 = arith.index_cast %multiple_of3A_484 : i32 to index
        %get3A_486 = tpu.vector_load %arg5[%get3A_485] {strides = array<i32>} : memref<32768xf32, #tpu.memory_space<vmem>>, vector<16xf32>,
        %bitcast_convert_type3A_487 = tpu.bitcast %get3A_486 : vector<16xf32> -> vector<16xi32>
        %shift_right_arithmetic3A_488 = arith.constant 31 : i32
        %shift_right_arithmetic3A_489 = vector.broadcast %shift_right_arithmetic3A_488 : i32 to vector<16xi32>
        %shift_right_arithmetic3A_490 = arith.shrsi %bitcast_convert_type3A_487, %shift_right_arithmetic3A_489 : vector<16xi32>
        %and3A_491 = arith.constant 2147483647 : i32
        %and3A_492 = vector.broadcast %and3A_491 : i32 to vector<16xi32>
        %and3A_493 = arith.andi %shift_right_arithmetic3A_490, %and3A_492 : vector<16xi32>
        %xor3A_494 = arith.xori %bitcast_convert_type3A_487, %and3A_493 : vector<16xi32>
        %ge3A_495 = vector.broadcast %not3A_44 : i32 to vector<16xi32>
        %ge3A_496 = arith.cmpi sge, %xor3A_494, %ge3A_495 : vector<16xi32>
        %jit3A_497 = arith.constant 1 : i32
        %jit3A_498 = arith.constant 0 : i32
        %broadcast_in_dim3A_499 = vector.broadcast %jit3A_497 : i32 to vector<16xi32>
        %broadcast_in_dim3A_500 = vector.broadcast %jit3A_498 : i32 to vector<16xi32>
        %select_n3A_501 = arith.select %ge3A_496, %broadcast_in_dim3A_499, %broadcast_in_dim3A_500 : vector<16xi1>, vector<16xi32>
        %broadcast_in_dim3A_502 = arith.constant true
        %broadcast_in_dim3A_503 = vector.broadcast %broadcast_in_dim3A_502 : i1 to vector<16xi1>
        %masked_cumsum3A_504 = tpu.scan <sum>, %select_n3A_501 masked %broadcast_in_dim3A_503 : vector<16xi32>, vector<16xi1> -> vector<16xi32>
        %add3A_505 = arith.addi %add3A_476, %masked_cumsum3A_504 : vector<16xi32>
        %lt3A_506 = arith.constant 4096 : i32
        %lt3A_507 = vector.broadcast %lt3A_506 : i32 to vector<16xi32>
        %lt3A_508 = arith.cmpi slt, %add3A_505, %lt3A_507 : vector<16xi32>
        %and3A_509 = arith.andi %ge3A_496, %lt3A_508 : vector<16xi1>
        tpu.vector_store_idx %arg7[%add3A_505], %xor3A_494 masked %and3A_509 : memref<4096xi32, #tpu.memory_space<vmem>>[vector<16xi32>], vector<16xi32>, vector<16xi1>
        tpu.vector_store_idx %arg8[%add3A_505], %add3A_479 masked %and3A_509 : memref<4096xi32, #tpu.memory_space<vmem>>[vector<16xi32>], vector<16xi32>, vector<16xi1>
        %broadcast_in_dim3A_510 = arith.constant 15 : i32
        %broadcast_in_dim3A_511 = vector.broadcast %broadcast_in_dim3A_510 : i32 to vector<16xi32>
        %broadcast_in_dim3A_512 = vector.shape_cast %broadcast_in_dim3A_511 : vector<16xi32> to vector<16x1xi32>
        %gather3A_513 = vector.shape_cast %broadcast_in_dim3A_512 : vector<16x1xi32> to vector<16xi32>
        %gather3A_514 = tpu.dynamic_gather %masked_cumsum3A_504[%gather3A_513] in [0] : vector<16xi32>, vector<16xi32> -> vector<16xi32>
        %add3A_515 = arith.addi %add3A_476, %gather3A_514 : vector<16xi32>
        %add3A_516 = arith.constant 16 : i32
        %add3A_517 = vector.broadcast %add3A_516 : i32 to vector<16xi32>
        %add3A_518 = arith.addi %add3A_479, %add3A_517 : vector<16xi32>
        %scan3A_519 = arith.constant 6 : i32
        %scan3A_520 = arith.addi %scan3A_291, %scan3A_519 : i32
        %mul3A_521 = arith.constant 16 : i32
        %mul3A_522 = arith.muli %scan3A_520, %mul3A_521 : i32
        %multiple_of3A_523 = tpu.assume_multiple %mul3A_522, 16 : i32
        %get3A_524 = arith.index_cast %multiple_of3A_523 : i32 to index
        %get3A_525 = tpu.vector_load %arg5[%get3A_524] {strides = array<i32>} : memref<32768xf32, #tpu.memory_space<vmem>>, vector<16xf32>,
        %bitcast_convert_type3A_526 = tpu.bitcast %get3A_525 : vector<16xf32> -> vector<16xi32>
        %shift_right_arithmetic3A_527 = arith.constant 31 : i32
        %shift_right_arithmetic3A_528 = vector.broadcast %shift_right_arithmetic3A_527 : i32 to vector<16xi32>
        %shift_right_arithmetic3A_529 = arith.shrsi %bitcast_convert_type3A_526, %shift_right_arithmetic3A_528 : vector<16xi32>
        %and3A_530 = arith.constant 2147483647 : i32
        %and3A_531 = vector.broadcast %and3A_530 : i32 to vector<16xi32>
        %and3A_532 = arith.andi %shift_right_arithmetic3A_529, %and3A_531 : vector<16xi32>
        %xor3A_533 = arith.xori %bitcast_convert_type3A_526, %and3A_532 : vector<16xi32>
        %ge3A_534 = vector.broadcast %not3A_44 : i32 to vector<16xi32>
        %ge3A_535 = arith.cmpi sge, %xor3A_533, %ge3A_534 : vector<16xi32>
        %jit3A_536 = arith.constant 1 : i32
        %jit3A_537 = arith.constant 0 : i32
        %broadcast_in_dim3A_538 = vector.broadcast %jit3A_536 : i32 to vector<16xi32>
        %broadcast_in_dim3A_539 = vector.broadcast %jit3A_537 : i32 to vector<16xi32>
        %select_n3A_540 = arith.select %ge3A_535, %broadcast_in_dim3A_538, %broadcast_in_dim3A_539 : vector<16xi1>, vector<16xi32>
        %broadcast_in_dim3A_541 = arith.constant true
        %broadcast_in_dim3A_542 = vector.broadcast %broadcast_in_dim3A_541 : i1 to vector<16xi1>
        %masked_cumsum3A_543 = tpu.scan <sum>, %select_n3A_540 masked %broadcast_in_dim3A_542 : vector<16xi32>, vector<16xi1> -> vector<16xi32>
        %add3A_544 = arith.addi %add3A_515, %masked_cumsum3A_543 : vector<16xi32>
        %lt3A_545 = arith.constant 4096 : i32
        %lt3A_546 = vector.broadcast %lt3A_545 : i32 to vector<16xi32>
        %lt3A_547 = arith.cmpi slt, %add3A_544, %lt3A_546 : vector<16xi32>
        %and3A_548 = arith.andi %ge3A_535, %lt3A_547 : vector<16xi1>
        tpu.vector_store_idx %arg7[%add3A_544], %xor3A_533 masked %and3A_548 : memref<4096xi32, #tpu.memory_space<vmem>>[vector<16xi32>], vector<16xi32>, vector<16xi1>
        tpu.vector_store_idx %arg8[%add3A_544], %add3A_518 masked %and3A_548 : memref<4096xi32, #tpu.memory_space<vmem>>[vector<16xi32>], vector<16xi32>, vector<16xi1>
        %broadcast_in_dim3A_549 = arith.constant 15 : i32
        %broadcast_in_dim3A_550 = vector.broadcast %broadcast_in_dim3A_549 : i32 to vector<16xi32>
        %broadcast_in_dim3A_551 = vector.shape_cast %broadcast_in_dim3A_550 : vector<16xi32> to vector<16x1xi32>
        %gather3A_552 = vector.shape_cast %broadcast_in_dim3A_551 : vector<16x1xi32> to vector<16xi32>
        %gather3A_553 = tpu.dynamic_gather %masked_cumsum3A_543[%gather3A_552] in [0] : vector<16xi32>, vector<16xi32> -> vector<16xi32>
        %add3A_554 = arith.addi %add3A_515, %gather3A_553 : vector<16xi32>
        %add3A_555 = arith.constant 16 : i32
        %add3A_556 = vector.broadcast %add3A_555 : i32 to vector<16xi32>
        %add3A_557 = arith.addi %add3A_518, %add3A_556 : vector<16xi32>
        %scan3A_558 = arith.constant 7 : i32
        %scan3A_559 = arith.addi %scan3A_291, %scan3A_558 : i32
        %mul3A_560 = arith.constant 16 : i32
        %mul3A_561 = arith.muli %scan3A_559, %mul3A_560 : i32
        %multiple_of3A_562 = tpu.assume_multiple %mul3A_561, 16 : i32
        %get3A_563 = arith.index_cast %multiple_of3A_562 : i32 to index
        %get3A_564 = tpu.vector_load %arg5[%get3A_563] {strides = array<i32>} : memref<32768xf32, #tpu.memory_space<vmem>>, vector<16xf32>,
        %bitcast_convert_type3A_565 = tpu.bitcast %get3A_564 : vector<16xf32> -> vector<16xi32>
        %shift_right_arithmetic3A_566 = arith.constant 31 : i32
        %shift_right_arithmetic3A_567 = vector.broadcast %shift_right_arithmetic3A_566 : i32 to vector<16xi32>
        %shift_right_arithmetic3A_568 = arith.shrsi %bitcast_convert_type3A_565, %shift_right_arithmetic3A_567 : vector<16xi32>
        %and3A_569 = arith.constant 2147483647 : i32
        %and3A_570 = vector.broadcast %and3A_569 : i32 to vector<16xi32>
        %and3A_571 = arith.andi %shift_right_arithmetic3A_568, %and3A_570 : vector<16xi32>
        %xor3A_572 = arith.xori %bitcast_convert_type3A_565, %and3A_571 : vector<16xi32>
        %ge3A_573 = vector.broadcast %not3A_44 : i32 to vector<16xi32>
        %ge3A_574 = arith.cmpi sge, %xor3A_572, %ge3A_573 : vector<16xi32>
        %jit3A_575 = arith.constant 1 : i32
        %jit3A_576 = arith.constant 0 : i32
        %broadcast_in_dim3A_577 = vector.broadcast %jit3A_575 : i32 to vector<16xi32>
        %broadcast_in_dim3A_578 = vector.broadcast %jit3A_576 : i32 to vector<16xi32>
        %select_n3A_579 = arith.select %ge3A_574, %broadcast_in_dim3A_577, %broadcast_in_dim3A_578 : vector<16xi1>, vector<16xi32>
        %broadcast_in_dim3A_580 = arith.constant true
        %broadcast_in_dim3A_581 = vector.broadcast %broadcast_in_dim3A_580 : i1 to vector<16xi1>
        %masked_cumsum3A_582 = tpu.scan <sum>, %select_n3A_579 masked %broadcast_in_dim3A_581 : vector<16xi32>, vector<16xi1> -> vector<16xi32>
        %add3A_583 = arith.addi %add3A_554, %masked_cumsum3A_582 : vector<16xi32>
        %lt3A_584 = arith.constant 4096 : i32
        %lt3A_585 = vector.broadcast %lt3A_584 : i32 to vector<16xi32>
        %lt3A_586 = arith.cmpi slt, %add3A_583, %lt3A_585 : vector<16xi32>
        %and3A_587 = arith.andi %ge3A_574, %lt3A_586 : vector<16xi1>
        tpu.vector_store_idx %arg7[%add3A_583], %xor3A_572 masked %and3A_587 : memref<4096xi32, #tpu.memory_space<vmem>>[vector<16xi32>], vector<16xi32>, vector<16xi1>
        tpu.vector_store_idx %arg8[%add3A_583], %add3A_557 masked %and3A_587 : memref<4096xi32, #tpu.memory_space<vmem>>[vector<16xi32>], vector<16xi32>, vector<16xi1>
        %broadcast_in_dim3A_588 = arith.constant 15 : i32
        %broadcast_in_dim3A_589 = vector.broadcast %broadcast_in_dim3A_588 : i32 to vector<16xi32>
        %broadcast_in_dim3A_590 = vector.shape_cast %broadcast_in_dim3A_589 : vector<16xi32> to vector<16x1xi32>
        %gather3A_591 = vector.shape_cast %broadcast_in_dim3A_590 : vector<16x1xi32> to vector<16xi32>
        %gather3A_592 = tpu.dynamic_gather %masked_cumsum3A_582[%gather3A_591] in [0] : vector<16xi32>, vector<16xi32> -> vector<16xi32>
        %add3A_593 = arith.addi %add3A_554, %gather3A_592 : vector<16xi32>
        %add3A_594 = arith.constant 16 : i32
        %add3A_595 = vector.broadcast %add3A_594 : i32 to vector<16xi32>
        %add3A_596 = arith.addi %add3A_557, %add3A_595 : vector<16xi32>
        scf.yield %add3A_593, %add3A_596 : vector<16xi32>, vector<16xi32>
      }
      %scan3A_53 = arith.constant 2048 : i32
      %slice3A = vector.extract_strided_slice %scan3A_52#0 {offsets = [0], sizes = [1], strides = [1]} : vector<16xi32> to vector<1xi32>
      %squeeze3A = vector.extract %slice3A[0] : i32 from vector<1xi32>
      %add3A_54 = arith.constant 1 : i32
      %add3A_55 = arith.addi %squeeze3A, %add3A_54 : i32
      %swap3A = arith.constant 0 : i32
      %swap3A_56 = arith.index_cast %swap3A : i32 to index
      %swap3A_57 = memref.load %arg13[%swap3A_56] : memref<1xi32, #tpu.memory_space<smem>>
      memref.store %add3A_55, %arg13[%swap3A_56] : memref<1xi32, #tpu.memory_space<smem>>
      %lt3A = arith.constant 2048 : i32
      %lt3A_58 = arith.cmpi slt, %add3A_55, %lt3A : i32
      %gt3A = arith.constant 4096 : i32
      %gt3A_59 = arith.cmpi sgt, %add3A_55, %gt3A : i32
      %or3A = arith.ori %lt3A_58, %gt3A_59 : i1
      %convert_element_type3A = arith.extui %or3A : i1 to i32
      %cond3A = arith.constant 0 : i32
      %cond3A_60 = arith.cmpi ne, %convert_element_type3A, %cond3A : i32
      scf.if %cond3A_60 {
        %scan3A_291 = arith.constant 0 : i32
        %scan3A_292 = arith.constant 0 : i32
        %scan3A_293 = arith.constant 128 : i32
        %scan3A_294 = arith.addi %scan3A_292, %scan3A_293 : i32
        %scan3A_295 = arith.constant 8 : i32
        %scan3A_296 = scf.for %scan3A_340 = %scan3A_292 to %scan3A_294 step %scan3A_295 iter_args(%scan3A_341 = %scan3A_291) -> (i32)  : i32 {
          %mul3A_342 = arith.constant 16 : i32
          %mul3A_343 = arith.muli %scan3A_340, %mul3A_342 : i32
          %multiple_of3A = tpu.assume_multiple %mul3A_343, 16 : i32
          %swap3A_344 = arith.index_cast %multiple_of3A : i32 to index
          %swap3A_345 = tpu.vector_load %arg6[%swap3A_344] {strides = array<i32>} : memref<2048xi32, #tpu.memory_space<vmem>>, vector<16xi32>,
          tpu.vector_store %arg6[%swap3A_344], %broadcast_in_dim3A_3 {strides = array<i32>} : memref<2048xi32, #tpu.memory_space<vmem>>, vector<16xi32>,
          %scan3A_346 = arith.constant 0 : i32
          %scan3A_347 = arith.constant 1 : i32
          %scan3A_348 = arith.addi %scan3A_340, %scan3A_347 : i32
          %mul3A_349 = arith.constant 16 : i32
          %mul3A_350 = arith.muli %scan3A_348, %mul3A_349 : i32
          %multiple_of3A_351 = tpu.assume_multiple %mul3A_350, 16 : i32
          %swap3A_352 = arith.index_cast %multiple_of3A_351 : i32 to index
          %swap3A_353 = tpu.vector_load %arg6[%swap3A_352] {strides = array<i32>} : memref<2048xi32, #tpu.memory_space<vmem>>, vector<16xi32>,
          tpu.vector_store %arg6[%swap3A_352], %broadcast_in_dim3A_3 {strides = array<i32>} : memref<2048xi32, #tpu.memory_space<vmem>>, vector<16xi32>,
          %scan3A_354 = arith.constant 0 : i32
          %scan3A_355 = arith.constant 2 : i32
          %scan3A_356 = arith.addi %scan3A_340, %scan3A_355 : i32
          %mul3A_357 = arith.constant 16 : i32
          %mul3A_358 = arith.muli %scan3A_356, %mul3A_357 : i32
          %multiple_of3A_359 = tpu.assume_multiple %mul3A_358, 16 : i32
          %swap3A_360 = arith.index_cast %multiple_of3A_359 : i32 to index
          %swap3A_361 = tpu.vector_load %arg6[%swap3A_360] {strides = array<i32>} : memref<2048xi32, #tpu.memory_space<vmem>>, vector<16xi32>,
          tpu.vector_store %arg6[%swap3A_360], %broadcast_in_dim3A_3 {strides = array<i32>} : memref<2048xi32, #tpu.memory_space<vmem>>, vector<16xi32>,
          %scan3A_362 = arith.constant 0 : i32
          %scan3A_363 = arith.constant 3 : i32
          %scan3A_364 = arith.addi %scan3A_340, %scan3A_363 : i32
          %mul3A_365 = arith.constant 16 : i32
          %mul3A_366 = arith.muli %scan3A_364, %mul3A_365 : i32
          %multiple_of3A_367 = tpu.assume_multiple %mul3A_366, 16 : i32
          %swap3A_368 = arith.index_cast %multiple_of3A_367 : i32 to index
          %swap3A_369 = tpu.vector_load %arg6[%swap3A_368] {strides = array<i32>} : memref<2048xi32, #tpu.memory_space<vmem>>, vector<16xi32>,
          tpu.vector_store %arg6[%swap3A_368], %broadcast_in_dim3A_3 {strides = array<i32>} : memref<2048xi32, #tpu.memory_space<vmem>>, vector<16xi32>,
          %scan3A_370 = arith.constant 0 : i32
          %scan3A_371 = arith.constant 4 : i32
          %scan3A_372 = arith.addi %scan3A_340, %scan3A_371 : i32
          %mul3A_373 = arith.constant 16 : i32
          %mul3A_374 = arith.muli %scan3A_372, %mul3A_373 : i32
          %multiple_of3A_375 = tpu.assume_multiple %mul3A_374, 16 : i32
          %swap3A_376 = arith.index_cast %multiple_of3A_375 : i32 to index
          %swap3A_377 = tpu.vector_load %arg6[%swap3A_376] {strides = array<i32>} : memref<2048xi32, #tpu.memory_space<vmem>>, vector<16xi32>,
          tpu.vector_store %arg6[%swap3A_376], %broadcast_in_dim3A_3 {strides = array<i32>} : memref<2048xi32, #tpu.memory_space<vmem>>, vector<16xi32>,
          %scan3A_378 = arith.constant 0 : i32
          %scan3A_379 = arith.constant 5 : i32
          %scan3A_380 = arith.addi %scan3A_340, %scan3A_379 : i32
          %mul3A_381 = arith.constant 16 : i32
          %mul3A_382 = arith.muli %scan3A_380, %mul3A_381 : i32
          %multiple_of3A_383 = tpu.assume_multiple %mul3A_382, 16 : i32
          %swap3A_384 = arith.index_cast %multiple_of3A_383 : i32 to index
          %swap3A_385 = tpu.vector_load %arg6[%swap3A_384] {strides = array<i32>} : memref<2048xi32, #tpu.memory_space<vmem>>, vector<16xi32>,
          tpu.vector_store %arg6[%swap3A_384], %broadcast_in_dim3A_3 {strides = array<i32>} : memref<2048xi32, #tpu.memory_space<vmem>>, vector<16xi32>,
          %scan3A_386 = arith.constant 0 : i32
          %scan3A_387 = arith.constant 6 : i32
          %scan3A_388 = arith.addi %scan3A_340, %scan3A_387 : i32
          %mul3A_389 = arith.constant 16 : i32
          %mul3A_390 = arith.muli %scan3A_388, %mul3A_389 : i32
          %multiple_of3A_391 = tpu.assume_multiple %mul3A_390, 16 : i32
          %swap3A_392 = arith.index_cast %multiple_of3A_391 : i32 to index
          %swap3A_393 = tpu.vector_load %arg6[%swap3A_392] {strides = array<i32>} : memref<2048xi32, #tpu.memory_space<vmem>>, vector<16xi32>,
          tpu.vector_store %arg6[%swap3A_392], %broadcast_in_dim3A_3 {strides = array<i32>} : memref<2048xi32, #tpu.memory_space<vmem>>, vector<16xi32>,
          %scan3A_394 = arith.constant 0 : i32
          %scan3A_395 = arith.constant 7 : i32
          %scan3A_396 = arith.addi %scan3A_340, %scan3A_395 : i32
          %mul3A_397 = arith.constant 16 : i32
          %mul3A_398 = arith.muli %scan3A_396, %mul3A_397 : i32
          %multiple_of3A_399 = tpu.assume_multiple %mul3A_398, 16 : i32
          %swap3A_400 = arith.index_cast %multiple_of3A_399 : i32 to index
          %swap3A_401 = tpu.vector_load %arg6[%swap3A_400] {strides = array<i32>} : memref<2048xi32, #tpu.memory_space<vmem>>, vector<16xi32>,
          tpu.vector_store %arg6[%swap3A_400], %broadcast_in_dim3A_3 {strides = array<i32>} : memref<2048xi32, #tpu.memory_space<vmem>>, vector<16xi32>,
          %scan3A_402 = arith.constant 0 : i32
          scf.yield %scan3A_402 : i32
        }
        %scan3A_297 = arith.constant 128 : i32
        %scan3A_298 = arith.constant 0 : i32
        %scan3A_299 = arith.constant 0 : i32
        %scan3A_300 = arith.constant 2048 : i32
        %scan3A_301 = arith.addi %scan3A_299, %scan3A_300 : i32
        %scan3A_302 = arith.constant 4 : i32
        %scan3A_303 = scf.for %scan3A_340 = %scan3A_299 to %scan3A_301 step %scan3A_302 iter_args(%scan3A_341 = %scan3A_298) -> (i32)  : i32 {
          %mul3A_342 = arith.constant 16 : i32
          %mul3A_343 = arith.muli %scan3A_340, %mul3A_342 : i32
          %multiple_of3A = tpu.assume_multiple %mul3A_343, 16 : i32
          %get3A_344 = arith.index_cast %multiple_of3A : i32 to index
          %get3A_345 = tpu.vector_load %arg5[%get3A_344] {strides = array<i32>} : memref<32768xf32, #tpu.memory_space<vmem>>, vector<16xf32>,
          %bitcast_convert_type3A = tpu.bitcast %get3A_345 : vector<16xf32> -> vector<16xi32>
          %shift_right_arithmetic3A = arith.constant 31 : i32
          %shift_right_arithmetic3A_346 = vector.broadcast %shift_right_arithmetic3A : i32 to vector<16xi32>
          %shift_right_arithmetic3A_347 = arith.shrsi %bitcast_convert_type3A, %shift_right_arithmetic3A_346 : vector<16xi32>
          %and3A_348 = arith.constant 2147483647 : i32
          %and3A_349 = vector.broadcast %and3A_348 : i32 to vector<16xi32>
          %and3A_350 = arith.andi %shift_right_arithmetic3A_347, %and3A_349 : vector<16xi32>
          %xor3A = arith.xori %bitcast_convert_type3A, %and3A_350 : vector<16xi32>
          %not3A_351 = arith.constant dense<-1> : vector<16xi32>
          %not3A_352 = arith.xori %xor3A, %not3A_351 : vector<16xi32>
          %shift_right_arithmetic3A_353 = arith.constant 21 : i32
          %shift_right_arithmetic3A_354 = vector.broadcast %shift_right_arithmetic3A_353 : i32 to vector<16xi32>
          %shift_right_arithmetic3A_355 = arith.shrsi %not3A_352, %shift_right_arithmetic3A_354 : vector<16xi32>
          %add3A_356 = arith.constant 1024 : i32
          %add3A_357 = vector.broadcast %add3A_356 : i32 to vector<16xi32>
          %add3A_358 = arith.addi %shift_right_arithmetic3A_355, %add3A_357 : vector<16xi32>
          %broadcast_in_dim3A_359 = arith.constant true
          %broadcast_in_dim3A_360 = vector.broadcast %broadcast_in_dim3A_359 : i1 to vector<16xi1>
          %unique3A, %unique3A_361 = tpu.scan_count mask(%broadcast_in_dim3A_360 : vector<16xi1>) value(%add3A_358 : vector<16xi32>) : vector<16xi1>, vector<16xi32>
          tpu.vector_store_idx %arg6[%add3A_358], %unique3A_361 masked %unique3A {add = true} : memref<2048xi32, #tpu.memory_space<vmem>>[vector<16xi32>], vector<16xi32>, vector<16xi1>
          %scan3A_362 = arith.constant 0 : i32
          %scan3A_363 = arith.constant 1 : i32
          %scan3A_364 = arith.addi %scan3A_340, %scan3A_363 : i32
          %mul3A_365 = arith.constant 16 : i32
          %mul3A_366 = arith.muli %scan3A_364, %mul3A_365 : i32
          %multiple_of3A_367 = tpu.assume_multiple %mul3A_366, 16 : i32
          %get3A_368 = arith.index_cast %multiple_of3A_367 : i32 to index
          %get3A_369 = tpu.vector_load %arg5[%get3A_368] {strides = array<i32>} : memref<32768xf32, #tpu.memory_space<vmem>>, vector<16xf32>,
          %bitcast_convert_type3A_370 = tpu.bitcast %get3A_369 : vector<16xf32> -> vector<16xi32>
          %shift_right_arithmetic3A_371 = arith.constant 31 : i32
          %shift_right_arithmetic3A_372 = vector.broadcast %shift_right_arithmetic3A_371 : i32 to vector<16xi32>
          %shift_right_arithmetic3A_373 = arith.shrsi %bitcast_convert_type3A_370, %shift_right_arithmetic3A_372 : vector<16xi32>
          %and3A_374 = arith.constant 2147483647 : i32
          %and3A_375 = vector.broadcast %and3A_374 : i32 to vector<16xi32>
          %and3A_376 = arith.andi %shift_right_arithmetic3A_373, %and3A_375 : vector<16xi32>
          %xor3A_377 = arith.xori %bitcast_convert_type3A_370, %and3A_376 : vector<16xi32>
          %not3A_378 = arith.constant dense<-1> : vector<16xi32>
          %not3A_379 = arith.xori %xor3A_377, %not3A_378 : vector<16xi32>
          %shift_right_arithmetic3A_380 = arith.constant 21 : i32
          %shift_right_arithmetic3A_381 = vector.broadcast %shift_right_arithmetic3A_380 : i32 to vector<16xi32>
          %shift_right_arithmetic3A_382 = arith.shrsi %not3A_379, %shift_right_arithmetic3A_381 : vector<16xi32>
          %add3A_383 = arith.constant 1024 : i32
          %add3A_384 = vector.broadcast %add3A_383 : i32 to vector<16xi32>
          %add3A_385 = arith.addi %shift_right_arithmetic3A_382, %add3A_384 : vector<16xi32>
          %broadcast_in_dim3A_386 = arith.constant true
          %broadcast_in_dim3A_387 = vector.broadcast %broadcast_in_dim3A_386 : i1 to vector<16xi1>
          %unique3A_388, %unique3A_389 = tpu.scan_count mask(%broadcast_in_dim3A_387 : vector<16xi1>) value(%add3A_385 : vector<16xi32>) : vector<16xi1>, vector<16xi32>
          tpu.vector_store_idx %arg6[%add3A_385], %unique3A_389 masked %unique3A_388 {add = true} : memref<2048xi32, #tpu.memory_space<vmem>>[vector<16xi32>], vector<16xi32>, vector<16xi1>
          %scan3A_390 = arith.constant 0 : i32
          %scan3A_391 = arith.constant 2 : i32
          %scan3A_392 = arith.addi %scan3A_340, %scan3A_391 : i32
          %mul3A_393 = arith.constant 16 : i32
          %mul3A_394 = arith.muli %scan3A_392, %mul3A_393 : i32
          %multiple_of3A_395 = tpu.assume_multiple %mul3A_394, 16 : i32
          %get3A_396 = arith.index_cast %multiple_of3A_395 : i32 to index
          %get3A_397 = tpu.vector_load %arg5[%get3A_396] {strides = array<i32>} : memref<32768xf32, #tpu.memory_space<vmem>>, vector<16xf32>,
          %bitcast_convert_type3A_398 = tpu.bitcast %get3A_397 : vector<16xf32> -> vector<16xi32>
          %shift_right_arithmetic3A_399 = arith.constant 31 : i32
          %shift_right_arithmetic3A_400 = vector.broadcast %shift_right_arithmetic3A_399 : i32 to vector<16xi32>
          %shift_right_arithmetic3A_401 = arith.shrsi %bitcast_convert_type3A_398, %shift_right_arithmetic3A_400 : vector<16xi32>
          %and3A_402 = arith.constant 2147483647 : i32
          %and3A_403 = vector.broadcast %and3A_402 : i32 to vector<16xi32>
          %and3A_404 = arith.andi %shift_right_arithmetic3A_401, %and3A_403 : vector<16xi32>
          %xor3A_405 = arith.xori %bitcast_convert_type3A_398, %and3A_404 : vector<16xi32>
          %not3A_406 = arith.constant dense<-1> : vector<16xi32>
          %not3A_407 = arith.xori %xor3A_405, %not3A_406 : vector<16xi32>
          %shift_right_arithmetic3A_408 = arith.constant 21 : i32
          %shift_right_arithmetic3A_409 = vector.broadcast %shift_right_arithmetic3A_408 : i32 to vector<16xi32>
          %shift_right_arithmetic3A_410 = arith.shrsi %not3A_407, %shift_right_arithmetic3A_409 : vector<16xi32>
          %add3A_411 = arith.constant 1024 : i32
          %add3A_412 = vector.broadcast %add3A_411 : i32 to vector<16xi32>
          %add3A_413 = arith.addi %shift_right_arithmetic3A_410, %add3A_412 : vector<16xi32>
          %broadcast_in_dim3A_414 = arith.constant true
          %broadcast_in_dim3A_415 = vector.broadcast %broadcast_in_dim3A_414 : i1 to vector<16xi1>
          %unique3A_416, %unique3A_417 = tpu.scan_count mask(%broadcast_in_dim3A_415 : vector<16xi1>) value(%add3A_413 : vector<16xi32>) : vector<16xi1>, vector<16xi32>
          tpu.vector_store_idx %arg6[%add3A_413], %unique3A_417 masked %unique3A_416 {add = true} : memref<2048xi32, #tpu.memory_space<vmem>>[vector<16xi32>], vector<16xi32>, vector<16xi1>
          %scan3A_418 = arith.constant 0 : i32
          %scan3A_419 = arith.constant 3 : i32
          %scan3A_420 = arith.addi %scan3A_340, %scan3A_419 : i32
          %mul3A_421 = arith.constant 16 : i32
          %mul3A_422 = arith.muli %scan3A_420, %mul3A_421 : i32
          %multiple_of3A_423 = tpu.assume_multiple %mul3A_422, 16 : i32
          %get3A_424 = arith.index_cast %multiple_of3A_423 : i32 to index
          %get3A_425 = tpu.vector_load %arg5[%get3A_424] {strides = array<i32>} : memref<32768xf32, #tpu.memory_space<vmem>>, vector<16xf32>,
          %bitcast_convert_type3A_426 = tpu.bitcast %get3A_425 : vector<16xf32> -> vector<16xi32>
          %shift_right_arithmetic3A_427 = arith.constant 31 : i32
          %shift_right_arithmetic3A_428 = vector.broadcast %shift_right_arithmetic3A_427 : i32 to vector<16xi32>
          %shift_right_arithmetic3A_429 = arith.shrsi %bitcast_convert_type3A_426, %shift_right_arithmetic3A_428 : vector<16xi32>
          %and3A_430 = arith.constant 2147483647 : i32
          %and3A_431 = vector.broadcast %and3A_430 : i32 to vector<16xi32>
          %and3A_432 = arith.andi %shift_right_arithmetic3A_429, %and3A_431 : vector<16xi32>
          %xor3A_433 = arith.xori %bitcast_convert_type3A_426, %and3A_432 : vector<16xi32>
          %not3A_434 = arith.constant dense<-1> : vector<16xi32>
          %not3A_435 = arith.xori %xor3A_433, %not3A_434 : vector<16xi32>
          %shift_right_arithmetic3A_436 = arith.constant 21 : i32
          %shift_right_arithmetic3A_437 = vector.broadcast %shift_right_arithmetic3A_436 : i32 to vector<16xi32>
          %shift_right_arithmetic3A_438 = arith.shrsi %not3A_435, %shift_right_arithmetic3A_437 : vector<16xi32>
          %add3A_439 = arith.constant 1024 : i32
          %add3A_440 = vector.broadcast %add3A_439 : i32 to vector<16xi32>
          %add3A_441 = arith.addi %shift_right_arithmetic3A_438, %add3A_440 : vector<16xi32>
          %broadcast_in_dim3A_442 = arith.constant true
          %broadcast_in_dim3A_443 = vector.broadcast %broadcast_in_dim3A_442 : i1 to vector<16xi1>
          %unique3A_444, %unique3A_445 = tpu.scan_count mask(%broadcast_in_dim3A_443 : vector<16xi1>) value(%add3A_441 : vector<16xi32>) : vector<16xi1>, vector<16xi32>
          tpu.vector_store_idx %arg6[%add3A_441], %unique3A_445 masked %unique3A_444 {add = true} : memref<2048xi32, #tpu.memory_space<vmem>>[vector<16xi32>], vector<16xi32>, vector<16xi1>
          %scan3A_446 = arith.constant 0 : i32
          scf.yield %scan3A_446 : i32
        }
        %scan3A_304 = arith.constant 2048 : i32
        %broadcast_in_dim3A_305 = arith.constant 0 : i32
        %broadcast_in_dim3A_306 = vector.broadcast %broadcast_in_dim3A_305 : i32 to vector<16xi32>
        %scan3A_307 = arith.constant 2048 : i32
        %scan3A_308 = arith.constant 0 : i32
        %scan3A_309 = arith.constant false
        %scan3A_310 = arith.constant 0 : i32
        %scan3A_311 = arith.constant 128 : i32
        %scan3A_312 = arith.addi %scan3A_310, %scan3A_311 : i32
        %scan3A_313 = arith.constant 2 : i32
        %scan3A_314:3 = scf.for %scan3A_340 = %scan3A_310 to %scan3A_312 step %scan3A_313 iter_args(%scan3A_341 = %scan3A_308, %scan3A_342 = %broadcast_in_dim3A_306, %scan3A_343 = %scan3A_309) -> (i32, vector<16xi32>, i1)  : i32 {
          %mul3A_344 = arith.constant 16 : i32
          %mul3A_345 = arith.muli %scan3A_340, %mul3A_344 : i32
          %multiple_of3A = tpu.assume_multiple %mul3A_345, 16 : i32
          %get3A_346 = arith.index_cast %multiple_of3A : i32 to index
          %get3A_347 = tpu.vector_load %arg6[%get3A_346] {strides = array<i32>} : memref<2048xi32, #tpu.memory_space<vmem>>, vector<16xi32>,
          %broadcast_in_dim3A_348 = arith.constant true
          %broadcast_in_dim3A_349 = vector.broadcast %broadcast_in_dim3A_348 : i1 to vector<16xi1>
          %masked_cumsum3A = tpu.scan <sum>, %get3A_347 masked %broadcast_in_dim3A_349 : vector<16xi32>, vector<16xi1> -> vector<16xi32>
          %add3A_350 = arith.addi %masked_cumsum3A, %scan3A_342 : vector<16xi32>
          %ge3A = vector.broadcast %scan3A_307 : i32 to vector<16xi32>
          %ge3A_351 = arith.cmpi sge, %add3A_350, %ge3A : vector<16xi32>
          %reduce_or3A = arith.constant 1.000000e+00 : f32
          %reduce_or3A_352 = arith.constant 0.000000e+00 : f32
          %reduce_or3A_353 = vector.broadcast %reduce_or3A : f32 to vector<16xf32>
          %reduce_or3A_354 = vector.broadcast %reduce_or3A_352 : f32 to vector<16xf32>
          %reduce_or3A_355 = arith.select %ge3A_351, %reduce_or3A_353, %reduce_or3A_354 : vector<16xi1>, vector<16xf32>
          %reduce_or3A_356 = arith.constant true
          %reduce_or3A_357 = vector.broadcast %reduce_or3A_356 : i1 to vector<16xi1>
          %reduce_or3A_358 = tpu.scan <max>, %reduce_or3A_355 masked %reduce_or3A_357 : vector<16xf32>, vector<16xi1> -> vector<16xf32>
          %reduce_or3A_359 = vector.extract %reduce_or3A_358[15] : f32 from vector<16xf32>
          %reduce_or3A_360 = arith.constant 0.000000e+00 : f32
          %reduce_or3A_361 = arith.cmpf ogt, %reduce_or3A_359, %reduce_or3A_360 : f32
          %all_reduce_ffs3A = tpu.all_reduce %ge3A_351 {dim = 0 : i64, kind = #tpu.reduction_kind<find_first_set>} : vector<16xi1> -> vector<16xi32>
          %slice3A_362 = vector.extract_strided_slice %all_reduce_ffs3A {offsets = [0], sizes = [1], strides = [1]} : vector<16xi32> to vector<1xi32>
          %squeeze3A_363 = vector.extract %slice3A_362[0] : i32 from vector<1xi32>
          %mul3A_364 = arith.constant 16 : i32
          %mul3A_365 = arith.muli %scan3A_340, %mul3A_364 : i32
          %add3A_366 = arith.addi %mul3A_365, %squeeze3A_363 : i32
          %not3A_367 = arith.constant true
          %not3A_368 = arith.xori %reduce_or3A_361, %not3A_367 : i1
          %or3A_369 = arith.ori %scan3A_343, %not3A_368 : i1
          %select_n3A_370 = arith.select %or3A_369, %scan3A_341, %add3A_366 : i32
          %or3A_371 = arith.ori %scan3A_343, %reduce_or3A_361 : i1
          %broadcast_in_dim3A_372 = arith.constant 15 : i32
          %broadcast_in_dim3A_373 = vector.broadcast %broadcast_in_dim3A_372 : i32 to vector<16xi32>
          %broadcast_in_dim3A_374 = vector.shape_cast %broadcast_in_dim3A_373 : vector<16xi32> to vector<16x1xi32>
          %gather3A = vector.shape_cast %broadcast_in_dim3A_374 : vector<16x1xi32> to vector<16xi32>
          %gather3A_375 = tpu.dynamic_gather %add3A_350[%gather3A] in [0] : vector<16xi32>, vector<16xi32> -> vector<16xi32>
          %scan3A_376 = arith.constant 1 : i32
          %scan3A_377 = arith.addi %scan3A_340, %scan3A_376 : i32
          %mul3A_378 = arith.constant 16 : i32
          %mul3A_379 = arith.muli %scan3A_377, %mul3A_378 : i32
          %multiple_of3A_380 = tpu.assume_multiple %mul3A_379, 16 : i32
          %get3A_381 = arith.index_cast %multiple_of3A_380 : i32 to index
          %get3A_382 = tpu.vector_load %arg6[%get3A_381] {strides = array<i32>} : memref<2048xi32, #tpu.memory_space<vmem>>, vector<16xi32>,
          %broadcast_in_dim3A_383 = arith.constant true
          %broadcast_in_dim3A_384 = vector.broadcast %broadcast_in_dim3A_383 : i1 to vector<16xi1>
          %masked_cumsum3A_385 = tpu.scan <sum>, %get3A_382 masked %broadcast_in_dim3A_384 : vector<16xi32>, vector<16xi1> -> vector<16xi32>
          %add3A_386 = arith.addi %masked_cumsum3A_385, %gather3A_375 : vector<16xi32>
          %ge3A_387 = vector.broadcast %scan3A_307 : i32 to vector<16xi32>
          %ge3A_388 = arith.cmpi sge, %add3A_386, %ge3A_387 : vector<16xi32>
          %reduce_or3A_389 = arith.constant 1.000000e+00 : f32
          %reduce_or3A_390 = arith.constant 0.000000e+00 : f32
          %reduce_or3A_391 = vector.broadcast %reduce_or3A_389 : f32 to vector<16xf32>
          %reduce_or3A_392 = vector.broadcast %reduce_or3A_390 : f32 to vector<16xf32>
          %reduce_or3A_393 = arith.select %ge3A_388, %reduce_or3A_391, %reduce_or3A_392 : vector<16xi1>, vector<16xf32>
          %reduce_or3A_394 = arith.constant true
          %reduce_or3A_395 = vector.broadcast %reduce_or3A_394 : i1 to vector<16xi1>
          %reduce_or3A_396 = tpu.scan <max>, %reduce_or3A_393 masked %reduce_or3A_395 : vector<16xf32>, vector<16xi1> -> vector<16xf32>
          %reduce_or3A_397 = vector.extract %reduce_or3A_396[15] : f32 from vector<16xf32>
          %reduce_or3A_398 = arith.constant 0.000000e+00 : f32
          %reduce_or3A_399 = arith.cmpf ogt, %reduce_or3A_397, %reduce_or3A_398 : f32
          %all_reduce_ffs3A_400 = tpu.all_reduce %ge3A_388 {dim = 0 : i64, kind = #tpu.reduction_kind<find_first_set>} : vector<16xi1> -> vector<16xi32>
          %slice3A_401 = vector.extract_strided_slice %all_reduce_ffs3A_400 {offsets = [0], sizes = [1], strides = [1]} : vector<16xi32> to vector<1xi32>
          %squeeze3A_402 = vector.extract %slice3A_401[0] : i32 from vector<1xi32>
          %mul3A_403 = arith.constant 16 : i32
          %mul3A_404 = arith.muli %scan3A_377, %mul3A_403 : i32
          %add3A_405 = arith.addi %mul3A_404, %squeeze3A_402 : i32
          %not3A_406 = arith.constant true
          %not3A_407 = arith.xori %reduce_or3A_399, %not3A_406 : i1
          %or3A_408 = arith.ori %or3A_371, %not3A_407 : i1
          %select_n3A_409 = arith.select %or3A_408, %select_n3A_370, %add3A_405 : i32
          %or3A_410 = arith.ori %or3A_371, %reduce_or3A_399 : i1
          %broadcast_in_dim3A_411 = arith.constant 15 : i32
          %broadcast_in_dim3A_412 = vector.broadcast %broadcast_in_dim3A_411 : i32 to vector<16xi32>
          %broadcast_in_dim3A_413 = vector.shape_cast %broadcast_in_dim3A_412 : vector<16xi32> to vector<16x1xi32>
          %gather3A_414 = vector.shape_cast %broadcast_in_dim3A_413 : vector<16x1xi32> to vector<16xi32>
          %gather3A_415 = tpu.dynamic_gather %add3A_386[%gather3A_414] in [0] : vector<16xi32>, vector<16xi32> -> vector<16xi32>
          scf.yield %select_n3A_409, %gather3A_415, %or3A_410 : i32, vector<16xi32>, i1
        }
        %scan3A_315 = arith.constant 128 : i32
        %sub3A_316 = arith.constant 1024 : i32
        %sub3A_317 = arith.subi %scan3A_314#0, %sub3A_316 : i32
        %shift_left3A_318 = arith.constant 21 : i32
        %shift_left3A_319 = arith.shli %sub3A_317, %shift_left3A_318 : i32
        %add3A_320 = arith.constant 2097151 : i32
        %add3A_321 = arith.addi %shift_left3A_319, %add3A_320 : i32
        %not3A_322 = arith.constant -1 : i32
        %not3A_323 = arith.xori %add3A_321, %not3A_322 : i32
        %sub3A_324 = arith.constant 1 : i32
        %sub3A_325 = vector.broadcast %sub3A_324 : i32 to vector<16xi32>
        %sub3A_326 = arith.subi %broadcast_in_dim3A_3, %sub3A_325 : vector<16xi32>
        %scan3A_327 = arith.constant 0 : i32
        %scan3A_328 = arith.constant 2048 : i32
        %scan3A_329 = arith.addi %scan3A_327, %scan3A_328 : i32
        %scan3A_330 = arith.constant 8 : i32
        %scan3A_331:2 = scf.for %scan3A_340 = %scan3A_327 to %scan3A_329 step %scan3A_330 iter_args(%scan3A_341 = %sub3A_326, %scan3A_342 = %iota3A) -> (vector<16xi32>, vector<16xi32>)  : i32 {
          %mul3A_343 = arith.constant 16 : i32
          %mul3A_344 = arith.muli %scan3A_340, %mul3A_343 : i32
          %multiple_of3A = tpu.assume_multiple %mul3A_344, 16 : i32
          %get3A_345 = arith.index_cast %multiple_of3A : i32 to index
          %get3A_346 = tpu.vector_load %arg5[%get3A_345] {strides = array<i32>} : memref<32768xf32, #tpu.memory_space<vmem>>, vector<16xf32>,
          %bitcast_convert_type3A = tpu.bitcast %get3A_346 : vector<16xf32> -> vector<16xi32>
          %shift_right_arithmetic3A = arith.constant 31 : i32
          %shift_right_arithmetic3A_347 = vector.broadcast %shift_right_arithmetic3A : i32 to vector<16xi32>
          %shift_right_arithmetic3A_348 = arith.shrsi %bitcast_convert_type3A, %shift_right_arithmetic3A_347 : vector<16xi32>
          %and3A_349 = arith.constant 2147483647 : i32
          %and3A_350 = vector.broadcast %and3A_349 : i32 to vector<16xi32>
          %and3A_351 = arith.andi %shift_right_arithmetic3A_348, %and3A_350 : vector<16xi32>
          %xor3A = arith.xori %bitcast_convert_type3A, %and3A_351 : vector<16xi32>
          %ge3A = vector.broadcast %not3A_323 : i32 to vector<16xi32>
          %ge3A_352 = arith.cmpi sge, %xor3A, %ge3A : vector<16xi32>
          %jit3A_353 = arith.constant 1 : i32
          %jit3A_354 = arith.constant 0 : i32
          %broadcast_in_dim3A_355 = vector.broadcast %jit3A_353 : i32 to vector<16xi32>
          %broadcast_in_dim3A_356 = vector.broadcast %jit3A_354 : i32 to vector<16xi32>
          %select_n3A_357 = arith.select %ge3A_352, %broadcast_in_dim3A_355, %broadcast_in_dim3A_356 : vector<16xi1>, vector<16xi32>
          %broadcast_in_dim3A_358 = arith.constant true
          %broadcast_in_dim3A_359 = vector.broadcast %broadcast_in_dim3A_358 : i1 to vector<16xi1>
          %masked_cumsum3A = tpu.scan <sum>, %select_n3A_357 masked %broadcast_in_dim3A_359 : vector<16xi32>, vector<16xi1> -> vector<16xi32>
          %add3A_360 = arith.addi %scan3A_341, %masked_cumsum3A : vector<16xi32>
          %lt3A_361 = arith.constant 4096 : i32
          %lt3A_362 = vector.broadcast %lt3A_361 : i32 to vector<16xi32>
          %lt3A_363 = arith.cmpi slt, %add3A_360, %lt3A_362 : vector<16xi32>
          %and3A_364 = arith.andi %ge3A_352, %lt3A_363 : vector<16xi1>
          tpu.vector_store_idx %arg7[%add3A_360], %xor3A masked %and3A_364 : memref<4096xi32, #tpu.memory_space<vmem>>[vector<16xi32>], vector<16xi32>, vector<16xi1>
          tpu.vector_store_idx %arg8[%add3A_360], %scan3A_342 masked %and3A_364 : memref<4096xi32, #tpu.memory_space<vmem>>[vector<16xi32>], vector<16xi32>, vector<16xi1>
          %broadcast_in_dim3A_365 = arith.constant 15 : i32
          %broadcast_in_dim3A_366 = vector.broadcast %broadcast_in_dim3A_365 : i32 to vector<16xi32>
          %broadcast_in_dim3A_367 = vector.shape_cast %broadcast_in_dim3A_366 : vector<16xi32> to vector<16x1xi32>
          %gather3A = vector.shape_cast %broadcast_in_dim3A_367 : vector<16x1xi32> to vector<16xi32>
          %gather3A_368 = tpu.dynamic_gather %masked_cumsum3A[%gather3A] in [0] : vector<16xi32>, vector<16xi32> -> vector<16xi32>
          %add3A_369 = arith.addi %scan3A_341, %gather3A_368 : vector<16xi32>
          %add3A_370 = arith.constant 16 : i32
          %add3A_371 = vector.broadcast %add3A_370 : i32 to vector<16xi32>
          %add3A_372 = arith.addi %scan3A_342, %add3A_371 : vector<16xi32>
          %scan3A_373 = arith.constant 1 : i32
          %scan3A_374 = arith.addi %scan3A_340, %scan3A_373 : i32
          %mul3A_375 = arith.constant 16 : i32
          %mul3A_376 = arith.muli %scan3A_374, %mul3A_375 : i32
          %multiple_of3A_377 = tpu.assume_multiple %mul3A_376, 16 : i32
          %get3A_378 = arith.index_cast %multiple_of3A_377 : i32 to index
          %get3A_379 = tpu.vector_load %arg5[%get3A_378] {strides = array<i32>} : memref<32768xf32, #tpu.memory_space<vmem>>, vector<16xf32>,
          %bitcast_convert_type3A_380 = tpu.bitcast %get3A_379 : vector<16xf32> -> vector<16xi32>
          %shift_right_arithmetic3A_381 = arith.constant 31 : i32
          %shift_right_arithmetic3A_382 = vector.broadcast %shift_right_arithmetic3A_381 : i32 to vector<16xi32>
          %shift_right_arithmetic3A_383 = arith.shrsi %bitcast_convert_type3A_380, %shift_right_arithmetic3A_382 : vector<16xi32>
          %and3A_384 = arith.constant 2147483647 : i32
          %and3A_385 = vector.broadcast %and3A_384 : i32 to vector<16xi32>
          %and3A_386 = arith.andi %shift_right_arithmetic3A_383, %and3A_385 : vector<16xi32>
          %xor3A_387 = arith.xori %bitcast_convert_type3A_380, %and3A_386 : vector<16xi32>
          %ge3A_388 = vector.broadcast %not3A_323 : i32 to vector<16xi32>
          %ge3A_389 = arith.cmpi sge, %xor3A_387, %ge3A_388 : vector<16xi32>
          %jit3A_390 = arith.constant 1 : i32
          %jit3A_391 = arith.constant 0 : i32
          %broadcast_in_dim3A_392 = vector.broadcast %jit3A_390 : i32 to vector<16xi32>
          %broadcast_in_dim3A_393 = vector.broadcast %jit3A_391 : i32 to vector<16xi32>
          %select_n3A_394 = arith.select %ge3A_389, %broadcast_in_dim3A_392, %broadcast_in_dim3A_393 : vector<16xi1>, vector<16xi32>
          %broadcast_in_dim3A_395 = arith.constant true
          %broadcast_in_dim3A_396 = vector.broadcast %broadcast_in_dim3A_395 : i1 to vector<16xi1>
          %masked_cumsum3A_397 = tpu.scan <sum>, %select_n3A_394 masked %broadcast_in_dim3A_396 : vector<16xi32>, vector<16xi1> -> vector<16xi32>
          %add3A_398 = arith.addi %add3A_369, %masked_cumsum3A_397 : vector<16xi32>
          %lt3A_399 = arith.constant 4096 : i32
          %lt3A_400 = vector.broadcast %lt3A_399 : i32 to vector<16xi32>
          %lt3A_401 = arith.cmpi slt, %add3A_398, %lt3A_400 : vector<16xi32>
          %and3A_402 = arith.andi %ge3A_389, %lt3A_401 : vector<16xi1>
          tpu.vector_store_idx %arg7[%add3A_398], %xor3A_387 masked %and3A_402 : memref<4096xi32, #tpu.memory_space<vmem>>[vector<16xi32>], vector<16xi32>, vector<16xi1>
          tpu.vector_store_idx %arg8[%add3A_398], %add3A_372 masked %and3A_402 : memref<4096xi32, #tpu.memory_space<vmem>>[vector<16xi32>], vector<16xi32>, vector<16xi1>
          %broadcast_in_dim3A_403 = arith.constant 15 : i32
          %broadcast_in_dim3A_404 = vector.broadcast %broadcast_in_dim3A_403 : i32 to vector<16xi32>
          %broadcast_in_dim3A_405 = vector.shape_cast %broadcast_in_dim3A_404 : vector<16xi32> to vector<16x1xi32>
          %gather3A_406 = vector.shape_cast %broadcast_in_dim3A_405 : vector<16x1xi32> to vector<16xi32>
          %gather3A_407 = tpu.dynamic_gather %masked_cumsum3A_397[%gather3A_406] in [0] : vector<16xi32>, vector<16xi32> -> vector<16xi32>
          %add3A_408 = arith.addi %add3A_369, %gather3A_407 : vector<16xi32>
          %add3A_409 = arith.constant 16 : i32
          %add3A_410 = vector.broadcast %add3A_409 : i32 to vector<16xi32>
          %add3A_411 = arith.addi %add3A_372, %add3A_410 : vector<16xi32>
          %scan3A_412 = arith.constant 2 : i32
          %scan3A_413 = arith.addi %scan3A_340, %scan3A_412 : i32
          %mul3A_414 = arith.constant 16 : i32
          %mul3A_415 = arith.muli %scan3A_413, %mul3A_414 : i32
          %multiple_of3A_416 = tpu.assume_multiple %mul3A_415, 16 : i32
          %get3A_417 = arith.index_cast %multiple_of3A_416 : i32 to index
          %get3A_418 = tpu.vector_load %arg5[%get3A_417] {strides = array<i32>} : memref<32768xf32, #tpu.memory_space<vmem>>, vector<16xf32>,
          %bitcast_convert_type3A_419 = tpu.bitcast %get3A_418 : vector<16xf32> -> vector<16xi32>
          %shift_right_arithmetic3A_420 = arith.constant 31 : i32
          %shift_right_arithmetic3A_421 = vector.broadcast %shift_right_arithmetic3A_420 : i32 to vector<16xi32>
          %shift_right_arithmetic3A_422 = arith.shrsi %bitcast_convert_type3A_419, %shift_right_arithmetic3A_421 : vector<16xi32>
          %and3A_423 = arith.constant 2147483647 : i32
          %and3A_424 = vector.broadcast %and3A_423 : i32 to vector<16xi32>
          %and3A_425 = arith.andi %shift_right_arithmetic3A_422, %and3A_424 : vector<16xi32>
          %xor3A_426 = arith.xori %bitcast_convert_type3A_419, %and3A_425 : vector<16xi32>
          %ge3A_427 = vector.broadcast %not3A_323 : i32 to vector<16xi32>
          %ge3A_428 = arith.cmpi sge, %xor3A_426, %ge3A_427 : vector<16xi32>
          %jit3A_429 = arith.constant 1 : i32
          %jit3A_430 = arith.constant 0 : i32
          %broadcast_in_dim3A_431 = vector.broadcast %jit3A_429 : i32 to vector<16xi32>
          %broadcast_in_dim3A_432 = vector.broadcast %jit3A_430 : i32 to vector<16xi32>
          %select_n3A_433 = arith.select %ge3A_428, %broadcast_in_dim3A_431, %broadcast_in_dim3A_432 : vector<16xi1>, vector<16xi32>
          %broadcast_in_dim3A_434 = arith.constant true
          %broadcast_in_dim3A_435 = vector.broadcast %broadcast_in_dim3A_434 : i1 to vector<16xi1>
          %masked_cumsum3A_436 = tpu.scan <sum>, %select_n3A_433 masked %broadcast_in_dim3A_435 : vector<16xi32>, vector<16xi1> -> vector<16xi32>
          %add3A_437 = arith.addi %add3A_408, %masked_cumsum3A_436 : vector<16xi32>
          %lt3A_438 = arith.constant 4096 : i32
          %lt3A_439 = vector.broadcast %lt3A_438 : i32 to vector<16xi32>
          %lt3A_440 = arith.cmpi slt, %add3A_437, %lt3A_439 : vector<16xi32>
          %and3A_441 = arith.andi %ge3A_428, %lt3A_440 : vector<16xi1>
          tpu.vector_store_idx %arg7[%add3A_437], %xor3A_426 masked %and3A_441 : memref<4096xi32, #tpu.memory_space<vmem>>[vector<16xi32>], vector<16xi32>, vector<16xi1>
          tpu.vector_store_idx %arg8[%add3A_437], %add3A_411 masked %and3A_441 : memref<4096xi32, #tpu.memory_space<vmem>>[vector<16xi32>], vector<16xi32>, vector<16xi1>
          %broadcast_in_dim3A_442 = arith.constant 15 : i32
          %broadcast_in_dim3A_443 = vector.broadcast %broadcast_in_dim3A_442 : i32 to vector<16xi32>
          %broadcast_in_dim3A_444 = vector.shape_cast %broadcast_in_dim3A_443 : vector<16xi32> to vector<16x1xi32>
          %gather3A_445 = vector.shape_cast %broadcast_in_dim3A_444 : vector<16x1xi32> to vector<16xi32>
          %gather3A_446 = tpu.dynamic_gather %masked_cumsum3A_436[%gather3A_445] in [0] : vector<16xi32>, vector<16xi32> -> vector<16xi32>
          %add3A_447 = arith.addi %add3A_408, %gather3A_446 : vector<16xi32>
          %add3A_448 = arith.constant 16 : i32
          %add3A_449 = vector.broadcast %add3A_448 : i32 to vector<16xi32>
          %add3A_450 = arith.addi %add3A_411, %add3A_449 : vector<16xi32>
          %scan3A_451 = arith.constant 3 : i32
          %scan3A_452 = arith.addi %scan3A_340, %scan3A_451 : i32
          %mul3A_453 = arith.constant 16 : i32
          %mul3A_454 = arith.muli %scan3A_452, %mul3A_453 : i32
          %multiple_of3A_455 = tpu.assume_multiple %mul3A_454, 16 : i32
          %get3A_456 = arith.index_cast %multiple_of3A_455 : i32 to index
          %get3A_457 = tpu.vector_load %arg5[%get3A_456] {strides = array<i32>} : memref<32768xf32, #tpu.memory_space<vmem>>, vector<16xf32>,
          %bitcast_convert_type3A_458 = tpu.bitcast %get3A_457 : vector<16xf32> -> vector<16xi32>
          %shift_right_arithmetic3A_459 = arith.constant 31 : i32
          %shift_right_arithmetic3A_460 = vector.broadcast %shift_right_arithmetic3A_459 : i32 to vector<16xi32>
          %shift_right_arithmetic3A_461 = arith.shrsi %bitcast_convert_type3A_458, %shift_right_arithmetic3A_460 : vector<16xi32>
          %and3A_462 = arith.constant 2147483647 : i32
          %and3A_463 = vector.broadcast %and3A_462 : i32 to vector<16xi32>
          %and3A_464 = arith.andi %shift_right_arithmetic3A_461, %and3A_463 : vector<16xi32>
          %xor3A_465 = arith.xori %bitcast_convert_type3A_458, %and3A_464 : vector<16xi32>
          %ge3A_466 = vector.broadcast %not3A_323 : i32 to vector<16xi32>
          %ge3A_467 = arith.cmpi sge, %xor3A_465, %ge3A_466 : vector<16xi32>
          %jit3A_468 = arith.constant 1 : i32
          %jit3A_469 = arith.constant 0 : i32
          %broadcast_in_dim3A_470 = vector.broadcast %jit3A_468 : i32 to vector<16xi32>
          %broadcast_in_dim3A_471 = vector.broadcast %jit3A_469 : i32 to vector<16xi32>
          %select_n3A_472 = arith.select %ge3A_467, %broadcast_in_dim3A_470, %broadcast_in_dim3A_471 : vector<16xi1>, vector<16xi32>
          %broadcast_in_dim3A_473 = arith.constant true
          %broadcast_in_dim3A_474 = vector.broadcast %broadcast_in_dim3A_473 : i1 to vector<16xi1>
          %masked_cumsum3A_475 = tpu.scan <sum>, %select_n3A_472 masked %broadcast_in_dim3A_474 : vector<16xi32>, vector<16xi1> -> vector<16xi32>
          %add3A_476 = arith.addi %add3A_447, %masked_cumsum3A_475 : vector<16xi32>
          %lt3A_477 = arith.constant 4096 : i32
          %lt3A_478 = vector.broadcast %lt3A_477 : i32 to vector<16xi32>
          %lt3A_479 = arith.cmpi slt, %add3A_476, %lt3A_478 : vector<16xi32>
          %and3A_480 = arith.andi %ge3A_467, %lt3A_479 : vector<16xi1>
          tpu.vector_store_idx %arg7[%add3A_476], %xor3A_465 masked %and3A_480 : memref<4096xi32, #tpu.memory_space<vmem>>[vector<16xi32>], vector<16xi32>, vector<16xi1>
          tpu.vector_store_idx %arg8[%add3A_476], %add3A_450 masked %and3A_480 : memref<4096xi32, #tpu.memory_space<vmem>>[vector<16xi32>], vector<16xi32>, vector<16xi1>
          %broadcast_in_dim3A_481 = arith.constant 15 : i32
          %broadcast_in_dim3A_482 = vector.broadcast %broadcast_in_dim3A_481 : i32 to vector<16xi32>
          %broadcast_in_dim3A_483 = vector.shape_cast %broadcast_in_dim3A_482 : vector<16xi32> to vector<16x1xi32>
          %gather3A_484 = vector.shape_cast %broadcast_in_dim3A_483 : vector<16x1xi32> to vector<16xi32>
          %gather3A_485 = tpu.dynamic_gather %masked_cumsum3A_475[%gather3A_484] in [0] : vector<16xi32>, vector<16xi32> -> vector<16xi32>
          %add3A_486 = arith.addi %add3A_447, %gather3A_485 : vector<16xi32>
          %add3A_487 = arith.constant 16 : i32
          %add3A_488 = vector.broadcast %add3A_487 : i32 to vector<16xi32>
          %add3A_489 = arith.addi %add3A_450, %add3A_488 : vector<16xi32>
          %scan3A_490 = arith.constant 4 : i32
          %scan3A_491 = arith.addi %scan3A_340, %scan3A_490 : i32
          %mul3A_492 = arith.constant 16 : i32
          %mul3A_493 = arith.muli %scan3A_491, %mul3A_492 : i32
          %multiple_of3A_494 = tpu.assume_multiple %mul3A_493, 16 : i32
          %get3A_495 = arith.index_cast %multiple_of3A_494 : i32 to index
          %get3A_496 = tpu.vector_load %arg5[%get3A_495] {strides = array<i32>} : memref<32768xf32, #tpu.memory_space<vmem>>, vector<16xf32>,
          %bitcast_convert_type3A_497 = tpu.bitcast %get3A_496 : vector<16xf32> -> vector<16xi32>
          %shift_right_arithmetic3A_498 = arith.constant 31 : i32
          %shift_right_arithmetic3A_499 = vector.broadcast %shift_right_arithmetic3A_498 : i32 to vector<16xi32>
          %shift_right_arithmetic3A_500 = arith.shrsi %bitcast_convert_type3A_497, %shift_right_arithmetic3A_499 : vector<16xi32>
          %and3A_501 = arith.constant 2147483647 : i32
          %and3A_502 = vector.broadcast %and3A_501 : i32 to vector<16xi32>
          %and3A_503 = arith.andi %shift_right_arithmetic3A_500, %and3A_502 : vector<16xi32>
          %xor3A_504 = arith.xori %bitcast_convert_type3A_497, %and3A_503 : vector<16xi32>
          %ge3A_505 = vector.broadcast %not3A_323 : i32 to vector<16xi32>
          %ge3A_506 = arith.cmpi sge, %xor3A_504, %ge3A_505 : vector<16xi32>
          %jit3A_507 = arith.constant 1 : i32
          %jit3A_508 = arith.constant 0 : i32
          %broadcast_in_dim3A_509 = vector.broadcast %jit3A_507 : i32 to vector<16xi32>
          %broadcast_in_dim3A_510 = vector.broadcast %jit3A_508 : i32 to vector<16xi32>
          %select_n3A_511 = arith.select %ge3A_506, %broadcast_in_dim3A_509, %broadcast_in_dim3A_510 : vector<16xi1>, vector<16xi32>
          %broadcast_in_dim3A_512 = arith.constant true
          %broadcast_in_dim3A_513 = vector.broadcast %broadcast_in_dim3A_512 : i1 to vector<16xi1>
          %masked_cumsum3A_514 = tpu.scan <sum>, %select_n3A_511 masked %broadcast_in_dim3A_513 : vector<16xi32>, vector<16xi1> -> vector<16xi32>
          %add3A_515 = arith.addi %add3A_486, %masked_cumsum3A_514 : vector<16xi32>
          %lt3A_516 = arith.constant 4096 : i32
          %lt3A_517 = vector.broadcast %lt3A_516 : i32 to vector<16xi32>
          %lt3A_518 = arith.cmpi slt, %add3A_515, %lt3A_517 : vector<16xi32>
          %and3A_519 = arith.andi %ge3A_506, %lt3A_518 : vector<16xi1>
          tpu.vector_store_idx %arg7[%add3A_515], %xor3A_504 masked %and3A_519 : memref<4096xi32, #tpu.memory_space<vmem>>[vector<16xi32>], vector<16xi32>, vector<16xi1>
          tpu.vector_store_idx %arg8[%add3A_515], %add3A_489 masked %and3A_519 : memref<4096xi32, #tpu.memory_space<vmem>>[vector<16xi32>], vector<16xi32>, vector<16xi1>
          %broadcast_in_dim3A_520 = arith.constant 15 : i32
          %broadcast_in_dim3A_521 = vector.broadcast %broadcast_in_dim3A_520 : i32 to vector<16xi32>
          %broadcast_in_dim3A_522 = vector.shape_cast %broadcast_in_dim3A_521 : vector<16xi32> to vector<16x1xi32>
          %gather3A_523 = vector.shape_cast %broadcast_in_dim3A_522 : vector<16x1xi32> to vector<16xi32>
          %gather3A_524 = tpu.dynamic_gather %masked_cumsum3A_514[%gather3A_523] in [0] : vector<16xi32>, vector<16xi32> -> vector<16xi32>
          %add3A_525 = arith.addi %add3A_486, %gather3A_524 : vector<16xi32>
          %add3A_526 = arith.constant 16 : i32
          %add3A_527 = vector.broadcast %add3A_526 : i32 to vector<16xi32>
          %add3A_528 = arith.addi %add3A_489, %add3A_527 : vector<16xi32>
          %scan3A_529 = arith.constant 5 : i32
          %scan3A_530 = arith.addi %scan3A_340, %scan3A_529 : i32
          %mul3A_531 = arith.constant 16 : i32
          %mul3A_532 = arith.muli %scan3A_530, %mul3A_531 : i32
          %multiple_of3A_533 = tpu.assume_multiple %mul3A_532, 16 : i32
          %get3A_534 = arith.index_cast %multiple_of3A_533 : i32 to index
          %get3A_535 = tpu.vector_load %arg5[%get3A_534] {strides = array<i32>} : memref<32768xf32, #tpu.memory_space<vmem>>, vector<16xf32>,
          %bitcast_convert_type3A_536 = tpu.bitcast %get3A_535 : vector<16xf32> -> vector<16xi32>
          %shift_right_arithmetic3A_537 = arith.constant 31 : i32
          %shift_right_arithmetic3A_538 = vector.broadcast %shift_right_arithmetic3A_537 : i32 to vector<16xi32>
          %shift_right_arithmetic3A_539 = arith.shrsi %bitcast_convert_type3A_536, %shift_right_arithmetic3A_538 : vector<16xi32>
          %and3A_540 = arith.constant 2147483647 : i32
          %and3A_541 = vector.broadcast %and3A_540 : i32 to vector<16xi32>
          %and3A_542 = arith.andi %shift_right_arithmetic3A_539, %and3A_541 : vector<16xi32>
          %xor3A_543 = arith.xori %bitcast_convert_type3A_536, %and3A_542 : vector<16xi32>
          %ge3A_544 = vector.broadcast %not3A_323 : i32 to vector<16xi32>
          %ge3A_545 = arith.cmpi sge, %xor3A_543, %ge3A_544 : vector<16xi32>
          %jit3A_546 = arith.constant 1 : i32
          %jit3A_547 = arith.constant 0 : i32
          %broadcast_in_dim3A_548 = vector.broadcast %jit3A_546 : i32 to vector<16xi32>
          %broadcast_in_dim3A_549 = vector.broadcast %jit3A_547 : i32 to vector<16xi32>
          %select_n3A_550 = arith.select %ge3A_545, %broadcast_in_dim3A_548, %broadcast_in_dim3A_549 : vector<16xi1>, vector<16xi32>
          %broadcast_in_dim3A_551 = arith.constant true
          %broadcast_in_dim3A_552 = vector.broadcast %broadcast_in_dim3A_551 : i1 to vector<16xi1>
          %masked_cumsum3A_553 = tpu.scan <sum>, %select_n3A_550 masked %broadcast_in_dim3A_552 : vector<16xi32>, vector<16xi1> -> vector<16xi32>
          %add3A_554 = arith.addi %add3A_525, %masked_cumsum3A_553 : vector<16xi32>
          %lt3A_555 = arith.constant 4096 : i32
          %lt3A_556 = vector.broadcast %lt3A_555 : i32 to vector<16xi32>
          %lt3A_557 = arith.cmpi slt, %add3A_554, %lt3A_556 : vector<16xi32>
          %and3A_558 = arith.andi %ge3A_545, %lt3A_557 : vector<16xi1>
          tpu.vector_store_idx %arg7[%add3A_554], %xor3A_543 masked %and3A_558 : memref<4096xi32, #tpu.memory_space<vmem>>[vector<16xi32>], vector<16xi32>, vector<16xi1>
          tpu.vector_store_idx %arg8[%add3A_554], %add3A_528 masked %and3A_558 : memref<4096xi32, #tpu.memory_space<vmem>>[vector<16xi32>], vector<16xi32>, vector<16xi1>
          %broadcast_in_dim3A_559 = arith.constant 15 : i32
          %broadcast_in_dim3A_560 = vector.broadcast %broadcast_in_dim3A_559 : i32 to vector<16xi32>
          %broadcast_in_dim3A_561 = vector.shape_cast %broadcast_in_dim3A_560 : vector<16xi32> to vector<16x1xi32>
          %gather3A_562 = vector.shape_cast %broadcast_in_dim3A_561 : vector<16x1xi32> to vector<16xi32>
          %gather3A_563 = tpu.dynamic_gather %masked_cumsum3A_553[%gather3A_562] in [0] : vector<16xi32>, vector<16xi32> -> vector<16xi32>
          %add3A_564 = arith.addi %add3A_525, %gather3A_563 : vector<16xi32>
          %add3A_565 = arith.constant 16 : i32
          %add3A_566 = vector.broadcast %add3A_565 : i32 to vector<16xi32>
          %add3A_567 = arith.addi %add3A_528, %add3A_566 : vector<16xi32>
          %scan3A_568 = arith.constant 6 : i32
          %scan3A_569 = arith.addi %scan3A_340, %scan3A_568 : i32
          %mul3A_570 = arith.constant 16 : i32
          %mul3A_571 = arith.muli %scan3A_569, %mul3A_570 : i32
          %multiple_of3A_572 = tpu.assume_multiple %mul3A_571, 16 : i32
          %get3A_573 = arith.index_cast %multiple_of3A_572 : i32 to index
          %get3A_574 = tpu.vector_load %arg5[%get3A_573] {strides = array<i32>} : memref<32768xf32, #tpu.memory_space<vmem>>, vector<16xf32>,
          %bitcast_convert_type3A_575 = tpu.bitcast %get3A_574 : vector<16xf32> -> vector<16xi32>
          %shift_right_arithmetic3A_576 = arith.constant 31 : i32
          %shift_right_arithmetic3A_577 = vector.broadcast %shift_right_arithmetic3A_576 : i32 to vector<16xi32>
          %shift_right_arithmetic3A_578 = arith.shrsi %bitcast_convert_type3A_575, %shift_right_arithmetic3A_577 : vector<16xi32>
          %and3A_579 = arith.constant 2147483647 : i32
          %and3A_580 = vector.broadcast %and3A_579 : i32 to vector<16xi32>
          %and3A_581 = arith.andi %shift_right_arithmetic3A_578, %and3A_580 : vector<16xi32>
          %xor3A_582 = arith.xori %bitcast_convert_type3A_575, %and3A_581 : vector<16xi32>
          %ge3A_583 = vector.broadcast %not3A_323 : i32 to vector<16xi32>
          %ge3A_584 = arith.cmpi sge, %xor3A_582, %ge3A_583 : vector<16xi32>
          %jit3A_585 = arith.constant 1 : i32
          %jit3A_586 = arith.constant 0 : i32
          %broadcast_in_dim3A_587 = vector.broadcast %jit3A_585 : i32 to vector<16xi32>
          %broadcast_in_dim3A_588 = vector.broadcast %jit3A_586 : i32 to vector<16xi32>
          %select_n3A_589 = arith.select %ge3A_584, %broadcast_in_dim3A_587, %broadcast_in_dim3A_588 : vector<16xi1>, vector<16xi32>
          %broadcast_in_dim3A_590 = arith.constant true
          %broadcast_in_dim3A_591 = vector.broadcast %broadcast_in_dim3A_590 : i1 to vector<16xi1>
          %masked_cumsum3A_592 = tpu.scan <sum>, %select_n3A_589 masked %broadcast_in_dim3A_591 : vector<16xi32>, vector<16xi1> -> vector<16xi32>
          %add3A_593 = arith.addi %add3A_564, %masked_cumsum3A_592 : vector<16xi32>
          %lt3A_594 = arith.constant 4096 : i32
          %lt3A_595 = vector.broadcast %lt3A_594 : i32 to vector<16xi32>
          %lt3A_596 = arith.cmpi slt, %add3A_593, %lt3A_595 : vector<16xi32>
          %and3A_597 = arith.andi %ge3A_584, %lt3A_596 : vector<16xi1>
          tpu.vector_store_idx %arg7[%add3A_593], %xor3A_582 masked %and3A_597 : memref<4096xi32, #tpu.memory_space<vmem>>[vector<16xi32>], vector<16xi32>, vector<16xi1>
          tpu.vector_store_idx %arg8[%add3A_593], %add3A_567 masked %and3A_597 : memref<4096xi32, #tpu.memory_space<vmem>>[vector<16xi32>], vector<16xi32>, vector<16xi1>
          %broadcast_in_dim3A_598 = arith.constant 15 : i32
          %broadcast_in_dim3A_599 = vector.broadcast %broadcast_in_dim3A_598 : i32 to vector<16xi32>
          %broadcast_in_dim3A_600 = vector.shape_cast %broadcast_in_dim3A_599 : vector<16xi32> to vector<16x1xi32>
          %gather3A_601 = vector.shape_cast %broadcast_in_dim3A_600 : vector<16x1xi32> to vector<16xi32>
          %gather3A_602 = tpu.dynamic_gather %masked_cumsum3A_592[%gather3A_601] in [0] : vector<16xi32>, vector<16xi32> -> vector<16xi32>
          %add3A_603 = arith.addi %add3A_564, %gather3A_602 : vector<16xi32>
          %add3A_604 = arith.constant 16 : i32
          %add3A_605 = vector.broadcast %add3A_604 : i32 to vector<16xi32>
          %add3A_606 = arith.addi %add3A_567, %add3A_605 : vector<16xi32>
          %scan3A_607 = arith.constant 7 : i32
          %scan3A_608 = arith.addi %scan3A_340, %scan3A_607 : i32
          %mul3A_609 = arith.constant 16 : i32
          %mul3A_610 = arith.muli %scan3A_608, %mul3A_609 : i32
          %multiple_of3A_611 = tpu.assume_multiple %mul3A_610, 16 : i32
          %get3A_612 = arith.index_cast %multiple_of3A_611 : i32 to index
          %get3A_613 = tpu.vector_load %arg5[%get3A_612] {strides = array<i32>} : memref<32768xf32, #tpu.memory_space<vmem>>, vector<16xf32>,
          %bitcast_convert_type3A_614 = tpu.bitcast %get3A_613 : vector<16xf32> -> vector<16xi32>
          %shift_right_arithmetic3A_615 = arith.constant 31 : i32
          %shift_right_arithmetic3A_616 = vector.broadcast %shift_right_arithmetic3A_615 : i32 to vector<16xi32>
          %shift_right_arithmetic3A_617 = arith.shrsi %bitcast_convert_type3A_614, %shift_right_arithmetic3A_616 : vector<16xi32>
          %and3A_618 = arith.constant 2147483647 : i32
          %and3A_619 = vector.broadcast %and3A_618 : i32 to vector<16xi32>
          %and3A_620 = arith.andi %shift_right_arithmetic3A_617, %and3A_619 : vector<16xi32>
          %xor3A_621 = arith.xori %bitcast_convert_type3A_614, %and3A_620 : vector<16xi32>
          %ge3A_622 = vector.broadcast %not3A_323 : i32 to vector<16xi32>
          %ge3A_623 = arith.cmpi sge, %xor3A_621, %ge3A_622 : vector<16xi32>
          %jit3A_624 = arith.constant 1 : i32
          %jit3A_625 = arith.constant 0 : i32
          %broadcast_in_dim3A_626 = vector.broadcast %jit3A_624 : i32 to vector<16xi32>
          %broadcast_in_dim3A_627 = vector.broadcast %jit3A_625 : i32 to vector<16xi32>
          %select_n3A_628 = arith.select %ge3A_623, %broadcast_in_dim3A_626, %broadcast_in_dim3A_627 : vector<16xi1>, vector<16xi32>
          %broadcast_in_dim3A_629 = arith.constant true
          %broadcast_in_dim3A_630 = vector.broadcast %broadcast_in_dim3A_629 : i1 to vector<16xi1>
          %masked_cumsum3A_631 = tpu.scan <sum>, %select_n3A_628 masked %broadcast_in_dim3A_630 : vector<16xi32>, vector<16xi1> -> vector<16xi32>
          %add3A_632 = arith.addi %add3A_603, %masked_cumsum3A_631 : vector<16xi32>
          %lt3A_633 = arith.constant 4096 : i32
          %lt3A_634 = vector.broadcast %lt3A_633 : i32 to vector<16xi32>
          %lt3A_635 = arith.cmpi slt, %add3A_632, %lt3A_634 : vector<16xi32>
          %and3A_636 = arith.andi %ge3A_623, %lt3A_635 : vector<16xi1>
          tpu.vector_store_idx %arg7[%add3A_632], %xor3A_621 masked %and3A_636 : memref<4096xi32, #tpu.memory_space<vmem>>[vector<16xi32>], vector<16xi32>, vector<16xi1>
          tpu.vector_store_idx %arg8[%add3A_632], %add3A_606 masked %and3A_636 : memref<4096xi32, #tpu.memory_space<vmem>>[vector<16xi32>], vector<16xi32>, vector<16xi1>
          %broadcast_in_dim3A_637 = arith.constant 15 : i32
          %broadcast_in_dim3A_638 = vector.broadcast %broadcast_in_dim3A_637 : i32 to vector<16xi32>
          %broadcast_in_dim3A_639 = vector.shape_cast %broadcast_in_dim3A_638 : vector<16xi32> to vector<16x1xi32>
          %gather3A_640 = vector.shape_cast %broadcast_in_dim3A_639 : vector<16x1xi32> to vector<16xi32>
          %gather3A_641 = tpu.dynamic_gather %masked_cumsum3A_631[%gather3A_640] in [0] : vector<16xi32>, vector<16xi32> -> vector<16xi32>
          %add3A_642 = arith.addi %add3A_603, %gather3A_641 : vector<16xi32>
          %add3A_643 = arith.constant 16 : i32
          %add3A_644 = vector.broadcast %add3A_643 : i32 to vector<16xi32>
          %add3A_645 = arith.addi %add3A_606, %add3A_644 : vector<16xi32>
          scf.yield %add3A_642, %add3A_645 : vector<16xi32>, vector<16xi32>
        }
        %scan3A_332 = arith.constant 2048 : i32
        %slice3A_333 = vector.extract_strided_slice %scan3A_331#0 {offsets = [0], sizes = [1], strides = [1]} : vector<16xi32> to vector<1xi32>
        %squeeze3A_334 = vector.extract %slice3A_333[0] : i32 from vector<1xi32>
        %add3A_335 = arith.constant 1 : i32
        %add3A_336 = arith.addi %squeeze3A_334, %add3A_335 : i32
        %swap3A_337 = arith.constant 0 : i32
        %swap3A_338 = arith.index_cast %swap3A_337 : i32 to index
        %swap3A_339 = memref.load %arg13[%swap3A_338] : memref<1xi32, #tpu.memory_space<smem>>
        memref.store %add3A_336, %arg13[%swap3A_338] : memref<1xi32, #tpu.memory_space<smem>>
      } else {
      }
      %get3A = arith.constant 0 : i32
      %get3A_61 = arith.index_cast %get3A : i32 to index
      %get3A_62 = memref.load %arg13[%get3A_61] : memref<1xi32, #tpu.memory_space<smem>>
      %min3A = arith.constant 4096 : i32
      %min3A_63 = arith.minsi %get3A_62, %min3A : i32
      %broadcast_in_dim3A_64 = arith.constant -2147483648 : i32
      %broadcast_in_dim3A_65 = vector.broadcast %broadcast_in_dim3A_64 : i32 to vector<16xi32>
      %add3A_66 = vector.broadcast %min3A_63 : i32 to vector<16xi32>
      %add3A_67 = arith.addi %add3A_66, %iota3A : vector<16xi32>
      %add3A_68 = arith.constant 0 : i32
      %add3A_69 = vector.broadcast %add3A_68 : i32 to vector<16xi32>
      %add3A_70 = arith.addi %add3A_67, %add3A_69 : vector<16xi32>
      %lt3A_71 = arith.constant 4096 : i32
      %lt3A_72 = vector.broadcast %lt3A_71 : i32 to vector<16xi32>
      %lt3A_73 = arith.cmpi slt, %add3A_70, %lt3A_72 : vector<16xi32>
      tpu.vector_store_idx %arg7[%add3A_70], %broadcast_in_dim3A_65 masked %lt3A_73 : memref<4096xi32, #tpu.memory_space<vmem>>[vector<16xi32>], vector<16xi32>, vector<16xi1>
      %lt3A_74 = arith.constant 4096 : i32
      %lt3A_75 = vector.broadcast %lt3A_74 : i32 to vector<16xi32>
      %lt3A_76 = arith.cmpi slt, %add3A_70, %lt3A_75 : vector<16xi32>
      tpu.vector_store_idx %arg8[%add3A_70], %broadcast_in_dim3A_3 masked %lt3A_76 : memref<4096xi32, #tpu.memory_space<vmem>>[vector<16xi32>], vector<16xi32>, vector<16xi1>
      %add3A_77 = vector.broadcast %min3A_63 : i32 to vector<16xi32>
      %add3A_78 = arith.addi %add3A_77, %iota3A : vector<16xi32>
      %add3A_79 = arith.constant 16 : i32
      %add3A_80 = vector.broadcast %add3A_79 : i32 to vector<16xi32>
      %add3A_81 = arith.addi %add3A_78, %add3A_80 : vector<16xi32>
      %lt3A_82 = arith.constant 4096 : i32
      %lt3A_83 = vector.broadcast %lt3A_82 : i32 to vector<16xi32>
      %lt3A_84 = arith.cmpi slt, %add3A_81, %lt3A_83 : vector<16xi32>
      tpu.vector_store_idx %arg7[%add3A_81], %broadcast_in_dim3A_65 masked %lt3A_84 : memref<4096xi32, #tpu.memory_space<vmem>>[vector<16xi32>], vector<16xi32>, vector<16xi1>
      %lt3A_85 = arith.constant 4096 : i32
      %lt3A_86 = vector.broadcast %lt3A_85 : i32 to vector<16xi32>
      %lt3A_87 = arith.cmpi slt, %add3A_81, %lt3A_86 : vector<16xi32>
      tpu.vector_store_idx %arg8[%add3A_81], %broadcast_in_dim3A_3 masked %lt3A_87 : memref<4096xi32, #tpu.memory_space<vmem>>[vector<16xi32>], vector<16xi32>, vector<16xi1>
      %add3A_88 = vector.broadcast %min3A_63 : i32 to vector<16xi32>
      %add3A_89 = arith.addi %add3A_88, %iota3A : vector<16xi32>
      %add3A_90 = arith.constant 32 : i32
      %add3A_91 = vector.broadcast %add3A_90 : i32 to vector<16xi32>
      %add3A_92 = arith.addi %add3A_89, %add3A_91 : vector<16xi32>
      %lt3A_93 = arith.constant 4096 : i32
      %lt3A_94 = vector.broadcast %lt3A_93 : i32 to vector<16xi32>
      %lt3A_95 = arith.cmpi slt, %add3A_92, %lt3A_94 : vector<16xi32>
      tpu.vector_store_idx %arg7[%add3A_92], %broadcast_in_dim3A_65 masked %lt3A_95 : memref<4096xi32, #tpu.memory_space<vmem>>[vector<16xi32>], vector<16xi32>, vector<16xi1>
      %lt3A_96 = arith.constant 4096 : i32
      %lt3A_97 = vector.broadcast %lt3A_96 : i32 to vector<16xi32>
      %lt3A_98 = arith.cmpi slt, %add3A_92, %lt3A_97 : vector<16xi32>
      tpu.vector_store_idx %arg8[%add3A_92], %broadcast_in_dim3A_3 masked %lt3A_98 : memref<4096xi32, #tpu.memory_space<vmem>>[vector<16xi32>], vector<16xi32>, vector<16xi1>
      %add3A_99 = vector.broadcast %min3A_63 : i32 to vector<16xi32>
      %add3A_100 = arith.addi %add3A_99, %iota3A : vector<16xi32>
      %add3A_101 = arith.constant 48 : i32
      %add3A_102 = vector.broadcast %add3A_101 : i32 to vector<16xi32>
      %add3A_103 = arith.addi %add3A_100, %add3A_102 : vector<16xi32>
      %lt3A_104 = arith.constant 4096 : i32
      %lt3A_105 = vector.broadcast %lt3A_104 : i32 to vector<16xi32>
      %lt3A_106 = arith.cmpi slt, %add3A_103, %lt3A_105 : vector<16xi32>
      tpu.vector_store_idx %arg7[%add3A_103], %broadcast_in_dim3A_65 masked %lt3A_106 : memref<4096xi32, #tpu.memory_space<vmem>>[vector<16xi32>], vector<16xi32>, vector<16xi1>
      %lt3A_107 = arith.constant 4096 : i32
      %lt3A_108 = vector.broadcast %lt3A_107 : i32 to vector<16xi32>
      %lt3A_109 = arith.cmpi slt, %add3A_103, %lt3A_108 : vector<16xi32>
      tpu.vector_store_idx %arg8[%add3A_103], %broadcast_in_dim3A_3 masked %lt3A_109 : memref<4096xi32, #tpu.memory_space<vmem>>[vector<16xi32>], vector<16xi32>, vector<16xi1>
      %add3A_110 = vector.broadcast %min3A_63 : i32 to vector<16xi32>
      %add3A_111 = arith.addi %add3A_110, %iota3A : vector<16xi32>
      %add3A_112 = arith.constant 64 : i32
      %add3A_113 = vector.broadcast %add3A_112 : i32 to vector<16xi32>
      %add3A_114 = arith.addi %add3A_111, %add3A_113 : vector<16xi32>
      %lt3A_115 = arith.constant 4096 : i32
      %lt3A_116 = vector.broadcast %lt3A_115 : i32 to vector<16xi32>
      %lt3A_117 = arith.cmpi slt, %add3A_114, %lt3A_116 : vector<16xi32>
      tpu.vector_store_idx %arg7[%add3A_114], %broadcast_in_dim3A_65 masked %lt3A_117 : memref<4096xi32, #tpu.memory_space<vmem>>[vector<16xi32>], vector<16xi32>, vector<16xi1>
      %lt3A_118 = arith.constant 4096 : i32
      %lt3A_119 = vector.broadcast %lt3A_118 : i32 to vector<16xi32>
      %lt3A_120 = arith.cmpi slt, %add3A_114, %lt3A_119 : vector<16xi32>
      tpu.vector_store_idx %arg8[%add3A_114], %broadcast_in_dim3A_3 masked %lt3A_120 : memref<4096xi32, #tpu.memory_space<vmem>>[vector<16xi32>], vector<16xi32>, vector<16xi1>
      %add3A_121 = vector.broadcast %min3A_63 : i32 to vector<16xi32>
      %add3A_122 = arith.addi %add3A_121, %iota3A : vector<16xi32>
      %add3A_123 = arith.constant 80 : i32
      %add3A_124 = vector.broadcast %add3A_123 : i32 to vector<16xi32>
      %add3A_125 = arith.addi %add3A_122, %add3A_124 : vector<16xi32>
      %lt3A_126 = arith.constant 4096 : i32
      %lt3A_127 = vector.broadcast %lt3A_126 : i32 to vector<16xi32>
      %lt3A_128 = arith.cmpi slt, %add3A_125, %lt3A_127 : vector<16xi32>
      tpu.vector_store_idx %arg7[%add3A_125], %broadcast_in_dim3A_65 masked %lt3A_128 : memref<4096xi32, #tpu.memory_space<vmem>>[vector<16xi32>], vector<16xi32>, vector<16xi1>
      %lt3A_129 = arith.constant 4096 : i32
      %lt3A_130 = vector.broadcast %lt3A_129 : i32 to vector<16xi32>
      %lt3A_131 = arith.cmpi slt, %add3A_125, %lt3A_130 : vector<16xi32>
      tpu.vector_store_idx %arg8[%add3A_125], %broadcast_in_dim3A_3 masked %lt3A_131 : memref<4096xi32, #tpu.memory_space<vmem>>[vector<16xi32>], vector<16xi32>, vector<16xi1>
      %add3A_132 = vector.broadcast %min3A_63 : i32 to vector<16xi32>
      %add3A_133 = arith.addi %add3A_132, %iota3A : vector<16xi32>
      %add3A_134 = arith.constant 96 : i32
      %add3A_135 = vector.broadcast %add3A_134 : i32 to vector<16xi32>
      %add3A_136 = arith.addi %add3A_133, %add3A_135 : vector<16xi32>
      %lt3A_137 = arith.constant 4096 : i32
      %lt3A_138 = vector.broadcast %lt3A_137 : i32 to vector<16xi32>
      %lt3A_139 = arith.cmpi slt, %add3A_136, %lt3A_138 : vector<16xi32>
      tpu.vector_store_idx %arg7[%add3A_136], %broadcast_in_dim3A_65 masked %lt3A_139 : memref<4096xi32, #tpu.memory_space<vmem>>[vector<16xi32>], vector<16xi32>, vector<16xi1>
      %lt3A_140 = arith.constant 4096 : i32
      %lt3A_141 = vector.broadcast %lt3A_140 : i32 to vector<16xi32>
      %lt3A_142 = arith.cmpi slt, %add3A_136, %lt3A_141 : vector<16xi32>
      tpu.vector_store_idx %arg8[%add3A_136], %broadcast_in_dim3A_3 masked %lt3A_142 : memref<4096xi32, #tpu.memory_space<vmem>>[vector<16xi32>], vector<16xi32>, vector<16xi1>
      %add3A_143 = vector.broadcast %min3A_63 : i32 to vector<16xi32>
      %add3A_144 = arith.addi %add3A_143, %iota3A : vector<16xi32>
      %add3A_145 = arith.constant 112 : i32
      %add3A_146 = vector.broadcast %add3A_145 : i32 to vector<16xi32>
      %add3A_147 = arith.addi %add3A_144, %add3A_146 : vector<16xi32>
      %lt3A_148 = arith.constant 4096 : i32
      %lt3A_149 = vector.broadcast %lt3A_148 : i32 to vector<16xi32>
      %lt3A_150 = arith.cmpi slt, %add3A_147, %lt3A_149 : vector<16xi32>
      tpu.vector_store_idx %arg7[%add3A_147], %broadcast_in_dim3A_65 masked %lt3A_150 : memref<4096xi32, #tpu.memory_space<vmem>>[vector<16xi32>], vector<16xi32>, vector<16xi1>
      %lt3A_151 = arith.constant 4096 : i32
      %lt3A_152 = vector.broadcast %lt3A_151 : i32 to vector<16xi32>
      %lt3A_153 = arith.cmpi slt, %add3A_147, %lt3A_152 : vector<16xi32>
      tpu.vector_store_idx %arg8[%add3A_147], %broadcast_in_dim3A_3 masked %lt3A_153 : memref<4096xi32, #tpu.memory_space<vmem>>[vector<16xi32>], vector<16xi32>, vector<16xi1>
      %add3A_154 = arith.constant 127 : i32
      %add3A_155 = arith.addi %min3A_63, %add3A_154 : i32
      %jit3A = arith.constant 128 : i32
      %div3A = arith.divsi %add3A_155, %jit3A : i32
      %sign3A = arith.constant 0 : i32
      %sign3A_156 = arith.cmpi sgt, %add3A_155, %sign3A : i32
      %sign3A_157 = arith.extui %sign3A_156 : i1 to i32
      %sign3A_158 = arith.constant 0 : i32
      %sign3A_159 = arith.cmpi slt, %add3A_155, %sign3A_158 : i32
      %sign3A_160 = arith.extui %sign3A_159 : i1 to i32
      %sign3A_161 = arith.subi %sign3A_157, %sign3A_160 : i32
      %sign3A_162 = arith.constant 0 : i32
      %sign3A_163 = arith.cmpi sgt, %jit3A, %sign3A_162 : i32
      %sign3A_164 = arith.extui %sign3A_163 : i1 to i32
      %sign3A_165 = arith.constant 0 : i32
      %sign3A_166 = arith.cmpi slt, %jit3A, %sign3A_165 : i32
      %sign3A_167 = arith.extui %sign3A_166 : i1 to i32
      %sign3A_168 = arith.subi %sign3A_164, %sign3A_167 : i32
      %ne3A = arith.cmpi ne, %sign3A_161, %sign3A_168 : i32
      %rem3A = arith.remsi %add3A_155, %jit3A : i32
      %ne3A_169 = arith.constant 0 : i32
      %ne3A_170 = arith.cmpi ne, %rem3A, %ne3A_169 : i32
      %and3A = arith.andi %ne3A, %ne3A_170 : i1
      %sub3A_171 = arith.constant 1 : i32
      %sub3A_172 = arith.subi %div3A, %sub3A_171 : i32
      %select_n3A = arith.select %and3A, %sub3A_172, %div3A : i32
      %scan3A_173 = arith.constant 0 : i32
      %scan3A_174 = arith.constant 0 : i32
      %scan3A_175 = arith.constant 128 : i32
      %scan3A_176 = arith.addi %scan3A_174, %scan3A_175 : i32
      %scan3A_177 = arith.constant 8 : i32
      %scan3A_178 = scf.for %scan3A_291 = %scan3A_174 to %scan3A_176 step %scan3A_177 iter_args(%scan3A_292 = %scan3A_173) -> (i32)  : i32 {
        %mul3A_293 = arith.constant 16 : i32
        %mul3A_294 = arith.muli %scan3A_291, %mul3A_293 : i32
        %multiple_of3A = tpu.assume_multiple %mul3A_294, 16 : i32
        %swap3A_295 = arith.index_cast %multiple_of3A : i32 to index
        %swap3A_296 = tpu.vector_load %arg11[%swap3A_295] {strides = array<i32>} : memref<2048xi32, #tpu.memory_space<vmem>>, vector<16xi32>,
        tpu.vector_store %arg11[%swap3A_295], %broadcast_in_dim3A_3 {strides = array<i32>} : memref<2048xi32, #tpu.memory_space<vmem>>, vector<16xi32>,
        %scan3A_297 = arith.constant 0 : i32
        %scan3A_298 = arith.constant 1 : i32
        %scan3A_299 = arith.addi %scan3A_291, %scan3A_298 : i32
        %mul3A_300 = arith.constant 16 : i32
        %mul3A_301 = arith.muli %scan3A_299, %mul3A_300 : i32
        %multiple_of3A_302 = tpu.assume_multiple %mul3A_301, 16 : i32
        %swap3A_303 = arith.index_cast %multiple_of3A_302 : i32 to index
        %swap3A_304 = tpu.vector_load %arg11[%swap3A_303] {strides = array<i32>} : memref<2048xi32, #tpu.memory_space<vmem>>, vector<16xi32>,
        tpu.vector_store %arg11[%swap3A_303], %broadcast_in_dim3A_3 {strides = array<i32>} : memref<2048xi32, #tpu.memory_space<vmem>>, vector<16xi32>,
        %scan3A_305 = arith.constant 0 : i32
        %scan3A_306 = arith.constant 2 : i32
        %scan3A_307 = arith.addi %scan3A_291, %scan3A_306 : i32
        %mul3A_308 = arith.constant 16 : i32
        %mul3A_309 = arith.muli %scan3A_307, %mul3A_308 : i32
        %multiple_of3A_310 = tpu.assume_multiple %mul3A_309, 16 : i32
        %swap3A_311 = arith.index_cast %multiple_of3A_310 : i32 to index
        %swap3A_312 = tpu.vector_load %arg11[%swap3A_311] {strides = array<i32>} : memref<2048xi32, #tpu.memory_space<vmem>>, vector<16xi32>,
        tpu.vector_store %arg11[%swap3A_311], %broadcast_in_dim3A_3 {strides = array<i32>} : memref<2048xi32, #tpu.memory_space<vmem>>, vector<16xi32>,
        %scan3A_313 = arith.constant 0 : i32
        %scan3A_314 = arith.constant 3 : i32
        %scan3A_315 = arith.addi %scan3A_291, %scan3A_314 : i32
        %mul3A_316 = arith.constant 16 : i32
        %mul3A_317 = arith.muli %scan3A_315, %mul3A_316 : i32
        %multiple_of3A_318 = tpu.assume_multiple %mul3A_317, 16 : i32
        %swap3A_319 = arith.index_cast %multiple_of3A_318 : i32 to index
        %swap3A_320 = tpu.vector_load %arg11[%swap3A_319] {strides = array<i32>} : memref<2048xi32, #tpu.memory_space<vmem>>, vector<16xi32>,
        tpu.vector_store %arg11[%swap3A_319], %broadcast_in_dim3A_3 {strides = array<i32>} : memref<2048xi32, #tpu.memory_space<vmem>>, vector<16xi32>,
        %scan3A_321 = arith.constant 0 : i32
        %scan3A_322 = arith.constant 4 : i32
        %scan3A_323 = arith.addi %scan3A_291, %scan3A_322 : i32
        %mul3A_324 = arith.constant 16 : i32
        %mul3A_325 = arith.muli %scan3A_323, %mul3A_324 : i32
        %multiple_of3A_326 = tpu.assume_multiple %mul3A_325, 16 : i32
        %swap3A_327 = arith.index_cast %multiple_of3A_326 : i32 to index
        %swap3A_328 = tpu.vector_load %arg11[%swap3A_327] {strides = array<i32>} : memref<2048xi32, #tpu.memory_space<vmem>>, vector<16xi32>,
        tpu.vector_store %arg11[%swap3A_327], %broadcast_in_dim3A_3 {strides = array<i32>} : memref<2048xi32, #tpu.memory_space<vmem>>, vector<16xi32>,
        %scan3A_329 = arith.constant 0 : i32
        %scan3A_330 = arith.constant 5 : i32
        %scan3A_331 = arith.addi %scan3A_291, %scan3A_330 : i32
        %mul3A_332 = arith.constant 16 : i32
        %mul3A_333 = arith.muli %scan3A_331, %mul3A_332 : i32
        %multiple_of3A_334 = tpu.assume_multiple %mul3A_333, 16 : i32
        %swap3A_335 = arith.index_cast %multiple_of3A_334 : i32 to index
        %swap3A_336 = tpu.vector_load %arg11[%swap3A_335] {strides = array<i32>} : memref<2048xi32, #tpu.memory_space<vmem>>, vector<16xi32>,
        tpu.vector_store %arg11[%swap3A_335], %broadcast_in_dim3A_3 {strides = array<i32>} : memref<2048xi32, #tpu.memory_space<vmem>>, vector<16xi32>,
        %scan3A_337 = arith.constant 0 : i32
        %scan3A_338 = arith.constant 6 : i32
        %scan3A_339 = arith.addi %scan3A_291, %scan3A_338 : i32
        %mul3A_340 = arith.constant 16 : i32
        %mul3A_341 = arith.muli %scan3A_339, %mul3A_340 : i32
        %multiple_of3A_342 = tpu.assume_multiple %mul3A_341, 16 : i32
        %swap3A_343 = arith.index_cast %multiple_of3A_342 : i32 to index
        %swap3A_344 = tpu.vector_load %arg11[%swap3A_343] {strides = array<i32>} : memref<2048xi32, #tpu.memory_space<vmem>>, vector<16xi32>,
        tpu.vector_store %arg11[%swap3A_343], %broadcast_in_dim3A_3 {strides = array<i32>} : memref<2048xi32, #tpu.memory_space<vmem>>, vector<16xi32>,
        %scan3A_345 = arith.constant 0 : i32
        %scan3A_346 = arith.constant 7 : i32
        %scan3A_347 = arith.addi %scan3A_291, %scan3A_346 : i32
        %mul3A_348 = arith.constant 16 : i32
        %mul3A_349 = arith.muli %scan3A_347, %mul3A_348 : i32
        %multiple_of3A_350 = tpu.assume_multiple %mul3A_349, 16 : i32
        %swap3A_351 = arith.index_cast %multiple_of3A_350 : i32 to index
        %swap3A_352 = tpu.vector_load %arg11[%swap3A_351] {strides = array<i32>} : memref<2048xi32, #tpu.memory_space<vmem>>, vector<16xi32>,
        tpu.vector_store %arg11[%swap3A_351], %broadcast_in_dim3A_3 {strides = array<i32>} : memref<2048xi32, #tpu.memory_space<vmem>>, vector<16xi32>,
        %scan3A_353 = arith.constant 0 : i32
        scf.yield %scan3A_353 : i32
      }
      %scan3A_179 = arith.constant 128 : i32
      %while3A = arith.constant 0 : i32
      %while3A_180 = arith.constant 0 : i32
      %while3A_181 = arith.subi %select_n3A, %while3A : i32
      %while3A_182 = arith.addi %while3A, %while3A_181 : i32
      %while3A_183 = arith.constant 1 : i32
      %while3A_184 = arith.divsi %while3A_181, %while3A_183 : i32
      %while3A_185 = arith.muli %while3A_184, %while3A_183 : i32
      %while3A_186 = arith.addi %while3A, %while3A_185 : i32
      %while3A_187 = arith.constant 1 : i32
      %while3A_188 = scf.for %while3A_291 = %while3A to %while3A_186 step %while3A_187 iter_args(%while3A_292 = %while3A_180) -> (i32)  : i32 {
        %mul3A_293 = arith.constant 8 : i32
        %mul3A_294 = arith.muli %while3A_291, %mul3A_293 : i32
        %add3A_295 = arith.constant 0 : i32
        %add3A_296 = arith.addi %mul3A_294, %add3A_295 : i32
        %mul3A_297 = arith.constant 16 : i32
        %mul3A_298 = arith.muli %add3A_296, %mul3A_297 : i32
        %multiple_of3A = tpu.assume_multiple %mul3A_298, 16 : i32
        %get3A_299 = arith.index_cast %multiple_of3A : i32 to index
        %get3A_300 = tpu.vector_load %arg7[%get3A_299] {strides = array<i32>} : memref<4096xi32, #tpu.memory_space<vmem>>, vector<16xi32>,
        %not3A_301 = arith.constant dense<-1> : vector<16xi32>
        %not3A_302 = arith.xori %get3A_300, %not3A_301 : vector<16xi32>
        %shift_right_logical3A = arith.constant 0 : i32
        %shift_right_logical3A_303 = vector.broadcast %shift_right_logical3A : i32 to vector<16xi32>
        %shift_right_logical3A_304 = arith.shrui %not3A_302, %shift_right_logical3A_303 : vector<16xi32>
        %and3A_305 = arith.constant 2047 : i32
        %and3A_306 = vector.broadcast %and3A_305 : i32 to vector<16xi32>
        %and3A_307 = arith.andi %shift_right_logical3A_304, %and3A_306 : vector<16xi32>
        %broadcast_in_dim3A_308 = arith.constant true
        %broadcast_in_dim3A_309 = vector.broadcast %broadcast_in_dim3A_308 : i1 to vector<16xi1>
        %unique3A, %unique3A_310 = tpu.scan_count mask(%broadcast_in_dim3A_309 : vector<16xi1>) value(%and3A_307 : vector<16xi32>) : vector<16xi1>, vector<16xi32>
        tpu.vector_store_idx %arg11[%and3A_307], %unique3A_310 masked %unique3A {add = true} : memref<2048xi32, #tpu.memory_space<vmem>>[vector<16xi32>], vector<16xi32>, vector<16xi1>
        %mul3A_311 = arith.constant 8 : i32
        %mul3A_312 = arith.muli %while3A_291, %mul3A_311 : i32
        %add3A_313 = arith.constant 1 : i32
        %add3A_314 = arith.addi %mul3A_312, %add3A_313 : i32
        %mul3A_315 = arith.constant 16 : i32
        %mul3A_316 = arith.muli %add3A_314, %mul3A_315 : i32
        %multiple_of3A_317 = tpu.assume_multiple %mul3A_316, 16 : i32
        %get3A_318 = arith.index_cast %multiple_of3A_317 : i32 to index
        %get3A_319 = tpu.vector_load %arg7[%get3A_318] {strides = array<i32>} : memref<4096xi32, #tpu.memory_space<vmem>>, vector<16xi32>,
        %not3A_320 = arith.constant dense<-1> : vector<16xi32>
        %not3A_321 = arith.xori %get3A_319, %not3A_320 : vector<16xi32>
        %shift_right_logical3A_322 = arith.constant 0 : i32
        %shift_right_logical3A_323 = vector.broadcast %shift_right_logical3A_322 : i32 to vector<16xi32>
        %shift_right_logical3A_324 = arith.shrui %not3A_321, %shift_right_logical3A_323 : vector<16xi32>
        %and3A_325 = arith.constant 2047 : i32
        %and3A_326 = vector.broadcast %and3A_325 : i32 to vector<16xi32>
        %and3A_327 = arith.andi %shift_right_logical3A_324, %and3A_326 : vector<16xi32>
        %broadcast_in_dim3A_328 = arith.constant true
        %broadcast_in_dim3A_329 = vector.broadcast %broadcast_in_dim3A_328 : i1 to vector<16xi1>
        %unique3A_330, %unique3A_331 = tpu.scan_count mask(%broadcast_in_dim3A_329 : vector<16xi1>) value(%and3A_327 : vector<16xi32>) : vector<16xi1>, vector<16xi32>
        tpu.vector_store_idx %arg11[%and3A_327], %unique3A_331 masked %unique3A_330 {add = true} : memref<2048xi32, #tpu.memory_space<vmem>>[vector<16xi32>], vector<16xi32>, vector<16xi1>
        %mul3A_332 = arith.constant 8 : i32
        %mul3A_333 = arith.muli %while3A_291, %mul3A_332 : i32
        %add3A_334 = arith.constant 2 : i32
        %add3A_335 = arith.addi %mul3A_333, %add3A_334 : i32
        %mul3A_336 = arith.constant 16 : i32
        %mul3A_337 = arith.muli %add3A_335, %mul3A_336 : i32
        %multiple_of3A_338 = tpu.assume_multiple %mul3A_337, 16 : i32
        %get3A_339 = arith.index_cast %multiple_of3A_338 : i32 to index
        %get3A_340 = tpu.vector_load %arg7[%get3A_339] {strides = array<i32>} : memref<4096xi32, #tpu.memory_space<vmem>>, vector<16xi32>,
        %not3A_341 = arith.constant dense<-1> : vector<16xi32>
        %not3A_342 = arith.xori %get3A_340, %not3A_341 : vector<16xi32>
        %shift_right_logical3A_343 = arith.constant 0 : i32
        %shift_right_logical3A_344 = vector.broadcast %shift_right_logical3A_343 : i32 to vector<16xi32>
        %shift_right_logical3A_345 = arith.shrui %not3A_342, %shift_right_logical3A_344 : vector<16xi32>
        %and3A_346 = arith.constant 2047 : i32
        %and3A_347 = vector.broadcast %and3A_346 : i32 to vector<16xi32>
        %and3A_348 = arith.andi %shift_right_logical3A_345, %and3A_347 : vector<16xi32>
        %broadcast_in_dim3A_349 = arith.constant true
        %broadcast_in_dim3A_350 = vector.broadcast %broadcast_in_dim3A_349 : i1 to vector<16xi1>
        %unique3A_351, %unique3A_352 = tpu.scan_count mask(%broadcast_in_dim3A_350 : vector<16xi1>) value(%and3A_348 : vector<16xi32>) : vector<16xi1>, vector<16xi32>
        tpu.vector_store_idx %arg11[%and3A_348], %unique3A_352 masked %unique3A_351 {add = true} : memref<2048xi32, #tpu.memory_space<vmem>>[vector<16xi32>], vector<16xi32>, vector<16xi1>
        %mul3A_353 = arith.constant 8 : i32
        %mul3A_354 = arith.muli %while3A_291, %mul3A_353 : i32
        %add3A_355 = arith.constant 3 : i32
        %add3A_356 = arith.addi %mul3A_354, %add3A_355 : i32
        %mul3A_357 = arith.constant 16 : i32
        %mul3A_358 = arith.muli %add3A_356, %mul3A_357 : i32
        %multiple_of3A_359 = tpu.assume_multiple %mul3A_358, 16 : i32
        %get3A_360 = arith.index_cast %multiple_of3A_359 : i32 to index
        %get3A_361 = tpu.vector_load %arg7[%get3A_360] {strides = array<i32>} : memref<4096xi32, #tpu.memory_space<vmem>>, vector<16xi32>,
        %not3A_362 = arith.constant dense<-1> : vector<16xi32>
        %not3A_363 = arith.xori %get3A_361, %not3A_362 : vector<16xi32>
        %shift_right_logical3A_364 = arith.constant 0 : i32
        %shift_right_logical3A_365 = vector.broadcast %shift_right_logical3A_364 : i32 to vector<16xi32>
        %shift_right_logical3A_366 = arith.shrui %not3A_363, %shift_right_logical3A_365 : vector<16xi32>
        %and3A_367 = arith.constant 2047 : i32
        %and3A_368 = vector.broadcast %and3A_367 : i32 to vector<16xi32>
        %and3A_369 = arith.andi %shift_right_logical3A_366, %and3A_368 : vector<16xi32>
        %broadcast_in_dim3A_370 = arith.constant true
        %broadcast_in_dim3A_371 = vector.broadcast %broadcast_in_dim3A_370 : i1 to vector<16xi1>
        %unique3A_372, %unique3A_373 = tpu.scan_count mask(%broadcast_in_dim3A_371 : vector<16xi1>) value(%and3A_369 : vector<16xi32>) : vector<16xi1>, vector<16xi32>
        tpu.vector_store_idx %arg11[%and3A_369], %unique3A_373 masked %unique3A_372 {add = true} : memref<2048xi32, #tpu.memory_space<vmem>>[vector<16xi32>], vector<16xi32>, vector<16xi1>
        %mul3A_374 = arith.constant 8 : i32
        %mul3A_375 = arith.muli %while3A_291, %mul3A_374 : i32
        %add3A_376 = arith.constant 4 : i32
        %add3A_377 = arith.addi %mul3A_375, %add3A_376 : i32
        %mul3A_378 = arith.constant 16 : i32
        %mul3A_379 = arith.muli %add3A_377, %mul3A_378 : i32
        %multiple_of3A_380 = tpu.assume_multiple %mul3A_379, 16 : i32
        %get3A_381 = arith.index_cast %multiple_of3A_380 : i32 to index
        %get3A_382 = tpu.vector_load %arg7[%get3A_381] {strides = array<i32>} : memref<4096xi32, #tpu.memory_space<vmem>>, vector<16xi32>,
        %not3A_383 = arith.constant dense<-1> : vector<16xi32>
        %not3A_384 = arith.xori %get3A_382, %not3A_383 : vector<16xi32>
        %shift_right_logical3A_385 = arith.constant 0 : i32
        %shift_right_logical3A_386 = vector.broadcast %shift_right_logical3A_385 : i32 to vector<16xi32>
        %shift_right_logical3A_387 = arith.shrui %not3A_384, %shift_right_logical3A_386 : vector<16xi32>
        %and3A_388 = arith.constant 2047 : i32
        %and3A_389 = vector.broadcast %and3A_388 : i32 to vector<16xi32>
        %and3A_390 = arith.andi %shift_right_logical3A_387, %and3A_389 : vector<16xi32>
        %broadcast_in_dim3A_391 = arith.constant true
        %broadcast_in_dim3A_392 = vector.broadcast %broadcast_in_dim3A_391 : i1 to vector<16xi1>
        %unique3A_393, %unique3A_394 = tpu.scan_count mask(%broadcast_in_dim3A_392 : vector<16xi1>) value(%and3A_390 : vector<16xi32>) : vector<16xi1>, vector<16xi32>
        tpu.vector_store_idx %arg11[%and3A_390], %unique3A_394 masked %unique3A_393 {add = true} : memref<2048xi32, #tpu.memory_space<vmem>>[vector<16xi32>], vector<16xi32>, vector<16xi1>
        %mul3A_395 = arith.constant 8 : i32
        %mul3A_396 = arith.muli %while3A_291, %mul3A_395 : i32
        %add3A_397 = arith.constant 5 : i32
        %add3A_398 = arith.addi %mul3A_396, %add3A_397 : i32
        %mul3A_399 = arith.constant 16 : i32
        %mul3A_400 = arith.muli %add3A_398, %mul3A_399 : i32
        %multiple_of3A_401 = tpu.assume_multiple %mul3A_400, 16 : i32
        %get3A_402 = arith.index_cast %multiple_of3A_401 : i32 to index
        %get3A_403 = tpu.vector_load %arg7[%get3A_402] {strides = array<i32>} : memref<4096xi32, #tpu.memory_space<vmem>>, vector<16xi32>,
        %not3A_404 = arith.constant dense<-1> : vector<16xi32>
        %not3A_405 = arith.xori %get3A_403, %not3A_404 : vector<16xi32>
        %shift_right_logical3A_406 = arith.constant 0 : i32
        %shift_right_logical3A_407 = vector.broadcast %shift_right_logical3A_406 : i32 to vector<16xi32>
        %shift_right_logical3A_408 = arith.shrui %not3A_405, %shift_right_logical3A_407 : vector<16xi32>
        %and3A_409 = arith.constant 2047 : i32
        %and3A_410 = vector.broadcast %and3A_409 : i32 to vector<16xi32>
        %and3A_411 = arith.andi %shift_right_logical3A_408, %and3A_410 : vector<16xi32>
        %broadcast_in_dim3A_412 = arith.constant true
        %broadcast_in_dim3A_413 = vector.broadcast %broadcast_in_dim3A_412 : i1 to vector<16xi1>
        %unique3A_414, %unique3A_415 = tpu.scan_count mask(%broadcast_in_dim3A_413 : vector<16xi1>) value(%and3A_411 : vector<16xi32>) : vector<16xi1>, vector<16xi32>
        tpu.vector_store_idx %arg11[%and3A_411], %unique3A_415 masked %unique3A_414 {add = true} : memref<2048xi32, #tpu.memory_space<vmem>>[vector<16xi32>], vector<16xi32>, vector<16xi1>
        %mul3A_416 = arith.constant 8 : i32
        %mul3A_417 = arith.muli %while3A_291, %mul3A_416 : i32
        %add3A_418 = arith.constant 6 : i32
        %add3A_419 = arith.addi %mul3A_417, %add3A_418 : i32
        %mul3A_420 = arith.constant 16 : i32
        %mul3A_421 = arith.muli %add3A_419, %mul3A_420 : i32
        %multiple_of3A_422 = tpu.assume_multiple %mul3A_421, 16 : i32
        %get3A_423 = arith.index_cast %multiple_of3A_422 : i32 to index
        %get3A_424 = tpu.vector_load %arg7[%get3A_423] {strides = array<i32>} : memref<4096xi32, #tpu.memory_space<vmem>>, vector<16xi32>,
        %not3A_425 = arith.constant dense<-1> : vector<16xi32>
        %not3A_426 = arith.xori %get3A_424, %not3A_425 : vector<16xi32>
        %shift_right_logical3A_427 = arith.constant 0 : i32
        %shift_right_logical3A_428 = vector.broadcast %shift_right_logical3A_427 : i32 to vector<16xi32>
        %shift_right_logical3A_429 = arith.shrui %not3A_426, %shift_right_logical3A_428 : vector<16xi32>
        %and3A_430 = arith.constant 2047 : i32
        %and3A_431 = vector.broadcast %and3A_430 : i32 to vector<16xi32>
        %and3A_432 = arith.andi %shift_right_logical3A_429, %and3A_431 : vector<16xi32>
        %broadcast_in_dim3A_433 = arith.constant true
        %broadcast_in_dim3A_434 = vector.broadcast %broadcast_in_dim3A_433 : i1 to vector<16xi1>
        %unique3A_435, %unique3A_436 = tpu.scan_count mask(%broadcast_in_dim3A_434 : vector<16xi1>) value(%and3A_432 : vector<16xi32>) : vector<16xi1>, vector<16xi32>
        tpu.vector_store_idx %arg11[%and3A_432], %unique3A_436 masked %unique3A_435 {add = true} : memref<2048xi32, #tpu.memory_space<vmem>>[vector<16xi32>], vector<16xi32>, vector<16xi1>
        %mul3A_437 = arith.constant 8 : i32
        %mul3A_438 = arith.muli %while3A_291, %mul3A_437 : i32
        %add3A_439 = arith.constant 7 : i32
        %add3A_440 = arith.addi %mul3A_438, %add3A_439 : i32
        %mul3A_441 = arith.constant 16 : i32
        %mul3A_442 = arith.muli %add3A_440, %mul3A_441 : i32
        %multiple_of3A_443 = tpu.assume_multiple %mul3A_442, 16 : i32
        %get3A_444 = arith.index_cast %multiple_of3A_443 : i32 to index
        %get3A_445 = tpu.vector_load %arg7[%get3A_444] {strides = array<i32>} : memref<4096xi32, #tpu.memory_space<vmem>>, vector<16xi32>,
        %not3A_446 = arith.constant dense<-1> : vector<16xi32>
        %not3A_447 = arith.xori %get3A_445, %not3A_446 : vector<16xi32>
        %shift_right_logical3A_448 = arith.constant 0 : i32
        %shift_right_logical3A_449 = vector.broadcast %shift_right_logical3A_448 : i32 to vector<16xi32>
        %shift_right_logical3A_450 = arith.shrui %not3A_447, %shift_right_logical3A_449 : vector<16xi32>
        %and3A_451 = arith.constant 2047 : i32
        %and3A_452 = vector.broadcast %and3A_451 : i32 to vector<16xi32>
        %and3A_453 = arith.andi %shift_right_logical3A_450, %and3A_452 : vector<16xi32>
        %broadcast_in_dim3A_454 = arith.constant true
        %broadcast_in_dim3A_455 = vector.broadcast %broadcast_in_dim3A_454 : i1 to vector<16xi1>
        %unique3A_456, %unique3A_457 = tpu.scan_count mask(%broadcast_in_dim3A_455 : vector<16xi1>) value(%and3A_453 : vector<16xi32>) : vector<16xi1>, vector<16xi32>
        tpu.vector_store_idx %arg11[%and3A_453], %unique3A_457 masked %unique3A_456 {add = true} : memref<2048xi32, #tpu.memory_space<vmem>>[vector<16xi32>], vector<16xi32>, vector<16xi1>
        %while3A_458 = arith.constant 0 : i32
        scf.yield %while3A_458 : i32
      }
      %while3A_189 = arith.constant 1 : i32
      %while3A_190 = scf.for %while3A_291 = %while3A_186 to %while3A_182 step %while3A_189 iter_args(%while3A_292 = %while3A_188) -> (i32)  : i32 {
        %mul3A_293 = arith.constant 8 : i32
        %mul3A_294 = arith.muli %while3A_291, %mul3A_293 : i32
        %add3A_295 = arith.constant 0 : i32
        %add3A_296 = arith.addi %mul3A_294, %add3A_295 : i32
        %mul3A_297 = arith.constant 16 : i32
        %mul3A_298 = arith.muli %add3A_296, %mul3A_297 : i32
        %multiple_of3A = tpu.assume_multiple %mul3A_298, 16 : i32
        %get3A_299 = arith.index_cast %multiple_of3A : i32 to index
        %get3A_300 = tpu.vector_load %arg7[%get3A_299] {strides = array<i32>} : memref<4096xi32, #tpu.memory_space<vmem>>, vector<16xi32>,
        %not3A_301 = arith.constant dense<-1> : vector<16xi32>
        %not3A_302 = arith.xori %get3A_300, %not3A_301 : vector<16xi32>
        %shift_right_logical3A = arith.constant 0 : i32
        %shift_right_logical3A_303 = vector.broadcast %shift_right_logical3A : i32 to vector<16xi32>
        %shift_right_logical3A_304 = arith.shrui %not3A_302, %shift_right_logical3A_303 : vector<16xi32>
        %and3A_305 = arith.constant 2047 : i32
        %and3A_306 = vector.broadcast %and3A_305 : i32 to vector<16xi32>
        %and3A_307 = arith.andi %shift_right_logical3A_304, %and3A_306 : vector<16xi32>
        %broadcast_in_dim3A_308 = arith.constant true
        %broadcast_in_dim3A_309 = vector.broadcast %broadcast_in_dim3A_308 : i1 to vector<16xi1>
        %unique3A, %unique3A_310 = tpu.scan_count mask(%broadcast_in_dim3A_309 : vector<16xi1>) value(%and3A_307 : vector<16xi32>) : vector<16xi1>, vector<16xi32>
        tpu.vector_store_idx %arg11[%and3A_307], %unique3A_310 masked %unique3A {add = true} : memref<2048xi32, #tpu.memory_space<vmem>>[vector<16xi32>], vector<16xi32>, vector<16xi1>
        %mul3A_311 = arith.constant 8 : i32
        %mul3A_312 = arith.muli %while3A_291, %mul3A_311 : i32
        %add3A_313 = arith.constant 1 : i32
        %add3A_314 = arith.addi %mul3A_312, %add3A_313 : i32
        %mul3A_315 = arith.constant 16 : i32
        %mul3A_316 = arith.muli %add3A_314, %mul3A_315 : i32
        %multiple_of3A_317 = tpu.assume_multiple %mul3A_316, 16 : i32
        %get3A_318 = arith.index_cast %multiple_of3A_317 : i32 to index
        %get3A_319 = tpu.vector_load %arg7[%get3A_318] {strides = array<i32>} : memref<4096xi32, #tpu.memory_space<vmem>>, vector<16xi32>,
        %not3A_320 = arith.constant dense<-1> : vector<16xi32>
        %not3A_321 = arith.xori %get3A_319, %not3A_320 : vector<16xi32>
        %shift_right_logical3A_322 = arith.constant 0 : i32
        %shift_right_logical3A_323 = vector.broadcast %shift_right_logical3A_322 : i32 to vector<16xi32>
        %shift_right_logical3A_324 = arith.shrui %not3A_321, %shift_right_logical3A_323 : vector<16xi32>
        %and3A_325 = arith.constant 2047 : i32
        %and3A_326 = vector.broadcast %and3A_325 : i32 to vector<16xi32>
        %and3A_327 = arith.andi %shift_right_logical3A_324, %and3A_326 : vector<16xi32>
        %broadcast_in_dim3A_328 = arith.constant true
        %broadcast_in_dim3A_329 = vector.broadcast %broadcast_in_dim3A_328 : i1 to vector<16xi1>
        %unique3A_330, %unique3A_331 = tpu.scan_count mask(%broadcast_in_dim3A_329 : vector<16xi1>) value(%and3A_327 : vector<16xi32>) : vector<16xi1>, vector<16xi32>
        tpu.vector_store_idx %arg11[%and3A_327], %unique3A_331 masked %unique3A_330 {add = true} : memref<2048xi32, #tpu.memory_space<vmem>>[vector<16xi32>], vector<16xi32>, vector<16xi1>
        %mul3A_332 = arith.constant 8 : i32
        %mul3A_333 = arith.muli %while3A_291, %mul3A_332 : i32
        %add3A_334 = arith.constant 2 : i32
        %add3A_335 = arith.addi %mul3A_333, %add3A_334 : i32
        %mul3A_336 = arith.constant 16 : i32
        %mul3A_337 = arith.muli %add3A_335, %mul3A_336 : i32
        %multiple_of3A_338 = tpu.assume_multiple %mul3A_337, 16 : i32
        %get3A_339 = arith.index_cast %multiple_of3A_338 : i32 to index
        %get3A_340 = tpu.vector_load %arg7[%get3A_339] {strides = array<i32>} : memref<4096xi32, #tpu.memory_space<vmem>>, vector<16xi32>,
        %not3A_341 = arith.constant dense<-1> : vector<16xi32>
        %not3A_342 = arith.xori %get3A_340, %not3A_341 : vector<16xi32>
        %shift_right_logical3A_343 = arith.constant 0 : i32
        %shift_right_logical3A_344 = vector.broadcast %shift_right_logical3A_343 : i32 to vector<16xi32>
        %shift_right_logical3A_345 = arith.shrui %not3A_342, %shift_right_logical3A_344 : vector<16xi32>
        %and3A_346 = arith.constant 2047 : i32
        %and3A_347 = vector.broadcast %and3A_346 : i32 to vector<16xi32>
        %and3A_348 = arith.andi %shift_right_logical3A_345, %and3A_347 : vector<16xi32>
        %broadcast_in_dim3A_349 = arith.constant true
        %broadcast_in_dim3A_350 = vector.broadcast %broadcast_in_dim3A_349 : i1 to vector<16xi1>
        %unique3A_351, %unique3A_352 = tpu.scan_count mask(%broadcast_in_dim3A_350 : vector<16xi1>) value(%and3A_348 : vector<16xi32>) : vector<16xi1>, vector<16xi32>
        tpu.vector_store_idx %arg11[%and3A_348], %unique3A_352 masked %unique3A_351 {add = true} : memref<2048xi32, #tpu.memory_space<vmem>>[vector<16xi32>], vector<16xi32>, vector<16xi1>
        %mul3A_353 = arith.constant 8 : i32
        %mul3A_354 = arith.muli %while3A_291, %mul3A_353 : i32
        %add3A_355 = arith.constant 3 : i32
        %add3A_356 = arith.addi %mul3A_354, %add3A_355 : i32
        %mul3A_357 = arith.constant 16 : i32
        %mul3A_358 = arith.muli %add3A_356, %mul3A_357 : i32
        %multiple_of3A_359 = tpu.assume_multiple %mul3A_358, 16 : i32
        %get3A_360 = arith.index_cast %multiple_of3A_359 : i32 to index
        %get3A_361 = tpu.vector_load %arg7[%get3A_360] {strides = array<i32>} : memref<4096xi32, #tpu.memory_space<vmem>>, vector<16xi32>,
        %not3A_362 = arith.constant dense<-1> : vector<16xi32>
        %not3A_363 = arith.xori %get3A_361, %not3A_362 : vector<16xi32>
        %shift_right_logical3A_364 = arith.constant 0 : i32
        %shift_right_logical3A_365 = vector.broadcast %shift_right_logical3A_364 : i32 to vector<16xi32>
        %shift_right_logical3A_366 = arith.shrui %not3A_363, %shift_right_logical3A_365 : vector<16xi32>
        %and3A_367 = arith.constant 2047 : i32
        %and3A_368 = vector.broadcast %and3A_367 : i32 to vector<16xi32>
        %and3A_369 = arith.andi %shift_right_logical3A_366, %and3A_368 : vector<16xi32>
        %broadcast_in_dim3A_370 = arith.constant true
        %broadcast_in_dim3A_371 = vector.broadcast %broadcast_in_dim3A_370 : i1 to vector<16xi1>
        %unique3A_372, %unique3A_373 = tpu.scan_count mask(%broadcast_in_dim3A_371 : vector<16xi1>) value(%and3A_369 : vector<16xi32>) : vector<16xi1>, vector<16xi32>
        tpu.vector_store_idx %arg11[%and3A_369], %unique3A_373 masked %unique3A_372 {add = true} : memref<2048xi32, #tpu.memory_space<vmem>>[vector<16xi32>], vector<16xi32>, vector<16xi1>
        %mul3A_374 = arith.constant 8 : i32
        %mul3A_375 = arith.muli %while3A_291, %mul3A_374 : i32
        %add3A_376 = arith.constant 4 : i32
        %add3A_377 = arith.addi %mul3A_375, %add3A_376 : i32
        %mul3A_378 = arith.constant 16 : i32
        %mul3A_379 = arith.muli %add3A_377, %mul3A_378 : i32
        %multiple_of3A_380 = tpu.assume_multiple %mul3A_379, 16 : i32
        %get3A_381 = arith.index_cast %multiple_of3A_380 : i32 to index
        %get3A_382 = tpu.vector_load %arg7[%get3A_381] {strides = array<i32>} : memref<4096xi32, #tpu.memory_space<vmem>>, vector<16xi32>,
        %not3A_383 = arith.constant dense<-1> : vector<16xi32>
        %not3A_384 = arith.xori %get3A_382, %not3A_383 : vector<16xi32>
        %shift_right_logical3A_385 = arith.constant 0 : i32
        %shift_right_logical3A_386 = vector.broadcast %shift_right_logical3A_385 : i32 to vector<16xi32>
        %shift_right_logical3A_387 = arith.shrui %not3A_384, %shift_right_logical3A_386 : vector<16xi32>
        %and3A_388 = arith.constant 2047 : i32
        %and3A_389 = vector.broadcast %and3A_388 : i32 to vector<16xi32>
        %and3A_390 = arith.andi %shift_right_logical3A_387, %and3A_389 : vector<16xi32>
        %broadcast_in_dim3A_391 = arith.constant true
        %broadcast_in_dim3A_392 = vector.broadcast %broadcast_in_dim3A_391 : i1 to vector<16xi1>
        %unique3A_393, %unique3A_394 = tpu.scan_count mask(%broadcast_in_dim3A_392 : vector<16xi1>) value(%and3A_390 : vector<16xi32>) : vector<16xi1>, vector<16xi32>
        tpu.vector_store_idx %arg11[%and3A_390], %unique3A_394 masked %unique3A_393 {add = true} : memref<2048xi32, #tpu.memory_space<vmem>>[vector<16xi32>], vector<16xi32>, vector<16xi1>
        %mul3A_395 = arith.constant 8 : i32
        %mul3A_396 = arith.muli %while3A_291, %mul3A_395 : i32
        %add3A_397 = arith.constant 5 : i32
        %add3A_398 = arith.addi %mul3A_396, %add3A_397 : i32
        %mul3A_399 = arith.constant 16 : i32
        %mul3A_400 = arith.muli %add3A_398, %mul3A_399 : i32
        %multiple_of3A_401 = tpu.assume_multiple %mul3A_400, 16 : i32
        %get3A_402 = arith.index_cast %multiple_of3A_401 : i32 to index
        %get3A_403 = tpu.vector_load %arg7[%get3A_402] {strides = array<i32>} : memref<4096xi32, #tpu.memory_space<vmem>>, vector<16xi32>,
        %not3A_404 = arith.constant dense<-1> : vector<16xi32>
        %not3A_405 = arith.xori %get3A_403, %not3A_404 : vector<16xi32>
        %shift_right_logical3A_406 = arith.constant 0 : i32
        %shift_right_logical3A_407 = vector.broadcast %shift_right_logical3A_406 : i32 to vector<16xi32>
        %shift_right_logical3A_408 = arith.shrui %not3A_405, %shift_right_logical3A_407 : vector<16xi32>
        %and3A_409 = arith.constant 2047 : i32
        %and3A_410 = vector.broadcast %and3A_409 : i32 to vector<16xi32>
        %and3A_411 = arith.andi %shift_right_logical3A_408, %and3A_410 : vector<16xi32>
        %broadcast_in_dim3A_412 = arith.constant true
        %broadcast_in_dim3A_413 = vector.broadcast %broadcast_in_dim3A_412 : i1 to vector<16xi1>
        %unique3A_414, %unique3A_415 = tpu.scan_count mask(%broadcast_in_dim3A_413 : vector<16xi1>) value(%and3A_411 : vector<16xi32>) : vector<16xi1>, vector<16xi32>
        tpu.vector_store_idx %arg11[%and3A_411], %unique3A_415 masked %unique3A_414 {add = true} : memref<2048xi32, #tpu.memory_space<vmem>>[vector<16xi32>], vector<16xi32>, vector<16xi1>
        %mul3A_416 = arith.constant 8 : i32
        %mul3A_417 = arith.muli %while3A_291, %mul3A_416 : i32
        %add3A_418 = arith.constant 6 : i32
        %add3A_419 = arith.addi %mul3A_417, %add3A_418 : i32
        %mul3A_420 = arith.constant 16 : i32
        %mul3A_421 = arith.muli %add3A_419, %mul3A_420 : i32
        %multiple_of3A_422 = tpu.assume_multiple %mul3A_421, 16 : i32
        %get3A_423 = arith.index_cast %multiple_of3A_422 : i32 to index
        %get3A_424 = tpu.vector_load %arg7[%get3A_423] {strides = array<i32>} : memref<4096xi32, #tpu.memory_space<vmem>>, vector<16xi32>,
        %not3A_425 = arith.constant dense<-1> : vector<16xi32>
        %not3A_426 = arith.xori %get3A_424, %not3A_425 : vector<16xi32>
        %shift_right_logical3A_427 = arith.constant 0 : i32
        %shift_right_logical3A_428 = vector.broadcast %shift_right_logical3A_427 : i32 to vector<16xi32>
        %shift_right_logical3A_429 = arith.shrui %not3A_426, %shift_right_logical3A_428 : vector<16xi32>
        %and3A_430 = arith.constant 2047 : i32
        %and3A_431 = vector.broadcast %and3A_430 : i32 to vector<16xi32>
        %and3A_432 = arith.andi %shift_right_logical3A_429, %and3A_431 : vector<16xi32>
        %broadcast_in_dim3A_433 = arith.constant true
        %broadcast_in_dim3A_434 = vector.broadcast %broadcast_in_dim3A_433 : i1 to vector<16xi1>
        %unique3A_435, %unique3A_436 = tpu.scan_count mask(%broadcast_in_dim3A_434 : vector<16xi1>) value(%and3A_432 : vector<16xi32>) : vector<16xi1>, vector<16xi32>
        tpu.vector_store_idx %arg11[%and3A_432], %unique3A_436 masked %unique3A_435 {add = true} : memref<2048xi32, #tpu.memory_space<vmem>>[vector<16xi32>], vector<16xi32>, vector<16xi1>
        %mul3A_437 = arith.constant 8 : i32
        %mul3A_438 = arith.muli %while3A_291, %mul3A_437 : i32
        %add3A_439 = arith.constant 7 : i32
        %add3A_440 = arith.addi %mul3A_438, %add3A_439 : i32
        %mul3A_441 = arith.constant 16 : i32
        %mul3A_442 = arith.muli %add3A_440, %mul3A_441 : i32
        %multiple_of3A_443 = tpu.assume_multiple %mul3A_442, 16 : i32
        %get3A_444 = arith.index_cast %multiple_of3A_443 : i32 to index
        %get3A_445 = tpu.vector_load %arg7[%get3A_444] {strides = array<i32>} : memref<4096xi32, #tpu.memory_space<vmem>>, vector<16xi32>,
        %not3A_446 = arith.constant dense<-1> : vector<16xi32>
        %not3A_447 = arith.xori %get3A_445, %not3A_446 : vector<16xi32>
        %shift_right_logical3A_448 = arith.constant 0 : i32
        %shift_right_logical3A_449 = vector.broadcast %shift_right_logical3A_448 : i32 to vector<16xi32>
        %shift_right_logical3A_450 = arith.shrui %not3A_447, %shift_right_logical3A_449 : vector<16xi32>
        %and3A_451 = arith.constant 2047 : i32
        %and3A_452 = vector.broadcast %and3A_451 : i32 to vector<16xi32>
        %and3A_453 = arith.andi %shift_right_logical3A_450, %and3A_452 : vector<16xi32>
        %broadcast_in_dim3A_454 = arith.constant true
        %broadcast_in_dim3A_455 = vector.broadcast %broadcast_in_dim3A_454 : i1 to vector<16xi1>
        %unique3A_456, %unique3A_457 = tpu.scan_count mask(%broadcast_in_dim3A_455 : vector<16xi1>) value(%and3A_453 : vector<16xi32>) : vector<16xi1>, vector<16xi32>
        tpu.vector_store_idx %arg11[%and3A_453], %unique3A_457 masked %unique3A_456 {add = true} : memref<2048xi32, #tpu.memory_space<vmem>>[vector<16xi32>], vector<16xi32>, vector<16xi1>
        %while3A_458 = arith.constant 0 : i32
        scf.yield %while3A_458 : i32
      }
      %scan3A_191 = arith.constant 0 : i32
      %scan3A_192 = arith.constant 128 : i32
      %scan3A_193 = arith.addi %scan3A_191, %scan3A_192 : i32
      %scan3A_194 = arith.constant 2 : i32
      %scan3A_195 = scf.for %scan3A_291 = %scan3A_191 to %scan3A_193 step %scan3A_194 iter_args(%scan3A_292 = %broadcast_in_dim3A_3) -> (vector<16xi32>)  : i32 {
        %mul3A_293 = arith.constant 16 : i32
        %mul3A_294 = arith.muli %scan3A_291, %mul3A_293 : i32
        %multiple_of3A = tpu.assume_multiple %mul3A_294, 16 : i32
        %get3A_295 = arith.index_cast %multiple_of3A : i32 to index
        %get3A_296 = tpu.vector_load %arg11[%get3A_295] {strides = array<i32>} : memref<2048xi32, #tpu.memory_space<vmem>>, vector<16xi32>,
        %broadcast_in_dim3A_297 = arith.constant true
        %broadcast_in_dim3A_298 = vector.broadcast %broadcast_in_dim3A_297 : i1 to vector<16xi1>
        %masked_cumsum3A = tpu.scan <sum>, %get3A_296 masked %broadcast_in_dim3A_298 : vector<16xi32>, vector<16xi1> -> vector<16xi32>
        %sub3A_299 = arith.subi %masked_cumsum3A, %get3A_296 : vector<16xi32>
        %add3A_300 = arith.addi %sub3A_299, %scan3A_292 : vector<16xi32>
        %mul3A_301 = arith.constant 16 : i32
        %mul3A_302 = arith.muli %scan3A_291, %mul3A_301 : i32
        %multiple_of3A_303 = tpu.assume_multiple %mul3A_302, 16 : i32
        %swap3A_304 = arith.index_cast %multiple_of3A_303 : i32 to index
        %swap3A_305 = tpu.vector_load %arg11[%swap3A_304] {strides = array<i32>} : memref<2048xi32, #tpu.memory_space<vmem>>, vector<16xi32>,
        tpu.vector_store %arg11[%swap3A_304], %add3A_300 {strides = array<i32>} : memref<2048xi32, #tpu.memory_space<vmem>>, vector<16xi32>,
        %broadcast_in_dim3A_306 = arith.constant 15 : i32
        %broadcast_in_dim3A_307 = vector.broadcast %broadcast_in_dim3A_306 : i32 to vector<16xi32>
        %broadcast_in_dim3A_308 = vector.shape_cast %broadcast_in_dim3A_307 : vector<16xi32> to vector<16x1xi32>
        %gather3A = vector.shape_cast %broadcast_in_dim3A_308 : vector<16x1xi32> to vector<16xi32>
        %gather3A_309 = tpu.dynamic_gather %masked_cumsum3A[%gather3A] in [0] : vector<16xi32>, vector<16xi32> -> vector<16xi32>
        %add3A_310 = arith.addi %gather3A_309, %scan3A_292 : vector<16xi32>
        %scan3A_311 = arith.constant 1 : i32
        %scan3A_312 = arith.addi %scan3A_291, %scan3A_311 : i32
        %mul3A_313 = arith.constant 16 : i32
        %mul3A_314 = arith.muli %scan3A_312, %mul3A_313 : i32
        %multiple_of3A_315 = tpu.assume_multiple %mul3A_314, 16 : i32
        %get3A_316 = arith.index_cast %multiple_of3A_315 : i32 to index
        %get3A_317 = tpu.vector_load %arg11[%get3A_316] {strides = array<i32>} : memref<2048xi32, #tpu.memory_space<vmem>>, vector<16xi32>,
        %broadcast_in_dim3A_318 = arith.constant true
        %broadcast_in_dim3A_319 = vector.broadcast %broadcast_in_dim3A_318 : i1 to vector<16xi1>
        %masked_cumsum3A_320 = tpu.scan <sum>, %get3A_317 masked %broadcast_in_dim3A_319 : vector<16xi32>, vector<16xi1> -> vector<16xi32>
        %sub3A_321 = arith.subi %masked_cumsum3A_320, %get3A_317 : vector<16xi32>
        %add3A_322 = arith.addi %sub3A_321, %add3A_310 : vector<16xi32>
        %mul3A_323 = arith.constant 16 : i32
        %mul3A_324 = arith.muli %scan3A_312, %mul3A_323 : i32
        %multiple_of3A_325 = tpu.assume_multiple %mul3A_324, 16 : i32
        %swap3A_326 = arith.index_cast %multiple_of3A_325 : i32 to index
        %swap3A_327 = tpu.vector_load %arg11[%swap3A_326] {strides = array<i32>} : memref<2048xi32, #tpu.memory_space<vmem>>, vector<16xi32>,
        tpu.vector_store %arg11[%swap3A_326], %add3A_322 {strides = array<i32>} : memref<2048xi32, #tpu.memory_space<vmem>>, vector<16xi32>,
        %broadcast_in_dim3A_328 = arith.constant 15 : i32
        %broadcast_in_dim3A_329 = vector.broadcast %broadcast_in_dim3A_328 : i32 to vector<16xi32>
        %broadcast_in_dim3A_330 = vector.shape_cast %broadcast_in_dim3A_329 : vector<16xi32> to vector<16x1xi32>
        %gather3A_331 = vector.shape_cast %broadcast_in_dim3A_330 : vector<16x1xi32> to vector<16xi32>
        %gather3A_332 = tpu.dynamic_gather %masked_cumsum3A_320[%gather3A_331] in [0] : vector<16xi32>, vector<16xi32> -> vector<16xi32>
        %add3A_333 = arith.addi %gather3A_332, %add3A_310 : vector<16xi32>
        scf.yield %add3A_333 : vector<16xi32>
      }
      %scan3A_196 = arith.constant 128 : i32
      %while3A_197 = arith.constant 0 : i32
      %while3A_198 = arith.constant 0 : i32
      %while3A_199 = arith.subi %select_n3A, %while3A_197 : i32
      %while3A_200 = arith.addi %while3A_197, %while3A_199 : i32
      %while3A_201 = arith.constant 1 : i32
      %while3A_202 = arith.divsi %while3A_199, %while3A_201 : i32
      %while3A_203 = arith.muli %while3A_202, %while3A_201 : i32
      %while3A_204 = arith.addi %while3A_197, %while3A_203 : i32
      %while3A_205 = arith.constant 1 : i32
      %while3A_206 = scf.for %while3A_291 = %while3A_197 to %while3A_204 step %while3A_205 iter_args(%while3A_292 = %while3A_198) -> (i32)  : i32 {
        %mul3A_293 = arith.constant 8 : i32
        %mul3A_294 = arith.muli %while3A_291, %mul3A_293 : i32
        %add3A_295 = arith.constant 0 : i32
        %add3A_296 = arith.addi %mul3A_294, %add3A_295 : i32
        %mul3A_297 = arith.constant 16 : i32
        %mul3A_298 = arith.muli %add3A_296, %mul3A_297 : i32
        %multiple_of3A = tpu.assume_multiple %mul3A_298, 16 : i32
        %get3A_299 = arith.index_cast %multiple_of3A : i32 to index
        %get3A_300 = tpu.vector_load %arg7[%get3A_299] {strides = array<i32>} : memref<4096xi32, #tpu.memory_space<vmem>>, vector<16xi32>,
        %mul3A_301 = arith.constant 16 : i32
        %mul3A_302 = arith.muli %add3A_296, %mul3A_301 : i32
        %multiple_of3A_303 = tpu.assume_multiple %mul3A_302, 16 : i32
        %get3A_304 = arith.index_cast %multiple_of3A_303 : i32 to index
        %get3A_305 = tpu.vector_load %arg8[%get3A_304] {strides = array<i32>} : memref<4096xi32, #tpu.memory_space<vmem>>, vector<16xi32>,
        %not3A_306 = arith.constant dense<-1> : vector<16xi32>
        %not3A_307 = arith.xori %get3A_300, %not3A_306 : vector<16xi32>
        %shift_right_logical3A = arith.constant 0 : i32
        %shift_right_logical3A_308 = vector.broadcast %shift_right_logical3A : i32 to vector<16xi32>
        %shift_right_logical3A_309 = arith.shrui %not3A_307, %shift_right_logical3A_308 : vector<16xi32>
        %and3A_310 = arith.constant 2047 : i32
        %and3A_311 = vector.broadcast %and3A_310 : i32 to vector<16xi32>
        %and3A_312 = arith.andi %shift_right_logical3A_309, %and3A_311 : vector<16xi32>
        %broadcast_in_dim3A_313 = arith.constant true
        %broadcast_in_dim3A_314 = vector.broadcast %broadcast_in_dim3A_313 : i1 to vector<16xi1>
        %unique3A, %unique3A_315 = tpu.scan_count mask(%broadcast_in_dim3A_314 : vector<16xi1>) value(%and3A_312 : vector<16xi32>) : vector<16xi1>, vector<16xi32>
        %gather3A = tpu.vector_load_idx %arg11[%and3A_312] : memref<2048xi32, #tpu.memory_space<vmem>>[vector<16xi32>], vector<16xi32>,
        %add3A_316 = arith.addi %gather3A, %unique3A_315 : vector<16xi32>
        %sub3A_317 = arith.constant 1 : i32
        %sub3A_318 = vector.broadcast %sub3A_317 : i32 to vector<16xi32>
        %sub3A_319 = arith.subi %add3A_316, %sub3A_318 : vector<16xi32>
        tpu.vector_store_idx %arg9[%sub3A_319], %get3A_300 : memref<4096xi32, #tpu.memory_space<vmem>>[vector<16xi32>], vector<16xi32>,
        tpu.vector_store_idx %arg10[%sub3A_319], %get3A_305 : memref<4096xi32, #tpu.memory_space<vmem>>[vector<16xi32>], vector<16xi32>,
        tpu.vector_store_idx %arg11[%and3A_312], %unique3A_315 masked %unique3A {add = true} : memref<2048xi32, #tpu.memory_space<vmem>>[vector<16xi32>], vector<16xi32>, vector<16xi1>
        %mul3A_320 = arith.constant 8 : i32
        %mul3A_321 = arith.muli %while3A_291, %mul3A_320 : i32
        %add3A_322 = arith.constant 1 : i32
        %add3A_323 = arith.addi %mul3A_321, %add3A_322 : i32
        %mul3A_324 = arith.constant 16 : i32
        %mul3A_325 = arith.muli %add3A_323, %mul3A_324 : i32
        %multiple_of3A_326 = tpu.assume_multiple %mul3A_325, 16 : i32
        %get3A_327 = arith.index_cast %multiple_of3A_326 : i32 to index
        %get3A_328 = tpu.vector_load %arg7[%get3A_327] {strides = array<i32>} : memref<4096xi32, #tpu.memory_space<vmem>>, vector<16xi32>,
        %mul3A_329 = arith.constant 16 : i32
        %mul3A_330 = arith.muli %add3A_323, %mul3A_329 : i32
        %multiple_of3A_331 = tpu.assume_multiple %mul3A_330, 16 : i32
        %get3A_332 = arith.index_cast %multiple_of3A_331 : i32 to index
        %get3A_333 = tpu.vector_load %arg8[%get3A_332] {strides = array<i32>} : memref<4096xi32, #tpu.memory_space<vmem>>, vector<16xi32>,
        %not3A_334 = arith.constant dense<-1> : vector<16xi32>
        %not3A_335 = arith.xori %get3A_328, %not3A_334 : vector<16xi32>
        %shift_right_logical3A_336 = arith.constant 0 : i32
        %shift_right_logical3A_337 = vector.broadcast %shift_right_logical3A_336 : i32 to vector<16xi32>
        %shift_right_logical3A_338 = arith.shrui %not3A_335, %shift_right_logical3A_337 : vector<16xi32>
        %and3A_339 = arith.constant 2047 : i32
        %and3A_340 = vector.broadcast %and3A_339 : i32 to vector<16xi32>
        %and3A_341 = arith.andi %shift_right_logical3A_338, %and3A_340 : vector<16xi32>
        %broadcast_in_dim3A_342 = arith.constant true
        %broadcast_in_dim3A_343 = vector.broadcast %broadcast_in_dim3A_342 : i1 to vector<16xi1>
        %unique3A_344, %unique3A_345 = tpu.scan_count mask(%broadcast_in_dim3A_343 : vector<16xi1>) value(%and3A_341 : vector<16xi32>) : vector<16xi1>, vector<16xi32>
        %gather3A_346 = tpu.vector_load_idx %arg11[%and3A_341] : memref<2048xi32, #tpu.memory_space<vmem>>[vector<16xi32>], vector<16xi32>,
        %add3A_347 = arith.addi %gather3A_346, %unique3A_345 : vector<16xi32>
        %sub3A_348 = arith.constant 1 : i32
        %sub3A_349 = vector.broadcast %sub3A_348 : i32 to vector<16xi32>
        %sub3A_350 = arith.subi %add3A_347, %sub3A_349 : vector<16xi32>
        tpu.vector_store_idx %arg9[%sub3A_350], %get3A_328 : memref<4096xi32, #tpu.memory_space<vmem>>[vector<16xi32>], vector<16xi32>,
        tpu.vector_store_idx %arg10[%sub3A_350], %get3A_333 : memref<4096xi32, #tpu.memory_space<vmem>>[vector<16xi32>], vector<16xi32>,
        tpu.vector_store_idx %arg11[%and3A_341], %unique3A_345 masked %unique3A_344 {add = true} : memref<2048xi32, #tpu.memory_space<vmem>>[vector<16xi32>], vector<16xi32>, vector<16xi1>
        %mul3A_351 = arith.constant 8 : i32
        %mul3A_352 = arith.muli %while3A_291, %mul3A_351 : i32
        %add3A_353 = arith.constant 2 : i32
        %add3A_354 = arith.addi %mul3A_352, %add3A_353 : i32
        %mul3A_355 = arith.constant 16 : i32
        %mul3A_356 = arith.muli %add3A_354, %mul3A_355 : i32
        %multiple_of3A_357 = tpu.assume_multiple %mul3A_356, 16 : i32
        %get3A_358 = arith.index_cast %multiple_of3A_357 : i32 to index
        %get3A_359 = tpu.vector_load %arg7[%get3A_358] {strides = array<i32>} : memref<4096xi32, #tpu.memory_space<vmem>>, vector<16xi32>,
        %mul3A_360 = arith.constant 16 : i32
        %mul3A_361 = arith.muli %add3A_354, %mul3A_360 : i32
        %multiple_of3A_362 = tpu.assume_multiple %mul3A_361, 16 : i32
        %get3A_363 = arith.index_cast %multiple_of3A_362 : i32 to index
        %get3A_364 = tpu.vector_load %arg8[%get3A_363] {strides = array<i32>} : memref<4096xi32, #tpu.memory_space<vmem>>, vector<16xi32>,
        %not3A_365 = arith.constant dense<-1> : vector<16xi32>
        %not3A_366 = arith.xori %get3A_359, %not3A_365 : vector<16xi32>
        %shift_right_logical3A_367 = arith.constant 0 : i32
        %shift_right_logical3A_368 = vector.broadcast %shift_right_logical3A_367 : i32 to vector<16xi32>
        %shift_right_logical3A_369 = arith.shrui %not3A_366, %shift_right_logical3A_368 : vector<16xi32>
        %and3A_370 = arith.constant 2047 : i32
        %and3A_371 = vector.broadcast %and3A_370 : i32 to vector<16xi32>
        %and3A_372 = arith.andi %shift_right_logical3A_369, %and3A_371 : vector<16xi32>
        %broadcast_in_dim3A_373 = arith.constant true
        %broadcast_in_dim3A_374 = vector.broadcast %broadcast_in_dim3A_373 : i1 to vector<16xi1>
        %unique3A_375, %unique3A_376 = tpu.scan_count mask(%broadcast_in_dim3A_374 : vector<16xi1>) value(%and3A_372 : vector<16xi32>) : vector<16xi1>, vector<16xi32>
        %gather3A_377 = tpu.vector_load_idx %arg11[%and3A_372] : memref<2048xi32, #tpu.memory_space<vmem>>[vector<16xi32>], vector<16xi32>,
        %add3A_378 = arith.addi %gather3A_377, %unique3A_376 : vector<16xi32>
        %sub3A_379 = arith.constant 1 : i32
        %sub3A_380 = vector.broadcast %sub3A_379 : i32 to vector<16xi32>
        %sub3A_381 = arith.subi %add3A_378, %sub3A_380 : vector<16xi32>
        tpu.vector_store_idx %arg9[%sub3A_381], %get3A_359 : memref<4096xi32, #tpu.memory_space<vmem>>[vector<16xi32>], vector<16xi32>,
        tpu.vector_store_idx %arg10[%sub3A_381], %get3A_364 : memref<4096xi32, #tpu.memory_space<vmem>>[vector<16xi32>], vector<16xi32>,
        tpu.vector_store_idx %arg11[%and3A_372], %unique3A_376 masked %unique3A_375 {add = true} : memref<2048xi32, #tpu.memory_space<vmem>>[vector<16xi32>], vector<16xi32>, vector<16xi1>
        %mul3A_382 = arith.constant 8 : i32
        %mul3A_383 = arith.muli %while3A_291, %mul3A_382 : i32
        %add3A_384 = arith.constant 3 : i32
        %add3A_385 = arith.addi %mul3A_383, %add3A_384 : i32
        %mul3A_386 = arith.constant 16 : i32
        %mul3A_387 = arith.muli %add3A_385, %mul3A_386 : i32
        %multiple_of3A_388 = tpu.assume_multiple %mul3A_387, 16 : i32
        %get3A_389 = arith.index_cast %multiple_of3A_388 : i32 to index
        %get3A_390 = tpu.vector_load %arg7[%get3A_389] {strides = array<i32>} : memref<4096xi32, #tpu.memory_space<vmem>>, vector<16xi32>,
        %mul3A_391 = arith.constant 16 : i32
        %mul3A_392 = arith.muli %add3A_385, %mul3A_391 : i32
        %multiple_of3A_393 = tpu.assume_multiple %mul3A_392, 16 : i32
        %get3A_394 = arith.index_cast %multiple_of3A_393 : i32 to index
        %get3A_395 = tpu.vector_load %arg8[%get3A_394] {strides = array<i32>} : memref<4096xi32, #tpu.memory_space<vmem>>, vector<16xi32>,
        %not3A_396 = arith.constant dense<-1> : vector<16xi32>
        %not3A_397 = arith.xori %get3A_390, %not3A_396 : vector<16xi32>
        %shift_right_logical3A_398 = arith.constant 0 : i32
        %shift_right_logical3A_399 = vector.broadcast %shift_right_logical3A_398 : i32 to vector<16xi32>
        %shift_right_logical3A_400 = arith.shrui %not3A_397, %shift_right_logical3A_399 : vector<16xi32>
        %and3A_401 = arith.constant 2047 : i32
        %and3A_402 = vector.broadcast %and3A_401 : i32 to vector<16xi32>
        %and3A_403 = arith.andi %shift_right_logical3A_400, %and3A_402 : vector<16xi32>
        %broadcast_in_dim3A_404 = arith.constant true
        %broadcast_in_dim3A_405 = vector.broadcast %broadcast_in_dim3A_404 : i1 to vector<16xi1>
        %unique3A_406, %unique3A_407 = tpu.scan_count mask(%broadcast_in_dim3A_405 : vector<16xi1>) value(%and3A_403 : vector<16xi32>) : vector<16xi1>, vector<16xi32>
        %gather3A_408 = tpu.vector_load_idx %arg11[%and3A_403] : memref<2048xi32, #tpu.memory_space<vmem>>[vector<16xi32>], vector<16xi32>,
        %add3A_409 = arith.addi %gather3A_408, %unique3A_407 : vector<16xi32>
        %sub3A_410 = arith.constant 1 : i32
        %sub3A_411 = vector.broadcast %sub3A_410 : i32 to vector<16xi32>
        %sub3A_412 = arith.subi %add3A_409, %sub3A_411 : vector<16xi32>
        tpu.vector_store_idx %arg9[%sub3A_412], %get3A_390 : memref<4096xi32, #tpu.memory_space<vmem>>[vector<16xi32>], vector<16xi32>,
        tpu.vector_store_idx %arg10[%sub3A_412], %get3A_395 : memref<4096xi32, #tpu.memory_space<vmem>>[vector<16xi32>], vector<16xi32>,
        tpu.vector_store_idx %arg11[%and3A_403], %unique3A_407 masked %unique3A_406 {add = true} : memref<2048xi32, #tpu.memory_space<vmem>>[vector<16xi32>], vector<16xi32>, vector<16xi1>
        %mul3A_413 = arith.constant 8 : i32
        %mul3A_414 = arith.muli %while3A_291, %mul3A_413 : i32
        %add3A_415 = arith.constant 4 : i32
        %add3A_416 = arith.addi %mul3A_414, %add3A_415 : i32
        %mul3A_417 = arith.constant 16 : i32
        %mul3A_418 = arith.muli %add3A_416, %mul3A_417 : i32
        %multiple_of3A_419 = tpu.assume_multiple %mul3A_418, 16 : i32
        %get3A_420 = arith.index_cast %multiple_of3A_419 : i32 to index
        %get3A_421 = tpu.vector_load %arg7[%get3A_420] {strides = array<i32>} : memref<4096xi32, #tpu.memory_space<vmem>>, vector<16xi32>,
        %mul3A_422 = arith.constant 16 : i32
        %mul3A_423 = arith.muli %add3A_416, %mul3A_422 : i32
        %multiple_of3A_424 = tpu.assume_multiple %mul3A_423, 16 : i32
        %get3A_425 = arith.index_cast %multiple_of3A_424 : i32 to index
        %get3A_426 = tpu.vector_load %arg8[%get3A_425] {strides = array<i32>} : memref<4096xi32, #tpu.memory_space<vmem>>, vector<16xi32>,
        %not3A_427 = arith.constant dense<-1> : vector<16xi32>
        %not3A_428 = arith.xori %get3A_421, %not3A_427 : vector<16xi32>
        %shift_right_logical3A_429 = arith.constant 0 : i32
        %shift_right_logical3A_430 = vector.broadcast %shift_right_logical3A_429 : i32 to vector<16xi32>
        %shift_right_logical3A_431 = arith.shrui %not3A_428, %shift_right_logical3A_430 : vector<16xi32>
        %and3A_432 = arith.constant 2047 : i32
        %and3A_433 = vector.broadcast %and3A_432 : i32 to vector<16xi32>
        %and3A_434 = arith.andi %shift_right_logical3A_431, %and3A_433 : vector<16xi32>
        %broadcast_in_dim3A_435 = arith.constant true
        %broadcast_in_dim3A_436 = vector.broadcast %broadcast_in_dim3A_435 : i1 to vector<16xi1>
        %unique3A_437, %unique3A_438 = tpu.scan_count mask(%broadcast_in_dim3A_436 : vector<16xi1>) value(%and3A_434 : vector<16xi32>) : vector<16xi1>, vector<16xi32>
        %gather3A_439 = tpu.vector_load_idx %arg11[%and3A_434] : memref<2048xi32, #tpu.memory_space<vmem>>[vector<16xi32>], vector<16xi32>,
        %add3A_440 = arith.addi %gather3A_439, %unique3A_438 : vector<16xi32>
        %sub3A_441 = arith.constant 1 : i32
        %sub3A_442 = vector.broadcast %sub3A_441 : i32 to vector<16xi32>
        %sub3A_443 = arith.subi %add3A_440, %sub3A_442 : vector<16xi32>
        tpu.vector_store_idx %arg9[%sub3A_443], %get3A_421 : memref<4096xi32, #tpu.memory_space<vmem>>[vector<16xi32>], vector<16xi32>,
        tpu.vector_store_idx %arg10[%sub3A_443], %get3A_426 : memref<4096xi32, #tpu.memory_space<vmem>>[vector<16xi32>], vector<16xi32>,
        tpu.vector_store_idx %arg11[%and3A_434], %unique3A_438 masked %unique3A_437 {add = true} : memref<2048xi32, #tpu.memory_space<vmem>>[vector<16xi32>], vector<16xi32>, vector<16xi1>
        %mul3A_444 = arith.constant 8 : i32
        %mul3A_445 = arith.muli %while3A_291, %mul3A_444 : i32
        %add3A_446 = arith.constant 5 : i32
        %add3A_447 = arith.addi %mul3A_445, %add3A_446 : i32
        %mul3A_448 = arith.constant 16 : i32
        %mul3A_449 = arith.muli %add3A_447, %mul3A_448 : i32
        %multiple_of3A_450 = tpu.assume_multiple %mul3A_449, 16 : i32
        %get3A_451 = arith.index_cast %multiple_of3A_450 : i32 to index
        %get3A_452 = tpu.vector_load %arg7[%get3A_451] {strides = array<i32>} : memref<4096xi32, #tpu.memory_space<vmem>>, vector<16xi32>,
        %mul3A_453 = arith.constant 16 : i32
        %mul3A_454 = arith.muli %add3A_447, %mul3A_453 : i32
        %multiple_of3A_455 = tpu.assume_multiple %mul3A_454, 16 : i32
        %get3A_456 = arith.index_cast %multiple_of3A_455 : i32 to index
        %get3A_457 = tpu.vector_load %arg8[%get3A_456] {strides = array<i32>} : memref<4096xi32, #tpu.memory_space<vmem>>, vector<16xi32>,
        %not3A_458 = arith.constant dense<-1> : vector<16xi32>
        %not3A_459 = arith.xori %get3A_452, %not3A_458 : vector<16xi32>
        %shift_right_logical3A_460 = arith.constant 0 : i32
        %shift_right_logical3A_461 = vector.broadcast %shift_right_logical3A_460 : i32 to vector<16xi32>
        %shift_right_logical3A_462 = arith.shrui %not3A_459, %shift_right_logical3A_461 : vector<16xi32>
        %and3A_463 = arith.constant 2047 : i32
        %and3A_464 = vector.broadcast %and3A_463 : i32 to vector<16xi32>
        %and3A_465 = arith.andi %shift_right_logical3A_462, %and3A_464 : vector<16xi32>
        %broadcast_in_dim3A_466 = arith.constant true
        %broadcast_in_dim3A_467 = vector.broadcast %broadcast_in_dim3A_466 : i1 to vector<16xi1>
        %unique3A_468, %unique3A_469 = tpu.scan_count mask(%broadcast_in_dim3A_467 : vector<16xi1>) value(%and3A_465 : vector<16xi32>) : vector<16xi1>, vector<16xi32>
        %gather3A_470 = tpu.vector_load_idx %arg11[%and3A_465] : memref<2048xi32, #tpu.memory_space<vmem>>[vector<16xi32>], vector<16xi32>,
        %add3A_471 = arith.addi %gather3A_470, %unique3A_469 : vector<16xi32>
        %sub3A_472 = arith.constant 1 : i32
        %sub3A_473 = vector.broadcast %sub3A_472 : i32 to vector<16xi32>
        %sub3A_474 = arith.subi %add3A_471, %sub3A_473 : vector<16xi32>
        tpu.vector_store_idx %arg9[%sub3A_474], %get3A_452 : memref<4096xi32, #tpu.memory_space<vmem>>[vector<16xi32>], vector<16xi32>,
        tpu.vector_store_idx %arg10[%sub3A_474], %get3A_457 : memref<4096xi32, #tpu.memory_space<vmem>>[vector<16xi32>], vector<16xi32>,
        tpu.vector_store_idx %arg11[%and3A_465], %unique3A_469 masked %unique3A_468 {add = true} : memref<2048xi32, #tpu.memory_space<vmem>>[vector<16xi32>], vector<16xi32>, vector<16xi1>
        %mul3A_475 = arith.constant 8 : i32
        %mul3A_476 = arith.muli %while3A_291, %mul3A_475 : i32
        %add3A_477 = arith.constant 6 : i32
        %add3A_478 = arith.addi %mul3A_476, %add3A_477 : i32
        %mul3A_479 = arith.constant 16 : i32
        %mul3A_480 = arith.muli %add3A_478, %mul3A_479 : i32
        %multiple_of3A_481 = tpu.assume_multiple %mul3A_480, 16 : i32
        %get3A_482 = arith.index_cast %multiple_of3A_481 : i32 to index
        %get3A_483 = tpu.vector_load %arg7[%get3A_482] {strides = array<i32>} : memref<4096xi32, #tpu.memory_space<vmem>>, vector<16xi32>,
        %mul3A_484 = arith.constant 16 : i32
        %mul3A_485 = arith.muli %add3A_478, %mul3A_484 : i32
        %multiple_of3A_486 = tpu.assume_multiple %mul3A_485, 16 : i32
        %get3A_487 = arith.index_cast %multiple_of3A_486 : i32 to index
        %get3A_488 = tpu.vector_load %arg8[%get3A_487] {strides = array<i32>} : memref<4096xi32, #tpu.memory_space<vmem>>, vector<16xi32>,
        %not3A_489 = arith.constant dense<-1> : vector<16xi32>
        %not3A_490 = arith.xori %get3A_483, %not3A_489 : vector<16xi32>
        %shift_right_logical3A_491 = arith.constant 0 : i32
        %shift_right_logical3A_492 = vector.broadcast %shift_right_logical3A_491 : i32 to vector<16xi32>
        %shift_right_logical3A_493 = arith.shrui %not3A_490, %shift_right_logical3A_492 : vector<16xi32>
        %and3A_494 = arith.constant 2047 : i32
        %and3A_495 = vector.broadcast %and3A_494 : i32 to vector<16xi32>
        %and3A_496 = arith.andi %shift_right_logical3A_493, %and3A_495 : vector<16xi32>
        %broadcast_in_dim3A_497 = arith.constant true
        %broadcast_in_dim3A_498 = vector.broadcast %broadcast_in_dim3A_497 : i1 to vector<16xi1>
        %unique3A_499, %unique3A_500 = tpu.scan_count mask(%broadcast_in_dim3A_498 : vector<16xi1>) value(%and3A_496 : vector<16xi32>) : vector<16xi1>, vector<16xi32>
        %gather3A_501 = tpu.vector_load_idx %arg11[%and3A_496] : memref<2048xi32, #tpu.memory_space<vmem>>[vector<16xi32>], vector<16xi32>,
        %add3A_502 = arith.addi %gather3A_501, %unique3A_500 : vector<16xi32>
        %sub3A_503 = arith.constant 1 : i32
        %sub3A_504 = vector.broadcast %sub3A_503 : i32 to vector<16xi32>
        %sub3A_505 = arith.subi %add3A_502, %sub3A_504 : vector<16xi32>
        tpu.vector_store_idx %arg9[%sub3A_505], %get3A_483 : memref<4096xi32, #tpu.memory_space<vmem>>[vector<16xi32>], vector<16xi32>,
        tpu.vector_store_idx %arg10[%sub3A_505], %get3A_488 : memref<4096xi32, #tpu.memory_space<vmem>>[vector<16xi32>], vector<16xi32>,
        tpu.vector_store_idx %arg11[%and3A_496], %unique3A_500 masked %unique3A_499 {add = true} : memref<2048xi32, #tpu.memory_space<vmem>>[vector<16xi32>], vector<16xi32>, vector<16xi1>
        %mul3A_506 = arith.constant 8 : i32
        %mul3A_507 = arith.muli %while3A_291, %mul3A_506 : i32
        %add3A_508 = arith.constant 7 : i32
        %add3A_509 = arith.addi %mul3A_507, %add3A_508 : i32
        %mul3A_510 = arith.constant 16 : i32
        %mul3A_511 = arith.muli %add3A_509, %mul3A_510 : i32
        %multiple_of3A_512 = tpu.assume_multiple %mul3A_511, 16 : i32
        %get3A_513 = arith.index_cast %multiple_of3A_512 : i32 to index
        %get3A_514 = tpu.vector_load %arg7[%get3A_513] {strides = array<i32>} : memref<4096xi32, #tpu.memory_space<vmem>>, vector<16xi32>,
        %mul3A_515 = arith.constant 16 : i32
        %mul3A_516 = arith.muli %add3A_509, %mul3A_515 : i32
        %multiple_of3A_517 = tpu.assume_multiple %mul3A_516, 16 : i32
        %get3A_518 = arith.index_cast %multiple_of3A_517 : i32 to index
        %get3A_519 = tpu.vector_load %arg8[%get3A_518] {strides = array<i32>} : memref<4096xi32, #tpu.memory_space<vmem>>, vector<16xi32>,
        %not3A_520 = arith.constant dense<-1> : vector<16xi32>
        %not3A_521 = arith.xori %get3A_514, %not3A_520 : vector<16xi32>
        %shift_right_logical3A_522 = arith.constant 0 : i32
        %shift_right_logical3A_523 = vector.broadcast %shift_right_logical3A_522 : i32 to vector<16xi32>
        %shift_right_logical3A_524 = arith.shrui %not3A_521, %shift_right_logical3A_523 : vector<16xi32>
        %and3A_525 = arith.constant 2047 : i32
        %and3A_526 = vector.broadcast %and3A_525 : i32 to vector<16xi32>
        %and3A_527 = arith.andi %shift_right_logical3A_524, %and3A_526 : vector<16xi32>
        %broadcast_in_dim3A_528 = arith.constant true
        %broadcast_in_dim3A_529 = vector.broadcast %broadcast_in_dim3A_528 : i1 to vector<16xi1>
        %unique3A_530, %unique3A_531 = tpu.scan_count mask(%broadcast_in_dim3A_529 : vector<16xi1>) value(%and3A_527 : vector<16xi32>) : vector<16xi1>, vector<16xi32>
        %gather3A_532 = tpu.vector_load_idx %arg11[%and3A_527] : memref<2048xi32, #tpu.memory_space<vmem>>[vector<16xi32>], vector<16xi32>,
        %add3A_533 = arith.addi %gather3A_532, %unique3A_531 : vector<16xi32>
        %sub3A_534 = arith.constant 1 : i32
        %sub3A_535 = vector.broadcast %sub3A_534 : i32 to vector<16xi32>
        %sub3A_536 = arith.subi %add3A_533, %sub3A_535 : vector<16xi32>
        tpu.vector_store_idx %arg9[%sub3A_536], %get3A_514 : memref<4096xi32, #tpu.memory_space<vmem>>[vector<16xi32>], vector<16xi32>,
        tpu.vector_store_idx %arg10[%sub3A_536], %get3A_519 : memref<4096xi32, #tpu.memory_space<vmem>>[vector<16xi32>], vector<16xi32>,
        tpu.vector_store_idx %arg11[%and3A_527], %unique3A_531 masked %unique3A_530 {add = true} : memref<2048xi32, #tpu.memory_space<vmem>>[vector<16xi32>], vector<16xi32>, vector<16xi1>
        %while3A_537 = arith.constant 0 : i32
        scf.yield %while3A_537 : i32
      }
      %while3A_207 = arith.constant 1 : i32
      %while3A_208 = scf.for %while3A_291 = %while3A_204 to %while3A_200 step %while3A_207 iter_args(%while3A_292 = %while3A_206) -> (i32)  : i32 {
        %mul3A_293 = arith.constant 8 : i32
        %mul3A_294 = arith.muli %while3A_291, %mul3A_293 : i32
        %add3A_295 = arith.constant 0 : i32
        %add3A_296 = arith.addi %mul3A_294, %add3A_295 : i32
        %mul3A_297 = arith.constant 16 : i32
        %mul3A_298 = arith.muli %add3A_296, %mul3A_297 : i32
        %multiple_of3A = tpu.assume_multiple %mul3A_298, 16 : i32
        %get3A_299 = arith.index_cast %multiple_of3A : i32 to index
        %get3A_300 = tpu.vector_load %arg7[%get3A_299] {strides = array<i32>} : memref<4096xi32, #tpu.memory_space<vmem>>, vector<16xi32>,
        %mul3A_301 = arith.constant 16 : i32
        %mul3A_302 = arith.muli %add3A_296, %mul3A_301 : i32
        %multiple_of3A_303 = tpu.assume_multiple %mul3A_302, 16 : i32
        %get3A_304 = arith.index_cast %multiple_of3A_303 : i32 to index
        %get3A_305 = tpu.vector_load %arg8[%get3A_304] {strides = array<i32>} : memref<4096xi32, #tpu.memory_space<vmem>>, vector<16xi32>,
        %not3A_306 = arith.constant dense<-1> : vector<16xi32>
        %not3A_307 = arith.xori %get3A_300, %not3A_306 : vector<16xi32>
        %shift_right_logical3A = arith.constant 0 : i32
        %shift_right_logical3A_308 = vector.broadcast %shift_right_logical3A : i32 to vector<16xi32>
        %shift_right_logical3A_309 = arith.shrui %not3A_307, %shift_right_logical3A_308 : vector<16xi32>
        %and3A_310 = arith.constant 2047 : i32
        %and3A_311 = vector.broadcast %and3A_310 : i32 to vector<16xi32>
        %and3A_312 = arith.andi %shift_right_logical3A_309, %and3A_311 : vector<16xi32>
        %broadcast_in_dim3A_313 = arith.constant true
        %broadcast_in_dim3A_314 = vector.broadcast %broadcast_in_dim3A_313 : i1 to vector<16xi1>
        %unique3A, %unique3A_315 = tpu.scan_count mask(%broadcast_in_dim3A_314 : vector<16xi1>) value(%and3A_312 : vector<16xi32>) : vector<16xi1>, vector<16xi32>
        %gather3A = tpu.vector_load_idx %arg11[%and3A_312] : memref<2048xi32, #tpu.memory_space<vmem>>[vector<16xi32>], vector<16xi32>,
        %add3A_316 = arith.addi %gather3A, %unique3A_315 : vector<16xi32>
        %sub3A_317 = arith.constant 1 : i32
        %sub3A_318 = vector.broadcast %sub3A_317 : i32 to vector<16xi32>
        %sub3A_319 = arith.subi %add3A_316, %sub3A_318 : vector<16xi32>
        tpu.vector_store_idx %arg9[%sub3A_319], %get3A_300 : memref<4096xi32, #tpu.memory_space<vmem>>[vector<16xi32>], vector<16xi32>,
        tpu.vector_store_idx %arg10[%sub3A_319], %get3A_305 : memref<4096xi32, #tpu.memory_space<vmem>>[vector<16xi32>], vector<16xi32>,
        tpu.vector_store_idx %arg11[%and3A_312], %unique3A_315 masked %unique3A {add = true} : memref<2048xi32, #tpu.memory_space<vmem>>[vector<16xi32>], vector<16xi32>, vector<16xi1>
        %mul3A_320 = arith.constant 8 : i32
        %mul3A_321 = arith.muli %while3A_291, %mul3A_320 : i32
        %add3A_322 = arith.constant 1 : i32
        %add3A_323 = arith.addi %mul3A_321, %add3A_322 : i32
        %mul3A_324 = arith.constant 16 : i32
        %mul3A_325 = arith.muli %add3A_323, %mul3A_324 : i32
        %multiple_of3A_326 = tpu.assume_multiple %mul3A_325, 16 : i32
        %get3A_327 = arith.index_cast %multiple_of3A_326 : i32 to index
        %get3A_328 = tpu.vector_load %arg7[%get3A_327] {strides = array<i32>} : memref<4096xi32, #tpu.memory_space<vmem>>, vector<16xi32>,
        %mul3A_329 = arith.constant 16 : i32
        %mul3A_330 = arith.muli %add3A_323, %mul3A_329 : i32
        %multiple_of3A_331 = tpu.assume_multiple %mul3A_330, 16 : i32
        %get3A_332 = arith.index_cast %multiple_of3A_331 : i32 to index
        %get3A_333 = tpu.vector_load %arg8[%get3A_332] {strides = array<i32>} : memref<4096xi32, #tpu.memory_space<vmem>>, vector<16xi32>,
        %not3A_334 = arith.constant dense<-1> : vector<16xi32>
        %not3A_335 = arith.xori %get3A_328, %not3A_334 : vector<16xi32>
        %shift_right_logical3A_336 = arith.constant 0 : i32
        %shift_right_logical3A_337 = vector.broadcast %shift_right_logical3A_336 : i32 to vector<16xi32>
        %shift_right_logical3A_338 = arith.shrui %not3A_335, %shift_right_logical3A_337 : vector<16xi32>
        %and3A_339 = arith.constant 2047 : i32
        %and3A_340 = vector.broadcast %and3A_339 : i32 to vector<16xi32>
        %and3A_341 = arith.andi %shift_right_logical3A_338, %and3A_340 : vector<16xi32>
        %broadcast_in_dim3A_342 = arith.constant true
        %broadcast_in_dim3A_343 = vector.broadcast %broadcast_in_dim3A_342 : i1 to vector<16xi1>
        %unique3A_344, %unique3A_345 = tpu.scan_count mask(%broadcast_in_dim3A_343 : vector<16xi1>) value(%and3A_341 : vector<16xi32>) : vector<16xi1>, vector<16xi32>
        %gather3A_346 = tpu.vector_load_idx %arg11[%and3A_341] : memref<2048xi32, #tpu.memory_space<vmem>>[vector<16xi32>], vector<16xi32>,
        %add3A_347 = arith.addi %gather3A_346, %unique3A_345 : vector<16xi32>
        %sub3A_348 = arith.constant 1 : i32
        %sub3A_349 = vector.broadcast %sub3A_348 : i32 to vector<16xi32>
        %sub3A_350 = arith.subi %add3A_347, %sub3A_349 : vector<16xi32>
        tpu.vector_store_idx %arg9[%sub3A_350], %get3A_328 : memref<4096xi32, #tpu.memory_space<vmem>>[vector<16xi32>], vector<16xi32>,
        tpu.vector_store_idx %arg10[%sub3A_350], %get3A_333 : memref<4096xi32, #tpu.memory_space<vmem>>[vector<16xi32>], vector<16xi32>,
        tpu.vector_store_idx %arg11[%and3A_341], %unique3A_345 masked %unique3A_344 {add = true} : memref<2048xi32, #tpu.memory_space<vmem>>[vector<16xi32>], vector<16xi32>, vector<16xi1>
        %mul3A_351 = arith.constant 8 : i32
        %mul3A_352 = arith.muli %while3A_291, %mul3A_351 : i32
        %add3A_353 = arith.constant 2 : i32
        %add3A_354 = arith.addi %mul3A_352, %add3A_353 : i32
        %mul3A_355 = arith.constant 16 : i32
        %mul3A_356 = arith.muli %add3A_354, %mul3A_355 : i32
        %multiple_of3A_357 = tpu.assume_multiple %mul3A_356, 16 : i32
        %get3A_358 = arith.index_cast %multiple_of3A_357 : i32 to index
        %get3A_359 = tpu.vector_load %arg7[%get3A_358] {strides = array<i32>} : memref<4096xi32, #tpu.memory_space<vmem>>, vector<16xi32>,
        %mul3A_360 = arith.constant 16 : i32
        %mul3A_361 = arith.muli %add3A_354, %mul3A_360 : i32
        %multiple_of3A_362 = tpu.assume_multiple %mul3A_361, 16 : i32
        %get3A_363 = arith.index_cast %multiple_of3A_362 : i32 to index
        %get3A_364 = tpu.vector_load %arg8[%get3A_363] {strides = array<i32>} : memref<4096xi32, #tpu.memory_space<vmem>>, vector<16xi32>,
        %not3A_365 = arith.constant dense<-1> : vector<16xi32>
        %not3A_366 = arith.xori %get3A_359, %not3A_365 : vector<16xi32>
        %shift_right_logical3A_367 = arith.constant 0 : i32
        %shift_right_logical3A_368 = vector.broadcast %shift_right_logical3A_367 : i32 to vector<16xi32>
        %shift_right_logical3A_369 = arith.shrui %not3A_366, %shift_right_logical3A_368 : vector<16xi32>
        %and3A_370 = arith.constant 2047 : i32
        %and3A_371 = vector.broadcast %and3A_370 : i32 to vector<16xi32>
        %and3A_372 = arith.andi %shift_right_logical3A_369, %and3A_371 : vector<16xi32>
        %broadcast_in_dim3A_373 = arith.constant true
        %broadcast_in_dim3A_374 = vector.broadcast %broadcast_in_dim3A_373 : i1 to vector<16xi1>
        %unique3A_375, %unique3A_376 = tpu.scan_count mask(%broadcast_in_dim3A_374 : vector<16xi1>) value(%and3A_372 : vector<16xi32>) : vector<16xi1>, vector<16xi32>
        %gather3A_377 = tpu.vector_load_idx %arg11[%and3A_372] : memref<2048xi32, #tpu.memory_space<vmem>>[vector<16xi32>], vector<16xi32>,
        %add3A_378 = arith.addi %gather3A_377, %unique3A_376 : vector<16xi32>
        %sub3A_379 = arith.constant 1 : i32
        %sub3A_380 = vector.broadcast %sub3A_379 : i32 to vector<16xi32>
        %sub3A_381 = arith.subi %add3A_378, %sub3A_380 : vector<16xi32>
        tpu.vector_store_idx %arg9[%sub3A_381], %get3A_359 : memref<4096xi32, #tpu.memory_space<vmem>>[vector<16xi32>], vector<16xi32>,
        tpu.vector_store_idx %arg10[%sub3A_381], %get3A_364 : memref<4096xi32, #tpu.memory_space<vmem>>[vector<16xi32>], vector<16xi32>,
        tpu.vector_store_idx %arg11[%and3A_372], %unique3A_376 masked %unique3A_375 {add = true} : memref<2048xi32, #tpu.memory_space<vmem>>[vector<16xi32>], vector<16xi32>, vector<16xi1>
        %mul3A_382 = arith.constant 8 : i32
        %mul3A_383 = arith.muli %while3A_291, %mul3A_382 : i32
        %add3A_384 = arith.constant 3 : i32
        %add3A_385 = arith.addi %mul3A_383, %add3A_384 : i32
        %mul3A_386 = arith.constant 16 : i32
        %mul3A_387 = arith.muli %add3A_385, %mul3A_386 : i32
        %multiple_of3A_388 = tpu.assume_multiple %mul3A_387, 16 : i32
        %get3A_389 = arith.index_cast %multiple_of3A_388 : i32 to index
        %get3A_390 = tpu.vector_load %arg7[%get3A_389] {strides = array<i32>} : memref<4096xi32, #tpu.memory_space<vmem>>, vector<16xi32>,
        %mul3A_391 = arith.constant 16 : i32
        %mul3A_392 = arith.muli %add3A_385, %mul3A_391 : i32
        %multiple_of3A_393 = tpu.assume_multiple %mul3A_392, 16 : i32
        %get3A_394 = arith.index_cast %multiple_of3A_393 : i32 to index
        %get3A_395 = tpu.vector_load %arg8[%get3A_394] {strides = array<i32>} : memref<4096xi32, #tpu.memory_space<vmem>>, vector<16xi32>,
        %not3A_396 = arith.constant dense<-1> : vector<16xi32>
        %not3A_397 = arith.xori %get3A_390, %not3A_396 : vector<16xi32>
        %shift_right_logical3A_398 = arith.constant 0 : i32
        %shift_right_logical3A_399 = vector.broadcast %shift_right_logical3A_398 : i32 to vector<16xi32>
        %shift_right_logical3A_400 = arith.shrui %not3A_397, %shift_right_logical3A_399 : vector<16xi32>
        %and3A_401 = arith.constant 2047 : i32
        %and3A_402 = vector.broadcast %and3A_401 : i32 to vector<16xi32>
        %and3A_403 = arith.andi %shift_right_logical3A_400, %and3A_402 : vector<16xi32>
        %broadcast_in_dim3A_404 = arith.constant true
        %broadcast_in_dim3A_405 = vector.broadcast %broadcast_in_dim3A_404 : i1 to vector<16xi1>
        %unique3A_406, %unique3A_407 = tpu.scan_count mask(%broadcast_in_dim3A_405 : vector<16xi1>) value(%and3A_403 : vector<16xi32>) : vector<16xi1>, vector<16xi32>
        %gather3A_408 = tpu.vector_load_idx %arg11[%and3A_403] : memref<2048xi32, #tpu.memory_space<vmem>>[vector<16xi32>], vector<16xi32>,
        %add3A_409 = arith.addi %gather3A_408, %unique3A_407 : vector<16xi32>
        %sub3A_410 = arith.constant 1 : i32
        %sub3A_411 = vector.broadcast %sub3A_410 : i32 to vector<16xi32>
        %sub3A_412 = arith.subi %add3A_409, %sub3A_411 : vector<16xi32>
        tpu.vector_store_idx %arg9[%sub3A_412], %get3A_390 : memref<4096xi32, #tpu.memory_space<vmem>>[vector<16xi32>], vector<16xi32>,
        tpu.vector_store_idx %arg10[%sub3A_412], %get3A_395 : memref<4096xi32, #tpu.memory_space<vmem>>[vector<16xi32>], vector<16xi32>,
        tpu.vector_store_idx %arg11[%and3A_403], %unique3A_407 masked %unique3A_406 {add = true} : memref<2048xi32, #tpu.memory_space<vmem>>[vector<16xi32>], vector<16xi32>, vector<16xi1>
        %mul3A_413 = arith.constant 8 : i32
        %mul3A_414 = arith.muli %while3A_291, %mul3A_413 : i32
        %add3A_415 = arith.constant 4 : i32
        %add3A_416 = arith.addi %mul3A_414, %add3A_415 : i32
        %mul3A_417 = arith.constant 16 : i32
        %mul3A_418 = arith.muli %add3A_416, %mul3A_417 : i32
        %multiple_of3A_419 = tpu.assume_multiple %mul3A_418, 16 : i32
        %get3A_420 = arith.index_cast %multiple_of3A_419 : i32 to index
        %get3A_421 = tpu.vector_load %arg7[%get3A_420] {strides = array<i32>} : memref<4096xi32, #tpu.memory_space<vmem>>, vector<16xi32>,
        %mul3A_422 = arith.constant 16 : i32
        %mul3A_423 = arith.muli %add3A_416, %mul3A_422 : i32
        %multiple_of3A_424 = tpu.assume_multiple %mul3A_423, 16 : i32
        %get3A_425 = arith.index_cast %multiple_of3A_424 : i32 to index
        %get3A_426 = tpu.vector_load %arg8[%get3A_425] {strides = array<i32>} : memref<4096xi32, #tpu.memory_space<vmem>>, vector<16xi32>,
        %not3A_427 = arith.constant dense<-1> : vector<16xi32>
        %not3A_428 = arith.xori %get3A_421, %not3A_427 : vector<16xi32>
        %shift_right_logical3A_429 = arith.constant 0 : i32
        %shift_right_logical3A_430 = vector.broadcast %shift_right_logical3A_429 : i32 to vector<16xi32>
        %shift_right_logical3A_431 = arith.shrui %not3A_428, %shift_right_logical3A_430 : vector<16xi32>
        %and3A_432 = arith.constant 2047 : i32
        %and3A_433 = vector.broadcast %and3A_432 : i32 to vector<16xi32>
        %and3A_434 = arith.andi %shift_right_logical3A_431, %and3A_433 : vector<16xi32>
        %broadcast_in_dim3A_435 = arith.constant true
        %broadcast_in_dim3A_436 = vector.broadcast %broadcast_in_dim3A_435 : i1 to vector<16xi1>
        %unique3A_437, %unique3A_438 = tpu.scan_count mask(%broadcast_in_dim3A_436 : vector<16xi1>) value(%and3A_434 : vector<16xi32>) : vector<16xi1>, vector<16xi32>
        %gather3A_439 = tpu.vector_load_idx %arg11[%and3A_434] : memref<2048xi32, #tpu.memory_space<vmem>>[vector<16xi32>], vector<16xi32>,
        %add3A_440 = arith.addi %gather3A_439, %unique3A_438 : vector<16xi32>
        %sub3A_441 = arith.constant 1 : i32
        %sub3A_442 = vector.broadcast %sub3A_441 : i32 to vector<16xi32>
        %sub3A_443 = arith.subi %add3A_440, %sub3A_442 : vector<16xi32>
        tpu.vector_store_idx %arg9[%sub3A_443], %get3A_421 : memref<4096xi32, #tpu.memory_space<vmem>>[vector<16xi32>], vector<16xi32>,
        tpu.vector_store_idx %arg10[%sub3A_443], %get3A_426 : memref<4096xi32, #tpu.memory_space<vmem>>[vector<16xi32>], vector<16xi32>,
        tpu.vector_store_idx %arg11[%and3A_434], %unique3A_438 masked %unique3A_437 {add = true} : memref<2048xi32, #tpu.memory_space<vmem>>[vector<16xi32>], vector<16xi32>, vector<16xi1>
        %mul3A_444 = arith.constant 8 : i32
        %mul3A_445 = arith.muli %while3A_291, %mul3A_444 : i32
        %add3A_446 = arith.constant 5 : i32
        %add3A_447 = arith.addi %mul3A_445, %add3A_446 : i32
        %mul3A_448 = arith.constant 16 : i32
        %mul3A_449 = arith.muli %add3A_447, %mul3A_448 : i32
        %multiple_of3A_450 = tpu.assume_multiple %mul3A_449, 16 : i32
        %get3A_451 = arith.index_cast %multiple_of3A_450 : i32 to index
        %get3A_452 = tpu.vector_load %arg7[%get3A_451] {strides = array<i32>} : memref<4096xi32, #tpu.memory_space<vmem>>, vector<16xi32>,
        %mul3A_453 = arith.constant 16 : i32
        %mul3A_454 = arith.muli %add3A_447, %mul3A_453 : i32
        %multiple_of3A_455 = tpu.assume_multiple %mul3A_454, 16 : i32
        %get3A_456 = arith.index_cast %multiple_of3A_455 : i32 to index
        %get3A_457 = tpu.vector_load %arg8[%get3A_456] {strides = array<i32>} : memref<4096xi32, #tpu.memory_space<vmem>>, vector<16xi32>,
        %not3A_458 = arith.constant dense<-1> : vector<16xi32>
        %not3A_459 = arith.xori %get3A_452, %not3A_458 : vector<16xi32>
        %shift_right_logical3A_460 = arith.constant 0 : i32
        %shift_right_logical3A_461 = vector.broadcast %shift_right_logical3A_460 : i32 to vector<16xi32>
        %shift_right_logical3A_462 = arith.shrui %not3A_459, %shift_right_logical3A_461 : vector<16xi32>
        %and3A_463 = arith.constant 2047 : i32
        %and3A_464 = vector.broadcast %and3A_463 : i32 to vector<16xi32>
        %and3A_465 = arith.andi %shift_right_logical3A_462, %and3A_464 : vector<16xi32>
        %broadcast_in_dim3A_466 = arith.constant true
        %broadcast_in_dim3A_467 = vector.broadcast %broadcast_in_dim3A_466 : i1 to vector<16xi1>
        %unique3A_468, %unique3A_469 = tpu.scan_count mask(%broadcast_in_dim3A_467 : vector<16xi1>) value(%and3A_465 : vector<16xi32>) : vector<16xi1>, vector<16xi32>
        %gather3A_470 = tpu.vector_load_idx %arg11[%and3A_465] : memref<2048xi32, #tpu.memory_space<vmem>>[vector<16xi32>], vector<16xi32>,
        %add3A_471 = arith.addi %gather3A_470, %unique3A_469 : vector<16xi32>
        %sub3A_472 = arith.constant 1 : i32
        %sub3A_473 = vector.broadcast %sub3A_472 : i32 to vector<16xi32>
        %sub3A_474 = arith.subi %add3A_471, %sub3A_473 : vector<16xi32>
        tpu.vector_store_idx %arg9[%sub3A_474], %get3A_452 : memref<4096xi32, #tpu.memory_space<vmem>>[vector<16xi32>], vector<16xi32>,
        tpu.vector_store_idx %arg10[%sub3A_474], %get3A_457 : memref<4096xi32, #tpu.memory_space<vmem>>[vector<16xi32>], vector<16xi32>,
        tpu.vector_store_idx %arg11[%and3A_465], %unique3A_469 masked %unique3A_468 {add = true} : memref<2048xi32, #tpu.memory_space<vmem>>[vector<16xi32>], vector<16xi32>, vector<16xi1>
        %mul3A_475 = arith.constant 8 : i32
        %mul3A_476 = arith.muli %while3A_291, %mul3A_475 : i32
        %add3A_477 = arith.constant 6 : i32
        %add3A_478 = arith.addi %mul3A_476, %add3A_477 : i32
        %mul3A_479 = arith.constant 16 : i32
        %mul3A_480 = arith.muli %add3A_478, %mul3A_479 : i32
        %multiple_of3A_481 = tpu.assume_multiple %mul3A_480, 16 : i32
        %get3A_482 = arith.index_cast %multiple_of3A_481 : i32 to index
        %get3A_483 = tpu.vector_load %arg7[%get3A_482] {strides = array<i32>} : memref<4096xi32, #tpu.memory_space<vmem>>, vector<16xi32>,
        %mul3A_484 = arith.constant 16 : i32
        %mul3A_485 = arith.muli %add3A_478, %mul3A_484 : i32
        %multiple_of3A_486 = tpu.assume_multiple %mul3A_485, 16 : i32
        %get3A_487 = arith.index_cast %multiple_of3A_486 : i32 to index
        %get3A_488 = tpu.vector_load %arg8[%get3A_487] {strides = array<i32>} : memref<4096xi32, #tpu.memory_space<vmem>>, vector<16xi32>,
        %not3A_489 = arith.constant dense<-1> : vector<16xi32>
        %not3A_490 = arith.xori %get3A_483, %not3A_489 : vector<16xi32>
        %shift_right_logical3A_491 = arith.constant 0 : i32
        %shift_right_logical3A_492 = vector.broadcast %shift_right_logical3A_491 : i32 to vector<16xi32>
        %shift_right_logical3A_493 = arith.shrui %not3A_490, %shift_right_logical3A_492 : vector<16xi32>
        %and3A_494 = arith.constant 2047 : i32
        %and3A_495 = vector.broadcast %and3A_494 : i32 to vector<16xi32>
        %and3A_496 = arith.andi %shift_right_logical3A_493, %and3A_495 : vector<16xi32>
        %broadcast_in_dim3A_497 = arith.constant true
        %broadcast_in_dim3A_498 = vector.broadcast %broadcast_in_dim3A_497 : i1 to vector<16xi1>
        %unique3A_499, %unique3A_500 = tpu.scan_count mask(%broadcast_in_dim3A_498 : vector<16xi1>) value(%and3A_496 : vector<16xi32>) : vector<16xi1>, vector<16xi32>
        %gather3A_501 = tpu.vector_load_idx %arg11[%and3A_496] : memref<2048xi32, #tpu.memory_space<vmem>>[vector<16xi32>], vector<16xi32>,
        %add3A_502 = arith.addi %gather3A_501, %unique3A_500 : vector<16xi32>
        %sub3A_503 = arith.constant 1 : i32
        %sub3A_504 = vector.broadcast %sub3A_503 : i32 to vector<16xi32>
        %sub3A_505 = arith.subi %add3A_502, %sub3A_504 : vector<16xi32>
        tpu.vector_store_idx %arg9[%sub3A_505], %get3A_483 : memref<4096xi32, #tpu.memory_space<vmem>>[vector<16xi32>], vector<16xi32>,
        tpu.vector_store_idx %arg10[%sub3A_505], %get3A_488 : memref<4096xi32, #tpu.memory_space<vmem>>[vector<16xi32>], vector<16xi32>,
        tpu.vector_store_idx %arg11[%and3A_496], %unique3A_500 masked %unique3A_499 {add = true} : memref<2048xi32, #tpu.memory_space<vmem>>[vector<16xi32>], vector<16xi32>, vector<16xi1>
        %mul3A_506 = arith.constant 8 : i32
        %mul3A_507 = arith.muli %while3A_291, %mul3A_506 : i32
        %add3A_508 = arith.constant 7 : i32
        %add3A_509 = arith.addi %mul3A_507, %add3A_508 : i32
        %mul3A_510 = arith.constant 16 : i32
        %mul3A_511 = arith.muli %add3A_509, %mul3A_510 : i32
        %multiple_of3A_512 = tpu.assume_multiple %mul3A_511, 16 : i32
        %get3A_513 = arith.index_cast %multiple_of3A_512 : i32 to index
        %get3A_514 = tpu.vector_load %arg7[%get3A_513] {strides = array<i32>} : memref<4096xi32, #tpu.memory_space<vmem>>, vector<16xi32>,
        %mul3A_515 = arith.constant 16 : i32
        %mul3A_516 = arith.muli %add3A_509, %mul3A_515 : i32
        %multiple_of3A_517 = tpu.assume_multiple %mul3A_516, 16 : i32
        %get3A_518 = arith.index_cast %multiple_of3A_517 : i32 to index
        %get3A_519 = tpu.vector_load %arg8[%get3A_518] {strides = array<i32>} : memref<4096xi32, #tpu.memory_space<vmem>>, vector<16xi32>,
        %not3A_520 = arith.constant dense<-1> : vector<16xi32>
        %not3A_521 = arith.xori %get3A_514, %not3A_520 : vector<16xi32>
        %shift_right_logical3A_522 = arith.constant 0 : i32
        %shift_right_logical3A_523 = vector.broadcast %shift_right_logical3A_522 : i32 to vector<16xi32>
        %shift_right_logical3A_524 = arith.shrui %not3A_521, %shift_right_logical3A_523 : vector<16xi32>
        %and3A_525 = arith.constant 2047 : i32
        %and3A_526 = vector.broadcast %and3A_525 : i32 to vector<16xi32>
        %and3A_527 = arith.andi %shift_right_logical3A_524, %and3A_526 : vector<16xi32>
        %broadcast_in_dim3A_528 = arith.constant true
        %broadcast_in_dim3A_529 = vector.broadcast %broadcast_in_dim3A_528 : i1 to vector<16xi1>
        %unique3A_530, %unique3A_531 = tpu.scan_count mask(%broadcast_in_dim3A_529 : vector<16xi1>) value(%and3A_527 : vector<16xi32>) : vector<16xi1>, vector<16xi32>
        %gather3A_532 = tpu.vector_load_idx %arg11[%and3A_527] : memref<2048xi32, #tpu.memory_space<vmem>>[vector<16xi32>], vector<16xi32>,
        %add3A_533 = arith.addi %gather3A_532, %unique3A_531 : vector<16xi32>
        %sub3A_534 = arith.constant 1 : i32
        %sub3A_535 = vector.broadcast %sub3A_534 : i32 to vector<16xi32>
        %sub3A_536 = arith.subi %add3A_533, %sub3A_535 : vector<16xi32>
        tpu.vector_store_idx %arg9[%sub3A_536], %get3A_514 : memref<4096xi32, #tpu.memory_space<vmem>>[vector<16xi32>], vector<16xi32>,
        tpu.vector_store_idx %arg10[%sub3A_536], %get3A_519 : memref<4096xi32, #tpu.memory_space<vmem>>[vector<16xi32>], vector<16xi32>,
        tpu.vector_store_idx %arg11[%and3A_527], %unique3A_531 masked %unique3A_530 {add = true} : memref<2048xi32, #tpu.memory_space<vmem>>[vector<16xi32>], vector<16xi32>, vector<16xi1>
        %while3A_537 = arith.constant 0 : i32
        scf.yield %while3A_537 : i32
      }
      %scan3A_209 = arith.constant 0 : i32
      %scan3A_210 = arith.constant 0 : i32
      %scan3A_211 = arith.constant 128 : i32
      %scan3A_212 = arith.addi %scan3A_210, %scan3A_211 : i32
      %scan3A_213 = arith.constant 8 : i32
      %scan3A_214 = scf.for %scan3A_291 = %scan3A_210 to %scan3A_212 step %scan3A_213 iter_args(%scan3A_292 = %scan3A_209) -> (i32)  : i32 {
        %mul3A_293 = arith.constant 16 : i32
        %mul3A_294 = arith.muli %scan3A_291, %mul3A_293 : i32
        %multiple_of3A = tpu.assume_multiple %mul3A_294, 16 : i32
        %swap3A_295 = arith.index_cast %multiple_of3A : i32 to index
        %swap3A_296 = tpu.vector_load %arg11[%swap3A_295] {strides = array<i32>} : memref<2048xi32, #tpu.memory_space<vmem>>, vector<16xi32>,
        tpu.vector_store %arg11[%swap3A_295], %broadcast_in_dim3A_3 {strides = array<i32>} : memref<2048xi32, #tpu.memory_space<vmem>>, vector<16xi32>,
        %scan3A_297 = arith.constant 0 : i32
        %scan3A_298 = arith.constant 1 : i32
        %scan3A_299 = arith.addi %scan3A_291, %scan3A_298 : i32
        %mul3A_300 = arith.constant 16 : i32
        %mul3A_301 = arith.muli %scan3A_299, %mul3A_300 : i32
        %multiple_of3A_302 = tpu.assume_multiple %mul3A_301, 16 : i32
        %swap3A_303 = arith.index_cast %multiple_of3A_302 : i32 to index
        %swap3A_304 = tpu.vector_load %arg11[%swap3A_303] {strides = array<i32>} : memref<2048xi32, #tpu.memory_space<vmem>>, vector<16xi32>,
        tpu.vector_store %arg11[%swap3A_303], %broadcast_in_dim3A_3 {strides = array<i32>} : memref<2048xi32, #tpu.memory_space<vmem>>, vector<16xi32>,
        %scan3A_305 = arith.constant 0 : i32
        %scan3A_306 = arith.constant 2 : i32
        %scan3A_307 = arith.addi %scan3A_291, %scan3A_306 : i32
        %mul3A_308 = arith.constant 16 : i32
        %mul3A_309 = arith.muli %scan3A_307, %mul3A_308 : i32
        %multiple_of3A_310 = tpu.assume_multiple %mul3A_309, 16 : i32
        %swap3A_311 = arith.index_cast %multiple_of3A_310 : i32 to index
        %swap3A_312 = tpu.vector_load %arg11[%swap3A_311] {strides = array<i32>} : memref<2048xi32, #tpu.memory_space<vmem>>, vector<16xi32>,
        tpu.vector_store %arg11[%swap3A_311], %broadcast_in_dim3A_3 {strides = array<i32>} : memref<2048xi32, #tpu.memory_space<vmem>>, vector<16xi32>,
        %scan3A_313 = arith.constant 0 : i32
        %scan3A_314 = arith.constant 3 : i32
        %scan3A_315 = arith.addi %scan3A_291, %scan3A_314 : i32
        %mul3A_316 = arith.constant 16 : i32
        %mul3A_317 = arith.muli %scan3A_315, %mul3A_316 : i32
        %multiple_of3A_318 = tpu.assume_multiple %mul3A_317, 16 : i32
        %swap3A_319 = arith.index_cast %multiple_of3A_318 : i32 to index
        %swap3A_320 = tpu.vector_load %arg11[%swap3A_319] {strides = array<i32>} : memref<2048xi32, #tpu.memory_space<vmem>>, vector<16xi32>,
        tpu.vector_store %arg11[%swap3A_319], %broadcast_in_dim3A_3 {strides = array<i32>} : memref<2048xi32, #tpu.memory_space<vmem>>, vector<16xi32>,
        %scan3A_321 = arith.constant 0 : i32
        %scan3A_322 = arith.constant 4 : i32
        %scan3A_323 = arith.addi %scan3A_291, %scan3A_322 : i32
        %mul3A_324 = arith.constant 16 : i32
        %mul3A_325 = arith.muli %scan3A_323, %mul3A_324 : i32
        %multiple_of3A_326 = tpu.assume_multiple %mul3A_325, 16 : i32
        %swap3A_327 = arith.index_cast %multiple_of3A_326 : i32 to index
        %swap3A_328 = tpu.vector_load %arg11[%swap3A_327] {strides = array<i32>} : memref<2048xi32, #tpu.memory_space<vmem>>, vector<16xi32>,
        tpu.vector_store %arg11[%swap3A_327], %broadcast_in_dim3A_3 {strides = array<i32>} : memref<2048xi32, #tpu.memory_space<vmem>>, vector<16xi32>,
        %scan3A_329 = arith.constant 0 : i32
        %scan3A_330 = arith.constant 5 : i32
        %scan3A_331 = arith.addi %scan3A_291, %scan3A_330 : i32
        %mul3A_332 = arith.constant 16 : i32
        %mul3A_333 = arith.muli %scan3A_331, %mul3A_332 : i32
        %multiple_of3A_334 = tpu.assume_multiple %mul3A_333, 16 : i32
        %swap3A_335 = arith.index_cast %multiple_of3A_334 : i32 to index
        %swap3A_336 = tpu.vector_load %arg11[%swap3A_335] {strides = array<i32>} : memref<2048xi32, #tpu.memory_space<vmem>>, vector<16xi32>,
        tpu.vector_store %arg11[%swap3A_335], %broadcast_in_dim3A_3 {strides = array<i32>} : memref<2048xi32, #tpu.memory_space<vmem>>, vector<16xi32>,
        %scan3A_337 = arith.constant 0 : i32
        %scan3A_338 = arith.constant 6 : i32
        %scan3A_339 = arith.addi %scan3A_291, %scan3A_338 : i32
        %mul3A_340 = arith.constant 16 : i32
        %mul3A_341 = arith.muli %scan3A_339, %mul3A_340 : i32
        %multiple_of3A_342 = tpu.assume_multiple %mul3A_341, 16 : i32
        %swap3A_343 = arith.index_cast %multiple_of3A_342 : i32 to index
        %swap3A_344 = tpu.vector_load %arg11[%swap3A_343] {strides = array<i32>} : memref<2048xi32, #tpu.memory_space<vmem>>, vector<16xi32>,
        tpu.vector_store %arg11[%swap3A_343], %broadcast_in_dim3A_3 {strides = array<i32>} : memref<2048xi32, #tpu.memory_space<vmem>>, vector<16xi32>,
        %scan3A_345 = arith.constant 0 : i32
        %scan3A_346 = arith.constant 7 : i32
        %scan3A_347 = arith.addi %scan3A_291, %scan3A_346 : i32
        %mul3A_348 = arith.constant 16 : i32
        %mul3A_349 = arith.muli %scan3A_347, %mul3A_348 : i32
        %multiple_of3A_350 = tpu.assume_multiple %mul3A_349, 16 : i32
        %swap3A_351 = arith.index_cast %multiple_of3A_350 : i32 to index
        %swap3A_352 = tpu.vector_load %arg11[%swap3A_351] {strides = array<i32>} : memref<2048xi32, #tpu.memory_space<vmem>>, vector<16xi32>,
        tpu.vector_store %arg11[%swap3A_351], %broadcast_in_dim3A_3 {strides = array<i32>} : memref<2048xi32, #tpu.memory_space<vmem>>, vector<16xi32>,
        %scan3A_353 = arith.constant 0 : i32
        scf.yield %scan3A_353 : i32
      }
      %scan3A_215 = arith.constant 128 : i32
      %while3A_216 = arith.constant 0 : i32
      %while3A_217 = arith.constant 0 : i32
      %while3A_218 = arith.subi %select_n3A, %while3A_216 : i32
      %while3A_219 = arith.addi %while3A_216, %while3A_218 : i32
      %while3A_220 = arith.constant 1 : i32
      %while3A_221 = arith.divsi %while3A_218, %while3A_220 : i32
      %while3A_222 = arith.muli %while3A_221, %while3A_220 : i32
      %while3A_223 = arith.addi %while3A_216, %while3A_222 : i32
      %while3A_224 = arith.constant 1 : i32
      %while3A_225 = scf.for %while3A_291 = %while3A_216 to %while3A_223 step %while3A_224 iter_args(%while3A_292 = %while3A_217) -> (i32)  : i32 {
        %mul3A_293 = arith.constant 8 : i32
        %mul3A_294 = arith.muli %while3A_291, %mul3A_293 : i32
        %add3A_295 = arith.constant 0 : i32
        %add3A_296 = arith.addi %mul3A_294, %add3A_295 : i32
        %mul3A_297 = arith.constant 16 : i32
        %mul3A_298 = arith.muli %add3A_296, %mul3A_297 : i32
        %multiple_of3A = tpu.assume_multiple %mul3A_298, 16 : i32
        %get3A_299 = arith.index_cast %multiple_of3A : i32 to index
        %get3A_300 = tpu.vector_load %arg9[%get3A_299] {strides = array<i32>} : memref<4096xi32, #tpu.memory_space<vmem>>, vector<16xi32>,
        %not3A_301 = arith.constant dense<-1> : vector<16xi32>
        %not3A_302 = arith.xori %get3A_300, %not3A_301 : vector<16xi32>
        %shift_right_logical3A = arith.constant 11 : i32
        %shift_right_logical3A_303 = vector.broadcast %shift_right_logical3A : i32 to vector<16xi32>
        %shift_right_logical3A_304 = arith.shrui %not3A_302, %shift_right_logical3A_303 : vector<16xi32>
        %and3A_305 = arith.constant 2047 : i32
        %and3A_306 = vector.broadcast %and3A_305 : i32 to vector<16xi32>
        %and3A_307 = arith.andi %shift_right_logical3A_304, %and3A_306 : vector<16xi32>
        %broadcast_in_dim3A_308 = arith.constant true
        %broadcast_in_dim3A_309 = vector.broadcast %broadcast_in_dim3A_308 : i1 to vector<16xi1>
        %unique3A, %unique3A_310 = tpu.scan_count mask(%broadcast_in_dim3A_309 : vector<16xi1>) value(%and3A_307 : vector<16xi32>) : vector<16xi1>, vector<16xi32>
        tpu.vector_store_idx %arg11[%and3A_307], %unique3A_310 masked %unique3A {add = true} : memref<2048xi32, #tpu.memory_space<vmem>>[vector<16xi32>], vector<16xi32>, vector<16xi1>
        %mul3A_311 = arith.constant 8 : i32
        %mul3A_312 = arith.muli %while3A_291, %mul3A_311 : i32
        %add3A_313 = arith.constant 1 : i32
        %add3A_314 = arith.addi %mul3A_312, %add3A_313 : i32
        %mul3A_315 = arith.constant 16 : i32
        %mul3A_316 = arith.muli %add3A_314, %mul3A_315 : i32
        %multiple_of3A_317 = tpu.assume_multiple %mul3A_316, 16 : i32
        %get3A_318 = arith.index_cast %multiple_of3A_317 : i32 to index
        %get3A_319 = tpu.vector_load %arg9[%get3A_318] {strides = array<i32>} : memref<4096xi32, #tpu.memory_space<vmem>>, vector<16xi32>,
        %not3A_320 = arith.constant dense<-1> : vector<16xi32>
        %not3A_321 = arith.xori %get3A_319, %not3A_320 : vector<16xi32>
        %shift_right_logical3A_322 = arith.constant 11 : i32
        %shift_right_logical3A_323 = vector.broadcast %shift_right_logical3A_322 : i32 to vector<16xi32>
        %shift_right_logical3A_324 = arith.shrui %not3A_321, %shift_right_logical3A_323 : vector<16xi32>
        %and3A_325 = arith.constant 2047 : i32
        %and3A_326 = vector.broadcast %and3A_325 : i32 to vector<16xi32>
        %and3A_327 = arith.andi %shift_right_logical3A_324, %and3A_326 : vector<16xi32>
        %broadcast_in_dim3A_328 = arith.constant true
        %broadcast_in_dim3A_329 = vector.broadcast %broadcast_in_dim3A_328 : i1 to vector<16xi1>
        %unique3A_330, %unique3A_331 = tpu.scan_count mask(%broadcast_in_dim3A_329 : vector<16xi1>) value(%and3A_327 : vector<16xi32>) : vector<16xi1>, vector<16xi32>
        tpu.vector_store_idx %arg11[%and3A_327], %unique3A_331 masked %unique3A_330 {add = true} : memref<2048xi32, #tpu.memory_space<vmem>>[vector<16xi32>], vector<16xi32>, vector<16xi1>
        %mul3A_332 = arith.constant 8 : i32
        %mul3A_333 = arith.muli %while3A_291, %mul3A_332 : i32
        %add3A_334 = arith.constant 2 : i32
        %add3A_335 = arith.addi %mul3A_333, %add3A_334 : i32
        %mul3A_336 = arith.constant 16 : i32
        %mul3A_337 = arith.muli %add3A_335, %mul3A_336 : i32
        %multiple_of3A_338 = tpu.assume_multiple %mul3A_337, 16 : i32
        %get3A_339 = arith.index_cast %multiple_of3A_338 : i32 to index
        %get3A_340 = tpu.vector_load %arg9[%get3A_339] {strides = array<i32>} : memref<4096xi32, #tpu.memory_space<vmem>>, vector<16xi32>,
        %not3A_341 = arith.constant dense<-1> : vector<16xi32>
        %not3A_342 = arith.xori %get3A_340, %not3A_341 : vector<16xi32>
        %shift_right_logical3A_343 = arith.constant 11 : i32
        %shift_right_logical3A_344 = vector.broadcast %shift_right_logical3A_343 : i32 to vector<16xi32>
        %shift_right_logical3A_345 = arith.shrui %not3A_342, %shift_right_logical3A_344 : vector<16xi32>
        %and3A_346 = arith.constant 2047 : i32
        %and3A_347 = vector.broadcast %and3A_346 : i32 to vector<16xi32>
        %and3A_348 = arith.andi %shift_right_logical3A_345, %and3A_347 : vector<16xi32>
        %broadcast_in_dim3A_349 = arith.constant true
        %broadcast_in_dim3A_350 = vector.broadcast %broadcast_in_dim3A_349 : i1 to vector<16xi1>
        %unique3A_351, %unique3A_352 = tpu.scan_count mask(%broadcast_in_dim3A_350 : vector<16xi1>) value(%and3A_348 : vector<16xi32>) : vector<16xi1>, vector<16xi32>
        tpu.vector_store_idx %arg11[%and3A_348], %unique3A_352 masked %unique3A_351 {add = true} : memref<2048xi32, #tpu.memory_space<vmem>>[vector<16xi32>], vector<16xi32>, vector<16xi1>
        %mul3A_353 = arith.constant 8 : i32
        %mul3A_354 = arith.muli %while3A_291, %mul3A_353 : i32
        %add3A_355 = arith.constant 3 : i32
        %add3A_356 = arith.addi %mul3A_354, %add3A_355 : i32
        %mul3A_357 = arith.constant 16 : i32
        %mul3A_358 = arith.muli %add3A_356, %mul3A_357 : i32
        %multiple_of3A_359 = tpu.assume_multiple %mul3A_358, 16 : i32
        %get3A_360 = arith.index_cast %multiple_of3A_359 : i32 to index
        %get3A_361 = tpu.vector_load %arg9[%get3A_360] {strides = array<i32>} : memref<4096xi32, #tpu.memory_space<vmem>>, vector<16xi32>,
        %not3A_362 = arith.constant dense<-1> : vector<16xi32>
        %not3A_363 = arith.xori %get3A_361, %not3A_362 : vector<16xi32>
        %shift_right_logical3A_364 = arith.constant 11 : i32
        %shift_right_logical3A_365 = vector.broadcast %shift_right_logical3A_364 : i32 to vector<16xi32>
        %shift_right_logical3A_366 = arith.shrui %not3A_363, %shift_right_logical3A_365 : vector<16xi32>
        %and3A_367 = arith.constant 2047 : i32
        %and3A_368 = vector.broadcast %and3A_367 : i32 to vector<16xi32>
        %and3A_369 = arith.andi %shift_right_logical3A_366, %and3A_368 : vector<16xi32>
        %broadcast_in_dim3A_370 = arith.constant true
        %broadcast_in_dim3A_371 = vector.broadcast %broadcast_in_dim3A_370 : i1 to vector<16xi1>
        %unique3A_372, %unique3A_373 = tpu.scan_count mask(%broadcast_in_dim3A_371 : vector<16xi1>) value(%and3A_369 : vector<16xi32>) : vector<16xi1>, vector<16xi32>
        tpu.vector_store_idx %arg11[%and3A_369], %unique3A_373 masked %unique3A_372 {add = true} : memref<2048xi32, #tpu.memory_space<vmem>>[vector<16xi32>], vector<16xi32>, vector<16xi1>
        %mul3A_374 = arith.constant 8 : i32
        %mul3A_375 = arith.muli %while3A_291, %mul3A_374 : i32
        %add3A_376 = arith.constant 4 : i32
        %add3A_377 = arith.addi %mul3A_375, %add3A_376 : i32
        %mul3A_378 = arith.constant 16 : i32
        %mul3A_379 = arith.muli %add3A_377, %mul3A_378 : i32
        %multiple_of3A_380 = tpu.assume_multiple %mul3A_379, 16 : i32
        %get3A_381 = arith.index_cast %multiple_of3A_380 : i32 to index
        %get3A_382 = tpu.vector_load %arg9[%get3A_381] {strides = array<i32>} : memref<4096xi32, #tpu.memory_space<vmem>>, vector<16xi32>,
        %not3A_383 = arith.constant dense<-1> : vector<16xi32>
        %not3A_384 = arith.xori %get3A_382, %not3A_383 : vector<16xi32>
        %shift_right_logical3A_385 = arith.constant 11 : i32
        %shift_right_logical3A_386 = vector.broadcast %shift_right_logical3A_385 : i32 to vector<16xi32>
        %shift_right_logical3A_387 = arith.shrui %not3A_384, %shift_right_logical3A_386 : vector<16xi32>
        %and3A_388 = arith.constant 2047 : i32
        %and3A_389 = vector.broadcast %and3A_388 : i32 to vector<16xi32>
        %and3A_390 = arith.andi %shift_right_logical3A_387, %and3A_389 : vector<16xi32>
        %broadcast_in_dim3A_391 = arith.constant true
        %broadcast_in_dim3A_392 = vector.broadcast %broadcast_in_dim3A_391 : i1 to vector<16xi1>
        %unique3A_393, %unique3A_394 = tpu.scan_count mask(%broadcast_in_dim3A_392 : vector<16xi1>) value(%and3A_390 : vector<16xi32>) : vector<16xi1>, vector<16xi32>
        tpu.vector_store_idx %arg11[%and3A_390], %unique3A_394 masked %unique3A_393 {add = true} : memref<2048xi32, #tpu.memory_space<vmem>>[vector<16xi32>], vector<16xi32>, vector<16xi1>
        %mul3A_395 = arith.constant 8 : i32
        %mul3A_396 = arith.muli %while3A_291, %mul3A_395 : i32
        %add3A_397 = arith.constant 5 : i32
        %add3A_398 = arith.addi %mul3A_396, %add3A_397 : i32
        %mul3A_399 = arith.constant 16 : i32
        %mul3A_400 = arith.muli %add3A_398, %mul3A_399 : i32
        %multiple_of3A_401 = tpu.assume_multiple %mul3A_400, 16 : i32
        %get3A_402 = arith.index_cast %multiple_of3A_401 : i32 to index
        %get3A_403 = tpu.vector_load %arg9[%get3A_402] {strides = array<i32>} : memref<4096xi32, #tpu.memory_space<vmem>>, vector<16xi32>,
        %not3A_404 = arith.constant dense<-1> : vector<16xi32>
        %not3A_405 = arith.xori %get3A_403, %not3A_404 : vector<16xi32>
        %shift_right_logical3A_406 = arith.constant 11 : i32
        %shift_right_logical3A_407 = vector.broadcast %shift_right_logical3A_406 : i32 to vector<16xi32>
        %shift_right_logical3A_408 = arith.shrui %not3A_405, %shift_right_logical3A_407 : vector<16xi32>
        %and3A_409 = arith.constant 2047 : i32
        %and3A_410 = vector.broadcast %and3A_409 : i32 to vector<16xi32>
        %and3A_411 = arith.andi %shift_right_logical3A_408, %and3A_410 : vector<16xi32>
        %broadcast_in_dim3A_412 = arith.constant true
        %broadcast_in_dim3A_413 = vector.broadcast %broadcast_in_dim3A_412 : i1 to vector<16xi1>
        %unique3A_414, %unique3A_415 = tpu.scan_count mask(%broadcast_in_dim3A_413 : vector<16xi1>) value(%and3A_411 : vector<16xi32>) : vector<16xi1>, vector<16xi32>
        tpu.vector_store_idx %arg11[%and3A_411], %unique3A_415 masked %unique3A_414 {add = true} : memref<2048xi32, #tpu.memory_space<vmem>>[vector<16xi32>], vector<16xi32>, vector<16xi1>
        %mul3A_416 = arith.constant 8 : i32
        %mul3A_417 = arith.muli %while3A_291, %mul3A_416 : i32
        %add3A_418 = arith.constant 6 : i32
        %add3A_419 = arith.addi %mul3A_417, %add3A_418 : i32
        %mul3A_420 = arith.constant 16 : i32
        %mul3A_421 = arith.muli %add3A_419, %mul3A_420 : i32
        %multiple_of3A_422 = tpu.assume_multiple %mul3A_421, 16 : i32
        %get3A_423 = arith.index_cast %multiple_of3A_422 : i32 to index
        %get3A_424 = tpu.vector_load %arg9[%get3A_423] {strides = array<i32>} : memref<4096xi32, #tpu.memory_space<vmem>>, vector<16xi32>,
        %not3A_425 = arith.constant dense<-1> : vector<16xi32>
        %not3A_426 = arith.xori %get3A_424, %not3A_425 : vector<16xi32>
        %shift_right_logical3A_427 = arith.constant 11 : i32
        %shift_right_logical3A_428 = vector.broadcast %shift_right_logical3A_427 : i32 to vector<16xi32>
        %shift_right_logical3A_429 = arith.shrui %not3A_426, %shift_right_logical3A_428 : vector<16xi32>
        %and3A_430 = arith.constant 2047 : i32
        %and3A_431 = vector.broadcast %and3A_430 : i32 to vector<16xi32>
        %and3A_432 = arith.andi %shift_right_logical3A_429, %and3A_431 : vector<16xi32>
        %broadcast_in_dim3A_433 = arith.constant true
        %broadcast_in_dim3A_434 = vector.broadcast %broadcast_in_dim3A_433 : i1 to vector<16xi1>
        %unique3A_435, %unique3A_436 = tpu.scan_count mask(%broadcast_in_dim3A_434 : vector<16xi1>) value(%and3A_432 : vector<16xi32>) : vector<16xi1>, vector<16xi32>
        tpu.vector_store_idx %arg11[%and3A_432], %unique3A_436 masked %unique3A_435 {add = true} : memref<2048xi32, #tpu.memory_space<vmem>>[vector<16xi32>], vector<16xi32>, vector<16xi1>
        %mul3A_437 = arith.constant 8 : i32
        %mul3A_438 = arith.muli %while3A_291, %mul3A_437 : i32
        %add3A_439 = arith.constant 7 : i32
        %add3A_440 = arith.addi %mul3A_438, %add3A_439 : i32
        %mul3A_441 = arith.constant 16 : i32
        %mul3A_442 = arith.muli %add3A_440, %mul3A_441 : i32
        %multiple_of3A_443 = tpu.assume_multiple %mul3A_442, 16 : i32
        %get3A_444 = arith.index_cast %multiple_of3A_443 : i32 to index
        %get3A_445 = tpu.vector_load %arg9[%get3A_444] {strides = array<i32>} : memref<4096xi32, #tpu.memory_space<vmem>>, vector<16xi32>,
        %not3A_446 = arith.constant dense<-1> : vector<16xi32>
        %not3A_447 = arith.xori %get3A_445, %not3A_446 : vector<16xi32>
        %shift_right_logical3A_448 = arith.constant 11 : i32
        %shift_right_logical3A_449 = vector.broadcast %shift_right_logical3A_448 : i32 to vector<16xi32>
        %shift_right_logical3A_450 = arith.shrui %not3A_447, %shift_right_logical3A_449 : vector<16xi32>
        %and3A_451 = arith.constant 2047 : i32
        %and3A_452 = vector.broadcast %and3A_451 : i32 to vector<16xi32>
        %and3A_453 = arith.andi %shift_right_logical3A_450, %and3A_452 : vector<16xi32>
        %broadcast_in_dim3A_454 = arith.constant true
        %broadcast_in_dim3A_455 = vector.broadcast %broadcast_in_dim3A_454 : i1 to vector<16xi1>
        %unique3A_456, %unique3A_457 = tpu.scan_count mask(%broadcast_in_dim3A_455 : vector<16xi1>) value(%and3A_453 : vector<16xi32>) : vector<16xi1>, vector<16xi32>
        tpu.vector_store_idx %arg11[%and3A_453], %unique3A_457 masked %unique3A_456 {add = true} : memref<2048xi32, #tpu.memory_space<vmem>>[vector<16xi32>], vector<16xi32>, vector<16xi1>
        %while3A_458 = arith.constant 0 : i32
        scf.yield %while3A_458 : i32
      }
      %while3A_226 = arith.constant 1 : i32
      %while3A_227 = scf.for %while3A_291 = %while3A_223 to %while3A_219 step %while3A_226 iter_args(%while3A_292 = %while3A_225) -> (i32)  : i32 {
        %mul3A_293 = arith.constant 8 : i32
        %mul3A_294 = arith.muli %while3A_291, %mul3A_293 : i32
        %add3A_295 = arith.constant 0 : i32
        %add3A_296 = arith.addi %mul3A_294, %add3A_295 : i32
        %mul3A_297 = arith.constant 16 : i32
        %mul3A_298 = arith.muli %add3A_296, %mul3A_297 : i32
        %multiple_of3A = tpu.assume_multiple %mul3A_298, 16 : i32
        %get3A_299 = arith.index_cast %multiple_of3A : i32 to index
        %get3A_300 = tpu.vector_load %arg9[%get3A_299] {strides = array<i32>} : memref<4096xi32, #tpu.memory_space<vmem>>, vector<16xi32>,
        %not3A_301 = arith.constant dense<-1> : vector<16xi32>
        %not3A_302 = arith.xori %get3A_300, %not3A_301 : vector<16xi32>
        %shift_right_logical3A = arith.constant 11 : i32
        %shift_right_logical3A_303 = vector.broadcast %shift_right_logical3A : i32 to vector<16xi32>
        %shift_right_logical3A_304 = arith.shrui %not3A_302, %shift_right_logical3A_303 : vector<16xi32>
        %and3A_305 = arith.constant 2047 : i32
        %and3A_306 = vector.broadcast %and3A_305 : i32 to vector<16xi32>
        %and3A_307 = arith.andi %shift_right_logical3A_304, %and3A_306 : vector<16xi32>
        %broadcast_in_dim3A_308 = arith.constant true
        %broadcast_in_dim3A_309 = vector.broadcast %broadcast_in_dim3A_308 : i1 to vector<16xi1>
        %unique3A, %unique3A_310 = tpu.scan_count mask(%broadcast_in_dim3A_309 : vector<16xi1>) value(%and3A_307 : vector<16xi32>) : vector<16xi1>, vector<16xi32>
        tpu.vector_store_idx %arg11[%and3A_307], %unique3A_310 masked %unique3A {add = true} : memref<2048xi32, #tpu.memory_space<vmem>>[vector<16xi32>], vector<16xi32>, vector<16xi1>
        %mul3A_311 = arith.constant 8 : i32
        %mul3A_312 = arith.muli %while3A_291, %mul3A_311 : i32
        %add3A_313 = arith.constant 1 : i32
        %add3A_314 = arith.addi %mul3A_312, %add3A_313 : i32
        %mul3A_315 = arith.constant 16 : i32
        %mul3A_316 = arith.muli %add3A_314, %mul3A_315 : i32
        %multiple_of3A_317 = tpu.assume_multiple %mul3A_316, 16 : i32
        %get3A_318 = arith.index_cast %multiple_of3A_317 : i32 to index
        %get3A_319 = tpu.vector_load %arg9[%get3A_318] {strides = array<i32>} : memref<4096xi32, #tpu.memory_space<vmem>>, vector<16xi32>,
        %not3A_320 = arith.constant dense<-1> : vector<16xi32>
        %not3A_321 = arith.xori %get3A_319, %not3A_320 : vector<16xi32>
        %shift_right_logical3A_322 = arith.constant 11 : i32
        %shift_right_logical3A_323 = vector.broadcast %shift_right_logical3A_322 : i32 to vector<16xi32>
        %shift_right_logical3A_324 = arith.shrui %not3A_321, %shift_right_logical3A_323 : vector<16xi32>
        %and3A_325 = arith.constant 2047 : i32
        %and3A_326 = vector.broadcast %and3A_325 : i32 to vector<16xi32>
        %and3A_327 = arith.andi %shift_right_logical3A_324, %and3A_326 : vector<16xi32>
        %broadcast_in_dim3A_328 = arith.constant true
        %broadcast_in_dim3A_329 = vector.broadcast %broadcast_in_dim3A_328 : i1 to vector<16xi1>
        %unique3A_330, %unique3A_331 = tpu.scan_count mask(%broadcast_in_dim3A_329 : vector<16xi1>) value(%and3A_327 : vector<16xi32>) : vector<16xi1>, vector<16xi32>
        tpu.vector_store_idx %arg11[%and3A_327], %unique3A_331 masked %unique3A_330 {add = true} : memref<2048xi32, #tpu.memory_space<vmem>>[vector<16xi32>], vector<16xi32>, vector<16xi1>
        %mul3A_332 = arith.constant 8 : i32
        %mul3A_333 = arith.muli %while3A_291, %mul3A_332 : i32
        %add3A_334 = arith.constant 2 : i32
        %add3A_335 = arith.addi %mul3A_333, %add3A_334 : i32
        %mul3A_336 = arith.constant 16 : i32
        %mul3A_337 = arith.muli %add3A_335, %mul3A_336 : i32
        %multiple_of3A_338 = tpu.assume_multiple %mul3A_337, 16 : i32
        %get3A_339 = arith.index_cast %multiple_of3A_338 : i32 to index
        %get3A_340 = tpu.vector_load %arg9[%get3A_339] {strides = array<i32>} : memref<4096xi32, #tpu.memory_space<vmem>>, vector<16xi32>,
        %not3A_341 = arith.constant dense<-1> : vector<16xi32>
        %not3A_342 = arith.xori %get3A_340, %not3A_341 : vector<16xi32>
        %shift_right_logical3A_343 = arith.constant 11 : i32
        %shift_right_logical3A_344 = vector.broadcast %shift_right_logical3A_343 : i32 to vector<16xi32>
        %shift_right_logical3A_345 = arith.shrui %not3A_342, %shift_right_logical3A_344 : vector<16xi32>
        %and3A_346 = arith.constant 2047 : i32
        %and3A_347 = vector.broadcast %and3A_346 : i32 to vector<16xi32>
        %and3A_348 = arith.andi %shift_right_logical3A_345, %and3A_347 : vector<16xi32>
        %broadcast_in_dim3A_349 = arith.constant true
        %broadcast_in_dim3A_350 = vector.broadcast %broadcast_in_dim3A_349 : i1 to vector<16xi1>
        %unique3A_351, %unique3A_352 = tpu.scan_count mask(%broadcast_in_dim3A_350 : vector<16xi1>) value(%and3A_348 : vector<16xi32>) : vector<16xi1>, vector<16xi32>
        tpu.vector_store_idx %arg11[%and3A_348], %unique3A_352 masked %unique3A_351 {add = true} : memref<2048xi32, #tpu.memory_space<vmem>>[vector<16xi32>], vector<16xi32>, vector<16xi1>
        %mul3A_353 = arith.constant 8 : i32
        %mul3A_354 = arith.muli %while3A_291, %mul3A_353 : i32
        %add3A_355 = arith.constant 3 : i32
        %add3A_356 = arith.addi %mul3A_354, %add3A_355 : i32
        %mul3A_357 = arith.constant 16 : i32
        %mul3A_358 = arith.muli %add3A_356, %mul3A_357 : i32
        %multiple_of3A_359 = tpu.assume_multiple %mul3A_358, 16 : i32
        %get3A_360 = arith.index_cast %multiple_of3A_359 : i32 to index
        %get3A_361 = tpu.vector_load %arg9[%get3A_360] {strides = array<i32>} : memref<4096xi32, #tpu.memory_space<vmem>>, vector<16xi32>,
        %not3A_362 = arith.constant dense<-1> : vector<16xi32>
        %not3A_363 = arith.xori %get3A_361, %not3A_362 : vector<16xi32>
        %shift_right_logical3A_364 = arith.constant 11 : i32
        %shift_right_logical3A_365 = vector.broadcast %shift_right_logical3A_364 : i32 to vector<16xi32>
        %shift_right_logical3A_366 = arith.shrui %not3A_363, %shift_right_logical3A_365 : vector<16xi32>
        %and3A_367 = arith.constant 2047 : i32
        %and3A_368 = vector.broadcast %and3A_367 : i32 to vector<16xi32>
        %and3A_369 = arith.andi %shift_right_logical3A_366, %and3A_368 : vector<16xi32>
        %broadcast_in_dim3A_370 = arith.constant true
        %broadcast_in_dim3A_371 = vector.broadcast %broadcast_in_dim3A_370 : i1 to vector<16xi1>
        %unique3A_372, %unique3A_373 = tpu.scan_count mask(%broadcast_in_dim3A_371 : vector<16xi1>) value(%and3A_369 : vector<16xi32>) : vector<16xi1>, vector<16xi32>
        tpu.vector_store_idx %arg11[%and3A_369], %unique3A_373 masked %unique3A_372 {add = true} : memref<2048xi32, #tpu.memory_space<vmem>>[vector<16xi32>], vector<16xi32>, vector<16xi1>
        %mul3A_374 = arith.constant 8 : i32
        %mul3A_375 = arith.muli %while3A_291, %mul3A_374 : i32
        %add3A_376 = arith.constant 4 : i32
        %add3A_377 = arith.addi %mul3A_375, %add3A_376 : i32
        %mul3A_378 = arith.constant 16 : i32
        %mul3A_379 = arith.muli %add3A_377, %mul3A_378 : i32
        %multiple_of3A_380 = tpu.assume_multiple %mul3A_379, 16 : i32
        %get3A_381 = arith.index_cast %multiple_of3A_380 : i32 to index
        %get3A_382 = tpu.vector_load %arg9[%get3A_381] {strides = array<i32>} : memref<4096xi32, #tpu.memory_space<vmem>>, vector<16xi32>,
        %not3A_383 = arith.constant dense<-1> : vector<16xi32>
        %not3A_384 = arith.xori %get3A_382, %not3A_383 : vector<16xi32>
        %shift_right_logical3A_385 = arith.constant 11 : i32
        %shift_right_logical3A_386 = vector.broadcast %shift_right_logical3A_385 : i32 to vector<16xi32>
        %shift_right_logical3A_387 = arith.shrui %not3A_384, %shift_right_logical3A_386 : vector<16xi32>
        %and3A_388 = arith.constant 2047 : i32
        %and3A_389 = vector.broadcast %and3A_388 : i32 to vector<16xi32>
        %and3A_390 = arith.andi %shift_right_logical3A_387, %and3A_389 : vector<16xi32>
        %broadcast_in_dim3A_391 = arith.constant true
        %broadcast_in_dim3A_392 = vector.broadcast %broadcast_in_dim3A_391 : i1 to vector<16xi1>
        %unique3A_393, %unique3A_394 = tpu.scan_count mask(%broadcast_in_dim3A_392 : vector<16xi1>) value(%and3A_390 : vector<16xi32>) : vector<16xi1>, vector<16xi32>
        tpu.vector_store_idx %arg11[%and3A_390], %unique3A_394 masked %unique3A_393 {add = true} : memref<2048xi32, #tpu.memory_space<vmem>>[vector<16xi32>], vector<16xi32>, vector<16xi1>
        %mul3A_395 = arith.constant 8 : i32
        %mul3A_396 = arith.muli %while3A_291, %mul3A_395 : i32
        %add3A_397 = arith.constant 5 : i32
        %add3A_398 = arith.addi %mul3A_396, %add3A_397 : i32
        %mul3A_399 = arith.constant 16 : i32
        %mul3A_400 = arith.muli %add3A_398, %mul3A_399 : i32
        %multiple_of3A_401 = tpu.assume_multiple %mul3A_400, 16 : i32
        %get3A_402 = arith.index_cast %multiple_of3A_401 : i32 to index
        %get3A_403 = tpu.vector_load %arg9[%get3A_402] {strides = array<i32>} : memref<4096xi32, #tpu.memory_space<vmem>>, vector<16xi32>,
        %not3A_404 = arith.constant dense<-1> : vector<16xi32>
        %not3A_405 = arith.xori %get3A_403, %not3A_404 : vector<16xi32>
        %shift_right_logical3A_406 = arith.constant 11 : i32
        %shift_right_logical3A_407 = vector.broadcast %shift_right_logical3A_406 : i32 to vector<16xi32>
        %shift_right_logical3A_408 = arith.shrui %not3A_405, %shift_right_logical3A_407 : vector<16xi32>
        %and3A_409 = arith.constant 2047 : i32
        %and3A_410 = vector.broadcast %and3A_409 : i32 to vector<16xi32>
        %and3A_411 = arith.andi %shift_right_logical3A_408, %and3A_410 : vector<16xi32>
        %broadcast_in_dim3A_412 = arith.constant true
        %broadcast_in_dim3A_413 = vector.broadcast %broadcast_in_dim3A_412 : i1 to vector<16xi1>
        %unique3A_414, %unique3A_415 = tpu.scan_count mask(%broadcast_in_dim3A_413 : vector<16xi1>) value(%and3A_411 : vector<16xi32>) : vector<16xi1>, vector<16xi32>
        tpu.vector_store_idx %arg11[%and3A_411], %unique3A_415 masked %unique3A_414 {add = true} : memref<2048xi32, #tpu.memory_space<vmem>>[vector<16xi32>], vector<16xi32>, vector<16xi1>
        %mul3A_416 = arith.constant 8 : i32
        %mul3A_417 = arith.muli %while3A_291, %mul3A_416 : i32
        %add3A_418 = arith.constant 6 : i32
        %add3A_419 = arith.addi %mul3A_417, %add3A_418 : i32
        %mul3A_420 = arith.constant 16 : i32
        %mul3A_421 = arith.muli %add3A_419, %mul3A_420 : i32
        %multiple_of3A_422 = tpu.assume_multiple %mul3A_421, 16 : i32
        %get3A_423 = arith.index_cast %multiple_of3A_422 : i32 to index
        %get3A_424 = tpu.vector_load %arg9[%get3A_423] {strides = array<i32>} : memref<4096xi32, #tpu.memory_space<vmem>>, vector<16xi32>,
        %not3A_425 = arith.constant dense<-1> : vector<16xi32>
        %not3A_426 = arith.xori %get3A_424, %not3A_425 : vector<16xi32>
        %shift_right_logical3A_427 = arith.constant 11 : i32
        %shift_right_logical3A_428 = vector.broadcast %shift_right_logical3A_427 : i32 to vector<16xi32>
        %shift_right_logical3A_429 = arith.shrui %not3A_426, %shift_right_logical3A_428 : vector<16xi32>
        %and3A_430 = arith.constant 2047 : i32
        %and3A_431 = vector.broadcast %and3A_430 : i32 to vector<16xi32>
        %and3A_432 = arith.andi %shift_right_logical3A_429, %and3A_431 : vector<16xi32>
        %broadcast_in_dim3A_433 = arith.constant true
        %broadcast_in_dim3A_434 = vector.broadcast %broadcast_in_dim3A_433 : i1 to vector<16xi1>
        %unique3A_435, %unique3A_436 = tpu.scan_count mask(%broadcast_in_dim3A_434 : vector<16xi1>) value(%and3A_432 : vector<16xi32>) : vector<16xi1>, vector<16xi32>
        tpu.vector_store_idx %arg11[%and3A_432], %unique3A_436 masked %unique3A_435 {add = true} : memref<2048xi32, #tpu.memory_space<vmem>>[vector<16xi32>], vector<16xi32>, vector<16xi1>
        %mul3A_437 = arith.constant 8 : i32
        %mul3A_438 = arith.muli %while3A_291, %mul3A_437 : i32
        %add3A_439 = arith.constant 7 : i32
        %add3A_440 = arith.addi %mul3A_438, %add3A_439 : i32
        %mul3A_441 = arith.constant 16 : i32
        %mul3A_442 = arith.muli %add3A_440, %mul3A_441 : i32
        %multiple_of3A_443 = tpu.assume_multiple %mul3A_442, 16 : i32
        %get3A_444 = arith.index_cast %multiple_of3A_443 : i32 to index
        %get3A_445 = tpu.vector_load %arg9[%get3A_444] {strides = array<i32>} : memref<4096xi32, #tpu.memory_space<vmem>>, vector<16xi32>,
        %not3A_446 = arith.constant dense<-1> : vector<16xi32>
        %not3A_447 = arith.xori %get3A_445, %not3A_446 : vector<16xi32>
        %shift_right_logical3A_448 = arith.constant 11 : i32
        %shift_right_logical3A_449 = vector.broadcast %shift_right_logical3A_448 : i32 to vector<16xi32>
        %shift_right_logical3A_450 = arith.shrui %not3A_447, %shift_right_logical3A_449 : vector<16xi32>
        %and3A_451 = arith.constant 2047 : i32
        %and3A_452 = vector.broadcast %and3A_451 : i32 to vector<16xi32>
        %and3A_453 = arith.andi %shift_right_logical3A_450, %and3A_452 : vector<16xi32>
        %broadcast_in_dim3A_454 = arith.constant true
        %broadcast_in_dim3A_455 = vector.broadcast %broadcast_in_dim3A_454 : i1 to vector<16xi1>
        %unique3A_456, %unique3A_457 = tpu.scan_count mask(%broadcast_in_dim3A_455 : vector<16xi1>) value(%and3A_453 : vector<16xi32>) : vector<16xi1>, vector<16xi32>
        tpu.vector_store_idx %arg11[%and3A_453], %unique3A_457 masked %unique3A_456 {add = true} : memref<2048xi32, #tpu.memory_space<vmem>>[vector<16xi32>], vector<16xi32>, vector<16xi1>
        %while3A_458 = arith.constant 0 : i32
        scf.yield %while3A_458 : i32
      }
      %scan3A_228 = arith.constant 0 : i32
      %scan3A_229 = arith.constant 128 : i32
      %scan3A_230 = arith.addi %scan3A_228, %scan3A_229 : i32
      %scan3A_231 = arith.constant 2 : i32
      %scan3A_232 = scf.for %scan3A_291 = %scan3A_228 to %scan3A_230 step %scan3A_231 iter_args(%scan3A_292 = %broadcast_in_dim3A_3) -> (vector<16xi32>)  : i32 {
        %mul3A_293 = arith.constant 16 : i32
        %mul3A_294 = arith.muli %scan3A_291, %mul3A_293 : i32
        %multiple_of3A = tpu.assume_multiple %mul3A_294, 16 : i32
        %get3A_295 = arith.index_cast %multiple_of3A : i32 to index
        %get3A_296 = tpu.vector_load %arg11[%get3A_295] {strides = array<i32>} : memref<2048xi32, #tpu.memory_space<vmem>>, vector<16xi32>,
        %broadcast_in_dim3A_297 = arith.constant true
        %broadcast_in_dim3A_298 = vector.broadcast %broadcast_in_dim3A_297 : i1 to vector<16xi1>
        %masked_cumsum3A = tpu.scan <sum>, %get3A_296 masked %broadcast_in_dim3A_298 : vector<16xi32>, vector<16xi1> -> vector<16xi32>
        %sub3A_299 = arith.subi %masked_cumsum3A, %get3A_296 : vector<16xi32>
        %add3A_300 = arith.addi %sub3A_299, %scan3A_292 : vector<16xi32>
        %mul3A_301 = arith.constant 16 : i32
        %mul3A_302 = arith.muli %scan3A_291, %mul3A_301 : i32
        %multiple_of3A_303 = tpu.assume_multiple %mul3A_302, 16 : i32
        %swap3A_304 = arith.index_cast %multiple_of3A_303 : i32 to index
        %swap3A_305 = tpu.vector_load %arg11[%swap3A_304] {strides = array<i32>} : memref<2048xi32, #tpu.memory_space<vmem>>, vector<16xi32>,
        tpu.vector_store %arg11[%swap3A_304], %add3A_300 {strides = array<i32>} : memref<2048xi32, #tpu.memory_space<vmem>>, vector<16xi32>,
        %broadcast_in_dim3A_306 = arith.constant 15 : i32
        %broadcast_in_dim3A_307 = vector.broadcast %broadcast_in_dim3A_306 : i32 to vector<16xi32>
        %broadcast_in_dim3A_308 = vector.shape_cast %broadcast_in_dim3A_307 : vector<16xi32> to vector<16x1xi32>
        %gather3A = vector.shape_cast %broadcast_in_dim3A_308 : vector<16x1xi32> to vector<16xi32>
        %gather3A_309 = tpu.dynamic_gather %masked_cumsum3A[%gather3A] in [0] : vector<16xi32>, vector<16xi32> -> vector<16xi32>
        %add3A_310 = arith.addi %gather3A_309, %scan3A_292 : vector<16xi32>
        %scan3A_311 = arith.constant 1 : i32
        %scan3A_312 = arith.addi %scan3A_291, %scan3A_311 : i32
        %mul3A_313 = arith.constant 16 : i32
        %mul3A_314 = arith.muli %scan3A_312, %mul3A_313 : i32
        %multiple_of3A_315 = tpu.assume_multiple %mul3A_314, 16 : i32
        %get3A_316 = arith.index_cast %multiple_of3A_315 : i32 to index
        %get3A_317 = tpu.vector_load %arg11[%get3A_316] {strides = array<i32>} : memref<2048xi32, #tpu.memory_space<vmem>>, vector<16xi32>,
        %broadcast_in_dim3A_318 = arith.constant true
        %broadcast_in_dim3A_319 = vector.broadcast %broadcast_in_dim3A_318 : i1 to vector<16xi1>
        %masked_cumsum3A_320 = tpu.scan <sum>, %get3A_317 masked %broadcast_in_dim3A_319 : vector<16xi32>, vector<16xi1> -> vector<16xi32>
        %sub3A_321 = arith.subi %masked_cumsum3A_320, %get3A_317 : vector<16xi32>
        %add3A_322 = arith.addi %sub3A_321, %add3A_310 : vector<16xi32>
        %mul3A_323 = arith.constant 16 : i32
        %mul3A_324 = arith.muli %scan3A_312, %mul3A_323 : i32
        %multiple_of3A_325 = tpu.assume_multiple %mul3A_324, 16 : i32
        %swap3A_326 = arith.index_cast %multiple_of3A_325 : i32 to index
        %swap3A_327 = tpu.vector_load %arg11[%swap3A_326] {strides = array<i32>} : memref<2048xi32, #tpu.memory_space<vmem>>, vector<16xi32>,
        tpu.vector_store %arg11[%swap3A_326], %add3A_322 {strides = array<i32>} : memref<2048xi32, #tpu.memory_space<vmem>>, vector<16xi32>,
        %broadcast_in_dim3A_328 = arith.constant 15 : i32
        %broadcast_in_dim3A_329 = vector.broadcast %broadcast_in_dim3A_328 : i32 to vector<16xi32>
        %broadcast_in_dim3A_330 = vector.shape_cast %broadcast_in_dim3A_329 : vector<16xi32> to vector<16x1xi32>
        %gather3A_331 = vector.shape_cast %broadcast_in_dim3A_330 : vector<16x1xi32> to vector<16xi32>
        %gather3A_332 = tpu.dynamic_gather %masked_cumsum3A_320[%gather3A_331] in [0] : vector<16xi32>, vector<16xi32> -> vector<16xi32>
        %add3A_333 = arith.addi %gather3A_332, %add3A_310 : vector<16xi32>
        scf.yield %add3A_333 : vector<16xi32>
      }
      %scan3A_233 = arith.constant 128 : i32
      %while3A_234 = arith.constant 0 : i32
      %while3A_235 = arith.constant 0 : i32
      %while3A_236 = arith.subi %select_n3A, %while3A_234 : i32
      %while3A_237 = arith.addi %while3A_234, %while3A_236 : i32
      %while3A_238 = arith.constant 1 : i32
      %while3A_239 = arith.divsi %while3A_236, %while3A_238 : i32
      %while3A_240 = arith.muli %while3A_239, %while3A_238 : i32
      %while3A_241 = arith.addi %while3A_234, %while3A_240 : i32
      %while3A_242 = arith.constant 1 : i32
      %while3A_243 = scf.for %while3A_291 = %while3A_234 to %while3A_241 step %while3A_242 iter_args(%while3A_292 = %while3A_235) -> (i32)  : i32 {
        %mul3A_293 = arith.constant 8 : i32
        %mul3A_294 = arith.muli %while3A_291, %mul3A_293 : i32
        %add3A_295 = arith.constant 0 : i32
        %add3A_296 = arith.addi %mul3A_294, %add3A_295 : i32
        %mul3A_297 = arith.constant 16 : i32
        %mul3A_298 = arith.muli %add3A_296, %mul3A_297 : i32
        %multiple_of3A = tpu.assume_multiple %mul3A_298, 16 : i32
        %get3A_299 = arith.index_cast %multiple_of3A : i32 to index
        %get3A_300 = tpu.vector_load %arg9[%get3A_299] {strides = array<i32>} : memref<4096xi32, #tpu.memory_space<vmem>>, vector<16xi32>,
        %mul3A_301 = arith.constant 16 : i32
        %mul3A_302 = arith.muli %add3A_296, %mul3A_301 : i32
        %multiple_of3A_303 = tpu.assume_multiple %mul3A_302, 16 : i32
        %get3A_304 = arith.index_cast %multiple_of3A_303 : i32 to index
        %get3A_305 = tpu.vector_load %arg10[%get3A_304] {strides = array<i32>} : memref<4096xi32, #tpu.memory_space<vmem>>, vector<16xi32>,
        %not3A_306 = arith.constant dense<-1> : vector<16xi32>
        %not3A_307 = arith.xori %get3A_300, %not3A_306 : vector<16xi32>
        %shift_right_logical3A = arith.constant 11 : i32
        %shift_right_logical3A_308 = vector.broadcast %shift_right_logical3A : i32 to vector<16xi32>
        %shift_right_logical3A_309 = arith.shrui %not3A_307, %shift_right_logical3A_308 : vector<16xi32>
        %and3A_310 = arith.constant 2047 : i32
        %and3A_311 = vector.broadcast %and3A_310 : i32 to vector<16xi32>
        %and3A_312 = arith.andi %shift_right_logical3A_309, %and3A_311 : vector<16xi32>
        %broadcast_in_dim3A_313 = arith.constant true
        %broadcast_in_dim3A_314 = vector.broadcast %broadcast_in_dim3A_313 : i1 to vector<16xi1>
        %unique3A, %unique3A_315 = tpu.scan_count mask(%broadcast_in_dim3A_314 : vector<16xi1>) value(%and3A_312 : vector<16xi32>) : vector<16xi1>, vector<16xi32>
        %gather3A = tpu.vector_load_idx %arg11[%and3A_312] : memref<2048xi32, #tpu.memory_space<vmem>>[vector<16xi32>], vector<16xi32>,
        %add3A_316 = arith.addi %gather3A, %unique3A_315 : vector<16xi32>
        %sub3A_317 = arith.constant 1 : i32
        %sub3A_318 = vector.broadcast %sub3A_317 : i32 to vector<16xi32>
        %sub3A_319 = arith.subi %add3A_316, %sub3A_318 : vector<16xi32>
        tpu.vector_store_idx %arg7[%sub3A_319], %get3A_300 : memref<4096xi32, #tpu.memory_space<vmem>>[vector<16xi32>], vector<16xi32>,
        tpu.vector_store_idx %arg8[%sub3A_319], %get3A_305 : memref<4096xi32, #tpu.memory_space<vmem>>[vector<16xi32>], vector<16xi32>,
        tpu.vector_store_idx %arg11[%and3A_312], %unique3A_315 masked %unique3A {add = true} : memref<2048xi32, #tpu.memory_space<vmem>>[vector<16xi32>], vector<16xi32>, vector<16xi1>
        %mul3A_320 = arith.constant 8 : i32
        %mul3A_321 = arith.muli %while3A_291, %mul3A_320 : i32
        %add3A_322 = arith.constant 1 : i32
        %add3A_323 = arith.addi %mul3A_321, %add3A_322 : i32
        %mul3A_324 = arith.constant 16 : i32
        %mul3A_325 = arith.muli %add3A_323, %mul3A_324 : i32
        %multiple_of3A_326 = tpu.assume_multiple %mul3A_325, 16 : i32
        %get3A_327 = arith.index_cast %multiple_of3A_326 : i32 to index
        %get3A_328 = tpu.vector_load %arg9[%get3A_327] {strides = array<i32>} : memref<4096xi32, #tpu.memory_space<vmem>>, vector<16xi32>,
        %mul3A_329 = arith.constant 16 : i32
        %mul3A_330 = arith.muli %add3A_323, %mul3A_329 : i32
        %multiple_of3A_331 = tpu.assume_multiple %mul3A_330, 16 : i32
        %get3A_332 = arith.index_cast %multiple_of3A_331 : i32 to index
        %get3A_333 = tpu.vector_load %arg10[%get3A_332] {strides = array<i32>} : memref<4096xi32, #tpu.memory_space<vmem>>, vector<16xi32>,
        %not3A_334 = arith.constant dense<-1> : vector<16xi32>
        %not3A_335 = arith.xori %get3A_328, %not3A_334 : vector<16xi32>
        %shift_right_logical3A_336 = arith.constant 11 : i32
        %shift_right_logical3A_337 = vector.broadcast %shift_right_logical3A_336 : i32 to vector<16xi32>
        %shift_right_logical3A_338 = arith.shrui %not3A_335, %shift_right_logical3A_337 : vector<16xi32>
        %and3A_339 = arith.constant 2047 : i32
        %and3A_340 = vector.broadcast %and3A_339 : i32 to vector<16xi32>
        %and3A_341 = arith.andi %shift_right_logical3A_338, %and3A_340 : vector<16xi32>
        %broadcast_in_dim3A_342 = arith.constant true
        %broadcast_in_dim3A_343 = vector.broadcast %broadcast_in_dim3A_342 : i1 to vector<16xi1>
        %unique3A_344, %unique3A_345 = tpu.scan_count mask(%broadcast_in_dim3A_343 : vector<16xi1>) value(%and3A_341 : vector<16xi32>) : vector<16xi1>, vector<16xi32>
        %gather3A_346 = tpu.vector_load_idx %arg11[%and3A_341] : memref<2048xi32, #tpu.memory_space<vmem>>[vector<16xi32>], vector<16xi32>,
        %add3A_347 = arith.addi %gather3A_346, %unique3A_345 : vector<16xi32>
        %sub3A_348 = arith.constant 1 : i32
        %sub3A_349 = vector.broadcast %sub3A_348 : i32 to vector<16xi32>
        %sub3A_350 = arith.subi %add3A_347, %sub3A_349 : vector<16xi32>
        tpu.vector_store_idx %arg7[%sub3A_350], %get3A_328 : memref<4096xi32, #tpu.memory_space<vmem>>[vector<16xi32>], vector<16xi32>,
        tpu.vector_store_idx %arg8[%sub3A_350], %get3A_333 : memref<4096xi32, #tpu.memory_space<vmem>>[vector<16xi32>], vector<16xi32>,
        tpu.vector_store_idx %arg11[%and3A_341], %unique3A_345 masked %unique3A_344 {add = true} : memref<2048xi32, #tpu.memory_space<vmem>>[vector<16xi32>], vector<16xi32>, vector<16xi1>
        %mul3A_351 = arith.constant 8 : i32
        %mul3A_352 = arith.muli %while3A_291, %mul3A_351 : i32
        %add3A_353 = arith.constant 2 : i32
        %add3A_354 = arith.addi %mul3A_352, %add3A_353 : i32
        %mul3A_355 = arith.constant 16 : i32
        %mul3A_356 = arith.muli %add3A_354, %mul3A_355 : i32
        %multiple_of3A_357 = tpu.assume_multiple %mul3A_356, 16 : i32
        %get3A_358 = arith.index_cast %multiple_of3A_357 : i32 to index
        %get3A_359 = tpu.vector_load %arg9[%get3A_358] {strides = array<i32>} : memref<4096xi32, #tpu.memory_space<vmem>>, vector<16xi32>,
        %mul3A_360 = arith.constant 16 : i32
        %mul3A_361 = arith.muli %add3A_354, %mul3A_360 : i32
        %multiple_of3A_362 = tpu.assume_multiple %mul3A_361, 16 : i32
        %get3A_363 = arith.index_cast %multiple_of3A_362 : i32 to index
        %get3A_364 = tpu.vector_load %arg10[%get3A_363] {strides = array<i32>} : memref<4096xi32, #tpu.memory_space<vmem>>, vector<16xi32>,
        %not3A_365 = arith.constant dense<-1> : vector<16xi32>
        %not3A_366 = arith.xori %get3A_359, %not3A_365 : vector<16xi32>
        %shift_right_logical3A_367 = arith.constant 11 : i32
        %shift_right_logical3A_368 = vector.broadcast %shift_right_logical3A_367 : i32 to vector<16xi32>
        %shift_right_logical3A_369 = arith.shrui %not3A_366, %shift_right_logical3A_368 : vector<16xi32>
        %and3A_370 = arith.constant 2047 : i32
        %and3A_371 = vector.broadcast %and3A_370 : i32 to vector<16xi32>
        %and3A_372 = arith.andi %shift_right_logical3A_369, %and3A_371 : vector<16xi32>
        %broadcast_in_dim3A_373 = arith.constant true
        %broadcast_in_dim3A_374 = vector.broadcast %broadcast_in_dim3A_373 : i1 to vector<16xi1>
        %unique3A_375, %unique3A_376 = tpu.scan_count mask(%broadcast_in_dim3A_374 : vector<16xi1>) value(%and3A_372 : vector<16xi32>) : vector<16xi1>, vector<16xi32>
        %gather3A_377 = tpu.vector_load_idx %arg11[%and3A_372] : memref<2048xi32, #tpu.memory_space<vmem>>[vector<16xi32>], vector<16xi32>,
        %add3A_378 = arith.addi %gather3A_377, %unique3A_376 : vector<16xi32>
        %sub3A_379 = arith.constant 1 : i32
        %sub3A_380 = vector.broadcast %sub3A_379 : i32 to vector<16xi32>
        %sub3A_381 = arith.subi %add3A_378, %sub3A_380 : vector<16xi32>
        tpu.vector_store_idx %arg7[%sub3A_381], %get3A_359 : memref<4096xi32, #tpu.memory_space<vmem>>[vector<16xi32>], vector<16xi32>,
        tpu.vector_store_idx %arg8[%sub3A_381], %get3A_364 : memref<4096xi32, #tpu.memory_space<vmem>>[vector<16xi32>], vector<16xi32>,
        tpu.vector_store_idx %arg11[%and3A_372], %unique3A_376 masked %unique3A_375 {add = true} : memref<2048xi32, #tpu.memory_space<vmem>>[vector<16xi32>], vector<16xi32>, vector<16xi1>
        %mul3A_382 = arith.constant 8 : i32
        %mul3A_383 = arith.muli %while3A_291, %mul3A_382 : i32
        %add3A_384 = arith.constant 3 : i32
        %add3A_385 = arith.addi %mul3A_383, %add3A_384 : i32
        %mul3A_386 = arith.constant 16 : i32
        %mul3A_387 = arith.muli %add3A_385, %mul3A_386 : i32
        %multiple_of3A_388 = tpu.assume_multiple %mul3A_387, 16 : i32
        %get3A_389 = arith.index_cast %multiple_of3A_388 : i32 to index
        %get3A_390 = tpu.vector_load %arg9[%get3A_389] {strides = array<i32>} : memref<4096xi32, #tpu.memory_space<vmem>>, vector<16xi32>,
        %mul3A_391 = arith.constant 16 : i32
        %mul3A_392 = arith.muli %add3A_385, %mul3A_391 : i32
        %multiple_of3A_393 = tpu.assume_multiple %mul3A_392, 16 : i32
        %get3A_394 = arith.index_cast %multiple_of3A_393 : i32 to index
        %get3A_395 = tpu.vector_load %arg10[%get3A_394] {strides = array<i32>} : memref<4096xi32, #tpu.memory_space<vmem>>, vector<16xi32>,
        %not3A_396 = arith.constant dense<-1> : vector<16xi32>
        %not3A_397 = arith.xori %get3A_390, %not3A_396 : vector<16xi32>
        %shift_right_logical3A_398 = arith.constant 11 : i32
        %shift_right_logical3A_399 = vector.broadcast %shift_right_logical3A_398 : i32 to vector<16xi32>
        %shift_right_logical3A_400 = arith.shrui %not3A_397, %shift_right_logical3A_399 : vector<16xi32>
        %and3A_401 = arith.constant 2047 : i32
        %and3A_402 = vector.broadcast %and3A_401 : i32 to vector<16xi32>
        %and3A_403 = arith.andi %shift_right_logical3A_400, %and3A_402 : vector<16xi32>
        %broadcast_in_dim3A_404 = arith.constant true
        %broadcast_in_dim3A_405 = vector.broadcast %broadcast_in_dim3A_404 : i1 to vector<16xi1>
        %unique3A_406, %unique3A_407 = tpu.scan_count mask(%broadcast_in_dim3A_405 : vector<16xi1>) value(%and3A_403 : vector<16xi32>) : vector<16xi1>, vector<16xi32>
        %gather3A_408 = tpu.vector_load_idx %arg11[%and3A_403] : memref<2048xi32, #tpu.memory_space<vmem>>[vector<16xi32>], vector<16xi32>,
        %add3A_409 = arith.addi %gather3A_408, %unique3A_407 : vector<16xi32>
        %sub3A_410 = arith.constant 1 : i32
        %sub3A_411 = vector.broadcast %sub3A_410 : i32 to vector<16xi32>
        %sub3A_412 = arith.subi %add3A_409, %sub3A_411 : vector<16xi32>
        tpu.vector_store_idx %arg7[%sub3A_412], %get3A_390 : memref<4096xi32, #tpu.memory_space<vmem>>[vector<16xi32>], vector<16xi32>,
        tpu.vector_store_idx %arg8[%sub3A_412], %get3A_395 : memref<4096xi32, #tpu.memory_space<vmem>>[vector<16xi32>], vector<16xi32>,
        tpu.vector_store_idx %arg11[%and3A_403], %unique3A_407 masked %unique3A_406 {add = true} : memref<2048xi32, #tpu.memory_space<vmem>>[vector<16xi32>], vector<16xi32>, vector<16xi1>
        %mul3A_413 = arith.constant 8 : i32
        %mul3A_414 = arith.muli %while3A_291, %mul3A_413 : i32
        %add3A_415 = arith.constant 4 : i32
        %add3A_416 = arith.addi %mul3A_414, %add3A_415 : i32
        %mul3A_417 = arith.constant 16 : i32
        %mul3A_418 = arith.muli %add3A_416, %mul3A_417 : i32
        %multiple_of3A_419 = tpu.assume_multiple %mul3A_418, 16 : i32
        %get3A_420 = arith.index_cast %multiple_of3A_419 : i32 to index
        %get3A_421 = tpu.vector_load %arg9[%get3A_420] {strides = array<i32>} : memref<4096xi32, #tpu.memory_space<vmem>>, vector<16xi32>,
        %mul3A_422 = arith.constant 16 : i32
        %mul3A_423 = arith.muli %add3A_416, %mul3A_422 : i32
        %multiple_of3A_424 = tpu.assume_multiple %mul3A_423, 16 : i32
        %get3A_425 = arith.index_cast %multiple_of3A_424 : i32 to index
        %get3A_426 = tpu.vector_load %arg10[%get3A_425] {strides = array<i32>} : memref<4096xi32, #tpu.memory_space<vmem>>, vector<16xi32>,
        %not3A_427 = arith.constant dense<-1> : vector<16xi32>
        %not3A_428 = arith.xori %get3A_421, %not3A_427 : vector<16xi32>
        %shift_right_logical3A_429 = arith.constant 11 : i32
        %shift_right_logical3A_430 = vector.broadcast %shift_right_logical3A_429 : i32 to vector<16xi32>
        %shift_right_logical3A_431 = arith.shrui %not3A_428, %shift_right_logical3A_430 : vector<16xi32>
        %and3A_432 = arith.constant 2047 : i32
        %and3A_433 = vector.broadcast %and3A_432 : i32 to vector<16xi32>
        %and3A_434 = arith.andi %shift_right_logical3A_431, %and3A_433 : vector<16xi32>
        %broadcast_in_dim3A_435 = arith.constant true
        %broadcast_in_dim3A_436 = vector.broadcast %broadcast_in_dim3A_435 : i1 to vector<16xi1>
        %unique3A_437, %unique3A_438 = tpu.scan_count mask(%broadcast_in_dim3A_436 : vector<16xi1>) value(%and3A_434 : vector<16xi32>) : vector<16xi1>, vector<16xi32>
        %gather3A_439 = tpu.vector_load_idx %arg11[%and3A_434] : memref<2048xi32, #tpu.memory_space<vmem>>[vector<16xi32>], vector<16xi32>,
        %add3A_440 = arith.addi %gather3A_439, %unique3A_438 : vector<16xi32>
        %sub3A_441 = arith.constant 1 : i32
        %sub3A_442 = vector.broadcast %sub3A_441 : i32 to vector<16xi32>
        %sub3A_443 = arith.subi %add3A_440, %sub3A_442 : vector<16xi32>
        tpu.vector_store_idx %arg7[%sub3A_443], %get3A_421 : memref<4096xi32, #tpu.memory_space<vmem>>[vector<16xi32>], vector<16xi32>,
        tpu.vector_store_idx %arg8[%sub3A_443], %get3A_426 : memref<4096xi32, #tpu.memory_space<vmem>>[vector<16xi32>], vector<16xi32>,
        tpu.vector_store_idx %arg11[%and3A_434], %unique3A_438 masked %unique3A_437 {add = true} : memref<2048xi32, #tpu.memory_space<vmem>>[vector<16xi32>], vector<16xi32>, vector<16xi1>
        %mul3A_444 = arith.constant 8 : i32
        %mul3A_445 = arith.muli %while3A_291, %mul3A_444 : i32
        %add3A_446 = arith.constant 5 : i32
        %add3A_447 = arith.addi %mul3A_445, %add3A_446 : i32
        %mul3A_448 = arith.constant 16 : i32
        %mul3A_449 = arith.muli %add3A_447, %mul3A_448 : i32
        %multiple_of3A_450 = tpu.assume_multiple %mul3A_449, 16 : i32
        %get3A_451 = arith.index_cast %multiple_of3A_450 : i32 to index
        %get3A_452 = tpu.vector_load %arg9[%get3A_451] {strides = array<i32>} : memref<4096xi32, #tpu.memory_space<vmem>>, vector<16xi32>,
        %mul3A_453 = arith.constant 16 : i32
        %mul3A_454 = arith.muli %add3A_447, %mul3A_453 : i32
        %multiple_of3A_455 = tpu.assume_multiple %mul3A_454, 16 : i32
        %get3A_456 = arith.index_cast %multiple_of3A_455 : i32 to index
        %get3A_457 = tpu.vector_load %arg10[%get3A_456] {strides = array<i32>} : memref<4096xi32, #tpu.memory_space<vmem>>, vector<16xi32>,
        %not3A_458 = arith.constant dense<-1> : vector<16xi32>
        %not3A_459 = arith.xori %get3A_452, %not3A_458 : vector<16xi32>
        %shift_right_logical3A_460 = arith.constant 11 : i32
        %shift_right_logical3A_461 = vector.broadcast %shift_right_logical3A_460 : i32 to vector<16xi32>
        %shift_right_logical3A_462 = arith.shrui %not3A_459, %shift_right_logical3A_461 : vector<16xi32>
        %and3A_463 = arith.constant 2047 : i32
        %and3A_464 = vector.broadcast %and3A_463 : i32 to vector<16xi32>
        %and3A_465 = arith.andi %shift_right_logical3A_462, %and3A_464 : vector<16xi32>
        %broadcast_in_dim3A_466 = arith.constant true
        %broadcast_in_dim3A_467 = vector.broadcast %broadcast_in_dim3A_466 : i1 to vector<16xi1>
        %unique3A_468, %unique3A_469 = tpu.scan_count mask(%broadcast_in_dim3A_467 : vector<16xi1>) value(%and3A_465 : vector<16xi32>) : vector<16xi1>, vector<16xi32>
        %gather3A_470 = tpu.vector_load_idx %arg11[%and3A_465] : memref<2048xi32, #tpu.memory_space<vmem>>[vector<16xi32>], vector<16xi32>,
        %add3A_471 = arith.addi %gather3A_470, %unique3A_469 : vector<16xi32>
        %sub3A_472 = arith.constant 1 : i32
        %sub3A_473 = vector.broadcast %sub3A_472 : i32 to vector<16xi32>
        %sub3A_474 = arith.subi %add3A_471, %sub3A_473 : vector<16xi32>
        tpu.vector_store_idx %arg7[%sub3A_474], %get3A_452 : memref<4096xi32, #tpu.memory_space<vmem>>[vector<16xi32>], vector<16xi32>,
        tpu.vector_store_idx %arg8[%sub3A_474], %get3A_457 : memref<4096xi32, #tpu.memory_space<vmem>>[vector<16xi32>], vector<16xi32>,
        tpu.vector_store_idx %arg11[%and3A_465], %unique3A_469 masked %unique3A_468 {add = true} : memref<2048xi32, #tpu.memory_space<vmem>>[vector<16xi32>], vector<16xi32>, vector<16xi1>
        %mul3A_475 = arith.constant 8 : i32
        %mul3A_476 = arith.muli %while3A_291, %mul3A_475 : i32
        %add3A_477 = arith.constant 6 : i32
        %add3A_478 = arith.addi %mul3A_476, %add3A_477 : i32
        %mul3A_479 = arith.constant 16 : i32
        %mul3A_480 = arith.muli %add3A_478, %mul3A_479 : i32
        %multiple_of3A_481 = tpu.assume_multiple %mul3A_480, 16 : i32
        %get3A_482 = arith.index_cast %multiple_of3A_481 : i32 to index
        %get3A_483 = tpu.vector_load %arg9[%get3A_482] {strides = array<i32>} : memref<4096xi32, #tpu.memory_space<vmem>>, vector<16xi32>,
        %mul3A_484 = arith.constant 16 : i32
        %mul3A_485 = arith.muli %add3A_478, %mul3A_484 : i32
        %multiple_of3A_486 = tpu.assume_multiple %mul3A_485, 16 : i32
        %get3A_487 = arith.index_cast %multiple_of3A_486 : i32 to index
        %get3A_488 = tpu.vector_load %arg10[%get3A_487] {strides = array<i32>} : memref<4096xi32, #tpu.memory_space<vmem>>, vector<16xi32>,
        %not3A_489 = arith.constant dense<-1> : vector<16xi32>
        %not3A_490 = arith.xori %get3A_483, %not3A_489 : vector<16xi32>
        %shift_right_logical3A_491 = arith.constant 11 : i32
        %shift_right_logical3A_492 = vector.broadcast %shift_right_logical3A_491 : i32 to vector<16xi32>
        %shift_right_logical3A_493 = arith.shrui %not3A_490, %shift_right_logical3A_492 : vector<16xi32>
        %and3A_494 = arith.constant 2047 : i32
        %and3A_495 = vector.broadcast %and3A_494 : i32 to vector<16xi32>
        %and3A_496 = arith.andi %shift_right_logical3A_493, %and3A_495 : vector<16xi32>
        %broadcast_in_dim3A_497 = arith.constant true
        %broadcast_in_dim3A_498 = vector.broadcast %broadcast_in_dim3A_497 : i1 to vector<16xi1>
        %unique3A_499, %unique3A_500 = tpu.scan_count mask(%broadcast_in_dim3A_498 : vector<16xi1>) value(%and3A_496 : vector<16xi32>) : vector<16xi1>, vector<16xi32>
        %gather3A_501 = tpu.vector_load_idx %arg11[%and3A_496] : memref<2048xi32, #tpu.memory_space<vmem>>[vector<16xi32>], vector<16xi32>,
        %add3A_502 = arith.addi %gather3A_501, %unique3A_500 : vector<16xi32>
        %sub3A_503 = arith.constant 1 : i32
        %sub3A_504 = vector.broadcast %sub3A_503 : i32 to vector<16xi32>
        %sub3A_505 = arith.subi %add3A_502, %sub3A_504 : vector<16xi32>
        tpu.vector_store_idx %arg7[%sub3A_505], %get3A_483 : memref<4096xi32, #tpu.memory_space<vmem>>[vector<16xi32>], vector<16xi32>,
        tpu.vector_store_idx %arg8[%sub3A_505], %get3A_488 : memref<4096xi32, #tpu.memory_space<vmem>>[vector<16xi32>], vector<16xi32>,
        tpu.vector_store_idx %arg11[%and3A_496], %unique3A_500 masked %unique3A_499 {add = true} : memref<2048xi32, #tpu.memory_space<vmem>>[vector<16xi32>], vector<16xi32>, vector<16xi1>
        %mul3A_506 = arith.constant 8 : i32
        %mul3A_507 = arith.muli %while3A_291, %mul3A_506 : i32
        %add3A_508 = arith.constant 7 : i32
        %add3A_509 = arith.addi %mul3A_507, %add3A_508 : i32
        %mul3A_510 = arith.constant 16 : i32
        %mul3A_511 = arith.muli %add3A_509, %mul3A_510 : i32
        %multiple_of3A_512 = tpu.assume_multiple %mul3A_511, 16 : i32
        %get3A_513 = arith.index_cast %multiple_of3A_512 : i32 to index
        %get3A_514 = tpu.vector_load %arg9[%get3A_513] {strides = array<i32>} : memref<4096xi32, #tpu.memory_space<vmem>>, vector<16xi32>,
        %mul3A_515 = arith.constant 16 : i32
        %mul3A_516 = arith.muli %add3A_509, %mul3A_515 : i32
        %multiple_of3A_517 = tpu.assume_multiple %mul3A_516, 16 : i32
        %get3A_518 = arith.index_cast %multiple_of3A_517 : i32 to index
        %get3A_519 = tpu.vector_load %arg10[%get3A_518] {strides = array<i32>} : memref<4096xi32, #tpu.memory_space<vmem>>, vector<16xi32>,
        %not3A_520 = arith.constant dense<-1> : vector<16xi32>
        %not3A_521 = arith.xori %get3A_514, %not3A_520 : vector<16xi32>
        %shift_right_logical3A_522 = arith.constant 11 : i32
        %shift_right_logical3A_523 = vector.broadcast %shift_right_logical3A_522 : i32 to vector<16xi32>
        %shift_right_logical3A_524 = arith.shrui %not3A_521, %shift_right_logical3A_523 : vector<16xi32>
        %and3A_525 = arith.constant 2047 : i32
        %and3A_526 = vector.broadcast %and3A_525 : i32 to vector<16xi32>
        %and3A_527 = arith.andi %shift_right_logical3A_524, %and3A_526 : vector<16xi32>
        %broadcast_in_dim3A_528 = arith.constant true
        %broadcast_in_dim3A_529 = vector.broadcast %broadcast_in_dim3A_528 : i1 to vector<16xi1>
        %unique3A_530, %unique3A_531 = tpu.scan_count mask(%broadcast_in_dim3A_529 : vector<16xi1>) value(%and3A_527 : vector<16xi32>) : vector<16xi1>, vector<16xi32>
        %gather3A_532 = tpu.vector_load_idx %arg11[%and3A_527] : memref<2048xi32, #tpu.memory_space<vmem>>[vector<16xi32>], vector<16xi32>,
        %add3A_533 = arith.addi %gather3A_532, %unique3A_531 : vector<16xi32>
        %sub3A_534 = arith.constant 1 : i32
        %sub3A_535 = vector.broadcast %sub3A_534 : i32 to vector<16xi32>
        %sub3A_536 = arith.subi %add3A_533, %sub3A_535 : vector<16xi32>
        tpu.vector_store_idx %arg7[%sub3A_536], %get3A_514 : memref<4096xi32, #tpu.memory_space<vmem>>[vector<16xi32>], vector<16xi32>,
        tpu.vector_store_idx %arg8[%sub3A_536], %get3A_519 : memref<4096xi32, #tpu.memory_space<vmem>>[vector<16xi32>], vector<16xi32>,
        tpu.vector_store_idx %arg11[%and3A_527], %unique3A_531 masked %unique3A_530 {add = true} : memref<2048xi32, #tpu.memory_space<vmem>>[vector<16xi32>], vector<16xi32>, vector<16xi1>
        %while3A_537 = arith.constant 0 : i32
        scf.yield %while3A_537 : i32
      }
      %while3A_244 = arith.constant 1 : i32
      %while3A_245 = scf.for %while3A_291 = %while3A_241 to %while3A_237 step %while3A_244 iter_args(%while3A_292 = %while3A_243) -> (i32)  : i32 {
        %mul3A_293 = arith.constant 8 : i32
        %mul3A_294 = arith.muli %while3A_291, %mul3A_293 : i32
        %add3A_295 = arith.constant 0 : i32
        %add3A_296 = arith.addi %mul3A_294, %add3A_295 : i32
        %mul3A_297 = arith.constant 16 : i32
        %mul3A_298 = arith.muli %add3A_296, %mul3A_297 : i32
        %multiple_of3A = tpu.assume_multiple %mul3A_298, 16 : i32
        %get3A_299 = arith.index_cast %multiple_of3A : i32 to index
        %get3A_300 = tpu.vector_load %arg9[%get3A_299] {strides = array<i32>} : memref<4096xi32, #tpu.memory_space<vmem>>, vector<16xi32>,
        %mul3A_301 = arith.constant 16 : i32
        %mul3A_302 = arith.muli %add3A_296, %mul3A_301 : i32
        %multiple_of3A_303 = tpu.assume_multiple %mul3A_302, 16 : i32
        %get3A_304 = arith.index_cast %multiple_of3A_303 : i32 to index
        %get3A_305 = tpu.vector_load %arg10[%get3A_304] {strides = array<i32>} : memref<4096xi32, #tpu.memory_space<vmem>>, vector<16xi32>,
        %not3A_306 = arith.constant dense<-1> : vector<16xi32>
        %not3A_307 = arith.xori %get3A_300, %not3A_306 : vector<16xi32>
        %shift_right_logical3A = arith.constant 11 : i32
        %shift_right_logical3A_308 = vector.broadcast %shift_right_logical3A : i32 to vector<16xi32>
        %shift_right_logical3A_309 = arith.shrui %not3A_307, %shift_right_logical3A_308 : vector<16xi32>
        %and3A_310 = arith.constant 2047 : i32
        %and3A_311 = vector.broadcast %and3A_310 : i32 to vector<16xi32>
        %and3A_312 = arith.andi %shift_right_logical3A_309, %and3A_311 : vector<16xi32>
        %broadcast_in_dim3A_313 = arith.constant true
        %broadcast_in_dim3A_314 = vector.broadcast %broadcast_in_dim3A_313 : i1 to vector<16xi1>
        %unique3A, %unique3A_315 = tpu.scan_count mask(%broadcast_in_dim3A_314 : vector<16xi1>) value(%and3A_312 : vector<16xi32>) : vector<16xi1>, vector<16xi32>
        %gather3A = tpu.vector_load_idx %arg11[%and3A_312] : memref<2048xi32, #tpu.memory_space<vmem>>[vector<16xi32>], vector<16xi32>,
        %add3A_316 = arith.addi %gather3A, %unique3A_315 : vector<16xi32>
        %sub3A_317 = arith.constant 1 : i32
        %sub3A_318 = vector.broadcast %sub3A_317 : i32 to vector<16xi32>
        %sub3A_319 = arith.subi %add3A_316, %sub3A_318 : vector<16xi32>
        tpu.vector_store_idx %arg7[%sub3A_319], %get3A_300 : memref<4096xi32, #tpu.memory_space<vmem>>[vector<16xi32>], vector<16xi32>,
        tpu.vector_store_idx %arg8[%sub3A_319], %get3A_305 : memref<4096xi32, #tpu.memory_space<vmem>>[vector<16xi32>], vector<16xi32>,
        tpu.vector_store_idx %arg11[%and3A_312], %unique3A_315 masked %unique3A {add = true} : memref<2048xi32, #tpu.memory_space<vmem>>[vector<16xi32>], vector<16xi32>, vector<16xi1>
        %mul3A_320 = arith.constant 8 : i32
        %mul3A_321 = arith.muli %while3A_291, %mul3A_320 : i32
        %add3A_322 = arith.constant 1 : i32
        %add3A_323 = arith.addi %mul3A_321, %add3A_322 : i32
        %mul3A_324 = arith.constant 16 : i32
        %mul3A_325 = arith.muli %add3A_323, %mul3A_324 : i32
        %multiple_of3A_326 = tpu.assume_multiple %mul3A_325, 16 : i32
        %get3A_327 = arith.index_cast %multiple_of3A_326 : i32 to index
        %get3A_328 = tpu.vector_load %arg9[%get3A_327] {strides = array<i32>} : memref<4096xi32, #tpu.memory_space<vmem>>, vector<16xi32>,
        %mul3A_329 = arith.constant 16 : i32
        %mul3A_330 = arith.muli %add3A_323, %mul3A_329 : i32
        %multiple_of3A_331 = tpu.assume_multiple %mul3A_330, 16 : i32
        %get3A_332 = arith.index_cast %multiple_of3A_331 : i32 to index
        %get3A_333 = tpu.vector_load %arg10[%get3A_332] {strides = array<i32>} : memref<4096xi32, #tpu.memory_space<vmem>>, vector<16xi32>,
        %not3A_334 = arith.constant dense<-1> : vector<16xi32>
        %not3A_335 = arith.xori %get3A_328, %not3A_334 : vector<16xi32>
        %shift_right_logical3A_336 = arith.constant 11 : i32
        %shift_right_logical3A_337 = vector.broadcast %shift_right_logical3A_336 : i32 to vector<16xi32>
        %shift_right_logical3A_338 = arith.shrui %not3A_335, %shift_right_logical3A_337 : vector<16xi32>
        %and3A_339 = arith.constant 2047 : i32
        %and3A_340 = vector.broadcast %and3A_339 : i32 to vector<16xi32>
        %and3A_341 = arith.andi %shift_right_logical3A_338, %and3A_340 : vector<16xi32>
        %broadcast_in_dim3A_342 = arith.constant true
        %broadcast_in_dim3A_343 = vector.broadcast %broadcast_in_dim3A_342 : i1 to vector<16xi1>
        %unique3A_344, %unique3A_345 = tpu.scan_count mask(%broadcast_in_dim3A_343 : vector<16xi1>) value(%and3A_341 : vector<16xi32>) : vector<16xi1>, vector<16xi32>
        %gather3A_346 = tpu.vector_load_idx %arg11[%and3A_341] : memref<2048xi32, #tpu.memory_space<vmem>>[vector<16xi32>], vector<16xi32>,
        %add3A_347 = arith.addi %gather3A_346, %unique3A_345 : vector<16xi32>
        %sub3A_348 = arith.constant 1 : i32
        %sub3A_349 = vector.broadcast %sub3A_348 : i32 to vector<16xi32>
        %sub3A_350 = arith.subi %add3A_347, %sub3A_349 : vector<16xi32>
        tpu.vector_store_idx %arg7[%sub3A_350], %get3A_328 : memref<4096xi32, #tpu.memory_space<vmem>>[vector<16xi32>], vector<16xi32>,
        tpu.vector_store_idx %arg8[%sub3A_350], %get3A_333 : memref<4096xi32, #tpu.memory_space<vmem>>[vector<16xi32>], vector<16xi32>,
        tpu.vector_store_idx %arg11[%and3A_341], %unique3A_345 masked %unique3A_344 {add = true} : memref<2048xi32, #tpu.memory_space<vmem>>[vector<16xi32>], vector<16xi32>, vector<16xi1>
        %mul3A_351 = arith.constant 8 : i32
        %mul3A_352 = arith.muli %while3A_291, %mul3A_351 : i32
        %add3A_353 = arith.constant 2 : i32
        %add3A_354 = arith.addi %mul3A_352, %add3A_353 : i32
        %mul3A_355 = arith.constant 16 : i32
        %mul3A_356 = arith.muli %add3A_354, %mul3A_355 : i32
        %multiple_of3A_357 = tpu.assume_multiple %mul3A_356, 16 : i32
        %get3A_358 = arith.index_cast %multiple_of3A_357 : i32 to index
        %get3A_359 = tpu.vector_load %arg9[%get3A_358] {strides = array<i32>} : memref<4096xi32, #tpu.memory_space<vmem>>, vector<16xi32>,
        %mul3A_360 = arith.constant 16 : i32
        %mul3A_361 = arith.muli %add3A_354, %mul3A_360 : i32
        %multiple_of3A_362 = tpu.assume_multiple %mul3A_361, 16 : i32
        %get3A_363 = arith.index_cast %multiple_of3A_362 : i32 to index
        %get3A_364 = tpu.vector_load %arg10[%get3A_363] {strides = array<i32>} : memref<4096xi32, #tpu.memory_space<vmem>>, vector<16xi32>,
        %not3A_365 = arith.constant dense<-1> : vector<16xi32>
        %not3A_366 = arith.xori %get3A_359, %not3A_365 : vector<16xi32>
        %shift_right_logical3A_367 = arith.constant 11 : i32
        %shift_right_logical3A_368 = vector.broadcast %shift_right_logical3A_367 : i32 to vector<16xi32>
        %shift_right_logical3A_369 = arith.shrui %not3A_366, %shift_right_logical3A_368 : vector<16xi32>
        %and3A_370 = arith.constant 2047 : i32
        %and3A_371 = vector.broadcast %and3A_370 : i32 to vector<16xi32>
        %and3A_372 = arith.andi %shift_right_logical3A_369, %and3A_371 : vector<16xi32>
        %broadcast_in_dim3A_373 = arith.constant true
        %broadcast_in_dim3A_374 = vector.broadcast %broadcast_in_dim3A_373 : i1 to vector<16xi1>
        %unique3A_375, %unique3A_376 = tpu.scan_count mask(%broadcast_in_dim3A_374 : vector<16xi1>) value(%and3A_372 : vector<16xi32>) : vector<16xi1>, vector<16xi32>
        %gather3A_377 = tpu.vector_load_idx %arg11[%and3A_372] : memref<2048xi32, #tpu.memory_space<vmem>>[vector<16xi32>], vector<16xi32>,
        %add3A_378 = arith.addi %gather3A_377, %unique3A_376 : vector<16xi32>
        %sub3A_379 = arith.constant 1 : i32
        %sub3A_380 = vector.broadcast %sub3A_379 : i32 to vector<16xi32>
        %sub3A_381 = arith.subi %add3A_378, %sub3A_380 : vector<16xi32>
        tpu.vector_store_idx %arg7[%sub3A_381], %get3A_359 : memref<4096xi32, #tpu.memory_space<vmem>>[vector<16xi32>], vector<16xi32>,
        tpu.vector_store_idx %arg8[%sub3A_381], %get3A_364 : memref<4096xi32, #tpu.memory_space<vmem>>[vector<16xi32>], vector<16xi32>,
        tpu.vector_store_idx %arg11[%and3A_372], %unique3A_376 masked %unique3A_375 {add = true} : memref<2048xi32, #tpu.memory_space<vmem>>[vector<16xi32>], vector<16xi32>, vector<16xi1>
        %mul3A_382 = arith.constant 8 : i32
        %mul3A_383 = arith.muli %while3A_291, %mul3A_382 : i32
        %add3A_384 = arith.constant 3 : i32
        %add3A_385 = arith.addi %mul3A_383, %add3A_384 : i32
        %mul3A_386 = arith.constant 16 : i32
        %mul3A_387 = arith.muli %add3A_385, %mul3A_386 : i32
        %multiple_of3A_388 = tpu.assume_multiple %mul3A_387, 16 : i32
        %get3A_389 = arith.index_cast %multiple_of3A_388 : i32 to index
        %get3A_390 = tpu.vector_load %arg9[%get3A_389] {strides = array<i32>} : memref<4096xi32, #tpu.memory_space<vmem>>, vector<16xi32>,
        %mul3A_391 = arith.constant 16 : i32
        %mul3A_392 = arith.muli %add3A_385, %mul3A_391 : i32
        %multiple_of3A_393 = tpu.assume_multiple %mul3A_392, 16 : i32
        %get3A_394 = arith.index_cast %multiple_of3A_393 : i32 to index
        %get3A_395 = tpu.vector_load %arg10[%get3A_394] {strides = array<i32>} : memref<4096xi32, #tpu.memory_space<vmem>>, vector<16xi32>,
        %not3A_396 = arith.constant dense<-1> : vector<16xi32>
        %not3A_397 = arith.xori %get3A_390, %not3A_396 : vector<16xi32>
        %shift_right_logical3A_398 = arith.constant 11 : i32
        %shift_right_logical3A_399 = vector.broadcast %shift_right_logical3A_398 : i32 to vector<16xi32>
        %shift_right_logical3A_400 = arith.shrui %not3A_397, %shift_right_logical3A_399 : vector<16xi32>
        %and3A_401 = arith.constant 2047 : i32
        %and3A_402 = vector.broadcast %and3A_401 : i32 to vector<16xi32>
        %and3A_403 = arith.andi %shift_right_logical3A_400, %and3A_402 : vector<16xi32>
        %broadcast_in_dim3A_404 = arith.constant true
        %broadcast_in_dim3A_405 = vector.broadcast %broadcast_in_dim3A_404 : i1 to vector<16xi1>
        %unique3A_406, %unique3A_407 = tpu.scan_count mask(%broadcast_in_dim3A_405 : vector<16xi1>) value(%and3A_403 : vector<16xi32>) : vector<16xi1>, vector<16xi32>
        %gather3A_408 = tpu.vector_load_idx %arg11[%and3A_403] : memref<2048xi32, #tpu.memory_space<vmem>>[vector<16xi32>], vector<16xi32>,
        %add3A_409 = arith.addi %gather3A_408, %unique3A_407 : vector<16xi32>
        %sub3A_410 = arith.constant 1 : i32
        %sub3A_411 = vector.broadcast %sub3A_410 : i32 to vector<16xi32>
        %sub3A_412 = arith.subi %add3A_409, %sub3A_411 : vector<16xi32>
        tpu.vector_store_idx %arg7[%sub3A_412], %get3A_390 : memref<4096xi32, #tpu.memory_space<vmem>>[vector<16xi32>], vector<16xi32>,
        tpu.vector_store_idx %arg8[%sub3A_412], %get3A_395 : memref<4096xi32, #tpu.memory_space<vmem>>[vector<16xi32>], vector<16xi32>,
        tpu.vector_store_idx %arg11[%and3A_403], %unique3A_407 masked %unique3A_406 {add = true} : memref<2048xi32, #tpu.memory_space<vmem>>[vector<16xi32>], vector<16xi32>, vector<16xi1>
        %mul3A_413 = arith.constant 8 : i32
        %mul3A_414 = arith.muli %while3A_291, %mul3A_413 : i32
        %add3A_415 = arith.constant 4 : i32
        %add3A_416 = arith.addi %mul3A_414, %add3A_415 : i32
        %mul3A_417 = arith.constant 16 : i32
        %mul3A_418 = arith.muli %add3A_416, %mul3A_417 : i32
        %multiple_of3A_419 = tpu.assume_multiple %mul3A_418, 16 : i32
        %get3A_420 = arith.index_cast %multiple_of3A_419 : i32 to index
        %get3A_421 = tpu.vector_load %arg9[%get3A_420] {strides = array<i32>} : memref<4096xi32, #tpu.memory_space<vmem>>, vector<16xi32>,
        %mul3A_422 = arith.constant 16 : i32
        %mul3A_423 = arith.muli %add3A_416, %mul3A_422 : i32
        %multiple_of3A_424 = tpu.assume_multiple %mul3A_423, 16 : i32
        %get3A_425 = arith.index_cast %multiple_of3A_424 : i32 to index
        %get3A_426 = tpu.vector_load %arg10[%get3A_425] {strides = array<i32>} : memref<4096xi32, #tpu.memory_space<vmem>>, vector<16xi32>,
        %not3A_427 = arith.constant dense<-1> : vector<16xi32>
        %not3A_428 = arith.xori %get3A_421, %not3A_427 : vector<16xi32>
        %shift_right_logical3A_429 = arith.constant 11 : i32
        %shift_right_logical3A_430 = vector.broadcast %shift_right_logical3A_429 : i32 to vector<16xi32>
        %shift_right_logical3A_431 = arith.shrui %not3A_428, %shift_right_logical3A_430 : vector<16xi32>
        %and3A_432 = arith.constant 2047 : i32
        %and3A_433 = vector.broadcast %and3A_432 : i32 to vector<16xi32>
        %and3A_434 = arith.andi %shift_right_logical3A_431, %and3A_433 : vector<16xi32>
        %broadcast_in_dim3A_435 = arith.constant true
        %broadcast_in_dim3A_436 = vector.broadcast %broadcast_in_dim3A_435 : i1 to vector<16xi1>
        %unique3A_437, %unique3A_438 = tpu.scan_count mask(%broadcast_in_dim3A_436 : vector<16xi1>) value(%and3A_434 : vector<16xi32>) : vector<16xi1>, vector<16xi32>
        %gather3A_439 = tpu.vector_load_idx %arg11[%and3A_434] : memref<2048xi32, #tpu.memory_space<vmem>>[vector<16xi32>], vector<16xi32>,
        %add3A_440 = arith.addi %gather3A_439, %unique3A_438 : vector<16xi32>
        %sub3A_441 = arith.constant 1 : i32
        %sub3A_442 = vector.broadcast %sub3A_441 : i32 to vector<16xi32>
        %sub3A_443 = arith.subi %add3A_440, %sub3A_442 : vector<16xi32>
        tpu.vector_store_idx %arg7[%sub3A_443], %get3A_421 : memref<4096xi32, #tpu.memory_space<vmem>>[vector<16xi32>], vector<16xi32>,
        tpu.vector_store_idx %arg8[%sub3A_443], %get3A_426 : memref<4096xi32, #tpu.memory_space<vmem>>[vector<16xi32>], vector<16xi32>,
        tpu.vector_store_idx %arg11[%and3A_434], %unique3A_438 masked %unique3A_437 {add = true} : memref<2048xi32, #tpu.memory_space<vmem>>[vector<16xi32>], vector<16xi32>, vector<16xi1>
        %mul3A_444 = arith.constant 8 : i32
        %mul3A_445 = arith.muli %while3A_291, %mul3A_444 : i32
        %add3A_446 = arith.constant 5 : i32
        %add3A_447 = arith.addi %mul3A_445, %add3A_446 : i32
        %mul3A_448 = arith.constant 16 : i32
        %mul3A_449 = arith.muli %add3A_447, %mul3A_448 : i32
        %multiple_of3A_450 = tpu.assume_multiple %mul3A_449, 16 : i32
        %get3A_451 = arith.index_cast %multiple_of3A_450 : i32 to index
        %get3A_452 = tpu.vector_load %arg9[%get3A_451] {strides = array<i32>} : memref<4096xi32, #tpu.memory_space<vmem>>, vector<16xi32>,
        %mul3A_453 = arith.constant 16 : i32
        %mul3A_454 = arith.muli %add3A_447, %mul3A_453 : i32
        %multiple_of3A_455 = tpu.assume_multiple %mul3A_454, 16 : i32
        %get3A_456 = arith.index_cast %multiple_of3A_455 : i32 to index
        %get3A_457 = tpu.vector_load %arg10[%get3A_456] {strides = array<i32>} : memref<4096xi32, #tpu.memory_space<vmem>>, vector<16xi32>,
        %not3A_458 = arith.constant dense<-1> : vector<16xi32>
        %not3A_459 = arith.xori %get3A_452, %not3A_458 : vector<16xi32>
        %shift_right_logical3A_460 = arith.constant 11 : i32
        %shift_right_logical3A_461 = vector.broadcast %shift_right_logical3A_460 : i32 to vector<16xi32>
        %shift_right_logical3A_462 = arith.shrui %not3A_459, %shift_right_logical3A_461 : vector<16xi32>
        %and3A_463 = arith.constant 2047 : i32
        %and3A_464 = vector.broadcast %and3A_463 : i32 to vector<16xi32>
        %and3A_465 = arith.andi %shift_right_logical3A_462, %and3A_464 : vector<16xi32>
        %broadcast_in_dim3A_466 = arith.constant true
        %broadcast_in_dim3A_467 = vector.broadcast %broadcast_in_dim3A_466 : i1 to vector<16xi1>
        %unique3A_468, %unique3A_469 = tpu.scan_count mask(%broadcast_in_dim3A_467 : vector<16xi1>) value(%and3A_465 : vector<16xi32>) : vector<16xi1>, vector<16xi32>
        %gather3A_470 = tpu.vector_load_idx %arg11[%and3A_465] : memref<2048xi32, #tpu.memory_space<vmem>>[vector<16xi32>], vector<16xi32>,
        %add3A_471 = arith.addi %gather3A_470, %unique3A_469 : vector<16xi32>
        %sub3A_472 = arith.constant 1 : i32
        %sub3A_473 = vector.broadcast %sub3A_472 : i32 to vector<16xi32>
        %sub3A_474 = arith.subi %add3A_471, %sub3A_473 : vector<16xi32>
        tpu.vector_store_idx %arg7[%sub3A_474], %get3A_452 : memref<4096xi32, #tpu.memory_space<vmem>>[vector<16xi32>], vector<16xi32>,
        tpu.vector_store_idx %arg8[%sub3A_474], %get3A_457 : memref<4096xi32, #tpu.memory_space<vmem>>[vector<16xi32>], vector<16xi32>,
        tpu.vector_store_idx %arg11[%and3A_465], %unique3A_469 masked %unique3A_468 {add = true} : memref<2048xi32, #tpu.memory_space<vmem>>[vector<16xi32>], vector<16xi32>, vector<16xi1>
        %mul3A_475 = arith.constant 8 : i32
        %mul3A_476 = arith.muli %while3A_291, %mul3A_475 : i32
        %add3A_477 = arith.constant 6 : i32
        %add3A_478 = arith.addi %mul3A_476, %add3A_477 : i32
        %mul3A_479 = arith.constant 16 : i32
        %mul3A_480 = arith.muli %add3A_478, %mul3A_479 : i32
        %multiple_of3A_481 = tpu.assume_multiple %mul3A_480, 16 : i32
        %get3A_482 = arith.index_cast %multiple_of3A_481 : i32 to index
        %get3A_483 = tpu.vector_load %arg9[%get3A_482] {strides = array<i32>} : memref<4096xi32, #tpu.memory_space<vmem>>, vector<16xi32>,
        %mul3A_484 = arith.constant 16 : i32
        %mul3A_485 = arith.muli %add3A_478, %mul3A_484 : i32
        %multiple_of3A_486 = tpu.assume_multiple %mul3A_485, 16 : i32
        %get3A_487 = arith.index_cast %multiple_of3A_486 : i32 to index
        %get3A_488 = tpu.vector_load %arg10[%get3A_487] {strides = array<i32>} : memref<4096xi32, #tpu.memory_space<vmem>>, vector<16xi32>,
        %not3A_489 = arith.constant dense<-1> : vector<16xi32>
        %not3A_490 = arith.xori %get3A_483, %not3A_489 : vector<16xi32>
        %shift_right_logical3A_491 = arith.constant 11 : i32
        %shift_right_logical3A_492 = vector.broadcast %shift_right_logical3A_491 : i32 to vector<16xi32>
        %shift_right_logical3A_493 = arith.shrui %not3A_490, %shift_right_logical3A_492 : vector<16xi32>
        %and3A_494 = arith.constant 2047 : i32
        %and3A_495 = vector.broadcast %and3A_494 : i32 to vector<16xi32>
        %and3A_496 = arith.andi %shift_right_logical3A_493, %and3A_495 : vector<16xi32>
        %broadcast_in_dim3A_497 = arith.constant true
        %broadcast_in_dim3A_498 = vector.broadcast %broadcast_in_dim3A_497 : i1 to vector<16xi1>
        %unique3A_499, %unique3A_500 = tpu.scan_count mask(%broadcast_in_dim3A_498 : vector<16xi1>) value(%and3A_496 : vector<16xi32>) : vector<16xi1>, vector<16xi32>
        %gather3A_501 = tpu.vector_load_idx %arg11[%and3A_496] : memref<2048xi32, #tpu.memory_space<vmem>>[vector<16xi32>], vector<16xi32>,
        %add3A_502 = arith.addi %gather3A_501, %unique3A_500 : vector<16xi32>
        %sub3A_503 = arith.constant 1 : i32
        %sub3A_504 = vector.broadcast %sub3A_503 : i32 to vector<16xi32>
        %sub3A_505 = arith.subi %add3A_502, %sub3A_504 : vector<16xi32>
        tpu.vector_store_idx %arg7[%sub3A_505], %get3A_483 : memref<4096xi32, #tpu.memory_space<vmem>>[vector<16xi32>], vector<16xi32>,
        tpu.vector_store_idx %arg8[%sub3A_505], %get3A_488 : memref<4096xi32, #tpu.memory_space<vmem>>[vector<16xi32>], vector<16xi32>,
        tpu.vector_store_idx %arg11[%and3A_496], %unique3A_500 masked %unique3A_499 {add = true} : memref<2048xi32, #tpu.memory_space<vmem>>[vector<16xi32>], vector<16xi32>, vector<16xi1>
        %mul3A_506 = arith.constant 8 : i32
        %mul3A_507 = arith.muli %while3A_291, %mul3A_506 : i32
        %add3A_508 = arith.constant 7 : i32
        %add3A_509 = arith.addi %mul3A_507, %add3A_508 : i32
        %mul3A_510 = arith.constant 16 : i32
        %mul3A_511 = arith.muli %add3A_509, %mul3A_510 : i32
        %multiple_of3A_512 = tpu.assume_multiple %mul3A_511, 16 : i32
        %get3A_513 = arith.index_cast %multiple_of3A_512 : i32 to index
        %get3A_514 = tpu.vector_load %arg9[%get3A_513] {strides = array<i32>} : memref<4096xi32, #tpu.memory_space<vmem>>, vector<16xi32>,
        %mul3A_515 = arith.constant 16 : i32
        %mul3A_516 = arith.muli %add3A_509, %mul3A_515 : i32
        %multiple_of3A_517 = tpu.assume_multiple %mul3A_516, 16 : i32
        %get3A_518 = arith.index_cast %multiple_of3A_517 : i32 to index
        %get3A_519 = tpu.vector_load %arg10[%get3A_518] {strides = array<i32>} : memref<4096xi32, #tpu.memory_space<vmem>>, vector<16xi32>,
        %not3A_520 = arith.constant dense<-1> : vector<16xi32>
        %not3A_521 = arith.xori %get3A_514, %not3A_520 : vector<16xi32>
        %shift_right_logical3A_522 = arith.constant 11 : i32
        %shift_right_logical3A_523 = vector.broadcast %shift_right_logical3A_522 : i32 to vector<16xi32>
        %shift_right_logical3A_524 = arith.shrui %not3A_521, %shift_right_logical3A_523 : vector<16xi32>
        %and3A_525 = arith.constant 2047 : i32
        %and3A_526 = vector.broadcast %and3A_525 : i32 to vector<16xi32>
        %and3A_527 = arith.andi %shift_right_logical3A_524, %and3A_526 : vector<16xi32>
        %broadcast_in_dim3A_528 = arith.constant true
        %broadcast_in_dim3A_529 = vector.broadcast %broadcast_in_dim3A_528 : i1 to vector<16xi1>
        %unique3A_530, %unique3A_531 = tpu.scan_count mask(%broadcast_in_dim3A_529 : vector<16xi1>) value(%and3A_527 : vector<16xi32>) : vector<16xi1>, vector<16xi32>
        %gather3A_532 = tpu.vector_load_idx %arg11[%and3A_527] : memref<2048xi32, #tpu.memory_space<vmem>>[vector<16xi32>], vector<16xi32>,
        %add3A_533 = arith.addi %gather3A_532, %unique3A_531 : vector<16xi32>
        %sub3A_534 = arith.constant 1 : i32
        %sub3A_535 = vector.broadcast %sub3A_534 : i32 to vector<16xi32>
        %sub3A_536 = arith.subi %add3A_533, %sub3A_535 : vector<16xi32>
        tpu.vector_store_idx %arg7[%sub3A_536], %get3A_514 : memref<4096xi32, #tpu.memory_space<vmem>>[vector<16xi32>], vector<16xi32>,
        tpu.vector_store_idx %arg8[%sub3A_536], %get3A_519 : memref<4096xi32, #tpu.memory_space<vmem>>[vector<16xi32>], vector<16xi32>,
        tpu.vector_store_idx %arg11[%and3A_527], %unique3A_531 masked %unique3A_530 {add = true} : memref<2048xi32, #tpu.memory_space<vmem>>[vector<16xi32>], vector<16xi32>, vector<16xi1>
        %while3A_537 = arith.constant 0 : i32
        scf.yield %while3A_537 : i32
      }
      %scan3A_246 = arith.constant 0 : i32
      %scan3A_247 = arith.constant 0 : i32
      %scan3A_248 = arith.constant 64 : i32
      %scan3A_249 = arith.addi %scan3A_247, %scan3A_248 : i32
      %scan3A_250 = arith.constant 8 : i32
      %scan3A_251 = scf.for %scan3A_291 = %scan3A_247 to %scan3A_249 step %scan3A_250 iter_args(%scan3A_292 = %scan3A_246) -> (i32)  : i32 {
        %mul3A_293 = arith.constant 16 : i32
        %mul3A_294 = arith.muli %scan3A_291, %mul3A_293 : i32
        %multiple_of3A = tpu.assume_multiple %mul3A_294, 16 : i32
        %swap3A_295 = arith.index_cast %multiple_of3A : i32 to index
        %swap3A_296 = tpu.vector_load %arg11[%swap3A_295] {strides = array<i32>} : memref<2048xi32, #tpu.memory_space<vmem>>, vector<16xi32>,
        tpu.vector_store %arg11[%swap3A_295], %broadcast_in_dim3A_3 {strides = array<i32>} : memref<2048xi32, #tpu.memory_space<vmem>>, vector<16xi32>,
        %scan3A_297 = arith.constant 0 : i32
        %scan3A_298 = arith.constant 1 : i32
        %scan3A_299 = arith.addi %scan3A_291, %scan3A_298 : i32
        %mul3A_300 = arith.constant 16 : i32
        %mul3A_301 = arith.muli %scan3A_299, %mul3A_300 : i32
        %multiple_of3A_302 = tpu.assume_multiple %mul3A_301, 16 : i32
        %swap3A_303 = arith.index_cast %multiple_of3A_302 : i32 to index
        %swap3A_304 = tpu.vector_load %arg11[%swap3A_303] {strides = array<i32>} : memref<2048xi32, #tpu.memory_space<vmem>>, vector<16xi32>,
        tpu.vector_store %arg11[%swap3A_303], %broadcast_in_dim3A_3 {strides = array<i32>} : memref<2048xi32, #tpu.memory_space<vmem>>, vector<16xi32>,
        %scan3A_305 = arith.constant 0 : i32
        %scan3A_306 = arith.constant 2 : i32
        %scan3A_307 = arith.addi %scan3A_291, %scan3A_306 : i32
        %mul3A_308 = arith.constant 16 : i32
        %mul3A_309 = arith.muli %scan3A_307, %mul3A_308 : i32
        %multiple_of3A_310 = tpu.assume_multiple %mul3A_309, 16 : i32
        %swap3A_311 = arith.index_cast %multiple_of3A_310 : i32 to index
        %swap3A_312 = tpu.vector_load %arg11[%swap3A_311] {strides = array<i32>} : memref<2048xi32, #tpu.memory_space<vmem>>, vector<16xi32>,
        tpu.vector_store %arg11[%swap3A_311], %broadcast_in_dim3A_3 {strides = array<i32>} : memref<2048xi32, #tpu.memory_space<vmem>>, vector<16xi32>,
        %scan3A_313 = arith.constant 0 : i32
        %scan3A_314 = arith.constant 3 : i32
        %scan3A_315 = arith.addi %scan3A_291, %scan3A_314 : i32
        %mul3A_316 = arith.constant 16 : i32
        %mul3A_317 = arith.muli %scan3A_315, %mul3A_316 : i32
        %multiple_of3A_318 = tpu.assume_multiple %mul3A_317, 16 : i32
        %swap3A_319 = arith.index_cast %multiple_of3A_318 : i32 to index
        %swap3A_320 = tpu.vector_load %arg11[%swap3A_319] {strides = array<i32>} : memref<2048xi32, #tpu.memory_space<vmem>>, vector<16xi32>,
        tpu.vector_store %arg11[%swap3A_319], %broadcast_in_dim3A_3 {strides = array<i32>} : memref<2048xi32, #tpu.memory_space<vmem>>, vector<16xi32>,
        %scan3A_321 = arith.constant 0 : i32
        %scan3A_322 = arith.constant 4 : i32
        %scan3A_323 = arith.addi %scan3A_291, %scan3A_322 : i32
        %mul3A_324 = arith.constant 16 : i32
        %mul3A_325 = arith.muli %scan3A_323, %mul3A_324 : i32
        %multiple_of3A_326 = tpu.assume_multiple %mul3A_325, 16 : i32
        %swap3A_327 = arith.index_cast %multiple_of3A_326 : i32 to index
        %swap3A_328 = tpu.vector_load %arg11[%swap3A_327] {strides = array<i32>} : memref<2048xi32, #tpu.memory_space<vmem>>, vector<16xi32>,
        tpu.vector_store %arg11[%swap3A_327], %broadcast_in_dim3A_3 {strides = array<i32>} : memref<2048xi32, #tpu.memory_space<vmem>>, vector<16xi32>,
        %scan3A_329 = arith.constant 0 : i32
        %scan3A_330 = arith.constant 5 : i32
        %scan3A_331 = arith.addi %scan3A_291, %scan3A_330 : i32
        %mul3A_332 = arith.constant 16 : i32
        %mul3A_333 = arith.muli %scan3A_331, %mul3A_332 : i32
        %multiple_of3A_334 = tpu.assume_multiple %mul3A_333, 16 : i32
        %swap3A_335 = arith.index_cast %multiple_of3A_334 : i32 to index
        %swap3A_336 = tpu.vector_load %arg11[%swap3A_335] {strides = array<i32>} : memref<2048xi32, #tpu.memory_space<vmem>>, vector<16xi32>,
        tpu.vector_store %arg11[%swap3A_335], %broadcast_in_dim3A_3 {strides = array<i32>} : memref<2048xi32, #tpu.memory_space<vmem>>, vector<16xi32>,
        %scan3A_337 = arith.constant 0 : i32
        %scan3A_338 = arith.constant 6 : i32
        %scan3A_339 = arith.addi %scan3A_291, %scan3A_338 : i32
        %mul3A_340 = arith.constant 16 : i32
        %mul3A_341 = arith.muli %scan3A_339, %mul3A_340 : i32
        %multiple_of3A_342 = tpu.assume_multiple %mul3A_341, 16 : i32
        %swap3A_343 = arith.index_cast %multiple_of3A_342 : i32 to index
        %swap3A_344 = tpu.vector_load %arg11[%swap3A_343] {strides = array<i32>} : memref<2048xi32, #tpu.memory_space<vmem>>, vector<16xi32>,
        tpu.vector_store %arg11[%swap3A_343], %broadcast_in_dim3A_3 {strides = array<i32>} : memref<2048xi32, #tpu.memory_space<vmem>>, vector<16xi32>,
        %scan3A_345 = arith.constant 0 : i32
        %scan3A_346 = arith.constant 7 : i32
        %scan3A_347 = arith.addi %scan3A_291, %scan3A_346 : i32
        %mul3A_348 = arith.constant 16 : i32
        %mul3A_349 = arith.muli %scan3A_347, %mul3A_348 : i32
        %multiple_of3A_350 = tpu.assume_multiple %mul3A_349, 16 : i32
        %swap3A_351 = arith.index_cast %multiple_of3A_350 : i32 to index
        %swap3A_352 = tpu.vector_load %arg11[%swap3A_351] {strides = array<i32>} : memref<2048xi32, #tpu.memory_space<vmem>>, vector<16xi32>,
        tpu.vector_store %arg11[%swap3A_351], %broadcast_in_dim3A_3 {strides = array<i32>} : memref<2048xi32, #tpu.memory_space<vmem>>, vector<16xi32>,
        %scan3A_353 = arith.constant 0 : i32
        scf.yield %scan3A_353 : i32
      }
      %scan3A_252 = arith.constant 64 : i32
      %while3A_253 = arith.constant 0 : i32
      %while3A_254 = arith.constant 0 : i32
      %while3A_255 = arith.subi %select_n3A, %while3A_253 : i32
      %while3A_256 = arith.addi %while3A_253, %while3A_255 : i32
      %while3A_257 = arith.constant 1 : i32
      %while3A_258 = arith.divsi %while3A_255, %while3A_257 : i32
      %while3A_259 = arith.muli %while3A_258, %while3A_257 : i32
      %while3A_260 = arith.addi %while3A_253, %while3A_259 : i32
      %while3A_261 = arith.constant 1 : i32
      %while3A_262 = scf.for %while3A_291 = %while3A_253 to %while3A_260 step %while3A_261 iter_args(%while3A_292 = %while3A_254) -> (i32)  : i32 {
        %mul3A_293 = arith.constant 8 : i32
        %mul3A_294 = arith.muli %while3A_291, %mul3A_293 : i32
        %add3A_295 = arith.constant 0 : i32
        %add3A_296 = arith.addi %mul3A_294, %add3A_295 : i32
        %mul3A_297 = arith.constant 16 : i32
        %mul3A_298 = arith.muli %add3A_296, %mul3A_297 : i32
        %multiple_of3A = tpu.assume_multiple %mul3A_298, 16 : i32
        %get3A_299 = arith.index_cast %multiple_of3A : i32 to index
        %get3A_300 = tpu.vector_load %arg7[%get3A_299] {strides = array<i32>} : memref<4096xi32, #tpu.memory_space<vmem>>, vector<16xi32>,
        %not3A_301 = arith.constant dense<-1> : vector<16xi32>
        %not3A_302 = arith.xori %get3A_300, %not3A_301 : vector<16xi32>
        %shift_right_arithmetic3A = arith.constant 22 : i32
        %shift_right_arithmetic3A_303 = vector.broadcast %shift_right_arithmetic3A : i32 to vector<16xi32>
        %shift_right_arithmetic3A_304 = arith.shrsi %not3A_302, %shift_right_arithmetic3A_303 : vector<16xi32>
        %add3A_305 = arith.constant 512 : i32
        %add3A_306 = vector.broadcast %add3A_305 : i32 to vector<16xi32>
        %add3A_307 = arith.addi %shift_right_arithmetic3A_304, %add3A_306 : vector<16xi32>
        %broadcast_in_dim3A_308 = arith.constant true
        %broadcast_in_dim3A_309 = vector.broadcast %broadcast_in_dim3A_308 : i1 to vector<16xi1>
        %unique3A, %unique3A_310 = tpu.scan_count mask(%broadcast_in_dim3A_309 : vector<16xi1>) value(%add3A_307 : vector<16xi32>) : vector<16xi1>, vector<16xi32>
        tpu.vector_store_idx %arg11[%add3A_307], %unique3A_310 masked %unique3A {add = true} : memref<2048xi32, #tpu.memory_space<vmem>>[vector<16xi32>], vector<16xi32>, vector<16xi1>
        %mul3A_311 = arith.constant 8 : i32
        %mul3A_312 = arith.muli %while3A_291, %mul3A_311 : i32
        %add3A_313 = arith.constant 1 : i32
        %add3A_314 = arith.addi %mul3A_312, %add3A_313 : i32
        %mul3A_315 = arith.constant 16 : i32
        %mul3A_316 = arith.muli %add3A_314, %mul3A_315 : i32
        %multiple_of3A_317 = tpu.assume_multiple %mul3A_316, 16 : i32
        %get3A_318 = arith.index_cast %multiple_of3A_317 : i32 to index
        %get3A_319 = tpu.vector_load %arg7[%get3A_318] {strides = array<i32>} : memref<4096xi32, #tpu.memory_space<vmem>>, vector<16xi32>,
        %not3A_320 = arith.constant dense<-1> : vector<16xi32>
        %not3A_321 = arith.xori %get3A_319, %not3A_320 : vector<16xi32>
        %shift_right_arithmetic3A_322 = arith.constant 22 : i32
        %shift_right_arithmetic3A_323 = vector.broadcast %shift_right_arithmetic3A_322 : i32 to vector<16xi32>
        %shift_right_arithmetic3A_324 = arith.shrsi %not3A_321, %shift_right_arithmetic3A_323 : vector<16xi32>
        %add3A_325 = arith.constant 512 : i32
        %add3A_326 = vector.broadcast %add3A_325 : i32 to vector<16xi32>
        %add3A_327 = arith.addi %shift_right_arithmetic3A_324, %add3A_326 : vector<16xi32>
        %broadcast_in_dim3A_328 = arith.constant true
        %broadcast_in_dim3A_329 = vector.broadcast %broadcast_in_dim3A_328 : i1 to vector<16xi1>
        %unique3A_330, %unique3A_331 = tpu.scan_count mask(%broadcast_in_dim3A_329 : vector<16xi1>) value(%add3A_327 : vector<16xi32>) : vector<16xi1>, vector<16xi32>
        tpu.vector_store_idx %arg11[%add3A_327], %unique3A_331 masked %unique3A_330 {add = true} : memref<2048xi32, #tpu.memory_space<vmem>>[vector<16xi32>], vector<16xi32>, vector<16xi1>
        %mul3A_332 = arith.constant 8 : i32
        %mul3A_333 = arith.muli %while3A_291, %mul3A_332 : i32
        %add3A_334 = arith.constant 2 : i32
        %add3A_335 = arith.addi %mul3A_333, %add3A_334 : i32
        %mul3A_336 = arith.constant 16 : i32
        %mul3A_337 = arith.muli %add3A_335, %mul3A_336 : i32
        %multiple_of3A_338 = tpu.assume_multiple %mul3A_337, 16 : i32
        %get3A_339 = arith.index_cast %multiple_of3A_338 : i32 to index
        %get3A_340 = tpu.vector_load %arg7[%get3A_339] {strides = array<i32>} : memref<4096xi32, #tpu.memory_space<vmem>>, vector<16xi32>,
        %not3A_341 = arith.constant dense<-1> : vector<16xi32>
        %not3A_342 = arith.xori %get3A_340, %not3A_341 : vector<16xi32>
        %shift_right_arithmetic3A_343 = arith.constant 22 : i32
        %shift_right_arithmetic3A_344 = vector.broadcast %shift_right_arithmetic3A_343 : i32 to vector<16xi32>
        %shift_right_arithmetic3A_345 = arith.shrsi %not3A_342, %shift_right_arithmetic3A_344 : vector<16xi32>
        %add3A_346 = arith.constant 512 : i32
        %add3A_347 = vector.broadcast %add3A_346 : i32 to vector<16xi32>
        %add3A_348 = arith.addi %shift_right_arithmetic3A_345, %add3A_347 : vector<16xi32>
        %broadcast_in_dim3A_349 = arith.constant true
        %broadcast_in_dim3A_350 = vector.broadcast %broadcast_in_dim3A_349 : i1 to vector<16xi1>
        %unique3A_351, %unique3A_352 = tpu.scan_count mask(%broadcast_in_dim3A_350 : vector<16xi1>) value(%add3A_348 : vector<16xi32>) : vector<16xi1>, vector<16xi32>
        tpu.vector_store_idx %arg11[%add3A_348], %unique3A_352 masked %unique3A_351 {add = true} : memref<2048xi32, #tpu.memory_space<vmem>>[vector<16xi32>], vector<16xi32>, vector<16xi1>
        %mul3A_353 = arith.constant 8 : i32
        %mul3A_354 = arith.muli %while3A_291, %mul3A_353 : i32
        %add3A_355 = arith.constant 3 : i32
        %add3A_356 = arith.addi %mul3A_354, %add3A_355 : i32
        %mul3A_357 = arith.constant 16 : i32
        %mul3A_358 = arith.muli %add3A_356, %mul3A_357 : i32
        %multiple_of3A_359 = tpu.assume_multiple %mul3A_358, 16 : i32
        %get3A_360 = arith.index_cast %multiple_of3A_359 : i32 to index
        %get3A_361 = tpu.vector_load %arg7[%get3A_360] {strides = array<i32>} : memref<4096xi32, #tpu.memory_space<vmem>>, vector<16xi32>,
        %not3A_362 = arith.constant dense<-1> : vector<16xi32>
        %not3A_363 = arith.xori %get3A_361, %not3A_362 : vector<16xi32>
        %shift_right_arithmetic3A_364 = arith.constant 22 : i32
        %shift_right_arithmetic3A_365 = vector.broadcast %shift_right_arithmetic3A_364 : i32 to vector<16xi32>
        %shift_right_arithmetic3A_366 = arith.shrsi %not3A_363, %shift_right_arithmetic3A_365 : vector<16xi32>
        %add3A_367 = arith.constant 512 : i32
        %add3A_368 = vector.broadcast %add3A_367 : i32 to vector<16xi32>
        %add3A_369 = arith.addi %shift_right_arithmetic3A_366, %add3A_368 : vector<16xi32>
        %broadcast_in_dim3A_370 = arith.constant true
        %broadcast_in_dim3A_371 = vector.broadcast %broadcast_in_dim3A_370 : i1 to vector<16xi1>
        %unique3A_372, %unique3A_373 = tpu.scan_count mask(%broadcast_in_dim3A_371 : vector<16xi1>) value(%add3A_369 : vector<16xi32>) : vector<16xi1>, vector<16xi32>
        tpu.vector_store_idx %arg11[%add3A_369], %unique3A_373 masked %unique3A_372 {add = true} : memref<2048xi32, #tpu.memory_space<vmem>>[vector<16xi32>], vector<16xi32>, vector<16xi1>
        %mul3A_374 = arith.constant 8 : i32
        %mul3A_375 = arith.muli %while3A_291, %mul3A_374 : i32
        %add3A_376 = arith.constant 4 : i32
        %add3A_377 = arith.addi %mul3A_375, %add3A_376 : i32
        %mul3A_378 = arith.constant 16 : i32
        %mul3A_379 = arith.muli %add3A_377, %mul3A_378 : i32
        %multiple_of3A_380 = tpu.assume_multiple %mul3A_379, 16 : i32
        %get3A_381 = arith.index_cast %multiple_of3A_380 : i32 to index
        %get3A_382 = tpu.vector_load %arg7[%get3A_381] {strides = array<i32>} : memref<4096xi32, #tpu.memory_space<vmem>>, vector<16xi32>,
        %not3A_383 = arith.constant dense<-1> : vector<16xi32>
        %not3A_384 = arith.xori %get3A_382, %not3A_383 : vector<16xi32>
        %shift_right_arithmetic3A_385 = arith.constant 22 : i32
        %shift_right_arithmetic3A_386 = vector.broadcast %shift_right_arithmetic3A_385 : i32 to vector<16xi32>
        %shift_right_arithmetic3A_387 = arith.shrsi %not3A_384, %shift_right_arithmetic3A_386 : vector<16xi32>
        %add3A_388 = arith.constant 512 : i32
        %add3A_389 = vector.broadcast %add3A_388 : i32 to vector<16xi32>
        %add3A_390 = arith.addi %shift_right_arithmetic3A_387, %add3A_389 : vector<16xi32>
        %broadcast_in_dim3A_391 = arith.constant true
        %broadcast_in_dim3A_392 = vector.broadcast %broadcast_in_dim3A_391 : i1 to vector<16xi1>
        %unique3A_393, %unique3A_394 = tpu.scan_count mask(%broadcast_in_dim3A_392 : vector<16xi1>) value(%add3A_390 : vector<16xi32>) : vector<16xi1>, vector<16xi32>
        tpu.vector_store_idx %arg11[%add3A_390], %unique3A_394 masked %unique3A_393 {add = true} : memref<2048xi32, #tpu.memory_space<vmem>>[vector<16xi32>], vector<16xi32>, vector<16xi1>
        %mul3A_395 = arith.constant 8 : i32
        %mul3A_396 = arith.muli %while3A_291, %mul3A_395 : i32
        %add3A_397 = arith.constant 5 : i32
        %add3A_398 = arith.addi %mul3A_396, %add3A_397 : i32
        %mul3A_399 = arith.constant 16 : i32
        %mul3A_400 = arith.muli %add3A_398, %mul3A_399 : i32
        %multiple_of3A_401 = tpu.assume_multiple %mul3A_400, 16 : i32
        %get3A_402 = arith.index_cast %multiple_of3A_401 : i32 to index
        %get3A_403 = tpu.vector_load %arg7[%get3A_402] {strides = array<i32>} : memref<4096xi32, #tpu.memory_space<vmem>>, vector<16xi32>,
        %not3A_404 = arith.constant dense<-1> : vector<16xi32>
        %not3A_405 = arith.xori %get3A_403, %not3A_404 : vector<16xi32>
        %shift_right_arithmetic3A_406 = arith.constant 22 : i32
        %shift_right_arithmetic3A_407 = vector.broadcast %shift_right_arithmetic3A_406 : i32 to vector<16xi32>
        %shift_right_arithmetic3A_408 = arith.shrsi %not3A_405, %shift_right_arithmetic3A_407 : vector<16xi32>
        %add3A_409 = arith.constant 512 : i32
        %add3A_410 = vector.broadcast %add3A_409 : i32 to vector<16xi32>
        %add3A_411 = arith.addi %shift_right_arithmetic3A_408, %add3A_410 : vector<16xi32>
        %broadcast_in_dim3A_412 = arith.constant true
        %broadcast_in_dim3A_413 = vector.broadcast %broadcast_in_dim3A_412 : i1 to vector<16xi1>
        %unique3A_414, %unique3A_415 = tpu.scan_count mask(%broadcast_in_dim3A_413 : vector<16xi1>) value(%add3A_411 : vector<16xi32>) : vector<16xi1>, vector<16xi32>
        tpu.vector_store_idx %arg11[%add3A_411], %unique3A_415 masked %unique3A_414 {add = true} : memref<2048xi32, #tpu.memory_space<vmem>>[vector<16xi32>], vector<16xi32>, vector<16xi1>
        %mul3A_416 = arith.constant 8 : i32
        %mul3A_417 = arith.muli %while3A_291, %mul3A_416 : i32
        %add3A_418 = arith.constant 6 : i32
        %add3A_419 = arith.addi %mul3A_417, %add3A_418 : i32
        %mul3A_420 = arith.constant 16 : i32
        %mul3A_421 = arith.muli %add3A_419, %mul3A_420 : i32
        %multiple_of3A_422 = tpu.assume_multiple %mul3A_421, 16 : i32
        %get3A_423 = arith.index_cast %multiple_of3A_422 : i32 to index
        %get3A_424 = tpu.vector_load %arg7[%get3A_423] {strides = array<i32>} : memref<4096xi32, #tpu.memory_space<vmem>>, vector<16xi32>,
        %not3A_425 = arith.constant dense<-1> : vector<16xi32>
        %not3A_426 = arith.xori %get3A_424, %not3A_425 : vector<16xi32>
        %shift_right_arithmetic3A_427 = arith.constant 22 : i32
        %shift_right_arithmetic3A_428 = vector.broadcast %shift_right_arithmetic3A_427 : i32 to vector<16xi32>
        %shift_right_arithmetic3A_429 = arith.shrsi %not3A_426, %shift_right_arithmetic3A_428 : vector<16xi32>
        %add3A_430 = arith.constant 512 : i32
        %add3A_431 = vector.broadcast %add3A_430 : i32 to vector<16xi32>
        %add3A_432 = arith.addi %shift_right_arithmetic3A_429, %add3A_431 : vector<16xi32>
        %broadcast_in_dim3A_433 = arith.constant true
        %broadcast_in_dim3A_434 = vector.broadcast %broadcast_in_dim3A_433 : i1 to vector<16xi1>
        %unique3A_435, %unique3A_436 = tpu.scan_count mask(%broadcast_in_dim3A_434 : vector<16xi1>) value(%add3A_432 : vector<16xi32>) : vector<16xi1>, vector<16xi32>
        tpu.vector_store_idx %arg11[%add3A_432], %unique3A_436 masked %unique3A_435 {add = true} : memref<2048xi32, #tpu.memory_space<vmem>>[vector<16xi32>], vector<16xi32>, vector<16xi1>
        %mul3A_437 = arith.constant 8 : i32
        %mul3A_438 = arith.muli %while3A_291, %mul3A_437 : i32
        %add3A_439 = arith.constant 7 : i32
        %add3A_440 = arith.addi %mul3A_438, %add3A_439 : i32
        %mul3A_441 = arith.constant 16 : i32
        %mul3A_442 = arith.muli %add3A_440, %mul3A_441 : i32
        %multiple_of3A_443 = tpu.assume_multiple %mul3A_442, 16 : i32
        %get3A_444 = arith.index_cast %multiple_of3A_443 : i32 to index
        %get3A_445 = tpu.vector_load %arg7[%get3A_444] {strides = array<i32>} : memref<4096xi32, #tpu.memory_space<vmem>>, vector<16xi32>,
        %not3A_446 = arith.constant dense<-1> : vector<16xi32>
        %not3A_447 = arith.xori %get3A_445, %not3A_446 : vector<16xi32>
        %shift_right_arithmetic3A_448 = arith.constant 22 : i32
        %shift_right_arithmetic3A_449 = vector.broadcast %shift_right_arithmetic3A_448 : i32 to vector<16xi32>
        %shift_right_arithmetic3A_450 = arith.shrsi %not3A_447, %shift_right_arithmetic3A_449 : vector<16xi32>
        %add3A_451 = arith.constant 512 : i32
        %add3A_452 = vector.broadcast %add3A_451 : i32 to vector<16xi32>
        %add3A_453 = arith.addi %shift_right_arithmetic3A_450, %add3A_452 : vector<16xi32>
        %broadcast_in_dim3A_454 = arith.constant true
        %broadcast_in_dim3A_455 = vector.broadcast %broadcast_in_dim3A_454 : i1 to vector<16xi1>
        %unique3A_456, %unique3A_457 = tpu.scan_count mask(%broadcast_in_dim3A_455 : vector<16xi1>) value(%add3A_453 : vector<16xi32>) : vector<16xi1>, vector<16xi32>
        tpu.vector_store_idx %arg11[%add3A_453], %unique3A_457 masked %unique3A_456 {add = true} : memref<2048xi32, #tpu.memory_space<vmem>>[vector<16xi32>], vector<16xi32>, vector<16xi1>
        %while3A_458 = arith.constant 0 : i32
        scf.yield %while3A_458 : i32
      }
      %while3A_263 = arith.constant 1 : i32
      %while3A_264 = scf.for %while3A_291 = %while3A_260 to %while3A_256 step %while3A_263 iter_args(%while3A_292 = %while3A_262) -> (i32)  : i32 {
        %mul3A_293 = arith.constant 8 : i32
        %mul3A_294 = arith.muli %while3A_291, %mul3A_293 : i32
        %add3A_295 = arith.constant 0 : i32
        %add3A_296 = arith.addi %mul3A_294, %add3A_295 : i32
        %mul3A_297 = arith.constant 16 : i32
        %mul3A_298 = arith.muli %add3A_296, %mul3A_297 : i32
        %multiple_of3A = tpu.assume_multiple %mul3A_298, 16 : i32
        %get3A_299 = arith.index_cast %multiple_of3A : i32 to index
        %get3A_300 = tpu.vector_load %arg7[%get3A_299] {strides = array<i32>} : memref<4096xi32, #tpu.memory_space<vmem>>, vector<16xi32>,
        %not3A_301 = arith.constant dense<-1> : vector<16xi32>
        %not3A_302 = arith.xori %get3A_300, %not3A_301 : vector<16xi32>
        %shift_right_arithmetic3A = arith.constant 22 : i32
        %shift_right_arithmetic3A_303 = vector.broadcast %shift_right_arithmetic3A : i32 to vector<16xi32>
        %shift_right_arithmetic3A_304 = arith.shrsi %not3A_302, %shift_right_arithmetic3A_303 : vector<16xi32>
        %add3A_305 = arith.constant 512 : i32
        %add3A_306 = vector.broadcast %add3A_305 : i32 to vector<16xi32>
        %add3A_307 = arith.addi %shift_right_arithmetic3A_304, %add3A_306 : vector<16xi32>
        %broadcast_in_dim3A_308 = arith.constant true
        %broadcast_in_dim3A_309 = vector.broadcast %broadcast_in_dim3A_308 : i1 to vector<16xi1>
        %unique3A, %unique3A_310 = tpu.scan_count mask(%broadcast_in_dim3A_309 : vector<16xi1>) value(%add3A_307 : vector<16xi32>) : vector<16xi1>, vector<16xi32>
        tpu.vector_store_idx %arg11[%add3A_307], %unique3A_310 masked %unique3A {add = true} : memref<2048xi32, #tpu.memory_space<vmem>>[vector<16xi32>], vector<16xi32>, vector<16xi1>
        %mul3A_311 = arith.constant 8 : i32
        %mul3A_312 = arith.muli %while3A_291, %mul3A_311 : i32
        %add3A_313 = arith.constant 1 : i32
        %add3A_314 = arith.addi %mul3A_312, %add3A_313 : i32
        %mul3A_315 = arith.constant 16 : i32
        %mul3A_316 = arith.muli %add3A_314, %mul3A_315 : i32
        %multiple_of3A_317 = tpu.assume_multiple %mul3A_316, 16 : i32
        %get3A_318 = arith.index_cast %multiple_of3A_317 : i32 to index
        %get3A_319 = tpu.vector_load %arg7[%get3A_318] {strides = array<i32>} : memref<4096xi32, #tpu.memory_space<vmem>>, vector<16xi32>,
        %not3A_320 = arith.constant dense<-1> : vector<16xi32>
        %not3A_321 = arith.xori %get3A_319, %not3A_320 : vector<16xi32>
        %shift_right_arithmetic3A_322 = arith.constant 22 : i32
        %shift_right_arithmetic3A_323 = vector.broadcast %shift_right_arithmetic3A_322 : i32 to vector<16xi32>
        %shift_right_arithmetic3A_324 = arith.shrsi %not3A_321, %shift_right_arithmetic3A_323 : vector<16xi32>
        %add3A_325 = arith.constant 512 : i32
        %add3A_326 = vector.broadcast %add3A_325 : i32 to vector<16xi32>
        %add3A_327 = arith.addi %shift_right_arithmetic3A_324, %add3A_326 : vector<16xi32>
        %broadcast_in_dim3A_328 = arith.constant true
        %broadcast_in_dim3A_329 = vector.broadcast %broadcast_in_dim3A_328 : i1 to vector<16xi1>
        %unique3A_330, %unique3A_331 = tpu.scan_count mask(%broadcast_in_dim3A_329 : vector<16xi1>) value(%add3A_327 : vector<16xi32>) : vector<16xi1>, vector<16xi32>
        tpu.vector_store_idx %arg11[%add3A_327], %unique3A_331 masked %unique3A_330 {add = true} : memref<2048xi32, #tpu.memory_space<vmem>>[vector<16xi32>], vector<16xi32>, vector<16xi1>
        %mul3A_332 = arith.constant 8 : i32
        %mul3A_333 = arith.muli %while3A_291, %mul3A_332 : i32
        %add3A_334 = arith.constant 2 : i32
        %add3A_335 = arith.addi %mul3A_333, %add3A_334 : i32
        %mul3A_336 = arith.constant 16 : i32
        %mul3A_337 = arith.muli %add3A_335, %mul3A_336 : i32
        %multiple_of3A_338 = tpu.assume_multiple %mul3A_337, 16 : i32
        %get3A_339 = arith.index_cast %multiple_of3A_338 : i32 to index
        %get3A_340 = tpu.vector_load %arg7[%get3A_339] {strides = array<i32>} : memref<4096xi32, #tpu.memory_space<vmem>>, vector<16xi32>,
        %not3A_341 = arith.constant dense<-1> : vector<16xi32>
        %not3A_342 = arith.xori %get3A_340, %not3A_341 : vector<16xi32>
        %shift_right_arithmetic3A_343 = arith.constant 22 : i32
        %shift_right_arithmetic3A_344 = vector.broadcast %shift_right_arithmetic3A_343 : i32 to vector<16xi32>
        %shift_right_arithmetic3A_345 = arith.shrsi %not3A_342, %shift_right_arithmetic3A_344 : vector<16xi32>
        %add3A_346 = arith.constant 512 : i32
        %add3A_347 = vector.broadcast %add3A_346 : i32 to vector<16xi32>
        %add3A_348 = arith.addi %shift_right_arithmetic3A_345, %add3A_347 : vector<16xi32>
        %broadcast_in_dim3A_349 = arith.constant true
        %broadcast_in_dim3A_350 = vector.broadcast %broadcast_in_dim3A_349 : i1 to vector<16xi1>
        %unique3A_351, %unique3A_352 = tpu.scan_count mask(%broadcast_in_dim3A_350 : vector<16xi1>) value(%add3A_348 : vector<16xi32>) : vector<16xi1>, vector<16xi32>
        tpu.vector_store_idx %arg11[%add3A_348], %unique3A_352 masked %unique3A_351 {add = true} : memref<2048xi32, #tpu.memory_space<vmem>>[vector<16xi32>], vector<16xi32>, vector<16xi1>
        %mul3A_353 = arith.constant 8 : i32
        %mul3A_354 = arith.muli %while3A_291, %mul3A_353 : i32
        %add3A_355 = arith.constant 3 : i32
        %add3A_356 = arith.addi %mul3A_354, %add3A_355 : i32
        %mul3A_357 = arith.constant 16 : i32
        %mul3A_358 = arith.muli %add3A_356, %mul3A_357 : i32
        %multiple_of3A_359 = tpu.assume_multiple %mul3A_358, 16 : i32
        %get3A_360 = arith.index_cast %multiple_of3A_359 : i32 to index
        %get3A_361 = tpu.vector_load %arg7[%get3A_360] {strides = array<i32>} : memref<4096xi32, #tpu.memory_space<vmem>>, vector<16xi32>,
        %not3A_362 = arith.constant dense<-1> : vector<16xi32>
        %not3A_363 = arith.xori %get3A_361, %not3A_362 : vector<16xi32>
        %shift_right_arithmetic3A_364 = arith.constant 22 : i32
        %shift_right_arithmetic3A_365 = vector.broadcast %shift_right_arithmetic3A_364 : i32 to vector<16xi32>
        %shift_right_arithmetic3A_366 = arith.shrsi %not3A_363, %shift_right_arithmetic3A_365 : vector<16xi32>
        %add3A_367 = arith.constant 512 : i32
        %add3A_368 = vector.broadcast %add3A_367 : i32 to vector<16xi32>
        %add3A_369 = arith.addi %shift_right_arithmetic3A_366, %add3A_368 : vector<16xi32>
        %broadcast_in_dim3A_370 = arith.constant true
        %broadcast_in_dim3A_371 = vector.broadcast %broadcast_in_dim3A_370 : i1 to vector<16xi1>
        %unique3A_372, %unique3A_373 = tpu.scan_count mask(%broadcast_in_dim3A_371 : vector<16xi1>) value(%add3A_369 : vector<16xi32>) : vector<16xi1>, vector<16xi32>
        tpu.vector_store_idx %arg11[%add3A_369], %unique3A_373 masked %unique3A_372 {add = true} : memref<2048xi32, #tpu.memory_space<vmem>>[vector<16xi32>], vector<16xi32>, vector<16xi1>
        %mul3A_374 = arith.constant 8 : i32
        %mul3A_375 = arith.muli %while3A_291, %mul3A_374 : i32
        %add3A_376 = arith.constant 4 : i32
        %add3A_377 = arith.addi %mul3A_375, %add3A_376 : i32
        %mul3A_378 = arith.constant 16 : i32
        %mul3A_379 = arith.muli %add3A_377, %mul3A_378 : i32
        %multiple_of3A_380 = tpu.assume_multiple %mul3A_379, 16 : i32
        %get3A_381 = arith.index_cast %multiple_of3A_380 : i32 to index
        %get3A_382 = tpu.vector_load %arg7[%get3A_381] {strides = array<i32>} : memref<4096xi32, #tpu.memory_space<vmem>>, vector<16xi32>,
        %not3A_383 = arith.constant dense<-1> : vector<16xi32>
        %not3A_384 = arith.xori %get3A_382, %not3A_383 : vector<16xi32>
        %shift_right_arithmetic3A_385 = arith.constant 22 : i32
        %shift_right_arithmetic3A_386 = vector.broadcast %shift_right_arithmetic3A_385 : i32 to vector<16xi32>
        %shift_right_arithmetic3A_387 = arith.shrsi %not3A_384, %shift_right_arithmetic3A_386 : vector<16xi32>
        %add3A_388 = arith.constant 512 : i32
        %add3A_389 = vector.broadcast %add3A_388 : i32 to vector<16xi32>
        %add3A_390 = arith.addi %shift_right_arithmetic3A_387, %add3A_389 : vector<16xi32>
        %broadcast_in_dim3A_391 = arith.constant true
        %broadcast_in_dim3A_392 = vector.broadcast %broadcast_in_dim3A_391 : i1 to vector<16xi1>
        %unique3A_393, %unique3A_394 = tpu.scan_count mask(%broadcast_in_dim3A_392 : vector<16xi1>) value(%add3A_390 : vector<16xi32>) : vector<16xi1>, vector<16xi32>
        tpu.vector_store_idx %arg11[%add3A_390], %unique3A_394 masked %unique3A_393 {add = true} : memref<2048xi32, #tpu.memory_space<vmem>>[vector<16xi32>], vector<16xi32>, vector<16xi1>
        %mul3A_395 = arith.constant 8 : i32
        %mul3A_396 = arith.muli %while3A_291, %mul3A_395 : i32
        %add3A_397 = arith.constant 5 : i32
        %add3A_398 = arith.addi %mul3A_396, %add3A_397 : i32
        %mul3A_399 = arith.constant 16 : i32
        %mul3A_400 = arith.muli %add3A_398, %mul3A_399 : i32
        %multiple_of3A_401 = tpu.assume_multiple %mul3A_400, 16 : i32
        %get3A_402 = arith.index_cast %multiple_of3A_401 : i32 to index
        %get3A_403 = tpu.vector_load %arg7[%get3A_402] {strides = array<i32>} : memref<4096xi32, #tpu.memory_space<vmem>>, vector<16xi32>,
        %not3A_404 = arith.constant dense<-1> : vector<16xi32>
        %not3A_405 = arith.xori %get3A_403, %not3A_404 : vector<16xi32>
        %shift_right_arithmetic3A_406 = arith.constant 22 : i32
        %shift_right_arithmetic3A_407 = vector.broadcast %shift_right_arithmetic3A_406 : i32 to vector<16xi32>
        %shift_right_arithmetic3A_408 = arith.shrsi %not3A_405, %shift_right_arithmetic3A_407 : vector<16xi32>
        %add3A_409 = arith.constant 512 : i32
        %add3A_410 = vector.broadcast %add3A_409 : i32 to vector<16xi32>
        %add3A_411 = arith.addi %shift_right_arithmetic3A_408, %add3A_410 : vector<16xi32>
        %broadcast_in_dim3A_412 = arith.constant true
        %broadcast_in_dim3A_413 = vector.broadcast %broadcast_in_dim3A_412 : i1 to vector<16xi1>
        %unique3A_414, %unique3A_415 = tpu.scan_count mask(%broadcast_in_dim3A_413 : vector<16xi1>) value(%add3A_411 : vector<16xi32>) : vector<16xi1>, vector<16xi32>
        tpu.vector_store_idx %arg11[%add3A_411], %unique3A_415 masked %unique3A_414 {add = true} : memref<2048xi32, #tpu.memory_space<vmem>>[vector<16xi32>], vector<16xi32>, vector<16xi1>
        %mul3A_416 = arith.constant 8 : i32
        %mul3A_417 = arith.muli %while3A_291, %mul3A_416 : i32
        %add3A_418 = arith.constant 6 : i32
        %add3A_419 = arith.addi %mul3A_417, %add3A_418 : i32
        %mul3A_420 = arith.constant 16 : i32
        %mul3A_421 = arith.muli %add3A_419, %mul3A_420 : i32
        %multiple_of3A_422 = tpu.assume_multiple %mul3A_421, 16 : i32
        %get3A_423 = arith.index_cast %multiple_of3A_422 : i32 to index
        %get3A_424 = tpu.vector_load %arg7[%get3A_423] {strides = array<i32>} : memref<4096xi32, #tpu.memory_space<vmem>>, vector<16xi32>,
        %not3A_425 = arith.constant dense<-1> : vector<16xi32>
        %not3A_426 = arith.xori %get3A_424, %not3A_425 : vector<16xi32>
        %shift_right_arithmetic3A_427 = arith.constant 22 : i32
        %shift_right_arithmetic3A_428 = vector.broadcast %shift_right_arithmetic3A_427 : i32 to vector<16xi32>
        %shift_right_arithmetic3A_429 = arith.shrsi %not3A_426, %shift_right_arithmetic3A_428 : vector<16xi32>
        %add3A_430 = arith.constant 512 : i32
        %add3A_431 = vector.broadcast %add3A_430 : i32 to vector<16xi32>
        %add3A_432 = arith.addi %shift_right_arithmetic3A_429, %add3A_431 : vector<16xi32>
        %broadcast_in_dim3A_433 = arith.constant true
        %broadcast_in_dim3A_434 = vector.broadcast %broadcast_in_dim3A_433 : i1 to vector<16xi1>
        %unique3A_435, %unique3A_436 = tpu.scan_count mask(%broadcast_in_dim3A_434 : vector<16xi1>) value(%add3A_432 : vector<16xi32>) : vector<16xi1>, vector<16xi32>
        tpu.vector_store_idx %arg11[%add3A_432], %unique3A_436 masked %unique3A_435 {add = true} : memref<2048xi32, #tpu.memory_space<vmem>>[vector<16xi32>], vector<16xi32>, vector<16xi1>
        %mul3A_437 = arith.constant 8 : i32
        %mul3A_438 = arith.muli %while3A_291, %mul3A_437 : i32
        %add3A_439 = arith.constant 7 : i32
        %add3A_440 = arith.addi %mul3A_438, %add3A_439 : i32
        %mul3A_441 = arith.constant 16 : i32
        %mul3A_442 = arith.muli %add3A_440, %mul3A_441 : i32
        %multiple_of3A_443 = tpu.assume_multiple %mul3A_442, 16 : i32
        %get3A_444 = arith.index_cast %multiple_of3A_443 : i32 to index
        %get3A_445 = tpu.vector_load %arg7[%get3A_444] {strides = array<i32>} : memref<4096xi32, #tpu.memory_space<vmem>>, vector<16xi32>,
        %not3A_446 = arith.constant dense<-1> : vector<16xi32>
        %not3A_447 = arith.xori %get3A_445, %not3A_446 : vector<16xi32>
        %shift_right_arithmetic3A_448 = arith.constant 22 : i32
        %shift_right_arithmetic3A_449 = vector.broadcast %shift_right_arithmetic3A_448 : i32 to vector<16xi32>
        %shift_right_arithmetic3A_450 = arith.shrsi %not3A_447, %shift_right_arithmetic3A_449 : vector<16xi32>
        %add3A_451 = arith.constant 512 : i32
        %add3A_452 = vector.broadcast %add3A_451 : i32 to vector<16xi32>
        %add3A_453 = arith.addi %shift_right_arithmetic3A_450, %add3A_452 : vector<16xi32>
        %broadcast_in_dim3A_454 = arith.constant true
        %broadcast_in_dim3A_455 = vector.broadcast %broadcast_in_dim3A_454 : i1 to vector<16xi1>
        %unique3A_456, %unique3A_457 = tpu.scan_count mask(%broadcast_in_dim3A_455 : vector<16xi1>) value(%add3A_453 : vector<16xi32>) : vector<16xi1>, vector<16xi32>
        tpu.vector_store_idx %arg11[%add3A_453], %unique3A_457 masked %unique3A_456 {add = true} : memref<2048xi32, #tpu.memory_space<vmem>>[vector<16xi32>], vector<16xi32>, vector<16xi1>
        %while3A_458 = arith.constant 0 : i32
        scf.yield %while3A_458 : i32
      }
      %scan3A_265 = arith.constant 0 : i32
      %scan3A_266 = arith.constant 64 : i32
      %scan3A_267 = arith.addi %scan3A_265, %scan3A_266 : i32
      %scan3A_268 = arith.constant 2 : i32
      %scan3A_269 = scf.for %scan3A_291 = %scan3A_265 to %scan3A_267 step %scan3A_268 iter_args(%scan3A_292 = %broadcast_in_dim3A_3) -> (vector<16xi32>)  : i32 {
        %mul3A_293 = arith.constant 16 : i32
        %mul3A_294 = arith.muli %scan3A_291, %mul3A_293 : i32
        %multiple_of3A = tpu.assume_multiple %mul3A_294, 16 : i32
        %get3A_295 = arith.index_cast %multiple_of3A : i32 to index
        %get3A_296 = tpu.vector_load %arg11[%get3A_295] {strides = array<i32>} : memref<2048xi32, #tpu.memory_space<vmem>>, vector<16xi32>,
        %broadcast_in_dim3A_297 = arith.constant true
        %broadcast_in_dim3A_298 = vector.broadcast %broadcast_in_dim3A_297 : i1 to vector<16xi1>
        %masked_cumsum3A = tpu.scan <sum>, %get3A_296 masked %broadcast_in_dim3A_298 : vector<16xi32>, vector<16xi1> -> vector<16xi32>
        %sub3A_299 = arith.subi %masked_cumsum3A, %get3A_296 : vector<16xi32>
        %add3A_300 = arith.addi %sub3A_299, %scan3A_292 : vector<16xi32>
        %mul3A_301 = arith.constant 16 : i32
        %mul3A_302 = arith.muli %scan3A_291, %mul3A_301 : i32
        %multiple_of3A_303 = tpu.assume_multiple %mul3A_302, 16 : i32
        %swap3A_304 = arith.index_cast %multiple_of3A_303 : i32 to index
        %swap3A_305 = tpu.vector_load %arg11[%swap3A_304] {strides = array<i32>} : memref<2048xi32, #tpu.memory_space<vmem>>, vector<16xi32>,
        tpu.vector_store %arg11[%swap3A_304], %add3A_300 {strides = array<i32>} : memref<2048xi32, #tpu.memory_space<vmem>>, vector<16xi32>,
        %broadcast_in_dim3A_306 = arith.constant 15 : i32
        %broadcast_in_dim3A_307 = vector.broadcast %broadcast_in_dim3A_306 : i32 to vector<16xi32>
        %broadcast_in_dim3A_308 = vector.shape_cast %broadcast_in_dim3A_307 : vector<16xi32> to vector<16x1xi32>
        %gather3A = vector.shape_cast %broadcast_in_dim3A_308 : vector<16x1xi32> to vector<16xi32>
        %gather3A_309 = tpu.dynamic_gather %masked_cumsum3A[%gather3A] in [0] : vector<16xi32>, vector<16xi32> -> vector<16xi32>
        %add3A_310 = arith.addi %gather3A_309, %scan3A_292 : vector<16xi32>
        %scan3A_311 = arith.constant 1 : i32
        %scan3A_312 = arith.addi %scan3A_291, %scan3A_311 : i32
        %mul3A_313 = arith.constant 16 : i32
        %mul3A_314 = arith.muli %scan3A_312, %mul3A_313 : i32
        %multiple_of3A_315 = tpu.assume_multiple %mul3A_314, 16 : i32
        %get3A_316 = arith.index_cast %multiple_of3A_315 : i32 to index
        %get3A_317 = tpu.vector_load %arg11[%get3A_316] {strides = array<i32>} : memref<2048xi32, #tpu.memory_space<vmem>>, vector<16xi32>,
        %broadcast_in_dim3A_318 = arith.constant true
        %broadcast_in_dim3A_319 = vector.broadcast %broadcast_in_dim3A_318 : i1 to vector<16xi1>
        %masked_cumsum3A_320 = tpu.scan <sum>, %get3A_317 masked %broadcast_in_dim3A_319 : vector<16xi32>, vector<16xi1> -> vector<16xi32>
        %sub3A_321 = arith.subi %masked_cumsum3A_320, %get3A_317 : vector<16xi32>
        %add3A_322 = arith.addi %sub3A_321, %add3A_310 : vector<16xi32>
        %mul3A_323 = arith.constant 16 : i32
        %mul3A_324 = arith.muli %scan3A_312, %mul3A_323 : i32
        %multiple_of3A_325 = tpu.assume_multiple %mul3A_324, 16 : i32
        %swap3A_326 = arith.index_cast %multiple_of3A_325 : i32 to index
        %swap3A_327 = tpu.vector_load %arg11[%swap3A_326] {strides = array<i32>} : memref<2048xi32, #tpu.memory_space<vmem>>, vector<16xi32>,
        tpu.vector_store %arg11[%swap3A_326], %add3A_322 {strides = array<i32>} : memref<2048xi32, #tpu.memory_space<vmem>>, vector<16xi32>,
        %broadcast_in_dim3A_328 = arith.constant 15 : i32
        %broadcast_in_dim3A_329 = vector.broadcast %broadcast_in_dim3A_328 : i32 to vector<16xi32>
        %broadcast_in_dim3A_330 = vector.shape_cast %broadcast_in_dim3A_329 : vector<16xi32> to vector<16x1xi32>
        %gather3A_331 = vector.shape_cast %broadcast_in_dim3A_330 : vector<16x1xi32> to vector<16xi32>
        %gather3A_332 = tpu.dynamic_gather %masked_cumsum3A_320[%gather3A_331] in [0] : vector<16xi32>, vector<16xi32> -> vector<16xi32>
        %add3A_333 = arith.addi %gather3A_332, %add3A_310 : vector<16xi32>
        scf.yield %add3A_333 : vector<16xi32>
      }
      %scan3A_270 = arith.constant 64 : i32
      %while3A_271 = arith.constant 0 : i32
      %while3A_272 = arith.constant 0 : i32
      %while3A_273 = arith.subi %select_n3A, %while3A_271 : i32
      %while3A_274 = arith.addi %while3A_271, %while3A_273 : i32
      %while3A_275 = arith.constant 1 : i32
      %while3A_276 = arith.divsi %while3A_273, %while3A_275 : i32
      %while3A_277 = arith.muli %while3A_276, %while3A_275 : i32
      %while3A_278 = arith.addi %while3A_271, %while3A_277 : i32
      %while3A_279 = arith.constant 1 : i32
      %while3A_280 = scf.for %while3A_291 = %while3A_271 to %while3A_278 step %while3A_279 iter_args(%while3A_292 = %while3A_272) -> (i32)  : i32 {
        %mul3A_293 = arith.constant 8 : i32
        %mul3A_294 = arith.muli %while3A_291, %mul3A_293 : i32
        %add3A_295 = arith.constant 0 : i32
        %add3A_296 = arith.addi %mul3A_294, %add3A_295 : i32
        %mul3A_297 = arith.constant 16 : i32
        %mul3A_298 = arith.muli %add3A_296, %mul3A_297 : i32
        %multiple_of3A = tpu.assume_multiple %mul3A_298, 16 : i32
        %get3A_299 = arith.index_cast %multiple_of3A : i32 to index
        %get3A_300 = tpu.vector_load %arg7[%get3A_299] {strides = array<i32>} : memref<4096xi32, #tpu.memory_space<vmem>>, vector<16xi32>,
        %mul3A_301 = arith.constant 16 : i32
        %mul3A_302 = arith.muli %add3A_296, %mul3A_301 : i32
        %multiple_of3A_303 = tpu.assume_multiple %mul3A_302, 16 : i32
        %get3A_304 = arith.index_cast %multiple_of3A_303 : i32 to index
        %get3A_305 = tpu.vector_load %arg8[%get3A_304] {strides = array<i32>} : memref<4096xi32, #tpu.memory_space<vmem>>, vector<16xi32>,
        %not3A_306 = arith.constant dense<-1> : vector<16xi32>
        %not3A_307 = arith.xori %get3A_300, %not3A_306 : vector<16xi32>
        %shift_right_arithmetic3A = arith.constant 22 : i32
        %shift_right_arithmetic3A_308 = vector.broadcast %shift_right_arithmetic3A : i32 to vector<16xi32>
        %shift_right_arithmetic3A_309 = arith.shrsi %not3A_307, %shift_right_arithmetic3A_308 : vector<16xi32>
        %add3A_310 = arith.constant 512 : i32
        %add3A_311 = vector.broadcast %add3A_310 : i32 to vector<16xi32>
        %add3A_312 = arith.addi %shift_right_arithmetic3A_309, %add3A_311 : vector<16xi32>
        %broadcast_in_dim3A_313 = arith.constant true
        %broadcast_in_dim3A_314 = vector.broadcast %broadcast_in_dim3A_313 : i1 to vector<16xi1>
        %unique3A, %unique3A_315 = tpu.scan_count mask(%broadcast_in_dim3A_314 : vector<16xi1>) value(%add3A_312 : vector<16xi32>) : vector<16xi1>, vector<16xi32>
        %gather3A = tpu.vector_load_idx %arg11[%add3A_312] : memref<2048xi32, #tpu.memory_space<vmem>>[vector<16xi32>], vector<16xi32>,
        %add3A_316 = arith.addi %gather3A, %unique3A_315 : vector<16xi32>
        %sub3A_317 = arith.constant 1 : i32
        %sub3A_318 = vector.broadcast %sub3A_317 : i32 to vector<16xi32>
        %sub3A_319 = arith.subi %add3A_316, %sub3A_318 : vector<16xi32>
        tpu.vector_store_idx %arg9[%sub3A_319], %get3A_300 : memref<4096xi32, #tpu.memory_space<vmem>>[vector<16xi32>], vector<16xi32>,
        tpu.vector_store_idx %arg10[%sub3A_319], %get3A_305 : memref<4096xi32, #tpu.memory_space<vmem>>[vector<16xi32>], vector<16xi32>,
        tpu.vector_store_idx %arg11[%add3A_312], %unique3A_315 masked %unique3A {add = true} : memref<2048xi32, #tpu.memory_space<vmem>>[vector<16xi32>], vector<16xi32>, vector<16xi1>
        %mul3A_320 = arith.constant 8 : i32
        %mul3A_321 = arith.muli %while3A_291, %mul3A_320 : i32
        %add3A_322 = arith.constant 1 : i32
        %add3A_323 = arith.addi %mul3A_321, %add3A_322 : i32
        %mul3A_324 = arith.constant 16 : i32
        %mul3A_325 = arith.muli %add3A_323, %mul3A_324 : i32
        %multiple_of3A_326 = tpu.assume_multiple %mul3A_325, 16 : i32
        %get3A_327 = arith.index_cast %multiple_of3A_326 : i32 to index
        %get3A_328 = tpu.vector_load %arg7[%get3A_327] {strides = array<i32>} : memref<4096xi32, #tpu.memory_space<vmem>>, vector<16xi32>,
        %mul3A_329 = arith.constant 16 : i32
        %mul3A_330 = arith.muli %add3A_323, %mul3A_329 : i32
        %multiple_of3A_331 = tpu.assume_multiple %mul3A_330, 16 : i32
        %get3A_332 = arith.index_cast %multiple_of3A_331 : i32 to index
        %get3A_333 = tpu.vector_load %arg8[%get3A_332] {strides = array<i32>} : memref<4096xi32, #tpu.memory_space<vmem>>, vector<16xi32>,
        %not3A_334 = arith.constant dense<-1> : vector<16xi32>
        %not3A_335 = arith.xori %get3A_328, %not3A_334 : vector<16xi32>
        %shift_right_arithmetic3A_336 = arith.constant 22 : i32
        %shift_right_arithmetic3A_337 = vector.broadcast %shift_right_arithmetic3A_336 : i32 to vector<16xi32>
        %shift_right_arithmetic3A_338 = arith.shrsi %not3A_335, %shift_right_arithmetic3A_337 : vector<16xi32>
        %add3A_339 = arith.constant 512 : i32
        %add3A_340 = vector.broadcast %add3A_339 : i32 to vector<16xi32>
        %add3A_341 = arith.addi %shift_right_arithmetic3A_338, %add3A_340 : vector<16xi32>
        %broadcast_in_dim3A_342 = arith.constant true
        %broadcast_in_dim3A_343 = vector.broadcast %broadcast_in_dim3A_342 : i1 to vector<16xi1>
        %unique3A_344, %unique3A_345 = tpu.scan_count mask(%broadcast_in_dim3A_343 : vector<16xi1>) value(%add3A_341 : vector<16xi32>) : vector<16xi1>, vector<16xi32>
        %gather3A_346 = tpu.vector_load_idx %arg11[%add3A_341] : memref<2048xi32, #tpu.memory_space<vmem>>[vector<16xi32>], vector<16xi32>,
        %add3A_347 = arith.addi %gather3A_346, %unique3A_345 : vector<16xi32>
        %sub3A_348 = arith.constant 1 : i32
        %sub3A_349 = vector.broadcast %sub3A_348 : i32 to vector<16xi32>
        %sub3A_350 = arith.subi %add3A_347, %sub3A_349 : vector<16xi32>
        tpu.vector_store_idx %arg9[%sub3A_350], %get3A_328 : memref<4096xi32, #tpu.memory_space<vmem>>[vector<16xi32>], vector<16xi32>,
        tpu.vector_store_idx %arg10[%sub3A_350], %get3A_333 : memref<4096xi32, #tpu.memory_space<vmem>>[vector<16xi32>], vector<16xi32>,
        tpu.vector_store_idx %arg11[%add3A_341], %unique3A_345 masked %unique3A_344 {add = true} : memref<2048xi32, #tpu.memory_space<vmem>>[vector<16xi32>], vector<16xi32>, vector<16xi1>
        %mul3A_351 = arith.constant 8 : i32
        %mul3A_352 = arith.muli %while3A_291, %mul3A_351 : i32
        %add3A_353 = arith.constant 2 : i32
        %add3A_354 = arith.addi %mul3A_352, %add3A_353 : i32
        %mul3A_355 = arith.constant 16 : i32
        %mul3A_356 = arith.muli %add3A_354, %mul3A_355 : i32
        %multiple_of3A_357 = tpu.assume_multiple %mul3A_356, 16 : i32
        %get3A_358 = arith.index_cast %multiple_of3A_357 : i32 to index
        %get3A_359 = tpu.vector_load %arg7[%get3A_358] {strides = array<i32>} : memref<4096xi32, #tpu.memory_space<vmem>>, vector<16xi32>,
        %mul3A_360 = arith.constant 16 : i32
        %mul3A_361 = arith.muli %add3A_354, %mul3A_360 : i32
        %multiple_of3A_362 = tpu.assume_multiple %mul3A_361, 16 : i32
        %get3A_363 = arith.index_cast %multiple_of3A_362 : i32 to index
        %get3A_364 = tpu.vector_load %arg8[%get3A_363] {strides = array<i32>} : memref<4096xi32, #tpu.memory_space<vmem>>, vector<16xi32>,
        %not3A_365 = arith.constant dense<-1> : vector<16xi32>
        %not3A_366 = arith.xori %get3A_359, %not3A_365 : vector<16xi32>
        %shift_right_arithmetic3A_367 = arith.constant 22 : i32
        %shift_right_arithmetic3A_368 = vector.broadcast %shift_right_arithmetic3A_367 : i32 to vector<16xi32>
        %shift_right_arithmetic3A_369 = arith.shrsi %not3A_366, %shift_right_arithmetic3A_368 : vector<16xi32>
        %add3A_370 = arith.constant 512 : i32
        %add3A_371 = vector.broadcast %add3A_370 : i32 to vector<16xi32>
        %add3A_372 = arith.addi %shift_right_arithmetic3A_369, %add3A_371 : vector<16xi32>
        %broadcast_in_dim3A_373 = arith.constant true
        %broadcast_in_dim3A_374 = vector.broadcast %broadcast_in_dim3A_373 : i1 to vector<16xi1>
        %unique3A_375, %unique3A_376 = tpu.scan_count mask(%broadcast_in_dim3A_374 : vector<16xi1>) value(%add3A_372 : vector<16xi32>) : vector<16xi1>, vector<16xi32>
        %gather3A_377 = tpu.vector_load_idx %arg11[%add3A_372] : memref<2048xi32, #tpu.memory_space<vmem>>[vector<16xi32>], vector<16xi32>,
        %add3A_378 = arith.addi %gather3A_377, %unique3A_376 : vector<16xi32>
        %sub3A_379 = arith.constant 1 : i32
        %sub3A_380 = vector.broadcast %sub3A_379 : i32 to vector<16xi32>
        %sub3A_381 = arith.subi %add3A_378, %sub3A_380 : vector<16xi32>
        tpu.vector_store_idx %arg9[%sub3A_381], %get3A_359 : memref<4096xi32, #tpu.memory_space<vmem>>[vector<16xi32>], vector<16xi32>,
        tpu.vector_store_idx %arg10[%sub3A_381], %get3A_364 : memref<4096xi32, #tpu.memory_space<vmem>>[vector<16xi32>], vector<16xi32>,
        tpu.vector_store_idx %arg11[%add3A_372], %unique3A_376 masked %unique3A_375 {add = true} : memref<2048xi32, #tpu.memory_space<vmem>>[vector<16xi32>], vector<16xi32>, vector<16xi1>
        %mul3A_382 = arith.constant 8 : i32
        %mul3A_383 = arith.muli %while3A_291, %mul3A_382 : i32
        %add3A_384 = arith.constant 3 : i32
        %add3A_385 = arith.addi %mul3A_383, %add3A_384 : i32
        %mul3A_386 = arith.constant 16 : i32
        %mul3A_387 = arith.muli %add3A_385, %mul3A_386 : i32
        %multiple_of3A_388 = tpu.assume_multiple %mul3A_387, 16 : i32
        %get3A_389 = arith.index_cast %multiple_of3A_388 : i32 to index
        %get3A_390 = tpu.vector_load %arg7[%get3A_389] {strides = array<i32>} : memref<4096xi32, #tpu.memory_space<vmem>>, vector<16xi32>,
        %mul3A_391 = arith.constant 16 : i32
        %mul3A_392 = arith.muli %add3A_385, %mul3A_391 : i32
        %multiple_of3A_393 = tpu.assume_multiple %mul3A_392, 16 : i32
        %get3A_394 = arith.index_cast %multiple_of3A_393 : i32 to index
        %get3A_395 = tpu.vector_load %arg8[%get3A_394] {strides = array<i32>} : memref<4096xi32, #tpu.memory_space<vmem>>, vector<16xi32>,
        %not3A_396 = arith.constant dense<-1> : vector<16xi32>
        %not3A_397 = arith.xori %get3A_390, %not3A_396 : vector<16xi32>
        %shift_right_arithmetic3A_398 = arith.constant 22 : i32
        %shift_right_arithmetic3A_399 = vector.broadcast %shift_right_arithmetic3A_398 : i32 to vector<16xi32>
        %shift_right_arithmetic3A_400 = arith.shrsi %not3A_397, %shift_right_arithmetic3A_399 : vector<16xi32>
        %add3A_401 = arith.constant 512 : i32
        %add3A_402 = vector.broadcast %add3A_401 : i32 to vector<16xi32>
        %add3A_403 = arith.addi %shift_right_arithmetic3A_400, %add3A_402 : vector<16xi32>
        %broadcast_in_dim3A_404 = arith.constant true
        %broadcast_in_dim3A_405 = vector.broadcast %broadcast_in_dim3A_404 : i1 to vector<16xi1>
        %unique3A_406, %unique3A_407 = tpu.scan_count mask(%broadcast_in_dim3A_405 : vector<16xi1>) value(%add3A_403 : vector<16xi32>) : vector<16xi1>, vector<16xi32>
        %gather3A_408 = tpu.vector_load_idx %arg11[%add3A_403] : memref<2048xi32, #tpu.memory_space<vmem>>[vector<16xi32>], vector<16xi32>,
        %add3A_409 = arith.addi %gather3A_408, %unique3A_407 : vector<16xi32>
        %sub3A_410 = arith.constant 1 : i32
        %sub3A_411 = vector.broadcast %sub3A_410 : i32 to vector<16xi32>
        %sub3A_412 = arith.subi %add3A_409, %sub3A_411 : vector<16xi32>
        tpu.vector_store_idx %arg9[%sub3A_412], %get3A_390 : memref<4096xi32, #tpu.memory_space<vmem>>[vector<16xi32>], vector<16xi32>,
        tpu.vector_store_idx %arg10[%sub3A_412], %get3A_395 : memref<4096xi32, #tpu.memory_space<vmem>>[vector<16xi32>], vector<16xi32>,
        tpu.vector_store_idx %arg11[%add3A_403], %unique3A_407 masked %unique3A_406 {add = true} : memref<2048xi32, #tpu.memory_space<vmem>>[vector<16xi32>], vector<16xi32>, vector<16xi1>
        %mul3A_413 = arith.constant 8 : i32
        %mul3A_414 = arith.muli %while3A_291, %mul3A_413 : i32
        %add3A_415 = arith.constant 4 : i32
        %add3A_416 = arith.addi %mul3A_414, %add3A_415 : i32
        %mul3A_417 = arith.constant 16 : i32
        %mul3A_418 = arith.muli %add3A_416, %mul3A_417 : i32
        %multiple_of3A_419 = tpu.assume_multiple %mul3A_418, 16 : i32
        %get3A_420 = arith.index_cast %multiple_of3A_419 : i32 to index
        %get3A_421 = tpu.vector_load %arg7[%get3A_420] {strides = array<i32>} : memref<4096xi32, #tpu.memory_space<vmem>>, vector<16xi32>,
        %mul3A_422 = arith.constant 16 : i32
        %mul3A_423 = arith.muli %add3A_416, %mul3A_422 : i32
        %multiple_of3A_424 = tpu.assume_multiple %mul3A_423, 16 : i32
        %get3A_425 = arith.index_cast %multiple_of3A_424 : i32 to index
        %get3A_426 = tpu.vector_load %arg8[%get3A_425] {strides = array<i32>} : memref<4096xi32, #tpu.memory_space<vmem>>, vector<16xi32>,
        %not3A_427 = arith.constant dense<-1> : vector<16xi32>
        %not3A_428 = arith.xori %get3A_421, %not3A_427 : vector<16xi32>
        %shift_right_arithmetic3A_429 = arith.constant 22 : i32
        %shift_right_arithmetic3A_430 = vector.broadcast %shift_right_arithmetic3A_429 : i32 to vector<16xi32>
        %shift_right_arithmetic3A_431 = arith.shrsi %not3A_428, %shift_right_arithmetic3A_430 : vector<16xi32>
        %add3A_432 = arith.constant 512 : i32
        %add3A_433 = vector.broadcast %add3A_432 : i32 to vector<16xi32>
        %add3A_434 = arith.addi %shift_right_arithmetic3A_431, %add3A_433 : vector<16xi32>
        %broadcast_in_dim3A_435 = arith.constant true
        %broadcast_in_dim3A_436 = vector.broadcast %broadcast_in_dim3A_435 : i1 to vector<16xi1>
        %unique3A_437, %unique3A_438 = tpu.scan_count mask(%broadcast_in_dim3A_436 : vector<16xi1>) value(%add3A_434 : vector<16xi32>) : vector<16xi1>, vector<16xi32>
        %gather3A_439 = tpu.vector_load_idx %arg11[%add3A_434] : memref<2048xi32, #tpu.memory_space<vmem>>[vector<16xi32>], vector<16xi32>,
        %add3A_440 = arith.addi %gather3A_439, %unique3A_438 : vector<16xi32>
        %sub3A_441 = arith.constant 1 : i32
        %sub3A_442 = vector.broadcast %sub3A_441 : i32 to vector<16xi32>
        %sub3A_443 = arith.subi %add3A_440, %sub3A_442 : vector<16xi32>
        tpu.vector_store_idx %arg9[%sub3A_443], %get3A_421 : memref<4096xi32, #tpu.memory_space<vmem>>[vector<16xi32>], vector<16xi32>,
        tpu.vector_store_idx %arg10[%sub3A_443], %get3A_426 : memref<4096xi32, #tpu.memory_space<vmem>>[vector<16xi32>], vector<16xi32>,
        tpu.vector_store_idx %arg11[%add3A_434], %unique3A_438 masked %unique3A_437 {add = true} : memref<2048xi32, #tpu.memory_space<vmem>>[vector<16xi32>], vector<16xi32>, vector<16xi1>
        %mul3A_444 = arith.constant 8 : i32
        %mul3A_445 = arith.muli %while3A_291, %mul3A_444 : i32
        %add3A_446 = arith.constant 5 : i32
        %add3A_447 = arith.addi %mul3A_445, %add3A_446 : i32
        %mul3A_448 = arith.constant 16 : i32
        %mul3A_449 = arith.muli %add3A_447, %mul3A_448 : i32
        %multiple_of3A_450 = tpu.assume_multiple %mul3A_449, 16 : i32
        %get3A_451 = arith.index_cast %multiple_of3A_450 : i32 to index
        %get3A_452 = tpu.vector_load %arg7[%get3A_451] {strides = array<i32>} : memref<4096xi32, #tpu.memory_space<vmem>>, vector<16xi32>,
        %mul3A_453 = arith.constant 16 : i32
        %mul3A_454 = arith.muli %add3A_447, %mul3A_453 : i32
        %multiple_of3A_455 = tpu.assume_multiple %mul3A_454, 16 : i32
        %get3A_456 = arith.index_cast %multiple_of3A_455 : i32 to index
        %get3A_457 = tpu.vector_load %arg8[%get3A_456] {strides = array<i32>} : memref<4096xi32, #tpu.memory_space<vmem>>, vector<16xi32>,
        %not3A_458 = arith.constant dense<-1> : vector<16xi32>
        %not3A_459 = arith.xori %get3A_452, %not3A_458 : vector<16xi32>
        %shift_right_arithmetic3A_460 = arith.constant 22 : i32
        %shift_right_arithmetic3A_461 = vector.broadcast %shift_right_arithmetic3A_460 : i32 to vector<16xi32>
        %shift_right_arithmetic3A_462 = arith.shrsi %not3A_459, %shift_right_arithmetic3A_461 : vector<16xi32>
        %add3A_463 = arith.constant 512 : i32
        %add3A_464 = vector.broadcast %add3A_463 : i32 to vector<16xi32>
        %add3A_465 = arith.addi %shift_right_arithmetic3A_462, %add3A_464 : vector<16xi32>
        %broadcast_in_dim3A_466 = arith.constant true
        %broadcast_in_dim3A_467 = vector.broadcast %broadcast_in_dim3A_466 : i1 to vector<16xi1>
        %unique3A_468, %unique3A_469 = tpu.scan_count mask(%broadcast_in_dim3A_467 : vector<16xi1>) value(%add3A_465 : vector<16xi32>) : vector<16xi1>, vector<16xi32>
        %gather3A_470 = tpu.vector_load_idx %arg11[%add3A_465] : memref<2048xi32, #tpu.memory_space<vmem>>[vector<16xi32>], vector<16xi32>,
        %add3A_471 = arith.addi %gather3A_470, %unique3A_469 : vector<16xi32>
        %sub3A_472 = arith.constant 1 : i32
        %sub3A_473 = vector.broadcast %sub3A_472 : i32 to vector<16xi32>
        %sub3A_474 = arith.subi %add3A_471, %sub3A_473 : vector<16xi32>
        tpu.vector_store_idx %arg9[%sub3A_474], %get3A_452 : memref<4096xi32, #tpu.memory_space<vmem>>[vector<16xi32>], vector<16xi32>,
        tpu.vector_store_idx %arg10[%sub3A_474], %get3A_457 : memref<4096xi32, #tpu.memory_space<vmem>>[vector<16xi32>], vector<16xi32>,
        tpu.vector_store_idx %arg11[%add3A_465], %unique3A_469 masked %unique3A_468 {add = true} : memref<2048xi32, #tpu.memory_space<vmem>>[vector<16xi32>], vector<16xi32>, vector<16xi1>
        %mul3A_475 = arith.constant 8 : i32
        %mul3A_476 = arith.muli %while3A_291, %mul3A_475 : i32
        %add3A_477 = arith.constant 6 : i32
        %add3A_478 = arith.addi %mul3A_476, %add3A_477 : i32
        %mul3A_479 = arith.constant 16 : i32
        %mul3A_480 = arith.muli %add3A_478, %mul3A_479 : i32
        %multiple_of3A_481 = tpu.assume_multiple %mul3A_480, 16 : i32
        %get3A_482 = arith.index_cast %multiple_of3A_481 : i32 to index
        %get3A_483 = tpu.vector_load %arg7[%get3A_482] {strides = array<i32>} : memref<4096xi32, #tpu.memory_space<vmem>>, vector<16xi32>,
        %mul3A_484 = arith.constant 16 : i32
        %mul3A_485 = arith.muli %add3A_478, %mul3A_484 : i32
        %multiple_of3A_486 = tpu.assume_multiple %mul3A_485, 16 : i32
        %get3A_487 = arith.index_cast %multiple_of3A_486 : i32 to index
        %get3A_488 = tpu.vector_load %arg8[%get3A_487] {strides = array<i32>} : memref<4096xi32, #tpu.memory_space<vmem>>, vector<16xi32>,
        %not3A_489 = arith.constant dense<-1> : vector<16xi32>
        %not3A_490 = arith.xori %get3A_483, %not3A_489 : vector<16xi32>
        %shift_right_arithmetic3A_491 = arith.constant 22 : i32
        %shift_right_arithmetic3A_492 = vector.broadcast %shift_right_arithmetic3A_491 : i32 to vector<16xi32>
        %shift_right_arithmetic3A_493 = arith.shrsi %not3A_490, %shift_right_arithmetic3A_492 : vector<16xi32>
        %add3A_494 = arith.constant 512 : i32
        %add3A_495 = vector.broadcast %add3A_494 : i32 to vector<16xi32>
        %add3A_496 = arith.addi %shift_right_arithmetic3A_493, %add3A_495 : vector<16xi32>
        %broadcast_in_dim3A_497 = arith.constant true
        %broadcast_in_dim3A_498 = vector.broadcast %broadcast_in_dim3A_497 : i1 to vector<16xi1>
        %unique3A_499, %unique3A_500 = tpu.scan_count mask(%broadcast_in_dim3A_498 : vector<16xi1>) value(%add3A_496 : vector<16xi32>) : vector<16xi1>, vector<16xi32>
        %gather3A_501 = tpu.vector_load_idx %arg11[%add3A_496] : memref<2048xi32, #tpu.memory_space<vmem>>[vector<16xi32>], vector<16xi32>,
        %add3A_502 = arith.addi %gather3A_501, %unique3A_500 : vector<16xi32>
        %sub3A_503 = arith.constant 1 : i32
        %sub3A_504 = vector.broadcast %sub3A_503 : i32 to vector<16xi32>
        %sub3A_505 = arith.subi %add3A_502, %sub3A_504 : vector<16xi32>
        tpu.vector_store_idx %arg9[%sub3A_505], %get3A_483 : memref<4096xi32, #tpu.memory_space<vmem>>[vector<16xi32>], vector<16xi32>,
        tpu.vector_store_idx %arg10[%sub3A_505], %get3A_488 : memref<4096xi32, #tpu.memory_space<vmem>>[vector<16xi32>], vector<16xi32>,
        tpu.vector_store_idx %arg11[%add3A_496], %unique3A_500 masked %unique3A_499 {add = true} : memref<2048xi32, #tpu.memory_space<vmem>>[vector<16xi32>], vector<16xi32>, vector<16xi1>
        %mul3A_506 = arith.constant 8 : i32
        %mul3A_507 = arith.muli %while3A_291, %mul3A_506 : i32
        %add3A_508 = arith.constant 7 : i32
        %add3A_509 = arith.addi %mul3A_507, %add3A_508 : i32
        %mul3A_510 = arith.constant 16 : i32
        %mul3A_511 = arith.muli %add3A_509, %mul3A_510 : i32
        %multiple_of3A_512 = tpu.assume_multiple %mul3A_511, 16 : i32
        %get3A_513 = arith.index_cast %multiple_of3A_512 : i32 to index
        %get3A_514 = tpu.vector_load %arg7[%get3A_513] {strides = array<i32>} : memref<4096xi32, #tpu.memory_space<vmem>>, vector<16xi32>,
        %mul3A_515 = arith.constant 16 : i32
        %mul3A_516 = arith.muli %add3A_509, %mul3A_515 : i32
        %multiple_of3A_517 = tpu.assume_multiple %mul3A_516, 16 : i32
        %get3A_518 = arith.index_cast %multiple_of3A_517 : i32 to index
        %get3A_519 = tpu.vector_load %arg8[%get3A_518] {strides = array<i32>} : memref<4096xi32, #tpu.memory_space<vmem>>, vector<16xi32>,
        %not3A_520 = arith.constant dense<-1> : vector<16xi32>
        %not3A_521 = arith.xori %get3A_514, %not3A_520 : vector<16xi32>
        %shift_right_arithmetic3A_522 = arith.constant 22 : i32
        %shift_right_arithmetic3A_523 = vector.broadcast %shift_right_arithmetic3A_522 : i32 to vector<16xi32>
        %shift_right_arithmetic3A_524 = arith.shrsi %not3A_521, %shift_right_arithmetic3A_523 : vector<16xi32>
        %add3A_525 = arith.constant 512 : i32
        %add3A_526 = vector.broadcast %add3A_525 : i32 to vector<16xi32>
        %add3A_527 = arith.addi %shift_right_arithmetic3A_524, %add3A_526 : vector<16xi32>
        %broadcast_in_dim3A_528 = arith.constant true
        %broadcast_in_dim3A_529 = vector.broadcast %broadcast_in_dim3A_528 : i1 to vector<16xi1>
        %unique3A_530, %unique3A_531 = tpu.scan_count mask(%broadcast_in_dim3A_529 : vector<16xi1>) value(%add3A_527 : vector<16xi32>) : vector<16xi1>, vector<16xi32>
        %gather3A_532 = tpu.vector_load_idx %arg11[%add3A_527] : memref<2048xi32, #tpu.memory_space<vmem>>[vector<16xi32>], vector<16xi32>,
        %add3A_533 = arith.addi %gather3A_532, %unique3A_531 : vector<16xi32>
        %sub3A_534 = arith.constant 1 : i32
        %sub3A_535 = vector.broadcast %sub3A_534 : i32 to vector<16xi32>
        %sub3A_536 = arith.subi %add3A_533, %sub3A_535 : vector<16xi32>
        tpu.vector_store_idx %arg9[%sub3A_536], %get3A_514 : memref<4096xi32, #tpu.memory_space<vmem>>[vector<16xi32>], vector<16xi32>,
        tpu.vector_store_idx %arg10[%sub3A_536], %get3A_519 : memref<4096xi32, #tpu.memory_space<vmem>>[vector<16xi32>], vector<16xi32>,
        tpu.vector_store_idx %arg11[%add3A_527], %unique3A_531 masked %unique3A_530 {add = true} : memref<2048xi32, #tpu.memory_space<vmem>>[vector<16xi32>], vector<16xi32>, vector<16xi1>
        %while3A_537 = arith.constant 0 : i32
        scf.yield %while3A_537 : i32
      }
      %while3A_281 = arith.constant 1 : i32
      %while3A_282 = scf.for %while3A_291 = %while3A_278 to %while3A_274 step %while3A_281 iter_args(%while3A_292 = %while3A_280) -> (i32)  : i32 {
        %mul3A_293 = arith.constant 8 : i32
        %mul3A_294 = arith.muli %while3A_291, %mul3A_293 : i32
        %add3A_295 = arith.constant 0 : i32
        %add3A_296 = arith.addi %mul3A_294, %add3A_295 : i32
        %mul3A_297 = arith.constant 16 : i32
        %mul3A_298 = arith.muli %add3A_296, %mul3A_297 : i32
        %multiple_of3A = tpu.assume_multiple %mul3A_298, 16 : i32
        %get3A_299 = arith.index_cast %multiple_of3A : i32 to index
        %get3A_300 = tpu.vector_load %arg7[%get3A_299] {strides = array<i32>} : memref<4096xi32, #tpu.memory_space<vmem>>, vector<16xi32>,
        %mul3A_301 = arith.constant 16 : i32
        %mul3A_302 = arith.muli %add3A_296, %mul3A_301 : i32
        %multiple_of3A_303 = tpu.assume_multiple %mul3A_302, 16 : i32
        %get3A_304 = arith.index_cast %multiple_of3A_303 : i32 to index
        %get3A_305 = tpu.vector_load %arg8[%get3A_304] {strides = array<i32>} : memref<4096xi32, #tpu.memory_space<vmem>>, vector<16xi32>,
        %not3A_306 = arith.constant dense<-1> : vector<16xi32>
        %not3A_307 = arith.xori %get3A_300, %not3A_306 : vector<16xi32>
        %shift_right_arithmetic3A = arith.constant 22 : i32
        %shift_right_arithmetic3A_308 = vector.broadcast %shift_right_arithmetic3A : i32 to vector<16xi32>
        %shift_right_arithmetic3A_309 = arith.shrsi %not3A_307, %shift_right_arithmetic3A_308 : vector<16xi32>
        %add3A_310 = arith.constant 512 : i32
        %add3A_311 = vector.broadcast %add3A_310 : i32 to vector<16xi32>
        %add3A_312 = arith.addi %shift_right_arithmetic3A_309, %add3A_311 : vector<16xi32>
        %broadcast_in_dim3A_313 = arith.constant true
        %broadcast_in_dim3A_314 = vector.broadcast %broadcast_in_dim3A_313 : i1 to vector<16xi1>
        %unique3A, %unique3A_315 = tpu.scan_count mask(%broadcast_in_dim3A_314 : vector<16xi1>) value(%add3A_312 : vector<16xi32>) : vector<16xi1>, vector<16xi32>
        %gather3A = tpu.vector_load_idx %arg11[%add3A_312] : memref<2048xi32, #tpu.memory_space<vmem>>[vector<16xi32>], vector<16xi32>,
        %add3A_316 = arith.addi %gather3A, %unique3A_315 : vector<16xi32>
        %sub3A_317 = arith.constant 1 : i32
        %sub3A_318 = vector.broadcast %sub3A_317 : i32 to vector<16xi32>
        %sub3A_319 = arith.subi %add3A_316, %sub3A_318 : vector<16xi32>
        tpu.vector_store_idx %arg9[%sub3A_319], %get3A_300 : memref<4096xi32, #tpu.memory_space<vmem>>[vector<16xi32>], vector<16xi32>,
        tpu.vector_store_idx %arg10[%sub3A_319], %get3A_305 : memref<4096xi32, #tpu.memory_space<vmem>>[vector<16xi32>], vector<16xi32>,
        tpu.vector_store_idx %arg11[%add3A_312], %unique3A_315 masked %unique3A {add = true} : memref<2048xi32, #tpu.memory_space<vmem>>[vector<16xi32>], vector<16xi32>, vector<16xi1>
        %mul3A_320 = arith.constant 8 : i32
        %mul3A_321 = arith.muli %while3A_291, %mul3A_320 : i32
        %add3A_322 = arith.constant 1 : i32
        %add3A_323 = arith.addi %mul3A_321, %add3A_322 : i32
        %mul3A_324 = arith.constant 16 : i32
        %mul3A_325 = arith.muli %add3A_323, %mul3A_324 : i32
        %multiple_of3A_326 = tpu.assume_multiple %mul3A_325, 16 : i32
        %get3A_327 = arith.index_cast %multiple_of3A_326 : i32 to index
        %get3A_328 = tpu.vector_load %arg7[%get3A_327] {strides = array<i32>} : memref<4096xi32, #tpu.memory_space<vmem>>, vector<16xi32>,
        %mul3A_329 = arith.constant 16 : i32
        %mul3A_330 = arith.muli %add3A_323, %mul3A_329 : i32
        %multiple_of3A_331 = tpu.assume_multiple %mul3A_330, 16 : i32
        %get3A_332 = arith.index_cast %multiple_of3A_331 : i32 to index
        %get3A_333 = tpu.vector_load %arg8[%get3A_332] {strides = array<i32>} : memref<4096xi32, #tpu.memory_space<vmem>>, vector<16xi32>,
        %not3A_334 = arith.constant dense<-1> : vector<16xi32>
        %not3A_335 = arith.xori %get3A_328, %not3A_334 : vector<16xi32>
        %shift_right_arithmetic3A_336 = arith.constant 22 : i32
        %shift_right_arithmetic3A_337 = vector.broadcast %shift_right_arithmetic3A_336 : i32 to vector<16xi32>
        %shift_right_arithmetic3A_338 = arith.shrsi %not3A_335, %shift_right_arithmetic3A_337 : vector<16xi32>
        %add3A_339 = arith.constant 512 : i32
        %add3A_340 = vector.broadcast %add3A_339 : i32 to vector<16xi32>
        %add3A_341 = arith.addi %shift_right_arithmetic3A_338, %add3A_340 : vector<16xi32>
        %broadcast_in_dim3A_342 = arith.constant true
        %broadcast_in_dim3A_343 = vector.broadcast %broadcast_in_dim3A_342 : i1 to vector<16xi1>
        %unique3A_344, %unique3A_345 = tpu.scan_count mask(%broadcast_in_dim3A_343 : vector<16xi1>) value(%add3A_341 : vector<16xi32>) : vector<16xi1>, vector<16xi32>
        %gather3A_346 = tpu.vector_load_idx %arg11[%add3A_341] : memref<2048xi32, #tpu.memory_space<vmem>>[vector<16xi32>], vector<16xi32>,
        %add3A_347 = arith.addi %gather3A_346, %unique3A_345 : vector<16xi32>
        %sub3A_348 = arith.constant 1 : i32
        %sub3A_349 = vector.broadcast %sub3A_348 : i32 to vector<16xi32>
        %sub3A_350 = arith.subi %add3A_347, %sub3A_349 : vector<16xi32>
        tpu.vector_store_idx %arg9[%sub3A_350], %get3A_328 : memref<4096xi32, #tpu.memory_space<vmem>>[vector<16xi32>], vector<16xi32>,
        tpu.vector_store_idx %arg10[%sub3A_350], %get3A_333 : memref<4096xi32, #tpu.memory_space<vmem>>[vector<16xi32>], vector<16xi32>,
        tpu.vector_store_idx %arg11[%add3A_341], %unique3A_345 masked %unique3A_344 {add = true} : memref<2048xi32, #tpu.memory_space<vmem>>[vector<16xi32>], vector<16xi32>, vector<16xi1>
        %mul3A_351 = arith.constant 8 : i32
        %mul3A_352 = arith.muli %while3A_291, %mul3A_351 : i32
        %add3A_353 = arith.constant 2 : i32
        %add3A_354 = arith.addi %mul3A_352, %add3A_353 : i32
        %mul3A_355 = arith.constant 16 : i32
        %mul3A_356 = arith.muli %add3A_354, %mul3A_355 : i32
        %multiple_of3A_357 = tpu.assume_multiple %mul3A_356, 16 : i32
        %get3A_358 = arith.index_cast %multiple_of3A_357 : i32 to index
        %get3A_359 = tpu.vector_load %arg7[%get3A_358] {strides = array<i32>} : memref<4096xi32, #tpu.memory_space<vmem>>, vector<16xi32>,
        %mul3A_360 = arith.constant 16 : i32
        %mul3A_361 = arith.muli %add3A_354, %mul3A_360 : i32
        %multiple_of3A_362 = tpu.assume_multiple %mul3A_361, 16 : i32
        %get3A_363 = arith.index_cast %multiple_of3A_362 : i32 to index
        %get3A_364 = tpu.vector_load %arg8[%get3A_363] {strides = array<i32>} : memref<4096xi32, #tpu.memory_space<vmem>>, vector<16xi32>,
        %not3A_365 = arith.constant dense<-1> : vector<16xi32>
        %not3A_366 = arith.xori %get3A_359, %not3A_365 : vector<16xi32>
        %shift_right_arithmetic3A_367 = arith.constant 22 : i32
        %shift_right_arithmetic3A_368 = vector.broadcast %shift_right_arithmetic3A_367 : i32 to vector<16xi32>
        %shift_right_arithmetic3A_369 = arith.shrsi %not3A_366, %shift_right_arithmetic3A_368 : vector<16xi32>
        %add3A_370 = arith.constant 512 : i32
        %add3A_371 = vector.broadcast %add3A_370 : i32 to vector<16xi32>
        %add3A_372 = arith.addi %shift_right_arithmetic3A_369, %add3A_371 : vector<16xi32>
        %broadcast_in_dim3A_373 = arith.constant true
        %broadcast_in_dim3A_374 = vector.broadcast %broadcast_in_dim3A_373 : i1 to vector<16xi1>
        %unique3A_375, %unique3A_376 = tpu.scan_count mask(%broadcast_in_dim3A_374 : vector<16xi1>) value(%add3A_372 : vector<16xi32>) : vector<16xi1>, vector<16xi32>
        %gather3A_377 = tpu.vector_load_idx %arg11[%add3A_372] : memref<2048xi32, #tpu.memory_space<vmem>>[vector<16xi32>], vector<16xi32>,
        %add3A_378 = arith.addi %gather3A_377, %unique3A_376 : vector<16xi32>
        %sub3A_379 = arith.constant 1 : i32
        %sub3A_380 = vector.broadcast %sub3A_379 : i32 to vector<16xi32>
        %sub3A_381 = arith.subi %add3A_378, %sub3A_380 : vector<16xi32>
        tpu.vector_store_idx %arg9[%sub3A_381], %get3A_359 : memref<4096xi32, #tpu.memory_space<vmem>>[vector<16xi32>], vector<16xi32>,
        tpu.vector_store_idx %arg10[%sub3A_381], %get3A_364 : memref<4096xi32, #tpu.memory_space<vmem>>[vector<16xi32>], vector<16xi32>,
        tpu.vector_store_idx %arg11[%add3A_372], %unique3A_376 masked %unique3A_375 {add = true} : memref<2048xi32, #tpu.memory_space<vmem>>[vector<16xi32>], vector<16xi32>, vector<16xi1>
        %mul3A_382 = arith.constant 8 : i32
        %mul3A_383 = arith.muli %while3A_291, %mul3A_382 : i32
        %add3A_384 = arith.constant 3 : i32
        %add3A_385 = arith.addi %mul3A_383, %add3A_384 : i32
        %mul3A_386 = arith.constant 16 : i32
        %mul3A_387 = arith.muli %add3A_385, %mul3A_386 : i32
        %multiple_of3A_388 = tpu.assume_multiple %mul3A_387, 16 : i32
        %get3A_389 = arith.index_cast %multiple_of3A_388 : i32 to index
        %get3A_390 = tpu.vector_load %arg7[%get3A_389] {strides = array<i32>} : memref<4096xi32, #tpu.memory_space<vmem>>, vector<16xi32>,
        %mul3A_391 = arith.constant 16 : i32
        %mul3A_392 = arith.muli %add3A_385, %mul3A_391 : i32
        %multiple_of3A_393 = tpu.assume_multiple %mul3A_392, 16 : i32
        %get3A_394 = arith.index_cast %multiple_of3A_393 : i32 to index
        %get3A_395 = tpu.vector_load %arg8[%get3A_394] {strides = array<i32>} : memref<4096xi32, #tpu.memory_space<vmem>>, vector<16xi32>,
        %not3A_396 = arith.constant dense<-1> : vector<16xi32>
        %not3A_397 = arith.xori %get3A_390, %not3A_396 : vector<16xi32>
        %shift_right_arithmetic3A_398 = arith.constant 22 : i32
        %shift_right_arithmetic3A_399 = vector.broadcast %shift_right_arithmetic3A_398 : i32 to vector<16xi32>
        %shift_right_arithmetic3A_400 = arith.shrsi %not3A_397, %shift_right_arithmetic3A_399 : vector<16xi32>
        %add3A_401 = arith.constant 512 : i32
        %add3A_402 = vector.broadcast %add3A_401 : i32 to vector<16xi32>
        %add3A_403 = arith.addi %shift_right_arithmetic3A_400, %add3A_402 : vector<16xi32>
        %broadcast_in_dim3A_404 = arith.constant true
        %broadcast_in_dim3A_405 = vector.broadcast %broadcast_in_dim3A_404 : i1 to vector<16xi1>
        %unique3A_406, %unique3A_407 = tpu.scan_count mask(%broadcast_in_dim3A_405 : vector<16xi1>) value(%add3A_403 : vector<16xi32>) : vector<16xi1>, vector<16xi32>
        %gather3A_408 = tpu.vector_load_idx %arg11[%add3A_403] : memref<2048xi32, #tpu.memory_space<vmem>>[vector<16xi32>], vector<16xi32>,
        %add3A_409 = arith.addi %gather3A_408, %unique3A_407 : vector<16xi32>
        %sub3A_410 = arith.constant 1 : i32
        %sub3A_411 = vector.broadcast %sub3A_410 : i32 to vector<16xi32>
        %sub3A_412 = arith.subi %add3A_409, %sub3A_411 : vector<16xi32>
        tpu.vector_store_idx %arg9[%sub3A_412], %get3A_390 : memref<4096xi32, #tpu.memory_space<vmem>>[vector<16xi32>], vector<16xi32>,
        tpu.vector_store_idx %arg10[%sub3A_412], %get3A_395 : memref<4096xi32, #tpu.memory_space<vmem>>[vector<16xi32>], vector<16xi32>,
        tpu.vector_store_idx %arg11[%add3A_403], %unique3A_407 masked %unique3A_406 {add = true} : memref<2048xi32, #tpu.memory_space<vmem>>[vector<16xi32>], vector<16xi32>, vector<16xi1>
        %mul3A_413 = arith.constant 8 : i32
        %mul3A_414 = arith.muli %while3A_291, %mul3A_413 : i32
        %add3A_415 = arith.constant 4 : i32
        %add3A_416 = arith.addi %mul3A_414, %add3A_415 : i32
        %mul3A_417 = arith.constant 16 : i32
        %mul3A_418 = arith.muli %add3A_416, %mul3A_417 : i32
        %multiple_of3A_419 = tpu.assume_multiple %mul3A_418, 16 : i32
        %get3A_420 = arith.index_cast %multiple_of3A_419 : i32 to index
        %get3A_421 = tpu.vector_load %arg7[%get3A_420] {strides = array<i32>} : memref<4096xi32, #tpu.memory_space<vmem>>, vector<16xi32>,
        %mul3A_422 = arith.constant 16 : i32
        %mul3A_423 = arith.muli %add3A_416, %mul3A_422 : i32
        %multiple_of3A_424 = tpu.assume_multiple %mul3A_423, 16 : i32
        %get3A_425 = arith.index_cast %multiple_of3A_424 : i32 to index
        %get3A_426 = tpu.vector_load %arg8[%get3A_425] {strides = array<i32>} : memref<4096xi32, #tpu.memory_space<vmem>>, vector<16xi32>,
        %not3A_427 = arith.constant dense<-1> : vector<16xi32>
        %not3A_428 = arith.xori %get3A_421, %not3A_427 : vector<16xi32>
        %shift_right_arithmetic3A_429 = arith.constant 22 : i32
        %shift_right_arithmetic3A_430 = vector.broadcast %shift_right_arithmetic3A_429 : i32 to vector<16xi32>
        %shift_right_arithmetic3A_431 = arith.shrsi %not3A_428, %shift_right_arithmetic3A_430 : vector<16xi32>
        %add3A_432 = arith.constant 512 : i32
        %add3A_433 = vector.broadcast %add3A_432 : i32 to vector<16xi32>
        %add3A_434 = arith.addi %shift_right_arithmetic3A_431, %add3A_433 : vector<16xi32>
        %broadcast_in_dim3A_435 = arith.constant true
        %broadcast_in_dim3A_436 = vector.broadcast %broadcast_in_dim3A_435 : i1 to vector<16xi1>
        %unique3A_437, %unique3A_438 = tpu.scan_count mask(%broadcast_in_dim3A_436 : vector<16xi1>) value(%add3A_434 : vector<16xi32>) : vector<16xi1>, vector<16xi32>
        %gather3A_439 = tpu.vector_load_idx %arg11[%add3A_434] : memref<2048xi32, #tpu.memory_space<vmem>>[vector<16xi32>], vector<16xi32>,
        %add3A_440 = arith.addi %gather3A_439, %unique3A_438 : vector<16xi32>
        %sub3A_441 = arith.constant 1 : i32
        %sub3A_442 = vector.broadcast %sub3A_441 : i32 to vector<16xi32>
        %sub3A_443 = arith.subi %add3A_440, %sub3A_442 : vector<16xi32>
        tpu.vector_store_idx %arg9[%sub3A_443], %get3A_421 : memref<4096xi32, #tpu.memory_space<vmem>>[vector<16xi32>], vector<16xi32>,
        tpu.vector_store_idx %arg10[%sub3A_443], %get3A_426 : memref<4096xi32, #tpu.memory_space<vmem>>[vector<16xi32>], vector<16xi32>,
        tpu.vector_store_idx %arg11[%add3A_434], %unique3A_438 masked %unique3A_437 {add = true} : memref<2048xi32, #tpu.memory_space<vmem>>[vector<16xi32>], vector<16xi32>, vector<16xi1>
        %mul3A_444 = arith.constant 8 : i32
        %mul3A_445 = arith.muli %while3A_291, %mul3A_444 : i32
        %add3A_446 = arith.constant 5 : i32
        %add3A_447 = arith.addi %mul3A_445, %add3A_446 : i32
        %mul3A_448 = arith.constant 16 : i32
        %mul3A_449 = arith.muli %add3A_447, %mul3A_448 : i32
        %multiple_of3A_450 = tpu.assume_multiple %mul3A_449, 16 : i32
        %get3A_451 = arith.index_cast %multiple_of3A_450 : i32 to index
        %get3A_452 = tpu.vector_load %arg7[%get3A_451] {strides = array<i32>} : memref<4096xi32, #tpu.memory_space<vmem>>, vector<16xi32>,
        %mul3A_453 = arith.constant 16 : i32
        %mul3A_454 = arith.muli %add3A_447, %mul3A_453 : i32
        %multiple_of3A_455 = tpu.assume_multiple %mul3A_454, 16 : i32
        %get3A_456 = arith.index_cast %multiple_of3A_455 : i32 to index
        %get3A_457 = tpu.vector_load %arg8[%get3A_456] {strides = array<i32>} : memref<4096xi32, #tpu.memory_space<vmem>>, vector<16xi32>,
        %not3A_458 = arith.constant dense<-1> : vector<16xi32>
        %not3A_459 = arith.xori %get3A_452, %not3A_458 : vector<16xi32>
        %shift_right_arithmetic3A_460 = arith.constant 22 : i32
        %shift_right_arithmetic3A_461 = vector.broadcast %shift_right_arithmetic3A_460 : i32 to vector<16xi32>
        %shift_right_arithmetic3A_462 = arith.shrsi %not3A_459, %shift_right_arithmetic3A_461 : vector<16xi32>
        %add3A_463 = arith.constant 512 : i32
        %add3A_464 = vector.broadcast %add3A_463 : i32 to vector<16xi32>
        %add3A_465 = arith.addi %shift_right_arithmetic3A_462, %add3A_464 : vector<16xi32>
        %broadcast_in_dim3A_466 = arith.constant true
        %broadcast_in_dim3A_467 = vector.broadcast %broadcast_in_dim3A_466 : i1 to vector<16xi1>
        %unique3A_468, %unique3A_469 = tpu.scan_count mask(%broadcast_in_dim3A_467 : vector<16xi1>) value(%add3A_465 : vector<16xi32>) : vector<16xi1>, vector<16xi32>
        %gather3A_470 = tpu.vector_load_idx %arg11[%add3A_465] : memref<2048xi32, #tpu.memory_space<vmem>>[vector<16xi32>], vector<16xi32>,
        %add3A_471 = arith.addi %gather3A_470, %unique3A_469 : vector<16xi32>
        %sub3A_472 = arith.constant 1 : i32
        %sub3A_473 = vector.broadcast %sub3A_472 : i32 to vector<16xi32>
        %sub3A_474 = arith.subi %add3A_471, %sub3A_473 : vector<16xi32>
        tpu.vector_store_idx %arg9[%sub3A_474], %get3A_452 : memref<4096xi32, #tpu.memory_space<vmem>>[vector<16xi32>], vector<16xi32>,
        tpu.vector_store_idx %arg10[%sub3A_474], %get3A_457 : memref<4096xi32, #tpu.memory_space<vmem>>[vector<16xi32>], vector<16xi32>,
        tpu.vector_store_idx %arg11[%add3A_465], %unique3A_469 masked %unique3A_468 {add = true} : memref<2048xi32, #tpu.memory_space<vmem>>[vector<16xi32>], vector<16xi32>, vector<16xi1>
        %mul3A_475 = arith.constant 8 : i32
        %mul3A_476 = arith.muli %while3A_291, %mul3A_475 : i32
        %add3A_477 = arith.constant 6 : i32
        %add3A_478 = arith.addi %mul3A_476, %add3A_477 : i32
        %mul3A_479 = arith.constant 16 : i32
        %mul3A_480 = arith.muli %add3A_478, %mul3A_479 : i32
        %multiple_of3A_481 = tpu.assume_multiple %mul3A_480, 16 : i32
        %get3A_482 = arith.index_cast %multiple_of3A_481 : i32 to index
        %get3A_483 = tpu.vector_load %arg7[%get3A_482] {strides = array<i32>} : memref<4096xi32, #tpu.memory_space<vmem>>, vector<16xi32>,
        %mul3A_484 = arith.constant 16 : i32
        %mul3A_485 = arith.muli %add3A_478, %mul3A_484 : i32
        %multiple_of3A_486 = tpu.assume_multiple %mul3A_485, 16 : i32
        %get3A_487 = arith.index_cast %multiple_of3A_486 : i32 to index
        %get3A_488 = tpu.vector_load %arg8[%get3A_487] {strides = array<i32>} : memref<4096xi32, #tpu.memory_space<vmem>>, vector<16xi32>,
        %not3A_489 = arith.constant dense<-1> : vector<16xi32>
        %not3A_490 = arith.xori %get3A_483, %not3A_489 : vector<16xi32>
        %shift_right_arithmetic3A_491 = arith.constant 22 : i32
        %shift_right_arithmetic3A_492 = vector.broadcast %shift_right_arithmetic3A_491 : i32 to vector<16xi32>
        %shift_right_arithmetic3A_493 = arith.shrsi %not3A_490, %shift_right_arithmetic3A_492 : vector<16xi32>
        %add3A_494 = arith.constant 512 : i32
        %add3A_495 = vector.broadcast %add3A_494 : i32 to vector<16xi32>
        %add3A_496 = arith.addi %shift_right_arithmetic3A_493, %add3A_495 : vector<16xi32>
        %broadcast_in_dim3A_497 = arith.constant true
        %broadcast_in_dim3A_498 = vector.broadcast %broadcast_in_dim3A_497 : i1 to vector<16xi1>
        %unique3A_499, %unique3A_500 = tpu.scan_count mask(%broadcast_in_dim3A_498 : vector<16xi1>) value(%add3A_496 : vector<16xi32>) : vector<16xi1>, vector<16xi32>
        %gather3A_501 = tpu.vector_load_idx %arg11[%add3A_496] : memref<2048xi32, #tpu.memory_space<vmem>>[vector<16xi32>], vector<16xi32>,
        %add3A_502 = arith.addi %gather3A_501, %unique3A_500 : vector<16xi32>
        %sub3A_503 = arith.constant 1 : i32
        %sub3A_504 = vector.broadcast %sub3A_503 : i32 to vector<16xi32>
        %sub3A_505 = arith.subi %add3A_502, %sub3A_504 : vector<16xi32>
        tpu.vector_store_idx %arg9[%sub3A_505], %get3A_483 : memref<4096xi32, #tpu.memory_space<vmem>>[vector<16xi32>], vector<16xi32>,
        tpu.vector_store_idx %arg10[%sub3A_505], %get3A_488 : memref<4096xi32, #tpu.memory_space<vmem>>[vector<16xi32>], vector<16xi32>,
        tpu.vector_store_idx %arg11[%add3A_496], %unique3A_500 masked %unique3A_499 {add = true} : memref<2048xi32, #tpu.memory_space<vmem>>[vector<16xi32>], vector<16xi32>, vector<16xi1>
        %mul3A_506 = arith.constant 8 : i32
        %mul3A_507 = arith.muli %while3A_291, %mul3A_506 : i32
        %add3A_508 = arith.constant 7 : i32
        %add3A_509 = arith.addi %mul3A_507, %add3A_508 : i32
        %mul3A_510 = arith.constant 16 : i32
        %mul3A_511 = arith.muli %add3A_509, %mul3A_510 : i32
        %multiple_of3A_512 = tpu.assume_multiple %mul3A_511, 16 : i32
        %get3A_513 = arith.index_cast %multiple_of3A_512 : i32 to index
        %get3A_514 = tpu.vector_load %arg7[%get3A_513] {strides = array<i32>} : memref<4096xi32, #tpu.memory_space<vmem>>, vector<16xi32>,
        %mul3A_515 = arith.constant 16 : i32
        %mul3A_516 = arith.muli %add3A_509, %mul3A_515 : i32
        %multiple_of3A_517 = tpu.assume_multiple %mul3A_516, 16 : i32
        %get3A_518 = arith.index_cast %multiple_of3A_517 : i32 to index
        %get3A_519 = tpu.vector_load %arg8[%get3A_518] {strides = array<i32>} : memref<4096xi32, #tpu.memory_space<vmem>>, vector<16xi32>,
        %not3A_520 = arith.constant dense<-1> : vector<16xi32>
        %not3A_521 = arith.xori %get3A_514, %not3A_520 : vector<16xi32>
        %shift_right_arithmetic3A_522 = arith.constant 22 : i32
        %shift_right_arithmetic3A_523 = vector.broadcast %shift_right_arithmetic3A_522 : i32 to vector<16xi32>
        %shift_right_arithmetic3A_524 = arith.shrsi %not3A_521, %shift_right_arithmetic3A_523 : vector<16xi32>
        %add3A_525 = arith.constant 512 : i32
        %add3A_526 = vector.broadcast %add3A_525 : i32 to vector<16xi32>
        %add3A_527 = arith.addi %shift_right_arithmetic3A_524, %add3A_526 : vector<16xi32>
        %broadcast_in_dim3A_528 = arith.constant true
        %broadcast_in_dim3A_529 = vector.broadcast %broadcast_in_dim3A_528 : i1 to vector<16xi1>
        %unique3A_530, %unique3A_531 = tpu.scan_count mask(%broadcast_in_dim3A_529 : vector<16xi1>) value(%add3A_527 : vector<16xi32>) : vector<16xi1>, vector<16xi32>
        %gather3A_532 = tpu.vector_load_idx %arg11[%add3A_527] : memref<2048xi32, #tpu.memory_space<vmem>>[vector<16xi32>], vector<16xi32>,
        %add3A_533 = arith.addi %gather3A_532, %unique3A_531 : vector<16xi32>
        %sub3A_534 = arith.constant 1 : i32
        %sub3A_535 = vector.broadcast %sub3A_534 : i32 to vector<16xi32>
        %sub3A_536 = arith.subi %add3A_533, %sub3A_535 : vector<16xi32>
        tpu.vector_store_idx %arg9[%sub3A_536], %get3A_514 : memref<4096xi32, #tpu.memory_space<vmem>>[vector<16xi32>], vector<16xi32>,
        tpu.vector_store_idx %arg10[%sub3A_536], %get3A_519 : memref<4096xi32, #tpu.memory_space<vmem>>[vector<16xi32>], vector<16xi32>,
        tpu.vector_store_idx %arg11[%add3A_527], %unique3A_531 masked %unique3A_530 {add = true} : memref<2048xi32, #tpu.memory_space<vmem>>[vector<16xi32>], vector<16xi32>, vector<16xi1>
        %while3A_537 = arith.constant 0 : i32
        scf.yield %while3A_537 : i32
      }
      %scan3A_283 = arith.constant 0 : i32
      %scan3A_284 = arith.constant 0 : i32
      %scan3A_285 = arith.constant 128 : i32
      %scan3A_286 = arith.addi %scan3A_284, %scan3A_285 : i32
      %scan3A_287 = arith.constant 4 : i32
      %scan3A_288 = scf.for %scan3A_291 = %scan3A_284 to %scan3A_286 step %scan3A_287 iter_args(%scan3A_292 = %scan3A_283) -> (i32)  : i32 {
        %mul3A_293 = arith.constant 16 : i32
        %mul3A_294 = arith.muli %scan3A_291, %mul3A_293 : i32
        %multiple_of3A = tpu.assume_multiple %mul3A_294, 16 : i32
        %get3A_295 = arith.index_cast %multiple_of3A : i32 to index
        %get3A_296 = tpu.vector_load %arg9[%get3A_295] {strides = array<i32>} : memref<4096xi32, #tpu.memory_space<vmem>>, vector<16xi32>,
        %shift_right_arithmetic3A = arith.constant 31 : i32
        %shift_right_arithmetic3A_297 = vector.broadcast %shift_right_arithmetic3A : i32 to vector<16xi32>
        %shift_right_arithmetic3A_298 = arith.shrsi %get3A_296, %shift_right_arithmetic3A_297 : vector<16xi32>
        %and3A_299 = arith.constant 2147483647 : i32
        %and3A_300 = vector.broadcast %and3A_299 : i32 to vector<16xi32>
        %and3A_301 = arith.andi %shift_right_arithmetic3A_298, %and3A_300 : vector<16xi32>
        %xor3A = arith.xori %get3A_296, %and3A_301 : vector<16xi32>
        %bitcast_convert_type3A = tpu.bitcast %xor3A : vector<16xi32> -> vector<16xf32>
        %mul3A_302 = arith.constant 16 : i32
        %mul3A_303 = arith.muli %scan3A_291, %mul3A_302 : i32
        %multiple_of3A_304 = tpu.assume_multiple %mul3A_303, 16 : i32
        %swap3A_305 = arith.index_cast %multiple_of3A_304 : i32 to index
        %swap3A_306 = tpu.vector_load %arg12[%swap3A_305] {strides = array<i32>} : memref<2048xf32, #tpu.memory_space<vmem>>, vector<16xf32>,
        tpu.vector_store %arg12[%swap3A_305], %bitcast_convert_type3A {strides = array<i32>} : memref<2048xf32, #tpu.memory_space<vmem>>, vector<16xf32>,
        %scan3A_307 = arith.constant 0 : i32
        %scan3A_308 = arith.constant 1 : i32
        %scan3A_309 = arith.addi %scan3A_291, %scan3A_308 : i32
        %mul3A_310 = arith.constant 16 : i32
        %mul3A_311 = arith.muli %scan3A_309, %mul3A_310 : i32
        %multiple_of3A_312 = tpu.assume_multiple %mul3A_311, 16 : i32
        %get3A_313 = arith.index_cast %multiple_of3A_312 : i32 to index
        %get3A_314 = tpu.vector_load %arg9[%get3A_313] {strides = array<i32>} : memref<4096xi32, #tpu.memory_space<vmem>>, vector<16xi32>,
        %shift_right_arithmetic3A_315 = arith.constant 31 : i32
        %shift_right_arithmetic3A_316 = vector.broadcast %shift_right_arithmetic3A_315 : i32 to vector<16xi32>
        %shift_right_arithmetic3A_317 = arith.shrsi %get3A_314, %shift_right_arithmetic3A_316 : vector<16xi32>
        %and3A_318 = arith.constant 2147483647 : i32
        %and3A_319 = vector.broadcast %and3A_318 : i32 to vector<16xi32>
        %and3A_320 = arith.andi %shift_right_arithmetic3A_317, %and3A_319 : vector<16xi32>
        %xor3A_321 = arith.xori %get3A_314, %and3A_320 : vector<16xi32>
        %bitcast_convert_type3A_322 = tpu.bitcast %xor3A_321 : vector<16xi32> -> vector<16xf32>
        %mul3A_323 = arith.constant 16 : i32
        %mul3A_324 = arith.muli %scan3A_309, %mul3A_323 : i32
        %multiple_of3A_325 = tpu.assume_multiple %mul3A_324, 16 : i32
        %swap3A_326 = arith.index_cast %multiple_of3A_325 : i32 to index
        %swap3A_327 = tpu.vector_load %arg12[%swap3A_326] {strides = array<i32>} : memref<2048xf32, #tpu.memory_space<vmem>>, vector<16xf32>,
        tpu.vector_store %arg12[%swap3A_326], %bitcast_convert_type3A_322 {strides = array<i32>} : memref<2048xf32, #tpu.memory_space<vmem>>, vector<16xf32>,
        %scan3A_328 = arith.constant 0 : i32
        %scan3A_329 = arith.constant 2 : i32
        %scan3A_330 = arith.addi %scan3A_291, %scan3A_329 : i32
        %mul3A_331 = arith.constant 16 : i32
        %mul3A_332 = arith.muli %scan3A_330, %mul3A_331 : i32
        %multiple_of3A_333 = tpu.assume_multiple %mul3A_332, 16 : i32
        %get3A_334 = arith.index_cast %multiple_of3A_333 : i32 to index
        %get3A_335 = tpu.vector_load %arg9[%get3A_334] {strides = array<i32>} : memref<4096xi32, #tpu.memory_space<vmem>>, vector<16xi32>,
        %shift_right_arithmetic3A_336 = arith.constant 31 : i32
        %shift_right_arithmetic3A_337 = vector.broadcast %shift_right_arithmetic3A_336 : i32 to vector<16xi32>
        %shift_right_arithmetic3A_338 = arith.shrsi %get3A_335, %shift_right_arithmetic3A_337 : vector<16xi32>
        %and3A_339 = arith.constant 2147483647 : i32
        %and3A_340 = vector.broadcast %and3A_339 : i32 to vector<16xi32>
        %and3A_341 = arith.andi %shift_right_arithmetic3A_338, %and3A_340 : vector<16xi32>
        %xor3A_342 = arith.xori %get3A_335, %and3A_341 : vector<16xi32>
        %bitcast_convert_type3A_343 = tpu.bitcast %xor3A_342 : vector<16xi32> -> vector<16xf32>
        %mul3A_344 = arith.constant 16 : i32
        %mul3A_345 = arith.muli %scan3A_330, %mul3A_344 : i32
        %multiple_of3A_346 = tpu.assume_multiple %mul3A_345, 16 : i32
        %swap3A_347 = arith.index_cast %multiple_of3A_346 : i32 to index
        %swap3A_348 = tpu.vector_load %arg12[%swap3A_347] {strides = array<i32>} : memref<2048xf32, #tpu.memory_space<vmem>>, vector<16xf32>,
        tpu.vector_store %arg12[%swap3A_347], %bitcast_convert_type3A_343 {strides = array<i32>} : memref<2048xf32, #tpu.memory_space<vmem>>, vector<16xf32>,
        %scan3A_349 = arith.constant 0 : i32
        %scan3A_350 = arith.constant 3 : i32
        %scan3A_351 = arith.addi %scan3A_291, %scan3A_350 : i32
        %mul3A_352 = arith.constant 16 : i32
        %mul3A_353 = arith.muli %scan3A_351, %mul3A_352 : i32
        %multiple_of3A_354 = tpu.assume_multiple %mul3A_353, 16 : i32
        %get3A_355 = arith.index_cast %multiple_of3A_354 : i32 to index
        %get3A_356 = tpu.vector_load %arg9[%get3A_355] {strides = array<i32>} : memref<4096xi32, #tpu.memory_space<vmem>>, vector<16xi32>,
        %shift_right_arithmetic3A_357 = arith.constant 31 : i32
        %shift_right_arithmetic3A_358 = vector.broadcast %shift_right_arithmetic3A_357 : i32 to vector<16xi32>
        %shift_right_arithmetic3A_359 = arith.shrsi %get3A_356, %shift_right_arithmetic3A_358 : vector<16xi32>
        %and3A_360 = arith.constant 2147483647 : i32
        %and3A_361 = vector.broadcast %and3A_360 : i32 to vector<16xi32>
        %and3A_362 = arith.andi %shift_right_arithmetic3A_359, %and3A_361 : vector<16xi32>
        %xor3A_363 = arith.xori %get3A_356, %and3A_362 : vector<16xi32>
        %bitcast_convert_type3A_364 = tpu.bitcast %xor3A_363 : vector<16xi32> -> vector<16xf32>
        %mul3A_365 = arith.constant 16 : i32
        %mul3A_366 = arith.muli %scan3A_351, %mul3A_365 : i32
        %multiple_of3A_367 = tpu.assume_multiple %mul3A_366, 16 : i32
        %swap3A_368 = arith.index_cast %multiple_of3A_367 : i32 to index
        %swap3A_369 = tpu.vector_load %arg12[%swap3A_368] {strides = array<i32>} : memref<2048xf32, #tpu.memory_space<vmem>>, vector<16xf32>,
        tpu.vector_store %arg12[%swap3A_368], %bitcast_convert_type3A_364 {strides = array<i32>} : memref<2048xf32, #tpu.memory_space<vmem>>, vector<16xf32>,
        %scan3A_370 = arith.constant 0 : i32
        scf.yield %scan3A_370 : i32
      }
      %scan3A_289 = arith.constant 128 : i32
      "tpu.region"() ({
        %run_scoped3A = tpu.sem_alloc : memref<!tpu.dma_semaphore, #tpu.memory_space<semaphore_mem>>
        %dma_start3A = arith.constant 0 : i32
        %dma_start3A_291 = tpu.memref_slice %arg10[%dma_start3A] : memref<4096xi32, #tpu.memory_space<vmem>> -> memref<2048xi32, #tpu.memory_space<vmem>>
        %dma_start3A_292 = arith.constant 0 : i32
        %dma_start3A_293 = tpu.memref_slice %arg3[%add3A_14, %dma_start3A_292] : memref<512x2048xi32, #tpu.memory_space<hbm>> -> memref<1x2048xi32, #tpu.memory_space<hbm>>
        %dma_start3A_294 = tpu.memref_squeeze %dma_start3A_293 : memref<1x2048xi32, #tpu.memory_space<hbm>> -> memref<2048xi32, #tpu.memory_space<hbm>>
        %dma_start3A_295 = arith.constant 0 : i32
        %dma_start3A_296 = tpu.memref_slice %arg3[%add3A_14, %dma_start3A_295] : memref<512x2048xi32, #tpu.memory_space<hbm>> -> memref<1x2048xi32, #tpu.memory_space<hbm>>
        %dma_start3A_297 = tpu.memref_squeeze %dma_start3A_296 : memref<1x2048xi32, #tpu.memory_space<hbm>> -> memref<2048xi32, #tpu.memory_space<hbm>>
        %dma_start3A_298 = arith.constant 0 : i32
        %dma_start3A_299 = tpu.memref_slice %arg10[%dma_start3A_298] : memref<4096xi32, #tpu.memory_space<vmem>> -> memref<2048xi32, #tpu.memory_space<vmem>>
        tpu.enqueue_dma source(%dma_start3A_299 : memref<2048xi32, #tpu.memory_space<vmem>>) target(%dma_start3A_297 : memref<2048xi32, #tpu.memory_space<hbm>>) target_semaphore(%run_scoped3A : memref<!tpu.dma_semaphore, #tpu.memory_space<semaphore_mem>>)
        %dma_wait3A = arith.constant 0 : i32
        %dma_wait3A_300 = tpu.memref_slice %arg10[%dma_wait3A] : memref<4096xi32, #tpu.memory_space<vmem>> -> memref<2048xi32, #tpu.memory_space<vmem>>
        %dma_wait3A_301 = arith.constant 0 : i32
        %dma_wait3A_302 = tpu.memref_slice %arg3[%add3A_14, %dma_wait3A_301] : memref<512x2048xi32, #tpu.memory_space<hbm>> -> memref<1x2048xi32, #tpu.memory_space<hbm>>
        %dma_wait3A_303 = tpu.memref_squeeze %dma_wait3A_302 : memref<1x2048xi32, #tpu.memory_space<hbm>> -> memref<2048xi32, #tpu.memory_space<hbm>>
        %dma_wait3A_304 = arith.constant 0 : i32
        %dma_wait3A_305 = tpu.memref_slice %arg3[%add3A_14, %dma_wait3A_304] : memref<512x2048xi32, #tpu.memory_space<hbm>> -> memref<1x2048xi32, #tpu.memory_space<hbm>>
        %dma_wait3A_306 = tpu.memref_squeeze %dma_wait3A_305 : memref<1x2048xi32, #tpu.memory_space<hbm>> -> memref<2048xi32, #tpu.memory_space<hbm>>
        %dma_wait3A_307 = arith.constant 0 : i32
        %dma_wait3A_308 = tpu.memref_slice %arg10[%dma_wait3A_307] : memref<4096xi32, #tpu.memory_space<vmem>> -> memref<2048xi32, #tpu.memory_space<vmem>>
        tpu.wait_dma2 semaphore(%run_scoped3A : memref<!tpu.dma_semaphore, #tpu.memory_space<semaphore_mem>>) src(%dma_wait3A_308 : memref<2048xi32, #tpu.memory_space<vmem>>) dst(%dma_wait3A_306 : memref<2048xi32, #tpu.memory_space<hbm>>)
        tpu.yield
      }) : () -> ()
      "tpu.region"() ({
        %run_scoped3A = tpu.sem_alloc : memref<!tpu.dma_semaphore, #tpu.memory_space<semaphore_mem>>
        %dma_start3A = arith.constant 0 : i32
        %dma_start3A_291 = tpu.memref_slice %arg4[%add3A_14, %dma_start3A] : memref<512x2048xf32, #tpu.memory_space<hbm>> -> memref<1x2048xf32, #tpu.memory_space<hbm>>
        %dma_start3A_292 = tpu.memref_squeeze %dma_start3A_291 : memref<1x2048xf32, #tpu.memory_space<hbm>> -> memref<2048xf32, #tpu.memory_space<hbm>>
        %dma_start3A_293 = arith.constant 0 : i32
        %dma_start3A_294 = tpu.memref_slice %arg4[%add3A_14, %dma_start3A_293] : memref<512x2048xf32, #tpu.memory_space<hbm>> -> memref<1x2048xf32, #tpu.memory_space<hbm>>
        %dma_start3A_295 = tpu.memref_squeeze %dma_start3A_294 : memref<1x2048xf32, #tpu.memory_space<hbm>> -> memref<2048xf32, #tpu.memory_space<hbm>>
        tpu.enqueue_dma source(%arg12 : memref<2048xf32, #tpu.memory_space<vmem>>) target(%dma_start3A_295 : memref<2048xf32, #tpu.memory_space<hbm>>) target_semaphore(%run_scoped3A : memref<!tpu.dma_semaphore, #tpu.memory_space<semaphore_mem>>)
        %dma_wait3A = arith.constant 0 : i32
        %dma_wait3A_296 = tpu.memref_slice %arg4[%add3A_14, %dma_wait3A] : memref<512x2048xf32, #tpu.memory_space<hbm>> -> memref<1x2048xf32, #tpu.memory_space<hbm>>
        %dma_wait3A_297 = tpu.memref_squeeze %dma_wait3A_296 : memref<1x2048xf32, #tpu.memory_space<hbm>> -> memref<2048xf32, #tpu.memory_space<hbm>>
        %dma_wait3A_298 = arith.constant 0 : i32
        %dma_wait3A_299 = tpu.memref_slice %arg4[%add3A_14, %dma_wait3A_298] : memref<512x2048xf32, #tpu.memory_space<hbm>> -> memref<1x2048xf32, #tpu.memory_space<hbm>>
        %dma_wait3A_300 = tpu.memref_squeeze %dma_wait3A_299 : memref<1x2048xf32, #tpu.memory_space<hbm>> -> memref<2048xf32, #tpu.memory_space<hbm>>
        tpu.wait_dma2 semaphore(%run_scoped3A : memref<!tpu.dma_semaphore, #tpu.memory_space<semaphore_mem>>) src(%arg12 : memref<2048xf32, #tpu.memory_space<vmem>>) dst(%dma_wait3A_300 : memref<2048xf32, #tpu.memory_space<hbm>>)
        tpu.yield
      }) : () -> ()
      %scan3A_290 = arith.constant 0 : i32
      scf.yield %scan3A_290 : i32
    }
    %scan3A_9 = arith.constant 16 : i32
    return
  }
}

</mosaic_0001>

<sc_bundles>
// kernel: _topk_sc.3.cloned.1.call-start
scs
__scs_entry_jumppad:
0x0: {  	(pc) =	sbr.rel $0x88, $3  }
0x1: {  	(tag) =	ssettag $0x0;
	lr =	simm.s32 $0x1  }
0x2: {  	[smem:$0x3FA0] =	sst lr;
	_ =	strace $0xD0000000  }
0x3: {  	_ = 	snop  }
0x4: {  	_ = 	snop  }
0x5: {  	_ = 	snop  }
0x6: {  	_ = 	snop  }
0x7: {  	_ = 	snop  }
__scs_overlays_trampoline_lowered:
0x8: {  	[smem:$0x3FAF] =	sst s0  }
0x9: {  	[smem:$0x3FB0] =	sst s1  }
0xa: {  	[smem:$0x3FB1] =	sst s2  }
0xb: {  	[smem:$0x3FB2] =	sst s3  }
0xc: {  	[smem:$0x3FB3] =	sst s4  }
0xd: {  	[smem:$0x3FB4] =	sst s5  }
0xe: {  	[smem:$0x3FB5] =	sst s6  }
0xf: {  	[smem:$0x3FB6] =	sst s7  }
0x10: {  	[smem:$0x3FB7] =	sst s8  }
0x11: {  	[smem:$0x3FB8] =	sst s9;
	s0 =	simm.s32 @!p0 $0x0  }
0x12: {  	s1 =	sld [smem:$0x3F9E];
	s0 =	simm.s32 @p0 $0x1  }
0x13: {  	[smem:$0x3FB9] =	sst s0;
	s0 =	simm.s32 @!p1 $0x0  }
0x14: {  	s2 =	sld [smem:$0x3F9D];
	s0 =	simm.s32 @p1 $0x1  }
0x15: {  	[smem:$0x3FBA] =	sst s0;
	s0 =	simm.s32 @!p2 $0x0  }
0x16: {  	s3 =	sld [smem:$0x3FDB];
	s0 =	simm.s32 @p2 $0x1  }
0x17: {  	s4 =	simm.s32 $0x1BF5;
	[smem:$0x3FBC] =	sst s0  }
0x18: {  	s0 =	sld [smem:$0x3F9F];
	_ =	swait.ge [sflag:s4], $0x0  }
0x19: {  	s7 =	sld [smem:$0x3FA0]  }
0x1a: {  	s8 =	sadd.s32 $0xFFFFE003, lr  }
0x1b: {  	s9 =	sadd.s32 $0xFFFFFEF7, lr;
	s5 =	simm.s32 $0xFFFFFFFF;
	p2 =	slt.u32 s8, $0xFFFFF086  }
0x1c: {  	p1 =	slt.u32 s9, $0xF7A;
	s5 =	simm.s32 @!p2 $0x0  }
0x1d: {  	s5 =	simm.s32 @p1 $0x1;
	p0 =	seq.s32 s7, s2  }
0x1e: {  	s7 =	smul.u32 @!p0 $0xF7A, s2;
	p2 =	seq.s32 @!p0 s5, $0x0  }
0x1f: {  	s9 =	smul.u32 $0xF7A, s1;
	s8 =	simm.s32 @!p0 $0x1BF5;
	p2 =	por !p2, p0  }
0x20: {  	[sflag:s8] =	ssyncset.s32 @!p0 $0xFFFFF086;
	s6 =	sadd.s32 @!p0 s3, s7;
	s7 =	simm.s32 @!p0 $0x108  }
0x21: {  	s3 =	sadd.s32 s3, s9;
	s6 =	sadd.s32 @!p0 $0x88, s6;
	s7 =	simm.s32 @p2 $0x1082  }
0x22: {  	[simem:s7], [sflag:s8] =	dma.local @!p0 [hbm:s6], $0xF7A  }
0x23: {  	s9 =	sor.u32 $0xD0000000, s2;
	s6 =	simm.s32 $0x108;
	_ =	swait.ge @!p0 [sflag:s8], $0x0  }
0x24: {  	s3 =	sadd.s32 $0x88, s3;
	s6 =	simm.s32 @!p1 $0x1082;
	[sflag:s4] =	ssyncset.s32 $0xFFFFF086  }
0x25: {  	[simem:s6], [sflag:s4] =	dma.local [hbm:s3], $0xF7A  }
0x26: {  	[smem:$0x3FA0] =	sst s1;
	(tag) =	ssettag s2;
	_ =	strace s9  }
0x27: {  	s1 =	sld [smem:$0x3FB0]  }
0x28: {  	s2 =	sld [smem:$0x3FB1]  }
0x29: {  	s4 =	sld [smem:$0x3FB3]  }
0x2a: {  	p0 =	seq.s32 s5, $0x0;
	s5 =	sld [smem:$0x3FB4]  }
0x2b: {  	s6 =	sld [smem:$0x3FB5]  }
0x2c: {  	s7 =	sld [smem:$0x3FB6]  }
0x2d: {  	s3 =	simm.s32 $0x108;
	s8 =	sld [smem:$0x3FB7]  }
0x2e: {  	s3 =	simm.s32 @!p0 $0x1082;
	s9 =	sld [smem:$0x3FB8]  }
0x2f: {  	lr =	sadd.s32 s0, s3;
	s0 =	sld [smem:$0x3FAF]  }
0x30: {  	s3 =	sld [smem:$0x3FB2]  }
0x31: {  	[smem:$0x3FBB] =	sst s10  }
0x32: {  	s10 =	sld [smem:$0x3FB9];
	_ =	sdelay $0x3  }
0x33: {  	p0 =	seq.s32 s10, $0x1;
	s10 =	sld [smem:$0x3FBB];
	_ =	sdelay $0x3  }
0x34: {  	[smem:$0x3FBB] =	sst s10  }
0x35: {  	s10 =	sld [smem:$0x3FBA];
	_ =	sdelay $0x3  }
0x36: {  	p1 =	seq.s32 s10, $0x1;
	s10 =	sld [smem:$0x3FBB];
	_ =	sdelay $0x3  }
0x37: {  	[smem:$0x3FBB] =	sst s10  }
0x38: {  	s10 =	sld [smem:$0x3FBC]  }
0x39: {  	_ = 	snop;
	(pc) =	sbr.ind lr, $3  }
0x3a: {  	_ = 	snop  }
0x3b: {  	_ = 	snop  }
0x3c: {  	p2 =	seq.s32 s10, $0x1;
	s10 =	sld [smem:$0x3FBB]  }
0x3d: {  	_ =	shalt  }
0x3e: {  	_ =	shalt  }
0x3f: {  	_ =	shalt  }
0x40: {  	_ =	shalt  }
0x41: {  	_ =	shalt  }
0x42: {  	_ =	shalt  }
0x43: {  	_ =	shalt  }
0x44: {  	_ =	shalt  }
0x45: {  	_ =	shalt  }
0x46: {  	_ =	shalt  }
0x47: {  	_ =	shalt  }
0x48: {  	_ =	shalt  }
0x49: {  	_ =	shalt  }
0x4a: {  	_ =	shalt  }
0x4b: {  	_ =	shalt  }
0x4c: {  	_ =	shalt  }
0x4d: {  	_ =	shalt  }
0x4e: {  	_ =	shalt  }
0x4f: {  	_ =	shalt  }
0x50: {  	_ =	shalt  }
0x51: {  	_ =	shalt  }
0x52: {  	_ =	shalt  }
0x53: {  	_ =	shalt  }
0x54: {  	_ =	shalt  }
0x55: {  	_ =	shalt  }
0x56: {  	_ =	shalt  }
0x57: {  	_ =	shalt  }
0x58: {  	_ =	shalt  }
0x59: {  	_ =	shalt  }
0x5a: {  	_ =	shalt  }
0x5b: {  	_ =	shalt  }
0x5c: {  	_ =	shalt  }
0x5d: {  	_ =	shalt  }
0x5e: {  	_ =	shalt  }
0x5f: {  	_ =	shalt  }
0x60: {  	_ =	shalt  }
0x61: {  	_ =	shalt  }
0x62: {  	_ =	shalt  }
0x63: {  	_ =	shalt  }
0x64: {  	_ =	shalt  }
0x65: {  	_ =	shalt  }
0x66: {  	_ =	shalt  }
0x67: {  	_ =	shalt  }
0x68: {  	_ =	shalt  }
0x69: {  	_ =	shalt  }
0x6a: {  	_ =	shalt  }
0x6b: {  	_ =	shalt  }
0x6c: {  	_ =	shalt  }
0x6d: {  	_ =	shalt  }
0x6e: {  	_ =	shalt  }
0x6f: {  	_ =	shalt  }
0x70: {  	_ =	shalt  }
0x71: {  	_ =	shalt  }
0x72: {  	_ =	shalt  }
0x73: {  	_ =	shalt  }
0x74: {  	_ =	shalt  }
0x75: {  	_ =	shalt  }
0x76: {  	_ =	shalt  }
0x77: {  	_ =	shalt  }
0x78: {  	_ =	shalt  }
0x79: {  	_ =	shalt  }
0x7a: {  	_ =	shalt  }
0x7b: {  	_ =	shalt  }
0x7c: {  	_ =	shalt  }
0x7d: {  	_ =	shalt  }
0x7e: {  	_ =	shalt  }
0x7f: {  	_ =	shalt  }
0x80: {  	_ =	shalt  }
0x81: {  	_ =	shalt  }
0x82: {  	_ =	shalt  }
0x83: {  	_ =	shalt  }
0x84: {  	_ =	shalt  }
0x85: {  	_ =	shalt  }
0x86: {  	_ =	shalt  }
0x87: {  	_ =	shalt  }
.Lfunc_end0:
.L_simem_size_0:
called_computation_lowered:
.L_overlay_start_0:
0x88: {  	s2 =	sld [smem:$0x3FD9]  }
0x89: {  	s3 =	sld [smem:$0x3FFE];
	_ =	sdelay $0x1  }
0x8a: {  	s1 =	srdreg.scid  }
0x8b: {  	s0 =	sand.u32 $0x1, s1  }
0x8c: {  	s15 =	sshll.u32 s0, $0xA;
	s2 =	sadd.s32 s3, s2  }
0x8d: {  	s2 =	sadd.s32 s2, s15  }
0x8e: {  	[smem:$0x3FC7] =	sst s2  }
0x8f: {  	_ = 	snop  }
0x90: {  	s2 =	sld [smem:$0x3FD0];
	_ =	sdelay $0x2  }
0x91: {  	s4 =	simm.s32 $0xA;
	s5 =	simm.s32 $0x10;
	s16 =	sld [smem:$0x3FC9]  }
0x92: {  	[smem:s5], [sflag:s4] =	dma.local [hbm:s2], $0x1  }
0x93: {  	_ =	swait.eq [sflag:s4], $0x1  }
0x94: {  	[sflag:s4] =	ssyncset.done $0x0  }
0x95: {  	s17 =	sld [smem:$0x10];
	[sflag:s4] =	ssyncadd.s32 $0xFFFFFFFF  }
0x96: {  	s18 =	sld [smem:$0x11];
	(tm) =	ssettm $0x1  }
0x97: {  	s19 =	sld [smem:$0x3FFB];
	_ =	sdelay $0x3  }
0x98: {  	_ =	strace s19  }
0x99: {  	s5 =	sld [smem:$0x3FFC];
	_ =	sdelay $0x3  }
0x9a: {  	_ =	strace s5  }
0x9b: {  	s5 =	sld [smem:$0x3FFD];
	_ =	sdelay $0x3  }
0x9c: {  	_ =	strace s5  }
0x9d: {  	_ =	strace $0x8FFFFFFF  }
0x9e: {  	s20 =	sld [smem:$0x3FDB];
	_ =	sdelay $0x1  }
0x9f: {  	s6 =	simm.s32 $_scs_section_size  }
0xa0: {  	s7 =	simm.s32 $_size__tile_overlayer_lowered;
	s8 =	simm.s32 $_tile_overlayer_lowered  }
0xa1: {  	s23 =	simm.s32 $0x1BFF;
	s22 =	sshll.u32 s8, $0x1;
	s5 =	sadd.s32 s6, s20  }
0xa2: {  	s9 =	simm.s32 $0x0;
	s21 =	sshll.u32 s7, $0x1;
	s7 =	sadd.s32 s22, s5  }
0xa3: {  	[timem:s9], [sflag:s23] =	dma.local [hbm:s7], s21  }
0xa4: {  	_ =	swait.ge [sflag:s23], s21  }
0xa5: {  	s6 =	ssub.s32 $0x0, s21;
	[sflag:s23] =	ssyncset.done $0x0  }
0xa6: {  	[sflag:s23] =	ssyncadd.s32 s6;
	_ =	sdelay $0x1  }
0xa7: {  	s24 =	simm.s32 $0x1B8B  }
0xa8: {  	_ =	swait.ge [sflag:s24], $0x1  }
0xa9: {  	[sflag:s24] =	ssyncset.done $0x0  }
0xaa: {  	s25 =	simm.s32 $0x1B8E;
	[sflag:s24] =	ssyncadd.s32 $0xFFFFFFFF  }
0xab: {  	s26 =	simm.s32 $execute0_lowered;
	[smem:$0x3FD2] =	sst s25  }
0xac: {  	s6 =	sshll.u32 s26, $0x1;
	_ =	strace $0x80000046;
	[dreg:$0x1] =	wrdreg $0xFFFFFFFF  }
0xad: {  	s28 =	simm.s32 $_size_execute0_lowered;
	s5 =	sadd.s32 s5, s6;
	[dreg:$0x0] =	wrdreg $0x0  }
0xae: {  	s6 =	sshll.u32 s28, $0x1;
	[dreg:$0x2] =	wrdreg s5  }
0xaf: {  	[dreg:$0x3] =	wrdreg s6  }
0xb0: {  	[dreg:$0x4] =	wrdreg $0xC0  }
0xb1: {  	_ =	task [dreg:s9], $0x5FFFF  }
0xb2: {  	[dreg:$0x1] =	wrdreg $0xFFFFFFFF  }
0xb3: {  	[dreg:$0x0] =	wrdreg $0x60  }
0xb4: {  	[dreg:$0x2] =	wrdreg s16  }
0xb5: {  	[dreg:$0x3] =	wrdreg s17  }
0xb6: {  	[dreg:$0x4] =	wrdreg s18  }
0xb7: {  	[dreg:$0x5] =	wrdreg $0x9  }
0xb8: {  	_ =	task.clear_ibuf [dreg:s9], $0x6FFFF;
	_ =	strace $0x90000046  }
0xb9: {  	s29 =	simm.s32 $0x9;
	_ =	strace $0x80000048  }
0xba: {  	_ =	swait.ge [sflag:s29], $0x1  }
0xbb: {  	[sflag:s29] =	ssyncadd.s32 $0xFFFFFFFF  }
0xbc: {  	_ =	strace $0x90000048  }
0xbd: {  	_ =	sfence  }
0xbe: {  	s30 =	sld [smem:$0x0];
	_ =	sdelay $0x2  }
0xbf: {  	s31 =	sshll.u32 s1, $0xD;
	s1 =	sshrl.u32 s1, $0x2  }
0xc0: {  	s3 =	sand.u32 $0x4000, s31;
	s1 =	sadd.s32 s1, s30  }
0xc1: {  	s0 =	sor.u32 s3, s0;
	s1 =	sshll.u32 s1, $0x11  }
0xc2: {  	s0 =	sor.u32 s1, s0  }
0xc3: {  	s0 =	sadd.s32 $0x8F2B, s0  }
0xc4: {  	[sflag:s0] =	ssyncadd.remote.s32 $0x1  }
0xc5: {  	_ =	sfence.sel $0xFFFF  }
0xc6: {  	[dreg:$0x0] =	wrdreg $0xFFFFFFFF;
	(pc) =	sbr.abs _section_cstart, $3  }
0xc7: {  	[dreg:$0x1] =	wrdreg $0xFFFFFFFF  }
0xc8: {  	_ =	task.clear_ibuf [dreg:s9], $0x2FFFF;
	_ =	strace $0x9FFFFFFF  }
0xc9: {  	(tm) =	ssettm $0x7FFFFFFF  }
tec
execute0_lowered:
.L_overlay_start_1:
0x0: {  	(tag) =	ssettag $0x1  }
0x1: {  	s1 =	rddreg [dreg:$0x0]  }
0x2: {  	s2 =	rddreg [dreg:$0x1]  }
0x3: {  	s3 =	rddreg [dreg:$0x2];
	s4 =	srdreg.scid  }
0x4: {  	s0 =	rddreg [dreg:$0x3];
	s5 =	simm.s32 $0x0;
	s10 =	simm.s32 $0x1  }
0x5: {  	s11 =	simm.s32 $0x8000;
	s12 =	simm.s32 $0x8800;
	s13 =	simm.s32 $0x9800  }
0x6: {  	s14 =	simm.s32 $0xC800;
	s15 =	simm.s32 $0xA800;
	s16 =	simm.s32 $0xB800  }
0x7: {  	s17 =	simm.s32 $0xD000;
	s18 =	simm.s32 $0x0;
	s6 =	sand.u32 $0x1, s4  }
0x8: {  	[smem:$0x7FF] =	sst s5;
	s4 =	stileid.u32;
	s7 =	ssub.s32 $0x2, s6  }
0x9: {  	s9 =	sshll.u32 s4, $0x5;
	s6 =	sshll.u32 s6, $0x4;
	s8 =	sshrl.u32 s7, $0x1  }
0xa: {  	v0 =	vimm.s32 $0x0;
	v1 =	vimm.s32 $0x80000000;
	_ =	strace $0x80000047;
	s6 =	sor.u32 s6, s9;
	s7 =	ssub.s32 s7, s8  }
0xb: {  	v2 =	vimm.f32 $0.0e+00;
	v3 =	vimm.s32 $0xF;
	v4 =	vlaneseq.u32;
	s9 =	simm.s32 $0x400;
	s8 =	simm.s32 $0x80;
	s7 =	smax.u32 s7, $0x1  }
.LBB2_1:
0xc: {  	s19 =	simm.s32 $0x0  }
.LBB2_2:
0xd: {  	s20 =	sadd.s32 s6, s19  }
0xe: {  	s21 =	sshll.u32 s19, $0x7;
	s20 =	sshrl.u32 s20, $0x3  }
0xf: {  	s21 =	sand.u32 $0x380, s21;
	s22 =	sshll.u32 s20, $0x12  }
0x10: {  	s22 =	sor.u32 s21, s22  }
0x11: {  	s22 =	sshrl.u32 s22, $0x3  }
0x12: {  	s22 =	sadd.s32 s1, s22  }
0x13: {  	[tilespmem:s5], [sflag:$0x1] =	stream.strided.gather [hbm4b:s22+s8], $0x8000, s9, s8, $0x38;
	[tilespmem:$0xD800] =	vst v63  }
0x14: {  	_ =	swait.ge [sflag:s10], $0x8000  }
0x15: {  	[sflag:s10] =	ssyncset.done $0x0  }
0x16: {  	s23 =	simm.s32 $0x8040;
	[sflag:s10] =	ssyncadd.s32 $0xFFFF8000  }
0x17: {  	[tilespmem:s23+$0xFFFFFFC0] =	vst v0  }
0x18: {  	[tilespmem:s23+$0x30] =	vst v0  }
0x19: {  	[tilespmem:s23+$0x20] =	vst v0  }
0x1a: {  	[tilespmem:s23+$0x10] =	vst v0  }
0x1b: {  	[tilespmem:s23+$0x0] =	vst v0  }
0x1c: {  	[tilespmem:s23+$0xFFFFFFF0] =	vst v0  }
0x1d: {  	s25 =	simm.s32 $0x0;
	s22 =	simm.s32 $0x20;
	[tilespmem:s23+$0xFFFFFFE0] =	vst v0  }
.LBB2_3:
0x1e: {  	s25 =	sadd.s32 $0x8, s25;
	[tilespmem:s23+$0xFFFFFFD0] =	vst v0;
	s23 =	sadd.s32 $0x80, s23;
	s24 =	simm.s32 $0xFFFFFFFC  }
0x1f: {  	[tilespmem:s23+$0xFFFFFFC0] =	vst v0;
	p0 =	slt.u32 s25, $0x78  }
0x20: {  	[tilespmem:s23+$0x30] =	vst v0  }
.Ltmp0:
0x21: {  	[tilespmem:s23+$0x20] =	vst v0;
	(pc) =	sbr.rel @p0 .LBB2_3-.Ltmp0, $4  }
0x22: {  	[tilespmem:s23+$0x10] =	vst v0  }
0x23: {  	[tilespmem:s23+$0x0] =	vst v0  }
0x24: {  	[tilespmem:s23+$0xFFFFFFF0] =	vst v0  }
0x25: {  	[tilespmem:s23+$0xFFFFFFE0] =	vst v0  }
0x26: {  	[tilespmem:s23+$0xFFFFFFD0] =	vst v0  }
.LBB2_5:
0x27: {  	v5 =	vld [tilespmem:s22+$0xFFFFFFE0];
	_ =	sdelay $0x4  }
0x28: {  	vm0 =	vgt.s32 v5, $0xFFFFFFFF  }
0x29: {  	v6 =	vsel vm0, $0xFFFFFFFF, v1  }
0x2a: {  	v5 =	vxor.u32 v5, v6  }
0x2b: {  	v5 =	vshra.s32 v5, $0x15  }
0x2c: {  	v5 =	vadd.s32 $0x400, v5  }
0x2d: {  	(xrf1) =	vunique.msk.u32 $0xffff, v5;
	_ =	sdelay $0xd  }
0x2e: {  	_, v6, vm0 =	vpop (xrf1);
	_ =	sdelay $0x5  }
0x2f: {  	[tilespmem:v5+s11+$0x0] =	vst.idx.add.s32.msk vm0, v6  }
0x30: {  	v5 =	vld [tilespmem:s22+$0xFFFFFFF0];
	_ =	sdelay $0x4  }
0x31: {  	vm13 =	vgt.s32 v5, $0xFFFFFFFF  }
0x32: {  	v6 =	vsel vm13, $0xFFFFFFFF, v1  }
0x33: {  	v5 =	vxor.u32 v5, v6  }
0x34: {  	v5 =	vshra.s32 v5, $0x15  }
0x35: {  	v5 =	vadd.s32 $0x400, v5  }
0x36: {  	(xrf1) =	vunique.msk.u32 $0xffff, v5;
	_ =	sdelay $0xd  }
0x37: {  	_, v6, vm0 =	vpop (xrf1);
	_ =	sdelay $0x5  }
0x38: {  	[tilespmem:v5+s11+$0x0] =	vst.idx.add.s32.msk vm0, v6  }
0x39: {  	v5 =	vld [tilespmem:s22+$0x0];
	_ =	sdelay $0x4  }
0x3a: {  	vm14 =	vgt.s32 v5, $0xFFFFFFFF  }
0x3b: {  	v6 =	vsel vm14, $0xFFFFFFFF, v1  }
0x3c: {  	v5 =	vxor.u32 v5, v6  }
0x3d: {  	v5 =	vshra.s32 v5, $0x15  }
0x3e: {  	v5 =	vadd.s32 $0x400, v5  }
0x3f: {  	(xrf1) =	vunique.msk.u32 $0xffff, v5;
	_ =	sdelay $0xd  }
0x40: {  	_, v6, vm0 =	vpop (xrf1);
	_ =	sdelay $0x5  }
0x41: {  	[tilespmem:v5+s11+$0x0] =	vst.idx.add.s32.msk vm0, v6  }
0x42: {  	v5 =	vld [tilespmem:s22+$0x10];
	_ =	sdelay $0x4  }
0x43: {  	vm15 =	vgt.s32 v5, $0xFFFFFFFF  }
0x44: {  	v6 =	vsel vm15, $0xFFFFFFFF, v1  }
0x45: {  	v5 =	vxor.u32 v5, v6  }
0x46: {  	v5 =	vshra.s32 v5, $0x15  }
0x47: {  	v5 =	vadd.s32 $0x400, v5  }
0x48: {  	(xrf1) =	vunique.msk.u32 $0xffff, v5;
	_ =	sdelay $0xd  }
0x49: {  	s24 =	sadd.s32 $0x4, s24;
	_, v6, vm0 =	vpop (xrf1)  }
0x4a: {  	p1 =	slt.u32 s24, $0x7C  }
.Ltmp1:
0x4b: {  	_ = 	snop;
	(pc) =	sbr.rel @p1 .LBB2_5-.Ltmp1, $3  }
0x4c: {  	_ =	sdelay $0x1  }
0x4d: {  	s23 =	simm.s32 $0x0  }
0x4e: {  	p0 =	por $0x0, $0x0;
	s25 =	simm.s32 $0x8010;
	s22 =	sadd.s32 $0x40, s22;
	[tilespmem:v5+s11+$0x0] =	vst.idx.add.s32.msk vm0, v6;
	v5 =	vimm.s32 $0x0  }
0x4f: {  	v6 =	vld [tilespmem:s25+$0xFFFFFFF0];
	_ =	sdelay $0x4  }
0x50: {  	(xrf0) =	vadd.scan.msk.s32 $0xffff, v6  }
0x51: {  	v7 =	vld [tilespmem:s25+$0x0];
	_ =	sdelay $0x2  }
0x52: {  	s22 =	simm.s32 $0x8030  }
0x53: {  	v6 =	vld [tilespmem:s22+$0xFFFFFFF0]  }
0x54: {  	(xrf0) =	vadd.scan.msk.s32 $0xffff, v7;
	v8, _, _ =	vpop (xrf0)  }
0x55: {  	v5 =	vadd.s32 v5, v8  }
0x56: {  	vm0 =	vgt.s32 v5, $0x8F  }
0x57: {  	v8 =	vsel vm0, $0x3F800000, v2  }
0x58: {  	v7 =	vld [tilespmem:s22+$0x0];
	(xrf0) =	vadd.scan.msk.s32 $0xffff, v6  }
0x59: {  	s25 =	simm.s32 $0x8050;
	v5 =	vperm.xlane v5, v3  }
0x5a: {  	v6 =	vld [tilespmem:s25+$0xFFFFFFF0];
	(xrf0) =	vmax.scan.msk.f32 $0xffff, v8;
	v8, _, _ =	vpop (xrf0)  }
0x5b: {  	v5 =	vadd.s32 v5, v8;
	_ =	sdelay $0x1  }
0x5c: {  	(xrf0) =	vadd.scan.msk.s32 $0xffff, v7;
	v7 =	vperm.xlane v5, v3  }
0x5d: {  	vm1 =	vgt.s32 v5, $0x8F;
	v5, _, _ =	vpop (xrf0)  }
0x5e: {  	(xrf0) =	vadd.scan.msk.s32 $0xffff, v6;
	v6 =	vmctz.xlane vm0;
	v5 =	vadd.s32 v7, v5  }
0x5f: {  	v9 =	vsel vm1, $0x3F800000, v2;
	vm10 =	vgt.s32 v5, $0x8F  }
0x60: {  	v8 =	vld [tilespmem:s25+$0x0];
	(xrf0) =	vmax.scan.msk.f32 $0xffff, v9;
	v9 =	vsel vm10, $0x3F800000, v2  }
0x61: {  	s26 =	simm.s32 $0x8070;
	v10, _, _ =	vpop (xrf0);
	v5 =	vperm.xlane v5, v3;
	(xrf0) =	vmax.scan.msk.f32 $0xffff, v9;
	v9 =	vmctz.xlane vm1  }
0x62: {  	(v2sf) =	vpush v6, $0x0;
	v7 =	vld [tilespmem:s26+$0xFFFFFFF0];
	v6, _, _ =	vpop (xrf0)  }
0x63: {  	v5 =	vadd.s32 v5, v6  }
0x64: {  	(v2sf) =	vpush v10, $0xF;
	v6 =	vperm.xlane v5, v3  }
0x65: {  	(xrf0) =	vadd.scan.msk.s32 $0xffff, v8;
	(v2sf) =	vpush v9, $0x0;
	v9, _, _ =	vpop (xrf0)  }
0x66: {  	vm11 =	vgt.s32 v5, $0x8F;
	v5 =	vadd.s32 v6, v9  }
0x67: {  	(xrf0) =	vadd.scan.msk.s32 $0xffff, v7;
	v7 =	vsel vm11, $0x3F800000, v2;
	vm12 =	vgt.s32 v5, $0x8F  }
0x68: {  	(xrf0) =	vmax.scan.msk.f32 $0xffff, v7;
	v7 =	vsel vm12, $0x3F800000, v2  }
0x69: {  	v6, _, _ =	vpop (xrf0)  }
0x6a: {  	s29 =	simm.s32 $0x8090;
	v8 =	vld [tilespmem:s26+$0x0];
	v5 =	vperm.xlane v5, v3;
	v9, _, _ =	vpop (xrf0)  }
0x6b: {  	(v2sf) =	vpush v6, $0xF;
	v6 =	vld [tilespmem:s29+$0xFFFFFFF0];
	(xrf0) =	vmax.scan.msk.f32 $0xffff, v7;
	v7, _, _ =	vpop (xrf0)  }
0x6c: {  	v5 =	vadd.s32 v5, v7  }
0x6d: {  	v10 =	vmctz.xlane vm10;
	v7 =	vperm.xlane v5, v3;
	_ =	sdelay $0x1  }
0x6e: {  	(v2sf) =	vpush v10, $0x0;
	(xrf0) =	vadd.scan.msk.s32 $0xffff, v8;
	vm2 =	vgt.s32 v5, $0x8F;
	v5, _, _ =	vpop (xrf0)  }
0x6f: {  	v10 =	vsel vm2, $0x3F800000, v2;
	(xrf0) =	vadd.scan.msk.s32 $0xffff, v6;
	v6 =	vmctz.xlane vm11;
	v5 =	vadd.s32 v7, v5  }
0x70: {  	(v2sf) =	vpush v9, $0xF;
	v7, _, _ =	vpop (xrf0);
	vm13 =	vgt.s32 v5, $0x8F;
	(xrf0) =	vmax.scan.msk.f32 $0xffff, v10  }
0x71: {  	(v2sf) =	vpush v6, $0x0;
	v9 =	vsel vm13, $0x3F800000, v2  }
0x72: {  	v11 =	vmctz.xlane vm12;
	v10, _, _ =	vpop (xrf0);
	(v2sf) =	vpush v7, $0xF;
	v7 =	vmctz.xlane vm2;
	(xrf0) =	vmax.scan.msk.f32 $0xffff, v9  }
0x73: {  	v8 =	vld [tilespmem:s29+$0x0]  }
0x74: {  	v5 =	vperm.xlane v5, v3;
	(v2sf) =	vpush v11, $0x0;
	v9, _, _ =	vpop (xrf0)  }
0x75: {  	s30 =	spop (v2sf);
	(v2sf) =	vpush v10, $0xF;
	v10, _, _ =	vpop (xrf0)  }
0x76: {  	s24 =	spop (v2sf);
	(v2sf) =	vpush v7, $0x0;
	v5 =	vadd.s32 v5, v9;
	v9 =	vmctz.xlane vm13;
	v7, _, _ =	vpop (xrf0)  }
0x77: {  	s28 =	simm.s32 $0x80B0;
	s29 =	spop (v2sf);
	(v2sf) =	vpush v7, $0xF  }
0x78: {  	v6 =	vld [tilespmem:s28+$0xFFFFFFF0];
	(xrf0) =	vadd.scan.msk.s32 $0xffff, v8;
	v8 =	vperm.xlane v5, v3;
	v11, _, _ =	vpop (xrf0);
	(v2sf) =	vpush v9, $0x0  }
0x79: {  	s31 =	spop (v2sf);
	(v2sf) =	vpush v11, $0xF  }
0x7a: {  	vm14 =	vgt.s32 v5, $0x8F;
	v5 =	vadd.s32 v8, v10  }
0x7b: {  	s22 =	sadd.s32 $0x10, s30;
	p1 =	sgt.f32 s24, $0.0e+00;
	vm15 =	vgt.s32 v5, $0x8F  }
0x7c: {  	s22 =	sadd.s32 $0xFFFFFFF0, s22;
	s24 =	simm.s32 $0x0;
	v10 =	vsel vm15, $0x3F800000, v2  }
0x7d: {  	s25 =	simm.s32 $0xC;
	s26 =	simm.s32 $0x80D0;
	s24 =	smov.u32 @p1 s22;
	(xrf0) =	vadd.scan.msk.s32 $0xffff, v6;
	v7 =	vld [tilespmem:s28+$0x0];
	v8 =	vsel vm14, $0x3F800000, v2  }
0x7e: {  	s22 =	simm.s32 $0x30;
	s24 =	smov.u32 @p0 s23;
	p0 =	por p0, p1;
	v6 =	vmctz.xlane vm14;
	(xrf0) =	vmax.scan.msk.f32 $0xffff, v8  }
0x7f: {  	s23 =	sadd.s32 $0x10, s29;
	p1 =	sgt.f32 s31, $0.0e+00;
	s28 =	spop (v2sf);
	v9 =	vperm.xlane v5, v3;
	v8 =	vld [tilespmem:s26+$0xFFFFFFF0];
	v5 =	vmctz.xlane vm15;
	(xrf0) =	vmax.scan.msk.f32 $0xffff, v10;
	v10, _, _ =	vpop (xrf0)  }
.LBB2_7:
0x80: {  	s29 =	spop (v2sf)  }
0x81: {  	s25 =	sadd.s32 $0x2, s25;
	p2 =	sgt.f32 s29, $0.0e+00;
	s29 =	smov.u32 s24  }
0x82: {  	(xrf0) =	vadd.scan.msk.s32 $0xffff, v7;
	v9 =	vadd.s32 v9, v10;
	s28 =	sadd.s32 s22, s28;
	p3 =	slt.u32 s25, $0x7E;
	s29 =	smov.u32 @p1 s23  }
0x83: {  	v7 =	vld [tilespmem:s26+$0x0];
	vm0 =	vgt.s32 v9, $0x8F;
	v9 =	vperm.xlane v9, v3;
	(v2sf) =	vpush v6, $0x0;
	p1 =	por p0, p1;
	s23 =	sadd.s32 $0xFFFFFFF0, s28;
	s29 =	smov.u32 @p0 s24  }
.Ltmp2:
0x84: {  	v11 =	vsel vm0, $0x3F800000, v2;
	v6 =	vmctz.xlane vm0;
	v10, _, _ =	vpop (xrf0);
	s28 =	spop (v2sf);
	s24 =	smov.u32 s29;
	(pc) =	sbr.rel @p3 .LBB2_7-.Ltmp2, $4  }
0x85: {  	(xrf0) =	vadd.scan.msk.s32 $0xffff, v8;
	v8 =	vadd.s32 v9, v10;
	v10, _, _ =	vpop (xrf0);
	s24 =	smov.u32 @p2 s23;
	s23 =	smov.u32 s22  }
0x86: {  	s26 =	sadd.s32 $0x20, s26;
	vm0 =	vgt.s32 v8, $0x8F;
	v9 =	vperm.xlane v8, v3;
	s22 =	sadd.s32 $0x20, s22;
	(xrf0) =	vmax.scan.msk.f32 $0xffff, v11;
	(v2sf) =	vpush v10, $0xF  }
0x87: {  	v12 =	vsel vm0, $0x3F800000, v2;
	s24 =	smov.u32 @p1 s29;
	s23 =	sadd.s32 s23, s28;
	v8 =	vld [tilespmem:s26+$0xFFFFFFF0];
	v11, _, _ =	vpop (xrf0);
	(v2sf) =	vpush v5, $0x0;
	v5 =	vmctz.xlane vm0;
	s29 =	spop (v2sf)  }
0x88: {  	p0 =	por p1, p2;
	(xrf0) =	vmax.scan.msk.f32 $0xffff, v12;
	v10, _, _ =	vpop (xrf0);
	(v2sf) =	vpush v11, $0xF;
	s28 =	spop (v2sf);
	p1 =	sgt.f32 s29, $0.0e+00  }
0x89: {  	v9 =	vadd.s32 v9, v10  }
0x8a: {  	(xrf0) =	vadd.scan.msk.s32 $0xffff, v7;
	v7 =	vperm.xlane v9, v3  }
0x8b: {  	v11, _, _ =	vpop (xrf0)  }
0x8c: {  	v61 =	vld [tilespmem:s26+$0x0];
	v7 =	vadd.s32 v7, v11  }
0x8d: {  	vm0 =	vgt.s32 v9, $0x8F;
	vm1 =	vgt.s32 v7, $0x8F  }
0x8e: {  	(v2sf) =	vpush v6, $0x0;
	v9 =	vsel vm0, $0x3F800000, v2;
	(xrf0) =	vadd.scan.msk.s32 $0xffff, v8;
	v8 =	vsel vm1, $0x3F800000, v2  }
0x8f: {  	s25 =	smov.u32 s24;
	v6, _, _ =	vpop (xrf0);
	(xrf0) =	vmax.scan.msk.f32 $0xffff, v9  }
0x90: {  	s30 =	spop (v2sf);
	s31 =	sadd.s32 s22, s28;
	s25 =	smov.u32 @p1 s23;
	v7 =	vperm.xlane v7, v3;
	(v2sf) =	vpush v6, $0xF;
	v6, _, _ =	vpop (xrf0);
	(xrf0) =	vmax.scan.msk.f32 $0xffff, v8  }
0x91: {  	p2 =	sgt.f32 s30, $0.0e+00;
	s28 =	spop (v2sf);
	s25 =	smov.u32 @p0 s24;
	(xrf0) =	vadd.scan.msk.s32 $0xffff, v61;
	v8, _, _ =	vpop (xrf0)  }
0x92: {  	s23 =	sadd.s32 $0xFFFFFFF0, s31;
	v62 =	vmctz.xlane vm0;
	s29 =	spop (v2sf);
	s26 =	smov.u32 s25;
	(v2sf) =	vpush v5, $0x0;
	v5 =	vadd.s32 v7, v8  }
0x93: {  	p1 =	por p0, p1;
	p0 =	sgt.f32 s29, $0.0e+00;
	s26 =	smov.u32 @p2 s23;
	(v2sf) =	vpush v6, $0xF;
	vm13 =	vgt.s32 v5, $0x8F;
	v5 =	vperm.xlane v5, v3  }
0x94: {  	s30 =	spop (v2sf);
	s23 =	sadd.s32 $0x20, s22;
	s26 =	smov.u32 @p1 s25;
	v6, _, _ =	vpop (xrf0);
	v7 =	vsel vm13, $0x3F800000, v2  }
0x95: {  	s22 =	sadd.s32 s22, s28;
	p2 =	por p1, p2;
	s25 =	smov.u32 s26;
	(v2sf) =	vpush v62, $0x0;
	v8 =	vmctz.xlane vm1;
	v5 =	vadd.s32 v5, v6;
	v6, _, _ =	vpop (xrf0);
	(xrf0) =	vmax.scan.msk.f32 $0xffff, v7  }
0x96: {  	s31 =	spop (v2sf);
	s24 =	sadd.s32 s23, s30;
	s25 =	smov.u32 @p0 s22;
	vm14 =	vgt.s32 v5, $0x8F;
	v5 =	vperm.xlane v5, v3;
	(v2sf) =	vpush v6, $0xF;
	v6, _, _ =	vpop (xrf0)  }
0x97: {  	p1 =	sgt.f32 s31, $0.0e+00;
	s22 =	sadd.s32 $0xFFFFFFF0, s24;
	s25 =	smov.u32 @p2 s26;
	v7 =	vsel vm14, $0x3F800000, v2;
	v63, _, _ =	vpop (xrf0)  }
0x98: {  	p2 =	por p2, p0;
	s28 =	spop (v2sf);
	s26 =	smov.u32 s25;
	(v2sf) =	vpush v8, $0x0;
	(xrf0) =	vmax.scan.msk.f32 $0xffff, v7;
	v5 =	vadd.s32 v5, v63  }
0x99: {  	s26 =	smov.u32 @p1 s22;
	s22 =	sadd.s32 $0x20, s23;
	s29 =	spop (v2sf);
	v7 =	vmctz.xlane vm13;
	(v2sf) =	vpush v6, $0xF;
	vm15 =	vgt.s32 v5, $0x8F  }
0x9a: {  	s23 =	sadd.s32 s23, s28;
	s26 =	smov.u32 @p2 s25;
	p0 =	sgt.f32 s29, $0.0e+00;
	v5 =	vsel vm15, $0x3F800000, v2  }
0x9b: {  	p2 =	por p2, p1;
	s25 =	smov.u32 s26;
	s30 =	spop (v2sf);
	(v2sf) =	vpush v7, $0x0;
	v6, _, _ =	vpop (xrf0);
	(xrf0) =	vmax.scan.msk.f32 $0xffff, v5;
	v5 =	vmctz.xlane vm14  }
0x9c: {  	s31 =	spop (v2sf);
	s24 =	sadd.s32 s22, s30;
	s25 =	smov.u32 @p0 s23;
	(v2sf) =	vpush v6, $0xF  }
0x9d: {  	p1 =	sgt.f32 s31, $0.0e+00;
	s28 =	spop (v2sf);
	s25 =	smov.u32 @p2 s26;
	(v2sf) =	vpush v5, $0x0;
	v5 =	vmctz.xlane vm15  }
0x9e: {  	s23 =	sadd.s32 $0xFFFFFFF0, s24;
	s26 =	smov.u32 s25;
	v6, _, _ =	vpop (xrf0)  }
0x9f: {  	p2 =	por p2, p0;
	s26 =	smov.u32 @p1 s23;
	s29 =	spop (v2sf);
	(v2sf) =	vpush v6, $0xF  }
0xa0: {  	s23 =	sadd.s32 $0x20, s22;
	s26 =	smov.u32 @p2 s25;
	p0 =	sgt.f32 s29, $0.0e+00  }
0xa1: {  	s22 =	sadd.s32 s22, s28;
	s30 =	spop (v2sf);
	s25 =	smov.u32 s26;
	(v2sf) =	vpush v5, $0x0;
	v5, _, _ =	vpop (xrf0)  }
0xa2: {  	p1 =	por p2, p1;
	s31 =	spop (v2sf);
	s25 =	smov.u32 @p0 s22;
	(v2sf) =	vpush v5, $0xF  }
0xa3: {  	s24 =	sadd.s32 s23, s30;
	p2 =	sgt.f32 s31, $0.0e+00;
	s25 =	smov.u32 @p1 s26  }
0xa4: {  	s22 =	sadd.s32 $0xFFFFFFF0, s24;
	s28 =	spop (v2sf);
	s26 =	smov.u32 s25  }
0xa5: {  	p0 =	por p1, p0;
	s26 =	smov.u32 @p2 s22;
	s29 =	spop (v2sf)  }
0xa6: {  	s22 =	sadd.s32 $0x20, s23;
	s26 =	smov.u32 @p0 s25;
	p1 =	sgt.f32 s29, $0.0e+00  }
0xa7: {  	s23 =	sadd.s32 s23, s28;
	s25 =	smov.u32 s26;
	s30 =	spop (v2sf)  }
0xa8: {  	p0 =	por p0, p2;
	s31 =	spop (v2sf);
	s25 =	smov.u32 @p1 s23  }
0xa9: {  	s24 =	sadd.s32 s22, s30;
	p2 =	sgt.f32 s31, $0.0e+00;
	s25 =	smov.u32 @p0 s26  }
0xaa: {  	s23 =	sadd.s32 $0xFFFFFFF0, s24;
	s28 =	spop (v2sf);
	s26 =	smov.u32 s25  }
0xab: {  	p0 =	por p0, p1;
	s26 =	smov.u32 @p2 s23;
	s29 =	spop (v2sf)  }
0xac: {  	s23 =	sadd.s32 $0x20, s22;
	s26 =	smov.u32 @p0 s25;
	p1 =	sgt.f32 s29, $0.0e+00  }
0xad: {  	s22 =	sadd.s32 s22, s28;
	s30 =	spop (v2sf);
	s25 =	smov.u32 s26  }
0xae: {  	p0 =	por p0, p2;
	s31 =	spop (v2sf);
	s25 =	smov.u32 @p1 s22  }
0xaf: {  	s24 =	sadd.s32 s23, s30;
	p2 =	sgt.f32 s31, $0.0e+00;
	s25 =	smov.u32 @p0 s26  }
0xb0: {  	s22 =	sadd.s32 $0xFFFFFFF0, s24;
	s29 =	spop (v2sf);
	s26 =	smov.u32 s25  }
0xb1: {  	p0 =	por p0, p1;
	s26 =	smov.u32 @p2 s22;
	s30 =	spop (v2sf)  }
0xb2: {  	s26 =	smov.u32 @p0 s25;
	p1 =	sgt.f32 s30, $0.0e+00  }
0xb3: {  	s22 =	sadd.s32 s23, s29;
	s23 =	smov.u32 s26  }
0xb4: {  	p0 =	por p0, p2;
	s23 =	smov.u32 @p1 s22  }
0xb5: {  	s23 =	smov.u32 @p0 s26  }
0xb6: {  	s31 =	sshll.u32 s23, $0x15  }
0xb7: {  	s22 =	sxor.u32 $0x7FE00000, s31  }
0xb8: {  	v7 =	vimm.s32 $0xFFFFFFFF;
	v6 =	vlaneseq.u32;
	s23 =	simm.s32 $0x40;
	v5 =	vmov s22;
	s22 =	simm.s32 $0xFFFFFFF8  }
.LBB2_9:
0xb9: {  	v8 =	vld [tilespmem:s23+$0xFFFFFFC0];
	_ =	sdelay $0x4  }
0xba: {  	v9 =	vshra.s32 v8, $0x1F  }
0xbb: {  	v9 =	vand.u32 $0x7FFFFFFF, v9  }
0xbc: {  	v8 =	vxor.u32 v8, v9  }
0xbd: {  	vm0 =	vge.s32 v8, v5  }
0xbe: {  	v29 =	vsel vm0, $0x1, v0  }
0xbf: {  	(xrf0) =	vadd.scan.msk.s32 $0xffff, v29;
	_ =	sdelay $0x5  }
0xc0: {  	v9, _, _ =	vpop (xrf0)  }
0xc1: {  	v10 =	vadd.s32 v7, v9  }
0xc2: {  	vm1 =	vlt.s32 v10, $0x1000  }
0xc3: {  	vm0 =	vmand vm0, vm1;
	_ =	sdelay $0x5  }
0xc4: {  	[tilespmem:v10+s12+$0x0] =	vst.idx.msk vm0, v8  }
0xc5: {  	[tilespmem:v10+s13+$0x0] =	vst.idx.msk vm0, v6  }
0xc6: {  	v8 =	vld [tilespmem:s23+$0xFFFFFFD0];
	_ =	sdelay $0x4  }
0xc7: {  	v30 =	vshra.s32 v8, $0x1F  }
0xc8: {  	v10 =	vand.u32 $0x7FFFFFFF, v30  }
0xc9: {  	v8 =	vxor.u32 v8, v10  }
0xca: {  	vm14 =	vge.s32 v8, v5  }
0xcb: {  	v31 =	vsel vm14, $0x1, v0  }
0xcc: {  	(xrf0) =	vadd.scan.msk.s32 $0xffff, v31;
	_ =	sdelay $0x3  }
0xcd: {  	v9 =	vperm.xlane v9, v3;
	_ =	sdelay $0x1  }
0xce: {  	v7 =	vadd.s32 v7, v9;
	v32, _, _ =	vpop (xrf0)  }
0xcf: {  	v33 =	vadd.s32 v7, v32  }
0xd0: {  	vm15 =	vlt.s32 v33, $0x1000  }
0xd1: {  	vm0 =	vmand vm14, vm15;
	_ =	sdelay $0x5  }
0xd2: {  	v11 =	vadd.s32 $0x10, v6;
	[tilespmem:v33+s12+$0x0] =	vst.idx.msk vm0, v8  }
0xd3: {  	[tilespmem:v33+s13+$0x0] =	vst.idx.msk vm0, v11  }
0xd4: {  	v8 =	vld [tilespmem:s23+$0xFFFFFFE0];
	_ =	sdelay $0x4  }
0xd5: {  	v34 =	vshra.s32 v8, $0x1F  }
0xd6: {  	v10 =	vand.u32 $0x7FFFFFFF, v34  }
0xd7: {  	v8 =	vxor.u32 v8, v10  }
0xd8: {  	vm4 =	vge.s32 v8, v5  }
0xd9: {  	v35 =	vsel vm4, $0x1, v0  }
0xda: {  	(xrf0) =	vadd.scan.msk.s32 $0xffff, v35;
	_ =	sdelay $0x3  }
0xdb: {  	v9 =	vperm.xlane v32, v3;
	_ =	sdelay $0x1  }
0xdc: {  	v7 =	vadd.s32 v7, v9;
	v36, _, _ =	vpop (xrf0)  }
0xdd: {  	v37 =	vadd.s32 v7, v36  }
0xde: {  	vm5 =	vlt.s32 v37, $0x1000  }
0xdf: {  	vm0 =	vmand vm4, vm5;
	_ =	sdelay $0x5  }
0xe0: {  	v38 =	vadd.s32 $0x20, v6;
	[tilespmem:v37+s12+$0x0] =	vst.idx.msk vm0, v8  }
0xe1: {  	[tilespmem:v37+s13+$0x0] =	vst.idx.msk vm0, v38  }
0xe2: {  	v8 =	vld [tilespmem:s23+$0xFFFFFFF0];
	_ =	sdelay $0x4  }
0xe3: {  	v39 =	vshra.s32 v8, $0x1F  }
0xe4: {  	v10 =	vand.u32 $0x7FFFFFFF, v39  }
0xe5: {  	v8 =	vxor.u32 v8, v10  }
0xe6: {  	vm6 =	vge.s32 v8, v5  }
0xe7: {  	v40 =	vsel vm6, $0x1, v0  }
0xe8: {  	(xrf0) =	vadd.scan.msk.s32 $0xffff, v40;
	_ =	sdelay $0x3  }
0xe9: {  	v9 =	vperm.xlane v36, v3;
	_ =	sdelay $0x1  }
0xea: {  	v7 =	vadd.s32 v7, v9;
	v41, _, _ =	vpop (xrf0)  }
0xeb: {  	v42 =	vadd.s32 v7, v41  }
0xec: {  	vm7 =	vlt.s32 v42, $0x1000  }
0xed: {  	vm0 =	vmand vm6, vm7;
	_ =	sdelay $0x5  }
0xee: {  	v43 =	vadd.s32 $0x30, v6;
	[tilespmem:v42+s12+$0x0] =	vst.idx.msk vm0, v8  }
0xef: {  	[tilespmem:v42+s13+$0x0] =	vst.idx.msk vm0, v43  }
0xf0: {  	v8 =	vld [tilespmem:s23+$0x0];
	_ =	sdelay $0x4  }
0xf1: {  	v44 =	vshra.s32 v8, $0x1F  }
0xf2: {  	v10 =	vand.u32 $0x7FFFFFFF, v44  }
0xf3: {  	v8 =	vxor.u32 v8, v10  }
0xf4: {  	vm8 =	vge.s32 v8, v5  }
0xf5: {  	v45 =	vsel vm8, $0x1, v0  }
0xf6: {  	(xrf0) =	vadd.scan.msk.s32 $0xffff, v45;
	_ =	sdelay $0x3  }
0xf7: {  	v9 =	vperm.xlane v41, v3;
	_ =	sdelay $0x1  }
0xf8: {  	v7 =	vadd.s32 v7, v9;
	v46, _, _ =	vpop (xrf0)  }
0xf9: {  	v47 =	vadd.s32 v7, v46  }
0xfa: {  	vm9 =	vlt.s32 v47, $0x1000  }
0xfb: {  	vm0 =	vmand vm8, vm9;
	_ =	sdelay $0x5  }
0xfc: {  	v48 =	vadd.s32 $0x40, v6;
	[tilespmem:v47+s12+$0x0] =	vst.idx.msk vm0, v8  }
0xfd: {  	[tilespmem:v47+s13+$0x0] =	vst.idx.msk vm0, v48  }
0xfe: {  	v8 =	vld [tilespmem:s23+$0x10];
	_ =	sdelay $0x4  }
0xff: {  	v49 =	vshra.s32 v8, $0x1F  }
0x100: {  	v10 =	vand.u32 $0x7FFFFFFF, v49  }
0x101: {  	v8 =	vxor.u32 v8, v10  }
0x102: {  	vm10 =	vge.s32 v8, v5  }
0x103: {  	v50 =	vsel vm10, $0x1, v0  }
0x104: {  	(xrf0) =	vadd.scan.msk.s32 $0xffff, v50;
	_ =	sdelay $0x3  }
0x105: {  	v9 =	vperm.xlane v46, v3;
	_ =	sdelay $0x1  }
0x106: {  	v7 =	vadd.s32 v7, v9;
	v51, _, _ =	vpop (xrf0)  }
0x107: {  	v52 =	vadd.s32 v7, v51  }
0x108: {  	vm11 =	vlt.s32 v52, $0x1000  }
0x109: {  	vm0 =	vmand vm10, vm11;
	_ =	sdelay $0x5  }
0x10a: {  	v53 =	vadd.s32 $0x50, v6;
	[tilespmem:v52+s12+$0x0] =	vst.idx.msk vm0, v8  }
0x10b: {  	[tilespmem:v52+s13+$0x0] =	vst.idx.msk vm0, v53  }
0x10c: {  	v8 =	vld [tilespmem:s23+$0x20];
	_ =	sdelay $0x4  }
0x10d: {  	v54 =	vshra.s32 v8, $0x1F  }
0x10e: {  	v10 =	vand.u32 $0x7FFFFFFF, v54  }
0x10f: {  	v8 =	vxor.u32 v8, v10  }
0x110: {  	vm12 =	vge.s32 v8, v5  }
0x111: {  	v55 =	vsel vm12, $0x1, v0  }
0x112: {  	(xrf0) =	vadd.scan.msk.s32 $0xffff, v55;
	_ =	sdelay $0x3  }
0x113: {  	v9 =	vperm.xlane v51, v3;
	_ =	sdelay $0x1  }
0x114: {  	v7 =	vadd.s32 v7, v9;
	v56, _, _ =	vpop (xrf0)  }
0x115: {  	v57 =	vadd.s32 v7, v56  }
0x116: {  	vm13 =	vlt.s32 v57, $0x1000  }
0x117: {  	vm0 =	vmand vm12, vm13;
	_ =	sdelay $0x5  }
0x118: {  	v58 =	vadd.s32 $0x60, v6;
	[tilespmem:v57+s12+$0x0] =	vst.idx.msk vm0, v8  }
0x119: {  	[tilespmem:v57+s13+$0x0] =	vst.idx.msk vm0, v58  }
0x11a: {  	v8 =	vld [tilespmem:s23+$0x30];
	_ =	sdelay $0x4  }
0x11b: {  	v59 =	vshra.s32 v8, $0x1F  }
0x11c: {  	v10 =	vand.u32 $0x7FFFFFFF, v59  }
0x11d: {  	v8 =	vxor.u32 v8, v10  }
0x11e: {  	vm14 =	vge.s32 v8, v5  }
0x11f: {  	v60 =	vsel vm14, $0x1, v0  }
0x120: {  	(xrf0) =	vadd.scan.msk.s32 $0xffff, v60;
	_ =	sdelay $0x3  }
0x121: {  	v9 =	vperm.xlane v56, v3;
	_ =	sdelay $0x1  }
0x122: {  	v7 =	vadd.s32 v7, v9;
	v61, _, _ =	vpop (xrf0)  }
0x123: {  	v62 =	vadd.s32 v7, v61  }
0x124: {  	vm15 =	vlt.s32 v62, $0x1000  }
0x125: {  	vm0 =	vmand vm14, vm15  }
0x126: {  	s22 =	sadd.s32 $0x8, s22  }
0x127: {  	p0 =	slt.u32 s22, $0x7F8  }
.Ltmp3:
0x128: {  	_ = 	snop;
	(pc) =	sbr.rel @p0 .LBB2_9-.Ltmp3, $4  }
0x129: {  	_ = 	snop  }
0x12a: {  	v9 =	vperm.xlane v61, v3  }
0x12b: {  	v63 =	vadd.s32 $0x70, v6;
	[tilespmem:v62+s12+$0x0] =	vst.idx.msk vm0, v8  }
0x12c: {  	v6 =	vadd.s32 $0x80, v6;
	s23 =	sadd.s32 $0x80, s23;
	v7 =	vadd.s32 v7, v9;
	[tilespmem:v62+s13+$0x0] =	vst.idx.msk vm0, v63  }
0x12d: {  	(v2sf) =	vpush v7, $0x0;
	_ =	sdelay $0xe  }
0x12e: {  	s22 =	spop (v2sf)  }
0x12f: {  	s23 =	sadd.s32 $0xFFFFF000, s22  }
0x130: {  	p0 =	sgt.u32 s23, $0xFFFFF7FE  }
.Ltmp4:
0x131: {  	_ = 	snop;
	(pc) =	sbr.rel @p0 .LBB2_20-.Ltmp4, $3  }
0x132: {  	_ =	sdelay $0x1  }
0x133: {  	s22 =	sadd.s32 $0x1, s22  }
0x134: {  	[smem:$0x0] =	sst s22  }
0x135: {  	s23 =	simm.s32 $0x8040  }
0x136: {  	[tilespmem:s23+$0xFFFFFFC0] =	vst v0  }
0x137: {  	[tilespmem:s23+$0x30] =	vst v0  }
0x138: {  	[tilespmem:s23+$0x20] =	vst v0  }
0x139: {  	[tilespmem:s23+$0x10] =	vst v0  }
0x13a: {  	[tilespmem:s23+$0x0] =	vst v0  }
0x13b: {  	[tilespmem:s23+$0xFFFFFFF0] =	vst v0  }
0x13c: {  	s24 =	simm.s32 $0x0;
	[tilespmem:s23+$0xFFFFFFE0] =	vst v0  }
.LBB2_12:
0x13d: {  	s24 =	sadd.s32 $0x8, s24;
	[tilespmem:s23+$0xFFFFFFD0] =	vst v0;
	s23 =	sadd.s32 $0x80, s23  }
0x13e: {  	[tilespmem:s23+$0xFFFFFFC0] =	vst v0;
	p0 =	slt.u32 s24, $0x78  }
0x13f: {  	[tilespmem:s23+$0x30] =	vst v0  }
.Ltmp5:
0x140: {  	[tilespmem:s23+$0x20] =	vst v0;
	(pc) =	sbr.rel @p0 .LBB2_12-.Ltmp5, $4  }
0x141: {  	[tilespmem:s23+$0x10] =	vst v0  }
0x142: {  	[tilespmem:s23+$0x0] =	vst v0  }
0x143: {  	[tilespmem:s23+$0xFFFFFFF0] =	vst v0  }
0x144: {  	s22 =	simm.s32 $0x20;
	[tilespmem:s23+$0xFFFFFFE0] =	vst v0  }
0x145: {  	[tilespmem:s23+$0xFFFFFFD0] =	vst v0;
	s24 =	simm.s32 $0xFFFFFFFC  }
.LBB2_14:
0x146: {  	v5 =	vld [tilespmem:s22+$0xFFFFFFE0];
	_ =	sdelay $0x4  }
0x147: {  	vm0 =	vgt.s32 v5, $0xFFFFFFFF  }
0x148: {  	v6 =	vsel vm0, $0xFFFFFFFF, v1  }
0x149: {  	v5 =	vxor.u32 v5, v6  }
0x14a: {  	v5 =	vshra.s32 v5, $0x15  }
0x14b: {  	v5 =	vadd.s32 $0x400, v5  }
0x14c: {  	(xrf1) =	vunique.msk.u32 $0xffff, v5;
	_ =	sdelay $0xd  }
0x14d: {  	_, v6, vm0 =	vpop (xrf1);
	_ =	sdelay $0x5  }
0x14e: {  	[tilespmem:v5+s11+$0x0] =	vst.idx.add.s32.msk vm0, v6  }
0x14f: {  	v5 =	vld [tilespmem:s22+$0xFFFFFFF0];
	_ =	sdelay $0x4  }
0x150: {  	vm13 =	vgt.s32 v5, $0xFFFFFFFF  }
0x151: {  	v6 =	vsel vm13, $0xFFFFFFFF, v1  }
0x152: {  	v5 =	vxor.u32 v5, v6  }
0x153: {  	v5 =	vshra.s32 v5, $0x15  }
0x154: {  	v5 =	vadd.s32 $0x400, v5  }
0x155: {  	(xrf1) =	vunique.msk.u32 $0xffff, v5;
	_ =	sdelay $0xd  }
0x156: {  	_, v6, vm0 =	vpop (xrf1);
	_ =	sdelay $0x5  }
0x157: {  	[tilespmem:v5+s11+$0x0] =	vst.idx.add.s32.msk vm0, v6  }
0x158: {  	v5 =	vld [tilespmem:s22+$0x0];
	_ =	sdelay $0x4  }
0x159: {  	vm14 =	vgt.s32 v5, $0xFFFFFFFF  }
0x15a: {  	v6 =	vsel vm14, $0xFFFFFFFF, v1  }
0x15b: {  	v5 =	vxor.u32 v5, v6  }
0x15c: {  	v5 =	vshra.s32 v5, $0x15  }
0x15d: {  	v5 =	vadd.s32 $0x400, v5  }
0x15e: {  	(xrf1) =	vunique.msk.u32 $0xffff, v5;
	_ =	sdelay $0xd  }
0x15f: {  	_, v6, vm0 =	vpop (xrf1);
	_ =	sdelay $0x5  }
0x160: {  	[tilespmem:v5+s11+$0x0] =	vst.idx.add.s32.msk vm0, v6  }
0x161: {  	v5 =	vld [tilespmem:s22+$0x10];
	_ =	sdelay $0x4  }
0x162: {  	vm15 =	vgt.s32 v5, $0xFFFFFFFF  }
0x163: {  	v6 =	vsel vm15, $0xFFFFFFFF, v1  }
0x164: {  	v5 =	vxor.u32 v5, v6  }
0x165: {  	v5 =	vshra.s32 v5, $0x15  }
0x166: {  	v5 =	vadd.s32 $0x400, v5  }
0x167: {  	(xrf1) =	vunique.msk.u32 $0xffff, v5;
	_ =	sdelay $0xd  }
0x168: {  	s24 =	sadd.s32 $0x4, s24;
	_, v6, vm0 =	vpop (xrf1)  }
0x169: {  	p1 =	slt.u32 s24, $0x7FC  }
.Ltmp6:
0x16a: {  	_ = 	snop;
	(pc) =	sbr.rel @p1 .LBB2_14-.Ltmp6, $3  }
0x16b: {  	_ =	sdelay $0x1  }
0x16c: {  	s23 =	simm.s32 $0x0  }
0x16d: {  	p0 =	por $0x0, $0x0;
	s25 =	simm.s32 $0x8010;
	s22 =	sadd.s32 $0x40, s22;
	[tilespmem:v5+s11+$0x0] =	vst.idx.add.s32.msk vm0, v6;
	v5 =	vimm.s32 $0x0  }
0x16e: {  	v6 =	vld [tilespmem:s25+$0xFFFFFFF0];
	_ =	sdelay $0x4  }
0x16f: {  	(xrf0) =	vadd.scan.msk.s32 $0xffff, v6  }
0x170: {  	v7 =	vld [tilespmem:s25+$0x0];
	_ =	sdelay $0x2  }
0x171: {  	s22 =	simm.s32 $0x8030  }
0x172: {  	v6 =	vld [tilespmem:s22+$0xFFFFFFF0]  }
0x173: {  	(xrf0) =	vadd.scan.msk.s32 $0xffff, v7;
	v8, _, _ =	vpop (xrf0)  }
0x174: {  	v5 =	vadd.s32 v5, v8  }
0x175: {  	vm0 =	vgt.s32 v5, $0x7FF  }
0x176: {  	v8 =	vsel vm0, $0x3F800000, v2  }
0x177: {  	v7 =	vld [tilespmem:s22+$0x0];
	(xrf0) =	vadd.scan.msk.s32 $0xffff, v6  }
0x178: {  	s25 =	simm.s32 $0x8050;
	v5 =	vperm.xlane v5, v3  }
0x179: {  	v6 =	vld [tilespmem:s25+$0xFFFFFFF0];
	(xrf0) =	vmax.scan.msk.f32 $0xffff, v8;
	v8, _, _ =	vpop (xrf0)  }
0x17a: {  	v5 =	vadd.s32 v5, v8;
	_ =	sdelay $0x1  }
0x17b: {  	(xrf0) =	vadd.scan.msk.s32 $0xffff, v7;
	v7 =	vperm.xlane v5, v3  }
0x17c: {  	vm1 =	vgt.s32 v5, $0x7FF;
	v5, _, _ =	vpop (xrf0)  }
0x17d: {  	(xrf0) =	vadd.scan.msk.s32 $0xffff, v6;
	v6 =	vmctz.xlane vm0;
	v5 =	vadd.s32 v7, v5  }
0x17e: {  	v9 =	vsel vm1, $0x3F800000, v2;
	vm10 =	vgt.s32 v5, $0x7FF  }
0x17f: {  	v8 =	vld [tilespmem:s25+$0x0];
	(xrf0) =	vmax.scan.msk.f32 $0xffff, v9;
	v9 =	vsel vm10, $0x3F800000, v2  }
0x180: {  	s26 =	simm.s32 $0x8070;
	v10, _, _ =	vpop (xrf0);
	v5 =	vperm.xlane v5, v3;
	(xrf0) =	vmax.scan.msk.f32 $0xffff, v9;
	v9 =	vmctz.xlane vm1  }
0x181: {  	(v2sf) =	vpush v6, $0x0;
	v7 =	vld [tilespmem:s26+$0xFFFFFFF0];
	v6, _, _ =	vpop (xrf0)  }
0x182: {  	v5 =	vadd.s32 v5, v6  }
0x183: {  	(v2sf) =	vpush v10, $0xF;
	v6 =	vperm.xlane v5, v3  }
0x184: {  	(xrf0) =	vadd.scan.msk.s32 $0xffff, v8;
	(v2sf) =	vpush v9, $0x0;
	v9, _, _ =	vpop (xrf0)  }
0x185: {  	vm11 =	vgt.s32 v5, $0x7FF;
	v5 =	vadd.s32 v6, v9  }
0x186: {  	(xrf0) =	vadd.scan.msk.s32 $0xffff, v7;
	v7 =	vsel vm11, $0x3F800000, v2;
	vm12 =	vgt.s32 v5, $0x7FF  }
0x187: {  	(xrf0) =	vmax.scan.msk.f32 $0xffff, v7;
	v7 =	vsel vm12, $0x3F800000, v2  }
0x188: {  	v6, _, _ =	vpop (xrf0)  }
0x189: {  	s29 =	simm.s32 $0x8090;
	v8 =	vld [tilespmem:s26+$0x0];
	v5 =	vperm.xlane v5, v3;
	v9, _, _ =	vpop (xrf0)  }
0x18a: {  	(v2sf) =	vpush v6, $0xF;
	v6 =	vld [tilespmem:s29+$0xFFFFFFF0];
	(xrf0) =	vmax.scan.msk.f32 $0xffff, v7;
	v7, _, _ =	vpop (xrf0)  }
0x18b: {  	v5 =	vadd.s32 v5, v7  }
0x18c: {  	v10 =	vmctz.xlane vm10;
	v7 =	vperm.xlane v5, v3;
	_ =	sdelay $0x1  }
0x18d: {  	(v2sf) =	vpush v10, $0x0;
	(xrf0) =	vadd.scan.msk.s32 $0xffff, v8;
	vm2 =	vgt.s32 v5, $0x7FF;
	v5, _, _ =	vpop (xrf0)  }
0x18e: {  	v10 =	vsel vm2, $0x3F800000, v2;
	(xrf0) =	vadd.scan.msk.s32 $0xffff, v6;
	v6 =	vmctz.xlane vm11;
	v5 =	vadd.s32 v7, v5  }
0x18f: {  	(v2sf) =	vpush v9, $0xF;
	v7, _, _ =	vpop (xrf0);
	vm13 =	vgt.s32 v5, $0x7FF;
	(xrf0) =	vmax.scan.msk.f32 $0xffff, v10  }
0x190: {  	(v2sf) =	vpush v6, $0x0;
	v9 =	vsel vm13, $0x3F800000, v2  }
0x191: {  	v11 =	vmctz.xlane vm12;
	v10, _, _ =	vpop (xrf0);
	(v2sf) =	vpush v7, $0xF;
	v7 =	vmctz.xlane vm2;
	(xrf0) =	vmax.scan.msk.f32 $0xffff, v9  }
0x192: {  	v8 =	vld [tilespmem:s29+$0x0]  }
0x193: {  	v5 =	vperm.xlane v5, v3;
	(v2sf) =	vpush v11, $0x0;
	v9, _, _ =	vpop (xrf0)  }
0x194: {  	s30 =	spop (v2sf);
	(v2sf) =	vpush v10, $0xF;
	v10, _, _ =	vpop (xrf0)  }
0x195: {  	s24 =	spop (v2sf);
	(v2sf) =	vpush v7, $0x0;
	v5 =	vadd.s32 v5, v9;
	v9 =	vmctz.xlane vm13;
	v7, _, _ =	vpop (xrf0)  }
0x196: {  	s28 =	simm.s32 $0x80B0;
	s29 =	spop (v2sf);
	(v2sf) =	vpush v7, $0xF  }
0x197: {  	v6 =	vld [tilespmem:s28+$0xFFFFFFF0];
	(xrf0) =	vadd.scan.msk.s32 $0xffff, v8;
	v8 =	vperm.xlane v5, v3;
	v11, _, _ =	vpop (xrf0);
	(v2sf) =	vpush v9, $0x0  }
0x198: {  	s31 =	spop (v2sf);
	(v2sf) =	vpush v11, $0xF  }
0x199: {  	vm14 =	vgt.s32 v5, $0x7FF;
	v5 =	vadd.s32 v8, v10  }
0x19a: {  	s22 =	sadd.s32 $0x10, s30;
	p1 =	sgt.f32 s24, $0.0e+00;
	vm15 =	vgt.s32 v5, $0x7FF  }
0x19b: {  	s22 =	sadd.s32 $0xFFFFFFF0, s22;
	s24 =	simm.s32 $0x0;
	v10 =	vsel vm15, $0x3F800000, v2  }
0x19c: {  	s25 =	simm.s32 $0xC;
	s26 =	simm.s32 $0x80D0;
	s24 =	smov.u32 @p1 s22;
	(xrf0) =	vadd.scan.msk.s32 $0xffff, v6;
	v7 =	vld [tilespmem:s28+$0x0];
	v8 =	vsel vm14, $0x3F800000, v2  }
0x19d: {  	s22 =	simm.s32 $0x30;
	s24 =	smov.u32 @p0 s23;
	p0 =	por p0, p1;
	v6 =	vmctz.xlane vm14;
	(xrf0) =	vmax.scan.msk.f32 $0xffff, v8  }
0x19e: {  	s23 =	sadd.s32 $0x10, s29;
	p1 =	sgt.f32 s31, $0.0e+00;
	s28 =	spop (v2sf);
	v9 =	vperm.xlane v5, v3;
	v8 =	vld [tilespmem:s26+$0xFFFFFFF0];
	v5 =	vmctz.xlane vm15;
	(xrf0) =	vmax.scan.msk.f32 $0xffff, v10;
	v10, _, _ =	vpop (xrf0)  }
.LBB2_16:
0x19f: {  	s29 =	spop (v2sf)  }
0x1a0: {  	s25 =	sadd.s32 $0x2, s25;
	p2 =	sgt.f32 s29, $0.0e+00;
	s29 =	smov.u32 s24  }
0x1a1: {  	(xrf0) =	vadd.scan.msk.s32 $0xffff, v7;
	v9 =	vadd.s32 v9, v10;
	s28 =	sadd.s32 s22, s28;
	p3 =	slt.u32 s25, $0x7E;
	s29 =	smov.u32 @p1 s23  }
0x1a2: {  	v7 =	vld [tilespmem:s26+$0x0];
	vm0 =	vgt.s32 v9, $0x7FF;
	v9 =	vperm.xlane v9, v3;
	(v2sf) =	vpush v6, $0x0;
	p1 =	por p0, p1;
	s23 =	sadd.s32 $0xFFFFFFF0, s28;
	s29 =	smov.u32 @p0 s24  }
.Ltmp7:
0x1a3: {  	v11 =	vsel vm0, $0x3F800000, v2;
	v6 =	vmctz.xlane vm0;
	v10, _, _ =	vpop (xrf0);
	s28 =	spop (v2sf);
	s24 =	smov.u32 s29;
	(pc) =	sbr.rel @p3 .LBB2_16-.Ltmp7, $4  }
0x1a4: {  	(xrf0) =	vadd.scan.msk.s32 $0xffff, v8;
	v8 =	vadd.s32 v9, v10;
	v10, _, _ =	vpop (xrf0);
	s24 =	smov.u32 @p2 s23;
	s23 =	smov.u32 s22  }
0x1a5: {  	s26 =	sadd.s32 $0x20, s26;
	vm0 =	vgt.s32 v8, $0x7FF;
	v9 =	vperm.xlane v8, v3;
	s22 =	sadd.s32 $0x20, s22;
	(xrf0) =	vmax.scan.msk.f32 $0xffff, v11;
	(v2sf) =	vpush v10, $0xF  }
0x1a6: {  	v12 =	vsel vm0, $0x3F800000, v2;
	s24 =	smov.u32 @p1 s29;
	s23 =	sadd.s32 s23, s28;
	v8 =	vld [tilespmem:s26+$0xFFFFFFF0];
	v11, _, _ =	vpop (xrf0);
	(v2sf) =	vpush v5, $0x0;
	v5 =	vmctz.xlane vm0;
	s29 =	spop (v2sf)  }
0x1a7: {  	p0 =	por p1, p2;
	(xrf0) =	vmax.scan.msk.f32 $0xffff, v12;
	v10, _, _ =	vpop (xrf0);
	(v2sf) =	vpush v11, $0xF;
	s28 =	spop (v2sf);
	p1 =	sgt.f32 s29, $0.0e+00  }
0x1a8: {  	v9 =	vadd.s32 v9, v10  }
0x1a9: {  	(xrf0) =	vadd.scan.msk.s32 $0xffff, v7;
	v7 =	vperm.xlane v9, v3  }
0x1aa: {  	v11, _, _ =	vpop (xrf0)  }
0x1ab: {  	v61 =	vld [tilespmem:s26+$0x0];
	v7 =	vadd.s32 v7, v11  }
0x1ac: {  	vm0 =	vgt.s32 v9, $0x7FF;
	vm1 =	vgt.s32 v7, $0x7FF  }
0x1ad: {  	(v2sf) =	vpush v6, $0x0;
	v9 =	vsel vm0, $0x3F800000, v2;
	(xrf0) =	vadd.scan.msk.s32 $0xffff, v8;
	v8 =	vsel vm1, $0x3F800000, v2  }
0x1ae: {  	s25 =	smov.u32 s24;
	v6, _, _ =	vpop (xrf0);
	(xrf0) =	vmax.scan.msk.f32 $0xffff, v9  }
0x1af: {  	s30 =	spop (v2sf);
	s31 =	sadd.s32 s22, s28;
	s25 =	smov.u32 @p1 s23;
	v7 =	vperm.xlane v7, v3;
	(v2sf) =	vpush v6, $0xF;
	v6, _, _ =	vpop (xrf0);
	(xrf0) =	vmax.scan.msk.f32 $0xffff, v8  }
0x1b0: {  	p2 =	sgt.f32 s30, $0.0e+00;
	s28 =	spop (v2sf);
	s25 =	smov.u32 @p0 s24;
	(xrf0) =	vadd.scan.msk.s32 $0xffff, v61;
	v8, _, _ =	vpop (xrf0)  }
0x1b1: {  	s23 =	sadd.s32 $0xFFFFFFF0, s31;
	v62 =	vmctz.xlane vm0;
	s29 =	spop (v2sf);
	s26 =	smov.u32 s25;
	(v2sf) =	vpush v5, $0x0;
	v5 =	vadd.s32 v7, v8  }
0x1b2: {  	p1 =	por p0, p1;
	p0 =	sgt.f32 s29, $0.0e+00;
	s26 =	smov.u32 @p2 s23;
	(v2sf) =	vpush v6, $0xF;
	vm13 =	vgt.s32 v5, $0x7FF;
	v5 =	vperm.xlane v5, v3  }
0x1b3: {  	s30 =	spop (v2sf);
	s23 =	sadd.s32 $0x20, s22;
	s26 =	smov.u32 @p1 s25;
	v6, _, _ =	vpop (xrf0);
	v7 =	vsel vm13, $0x3F800000, v2  }
0x1b4: {  	s22 =	sadd.s32 s22, s28;
	p2 =	por p1, p2;
	s25 =	smov.u32 s26;
	(v2sf) =	vpush v62, $0x0;
	v8 =	vmctz.xlane vm1;
	v5 =	vadd.s32 v5, v6;
	v6, _, _ =	vpop (xrf0);
	(xrf0) =	vmax.scan.msk.f32 $0xffff, v7  }
0x1b5: {  	s31 =	spop (v2sf);
	s24 =	sadd.s32 s23, s30;
	s25 =	smov.u32 @p0 s22;
	vm14 =	vgt.s32 v5, $0x7FF;
	v5 =	vperm.xlane v5, v3;
	(v2sf) =	vpush v6, $0xF;
	v6, _, _ =	vpop (xrf0)  }
0x1b6: {  	p1 =	sgt.f32 s31, $0.0e+00;
	s22 =	sadd.s32 $0xFFFFFFF0, s24;
	s25 =	smov.u32 @p2 s26;
	v7 =	vsel vm14, $0x3F800000, v2;
	v63, _, _ =	vpop (xrf0)  }
0x1b7: {  	p2 =	por p2, p0;
	s28 =	spop (v2sf);
	s26 =	smov.u32 s25;
	(v2sf) =	vpush v8, $0x0;
	(xrf0) =	vmax.scan.msk.f32 $0xffff, v7;
	v5 =	vadd.s32 v5, v63  }
0x1b8: {  	s26 =	smov.u32 @p1 s22;
	s22 =	sadd.s32 $0x20, s23;
	s29 =	spop (v2sf);
	v7 =	vmctz.xlane vm13;
	(v2sf) =	vpush v6, $0xF;
	vm15 =	vgt.s32 v5, $0x7FF  }
0x1b9: {  	s23 =	sadd.s32 s23, s28;
	s26 =	smov.u32 @p2 s25;
	p0 =	sgt.f32 s29, $0.0e+00;
	v5 =	vsel vm15, $0x3F800000, v2  }
0x1ba: {  	p2 =	por p2, p1;
	s25 =	smov.u32 s26;
	s30 =	spop (v2sf);
	(v2sf) =	vpush v7, $0x0;
	v6, _, _ =	vpop (xrf0);
	(xrf0) =	vmax.scan.msk.f32 $0xffff, v5;
	v5 =	vmctz.xlane vm14  }
0x1bb: {  	s31 =	spop (v2sf);
	s24 =	sadd.s32 s22, s30;
	s25 =	smov.u32 @p0 s23;
	(v2sf) =	vpush v6, $0xF  }
0x1bc: {  	p1 =	sgt.f32 s31, $0.0e+00;
	s28 =	spop (v2sf);
	s25 =	smov.u32 @p2 s26;
	(v2sf) =	vpush v5, $0x0;
	v5 =	vmctz.xlane vm15  }
0x1bd: {  	s23 =	sadd.s32 $0xFFFFFFF0, s24;
	s26 =	smov.u32 s25;
	v6, _, _ =	vpop (xrf0)  }
0x1be: {  	p2 =	por p2, p0;
	s26 =	smov.u32 @p1 s23;
	s29 =	spop (v2sf);
	(v2sf) =	vpush v6, $0xF  }
0x1bf: {  	s23 =	sadd.s32 $0x20, s22;
	s26 =	smov.u32 @p2 s25;
	p0 =	sgt.f32 s29, $0.0e+00  }
0x1c0: {  	s22 =	sadd.s32 s22, s28;
	s30 =	spop (v2sf);
	s25 =	smov.u32 s26;
	(v2sf) =	vpush v5, $0x0;
	v5, _, _ =	vpop (xrf0)  }
0x1c1: {  	p1 =	por p2, p1;
	s31 =	spop (v2sf);
	s25 =	smov.u32 @p0 s22;
	(v2sf) =	vpush v5, $0xF  }
0x1c2: {  	s24 =	sadd.s32 s23, s30;
	p2 =	sgt.f32 s31, $0.0e+00;
	s25 =	smov.u32 @p1 s26  }
0x1c3: {  	s22 =	sadd.s32 $0xFFFFFFF0, s24;
	s28 =	spop (v2sf);
	s26 =	smov.u32 s25  }
0x1c4: {  	p0 =	por p1, p0;
	s26 =	smov.u32 @p2 s22;
	s29 =	spop (v2sf)  }
0x1c5: {  	s22 =	sadd.s32 $0x20, s23;
	s26 =	smov.u32 @p0 s25;
	p1 =	sgt.f32 s29, $0.0e+00  }
0x1c6: {  	s23 =	sadd.s32 s23, s28;
	s25 =	smov.u32 s26;
	s30 =	spop (v2sf)  }
0x1c7: {  	p0 =	por p0, p2;
	s31 =	spop (v2sf);
	s25 =	smov.u32 @p1 s23  }
0x1c8: {  	s24 =	sadd.s32 s22, s30;
	p2 =	sgt.f32 s31, $0.0e+00;
	s25 =	smov.u32 @p0 s26  }
0x1c9: {  	s23 =	sadd.s32 $0xFFFFFFF0, s24;
	s28 =	spop (v2sf);
	s26 =	smov.u32 s25  }
0x1ca: {  	p0 =	por p0, p1;
	s26 =	smov.u32 @p2 s23;
	s29 =	spop (v2sf)  }
0x1cb: {  	s23 =	sadd.s32 $0x20, s22;
	s26 =	smov.u32 @p0 s25;
	p1 =	sgt.f32 s29, $0.0e+00  }
0x1cc: {  	s22 =	sadd.s32 s22, s28;
	s30 =	spop (v2sf);
	s25 =	smov.u32 s26  }
0x1cd: {  	p0 =	por p0, p2;
	s31 =	spop (v2sf);
	s25 =	smov.u32 @p1 s22  }
0x1ce: {  	s24 =	sadd.s32 s23, s30;
	p2 =	sgt.f32 s31, $0.0e+00;
	s25 =	smov.u32 @p0 s26  }
0x1cf: {  	s22 =	sadd.s32 $0xFFFFFFF0, s24;
	s29 =	spop (v2sf);
	s26 =	smov.u32 s25  }
0x1d0: {  	p0 =	por p0, p1;
	s26 =	smov.u32 @p2 s22;
	s30 =	spop (v2sf)  }
0x1d1: {  	s26 =	smov.u32 @p0 s25;
	p1 =	sgt.f32 s30, $0.0e+00  }
0x1d2: {  	s22 =	sadd.s32 s23, s29;
	s23 =	smov.u32 s26  }
0x1d3: {  	p0 =	por p0, p2;
	s23 =	smov.u32 @p1 s22  }
0x1d4: {  	s23 =	smov.u32 @p0 s26  }
0x1d5: {  	s31 =	sshll.u32 s23, $0x15  }
0x1d6: {  	s22 =	sxor.u32 $0x7FE00000, s31  }
0x1d7: {  	v7 =	vimm.s32 $0xFFFFFFFF;
	v6 =	vlaneseq.u32;
	s23 =	simm.s32 $0x40;
	v5 =	vmov s22;
	s22 =	simm.s32 $0xFFFFFFF8  }
.LBB2_18:
0x1d8: {  	v8 =	vld [tilespmem:s23+$0xFFFFFFC0];
	_ =	sdelay $0x4  }
0x1d9: {  	v9 =	vshra.s32 v8, $0x1F  }
0x1da: {  	v9 =	vand.u32 $0x7FFFFFFF, v9  }
0x1db: {  	v8 =	vxor.u32 v8, v9  }
0x1dc: {  	vm0 =	vge.s32 v8, v5  }
0x1dd: {  	v29 =	vsel vm0, $0x1, v0  }
0x1de: {  	(xrf0) =	vadd.scan.msk.s32 $0xffff, v29;
	_ =	sdelay $0x5  }
0x1df: {  	v9, _, _ =	vpop (xrf0)  }
0x1e0: {  	v10 =	vadd.s32 v7, v9  }
0x1e1: {  	vm1 =	vlt.s32 v10, $0x1000  }
0x1e2: {  	vm0 =	vmand vm0, vm1;
	_ =	sdelay $0x5  }
0x1e3: {  	[tilespmem:v10+s12+$0x0] =	vst.idx.msk vm0, v8  }
0x1e4: {  	[tilespmem:v10+s13+$0x0] =	vst.idx.msk vm0, v6  }
0x1e5: {  	v8 =	vld [tilespmem:s23+$0xFFFFFFD0];
	_ =	sdelay $0x4  }
0x1e6: {  	v30 =	vshra.s32 v8, $0x1F  }
0x1e7: {  	v10 =	vand.u32 $0x7FFFFFFF, v30  }
0x1e8: {  	v8 =	vxor.u32 v8, v10  }
0x1e9: {  	vm14 =	vge.s32 v8, v5  }
0x1ea: {  	v31 =	vsel vm14, $0x1, v0  }
0x1eb: {  	(xrf0) =	vadd.scan.msk.s32 $0xffff, v31;
	_ =	sdelay $0x3  }
0x1ec: {  	v9 =	vperm.xlane v9, v3;
	_ =	sdelay $0x1  }
0x1ed: {  	v7 =	vadd.s32 v7, v9;
	v32, _, _ =	vpop (xrf0)  }
0x1ee: {  	v33 =	vadd.s32 v7, v32  }
0x1ef: {  	vm15 =	vlt.s32 v33, $0x1000  }
0x1f0: {  	vm0 =	vmand vm14, vm15;
	_ =	sdelay $0x5  }
0x1f1: {  	v11 =	vadd.s32 $0x10, v6;
	[tilespmem:v33+s12+$0x0] =	vst.idx.msk vm0, v8  }
0x1f2: {  	[tilespmem:v33+s13+$0x0] =	vst.idx.msk vm0, v11  }
0x1f3: {  	v8 =	vld [tilespmem:s23+$0xFFFFFFE0];
	_ =	sdelay $0x4  }
0x1f4: {  	v34 =	vshra.s32 v8, $0x1F  }
0x1f5: {  	v10 =	vand.u32 $0x7FFFFFFF, v34  }
0x1f6: {  	v8 =	vxor.u32 v8, v10  }
0x1f7: {  	vm4 =	vge.s32 v8, v5  }
0x1f8: {  	v35 =	vsel vm4, $0x1, v0  }
0x1f9: {  	(xrf0) =	vadd.scan.msk.s32 $0xffff, v35;
	_ =	sdelay $0x3  }
0x1fa: {  	v9 =	vperm.xlane v32, v3;
	_ =	sdelay $0x1  }
0x1fb: {  	v7 =	vadd.s32 v7, v9;
	v36, _, _ =	vpop (xrf0)  }
0x1fc: {  	v37 =	vadd.s32 v7, v36  }
0x1fd: {  	vm5 =	vlt.s32 v37, $0x1000  }
0x1fe: {  	vm0 =	vmand vm4, vm5;
	_ =	sdelay $0x5  }
0x1ff: {  	v38 =	vadd.s32 $0x20, v6;
	[tilespmem:v37+s12+$0x0] =	vst.idx.msk vm0, v8  }
0x200: {  	[tilespmem:v37+s13+$0x0] =	vst.idx.msk vm0, v38  }
0x201: {  	v8 =	vld [tilespmem:s23+$0xFFFFFFF0];
	_ =	sdelay $0x4  }
0x202: {  	v39 =	vshra.s32 v8, $0x1F  }
0x203: {  	v10 =	vand.u32 $0x7FFFFFFF, v39  }
0x204: {  	v8 =	vxor.u32 v8, v10  }
0x205: {  	vm6 =	vge.s32 v8, v5  }
0x206: {  	v40 =	vsel vm6, $0x1, v0  }
0x207: {  	(xrf0) =	vadd.scan.msk.s32 $0xffff, v40;
	_ =	sdelay $0x3  }
0x208: {  	v9 =	vperm.xlane v36, v3;
	_ =	sdelay $0x1  }
0x209: {  	v7 =	vadd.s32 v7, v9;
	v41, _, _ =	vpop (xrf0)  }
0x20a: {  	v42 =	vadd.s32 v7, v41  }
0x20b: {  	vm7 =	vlt.s32 v42, $0x1000  }
0x20c: {  	vm0 =	vmand vm6, vm7;
	_ =	sdelay $0x5  }
0x20d: {  	v43 =	vadd.s32 $0x30, v6;
	[tilespmem:v42+s12+$0x0] =	vst.idx.msk vm0, v8  }
0x20e: {  	[tilespmem:v42+s13+$0x0] =	vst.idx.msk vm0, v43  }
0x20f: {  	v8 =	vld [tilespmem:s23+$0x0];
	_ =	sdelay $0x4  }
0x210: {  	v44 =	vshra.s32 v8, $0x1F  }
0x211: {  	v10 =	vand.u32 $0x7FFFFFFF, v44  }
0x212: {  	v8 =	vxor.u32 v8, v10  }
0x213: {  	vm8 =	vge.s32 v8, v5  }
0x214: {  	v45 =	vsel vm8, $0x1, v0  }
0x215: {  	(xrf0) =	vadd.scan.msk.s32 $0xffff, v45;
	_ =	sdelay $0x3  }
0x216: {  	v9 =	vperm.xlane v41, v3;
	_ =	sdelay $0x1  }
0x217: {  	v7 =	vadd.s32 v7, v9;
	v46, _, _ =	vpop (xrf0)  }
0x218: {  	v47 =	vadd.s32 v7, v46  }
0x219: {  	vm9 =	vlt.s32 v47, $0x1000  }
0x21a: {  	vm0 =	vmand vm8, vm9;
	_ =	sdelay $0x5  }
0x21b: {  	v48 =	vadd.s32 $0x40, v6;
	[tilespmem:v47+s12+$0x0] =	vst.idx.msk vm0, v8  }
0x21c: {  	[tilespmem:v47+s13+$0x0] =	vst.idx.msk vm0, v48  }
0x21d: {  	v8 =	vld [tilespmem:s23+$0x10];
	_ =	sdelay $0x4  }
0x21e: {  	v49 =	vshra.s32 v8, $0x1F  }
0x21f: {  	v10 =	vand.u32 $0x7FFFFFFF, v49  }
0x220: {  	v8 =	vxor.u32 v8, v10  }
0x221: {  	vm10 =	vge.s32 v8, v5  }
0x222: {  	v50 =	vsel vm10, $0x1, v0  }
0x223: {  	(xrf0) =	vadd.scan.msk.s32 $0xffff, v50;
	_ =	sdelay $0x3  }
0x224: {  	v9 =	vperm.xlane v46, v3;
	_ =	sdelay $0x1  }
0x225: {  	v7 =	vadd.s32 v7, v9;
	v51, _, _ =	vpop (xrf0)  }
0x226: {  	v52 =	vadd.s32 v7, v51  }
0x227: {  	vm11 =	vlt.s32 v52, $0x1000  }
0x228: {  	vm0 =	vmand vm10, vm11;
	_ =	sdelay $0x5  }
0x229: {  	v53 =	vadd.s32 $0x50, v6;
	[tilespmem:v52+s12+$0x0] =	vst.idx.msk vm0, v8  }
0x22a: {  	[tilespmem:v52+s13+$0x0] =	vst.idx.msk vm0, v53  }
0x22b: {  	v8 =	vld [tilespmem:s23+$0x20];
	_ =	sdelay $0x4  }
0x22c: {  	v54 =	vshra.s32 v8, $0x1F  }
0x22d: {  	v10 =	vand.u32 $0x7FFFFFFF, v54  }
0x22e: {  	v8 =	vxor.u32 v8, v10  }
0x22f: {  	vm12 =	vge.s32 v8, v5  }
0x230: {  	v55 =	vsel vm12, $0x1, v0  }
0x231: {  	(xrf0) =	vadd.scan.msk.s32 $0xffff, v55;
	_ =	sdelay $0x3  }
0x232: {  	v9 =	vperm.xlane v51, v3;
	_ =	sdelay $0x1  }
0x233: {  	v7 =	vadd.s32 v7, v9;
	v56, _, _ =	vpop (xrf0)  }
0x234: {  	v57 =	vadd.s32 v7, v56  }
0x235: {  	vm13 =	vlt.s32 v57, $0x1000  }
0x236: {  	vm0 =	vmand vm12, vm13;
	_ =	sdelay $0x5  }
0x237: {  	v58 =	vadd.s32 $0x60, v6;
	[tilespmem:v57+s12+$0x0] =	vst.idx.msk vm0, v8  }
0x238: {  	[tilespmem:v57+s13+$0x0] =	vst.idx.msk vm0, v58  }
0x239: {  	v8 =	vld [tilespmem:s23+$0x30];
	_ =	sdelay $0x4  }
0x23a: {  	v59 =	vshra.s32 v8, $0x1F  }
0x23b: {  	v10 =	vand.u32 $0x7FFFFFFF, v59  }
0x23c: {  	v8 =	vxor.u32 v8, v10  }
0x23d: {  	vm14 =	vge.s32 v8, v5  }
0x23e: {  	v60 =	vsel vm14, $0x1, v0  }
0x23f: {  	(xrf0) =	vadd.scan.msk.s32 $0xffff, v60;
	_ =	sdelay $0x3  }
0x240: {  	v9 =	vperm.xlane v56, v3;
	_ =	sdelay $0x1  }
0x241: {  	v7 =	vadd.s32 v7, v9;
	v61, _, _ =	vpop (xrf0)  }
0x242: {  	v62 =	vadd.s32 v7, v61  }
0x243: {  	vm15 =	vlt.s32 v62, $0x1000  }
0x244: {  	vm0 =	vmand vm14, vm15  }
0x245: {  	s22 =	sadd.s32 $0x8, s22  }
0x246: {  	p0 =	slt.u32 s22, $0x7F8  }
.Ltmp8:
0x247: {  	_ = 	snop;
	(pc) =	sbr.rel @p0 .LBB2_18-.Ltmp8, $4  }
0x248: {  	_ = 	snop  }
0x249: {  	v9 =	vperm.xlane v61, v3  }
0x24a: {  	v63 =	vadd.s32 $0x70, v6;
	[tilespmem:v62+s12+$0x0] =	vst.idx.msk vm0, v8  }
0x24b: {  	v6 =	vadd.s32 $0x80, v6;
	s23 =	sadd.s32 $0x80, s23;
	v7 =	vadd.s32 v7, v9;
	[tilespmem:v62+s13+$0x0] =	vst.idx.msk vm0, v63  }
0x24c: {  	(v2sf) =	vpush v7, $0x0;
	_ =	sdelay $0xe  }
0x24d: {  	s22 =	spop (v2sf)  }
0x24e: {  	s22 =	sadd.s32 $0x1, s22  }
0x24f: {  	[smem:$0x0] =	sst s22  }
.LBB2_20:
0x250: {  	p0 =	slt.s32 s22, $0x1000;
	s23 =	smov.u32 s22  }
0x251: {  	s23 =	simm.s32 @!p0 $0x1000  }
0x252: {  	v5 =	vadd.s32 s23, v4  }
0x253: {  	v6 =	vor.u32 $0x10, v4;
	vm0 =	vlt.s32 v5, $0x1000  }
0x254: {  	v6 =	vadd.s32 s23, v6  }
0x255: {  	v7 =	vor.u32 $0x20, v4;
	vm1 =	vlt.s32 v6, $0x1000  }
0x256: {  	v7 =	vadd.s32 s23, v7  }
0x257: {  	v8 =	vor.u32 $0x30, v4;
	vm2 =	vlt.s32 v7, $0x1000  }
0x258: {  	v8 =	vadd.s32 s23, v8  }
0x259: {  	v9 =	vor.u32 $0x40, v4;
	vm3 =	vlt.s32 v8, $0x1000;
	[tilespmem:v5+s12+$0x0] =	vst.idx.msk vm0, v1  }
0x25a: {  	[tilespmem:v5+s13+$0x0] =	vst.idx.msk vm0, v0;
	v5 =	vadd.s32 s23, v9  }
0x25b: {  	v60 =	vor.u32 $0x50, v4;
	[tilespmem:v6+s12+$0x0] =	vst.idx.msk vm1, v1;
	vm12 =	vlt.s32 v5, $0x1000  }
0x25c: {  	[tilespmem:v6+s13+$0x0] =	vst.idx.msk vm1, v0;
	v6 =	vadd.s32 s23, v60  }
0x25d: {  	v61 =	vor.u32 $0x60, v4;
	[tilespmem:v7+s12+$0x0] =	vst.idx.msk vm2, v1;
	vm13 =	vlt.s32 v6, $0x1000  }
0x25e: {  	[tilespmem:v7+s13+$0x0] =	vst.idx.msk vm2, v0;
	v7 =	vadd.s32 s23, v61  }
0x25f: {  	v62 =	vor.u32 $0x70, v4;
	[tilespmem:v8+s12+$0x0] =	vst.idx.msk vm3, v1;
	vm14 =	vlt.s32 v7, $0x1000  }
0x260: {  	v63 =	vadd.s32 s23, v62;
	[tilespmem:v8+s13+$0x0] =	vst.idx.msk vm3, v0  }
0x261: {  	vm15 =	vlt.s32 v63, $0x1000;
	[tilespmem:v5+s12+$0x0] =	vst.idx.msk vm12, v1  }
0x262: {  	[tilespmem:v5+s13+$0x0] =	vst.idx.msk vm12, v0  }
0x263: {  	[tilespmem:v6+s12+$0x0] =	vst.idx.msk vm13, v1  }
0x264: {  	[tilespmem:v6+s13+$0x0] =	vst.idx.msk vm13, v0  }
0x265: {  	[tilespmem:v7+s12+$0x0] =	vst.idx.msk vm14, v1  }
0x266: {  	[tilespmem:v7+s13+$0x0] =	vst.idx.msk vm14, v0  }
0x267: {  	[tilespmem:v63+s12+$0x0] =	vst.idx.msk vm15, v1  }
0x268: {  	s24 =	simm.s32 $0xC840;
	[tilespmem:v63+s13+$0x0] =	vst.idx.msk vm15, v0  }
0x269: {  	[tilespmem:s24+$0xFFFFFFC0] =	vst v0  }
0x26a: {  	[tilespmem:s24+$0x30] =	vst v0  }
0x26b: {  	[tilespmem:s24+$0x20] =	vst v0  }
0x26c: {  	[tilespmem:s24+$0x10] =	vst v0  }
0x26d: {  	[tilespmem:s24+$0x0] =	vst v0  }
0x26e: {  	[tilespmem:s24+$0xFFFFFFF0] =	vst v0  }
0x26f: {  	s25 =	simm.s32 $0x0;
	[tilespmem:s24+$0xFFFFFFE0] =	vst v0  }
.LBB2_21:
0x270: {  	s25 =	sadd.s32 $0x8, s25;
	[tilespmem:s24+$0xFFFFFFD0] =	vst v0;
	s24 =	sadd.s32 $0x80, s24  }
0x271: {  	[tilespmem:s24+$0xFFFFFFC0] =	vst v0;
	p0 =	slt.u32 s25, $0x78  }
0x272: {  	[tilespmem:s24+$0x30] =	vst v0  }
.Ltmp9:
0x273: {  	[tilespmem:s24+$0x20] =	vst v0;
	(pc) =	sbr.rel @p0 .LBB2_21-.Ltmp9, $4  }
0x274: {  	[tilespmem:s24+$0x10] =	vst v0  }
0x275: {  	[tilespmem:s24+$0x0] =	vst v0  }
0x276: {  	[tilespmem:s24+$0xFFFFFFF0] =	vst v0  }
0x277: {  	[tilespmem:s24+$0xFFFFFFE0] =	vst v0  }
0x278: {  	s23 =	sadd.s32 $0x7F, s23  }
0x279: {  	s30 =	sand.u32 $0x7F, s23  }
0x27a: {  	p0 =	slt.s32 s22, $0xFFFFFF82;
	s31 =	sshra.s32 s23, $0x1F;
	p1 =	sne.s32 s30, $0x0  }
0x27b: {  	s22 =	sshrl.u32 s31, $0x19;
	p0 =	por !p0, !p1  }
0x27c: {  	s22 =	sadd.s32 s22, s23;
	s23 =	simm.s32 $0x1;
	p0 =	por !p0, !p0  }
0x27d: {  	s22 =	sshra.s32 s22, $0x7;
	s23 =	simm.s32 @!p0 $0x0  }
0x27e: {  	s22 =	ssub.s32 s22, s23  }
0x27f: {  	p0 =	sgt.s32 s22, $0x0  }
.Ltmp10:
0x280: {  	_ = 	snop;
	(pc) =	sbr.rel @!p0 .LBB2_23-.Ltmp10, $2  }
0x281: {  	_ =	sdelay $0x2  }
0x282: {  	[tilespmem:s24+$0xFFFFFFD0] =	vst v0;
	s23 =	simm.s32 $0x8840;
	s24 =	smov.u32 s22  }
.LBB2_47:
0x283: {  	v5 =	vld [tilespmem:s23+$0xFFFFFFC0];
	_ =	sdelay $0x4  }
0x284: {  	v5 =	vandn.u32 $0x7FF, v5  }
0x285: {  	(xrf1) =	vunique.msk.u32 $0xffff, v5;
	_ =	sdelay $0xd  }
0x286: {  	_, v6, vm0 =	vpop (xrf1);
	_ =	sdelay $0x5  }
0x287: {  	[tilespmem:v5+s14+$0x0] =	vst.idx.add.s32.msk vm0, v6  }
0x288: {  	v5 =	vld [tilespmem:s23+$0xFFFFFFD0];
	_ =	sdelay $0x4  }
0x289: {  	v5 =	vandn.u32 $0x7FF, v5  }
0x28a: {  	(xrf1) =	vunique.msk.u32 $0xffff, v5;
	_ =	sdelay $0xd  }
0x28b: {  	_, v6, vm0 =	vpop (xrf1);
	_ =	sdelay $0x5  }
0x28c: {  	[tilespmem:v5+s14+$0x0] =	vst.idx.add.s32.msk vm0, v6  }
0x28d: {  	v5 =	vld [tilespmem:s23+$0xFFFFFFE0];
	_ =	sdelay $0x4  }
0x28e: {  	v5 =	vandn.u32 $0x7FF, v5  }
0x28f: {  	(xrf1) =	vunique.msk.u32 $0xffff, v5;
	_ =	sdelay $0xd  }
0x290: {  	_, v6, vm0 =	vpop (xrf1);
	_ =	sdelay $0x5  }
0x291: {  	[tilespmem:v5+s14+$0x0] =	vst.idx.add.s32.msk vm0, v6  }
0x292: {  	v5 =	vld [tilespmem:s23+$0xFFFFFFF0];
	_ =	sdelay $0x4  }
0x293: {  	v5 =	vandn.u32 $0x7FF, v5  }
0x294: {  	(xrf1) =	vunique.msk.u32 $0xffff, v5;
	_ =	sdelay $0xd  }
0x295: {  	_, v6, vm0 =	vpop (xrf1);
	_ =	sdelay $0x5  }
0x296: {  	[tilespmem:v5+s14+$0x0] =	vst.idx.add.s32.msk vm0, v6  }
0x297: {  	v5 =	vld [tilespmem:s23+$0x0];
	_ =	sdelay $0x4  }
0x298: {  	v5 =	vandn.u32 $0x7FF, v5  }
0x299: {  	(xrf1) =	vunique.msk.u32 $0xffff, v5;
	_ =	sdelay $0xd  }
0x29a: {  	_, v6, vm0 =	vpop (xrf1);
	_ =	sdelay $0x5  }
0x29b: {  	[tilespmem:v5+s14+$0x0] =	vst.idx.add.s32.msk vm0, v6  }
0x29c: {  	v5 =	vld [tilespmem:s23+$0x10];
	_ =	sdelay $0x4  }
0x29d: {  	v5 =	vandn.u32 $0x7FF, v5  }
0x29e: {  	(xrf1) =	vunique.msk.u32 $0xffff, v5;
	_ =	sdelay $0xd  }
0x29f: {  	_, v6, vm0 =	vpop (xrf1);
	_ =	sdelay $0x5  }
0x2a0: {  	[tilespmem:v5+s14+$0x0] =	vst.idx.add.s32.msk vm0, v6  }
0x2a1: {  	v5 =	vld [tilespmem:s23+$0x20];
	_ =	sdelay $0x4  }
0x2a2: {  	v5 =	vandn.u32 $0x7FF, v5  }
0x2a3: {  	(xrf1) =	vunique.msk.u32 $0xffff, v5;
	_ =	sdelay $0xd  }
0x2a4: {  	_, v6, vm0 =	vpop (xrf1);
	_ =	sdelay $0x5  }
0x2a5: {  	[tilespmem:v5+s14+$0x0] =	vst.idx.add.s32.msk vm0, v6  }
0x2a6: {  	v5 =	vld [tilespmem:s23+$0x30];
	_ =	sdelay $0x4  }
0x2a7: {  	v5 =	vandn.u32 $0x7FF, v5  }
0x2a8: {  	(xrf1) =	vunique.msk.u32 $0xffff, v5;
	_ =	sdelay $0xd  }
0x2a9: {  	_, v6, vm0 =	vpop (xrf1)  }
0x2aa: {  	p1 =	seq.s32 s24, $0x1  }
.Ltmp11:
0x2ab: {  	_ = 	snop;
	(pc) =	sbr.rel @!p1 .LBB2_47-.Ltmp11, $2  }
0x2ac: {  	_ =	sdelay $0x2  }
0x2ad: {  	s24 =	sadd.s32 $0xFFFFFFFF, s24;
	s23 =	sadd.s32 $0x80, s23;
	[tilespmem:v5+s14+$0x0] =	vst.idx.add.s32.msk vm0, v6  }
.LBB2_23:
0x2ae: {  	s23 =	simm.s32 $0xC810  }
0x2af: {  	v7 =	vld [tilespmem:s23+$0xFFFFFFF0];
	_ =	sdelay $0x4  }
0x2b0: {  	(xrf0) =	vadd.scan.msk.s32 $0xffff, v7  }
0x2b1: {  	v6 =	vld [tilespmem:s23+$0x0];
	_ =	sdelay $0x4  }
0x2b2: {  	v8, _, _ =	vpop (xrf0);
	(xrf0) =	vadd.scan.msk.s32 $0xffff, v6  }
0x2b3: {  	v5 =	vimm.s32 $0x0  }
0x2b4: {  	v7 =	vsub.s32 v5, v7  }
0x2b5: {  	v9 =	vadd.s32 v8, v7;
	v7 =	vperm.xlane v8, v3  }
0x2b6: {  	s24 =	simm.s32 $0x0;
	s25 =	simm.s32 $0xC830;
	[tilespmem:s23+$0xFFFFFFF0] =	vst v9  }
.LBB2_24:
0x2b7: {  	v8 =	vld [tilespmem:s25+$0xFFFFFFF0];
	s24 =	sadd.s32 $0x2, s24;
	v5 =	vadd.s32 v5, v7  }
0x2b8: {  	p1 =	slt.u32 s24, $0x7E;
	v6 =	vsub.s32 v5, v6;
	v7, _, _ =	vpop (xrf0)  }
0x2b9: {  	v6 =	vadd.s32 v7, v6;
	v7 =	vperm.xlane v7, v3  }
0x2ba: {  	[tilespmem:s23+$0x0] =	vst v6;
	s23 =	smov.u32 s25  }
0x2bb: {  	v6 =	vld [tilespmem:s25+$0x0];
	v5 =	vadd.s32 v5, v7  }
0x2bc: {  	v7 =	vsub.s32 v5, v8;
	(xrf0) =	vadd.scan.msk.s32 $0xffff, v8;
	_ =	sdelay $0x3  }
.Ltmp12:
0x2bd: {  	(xrf0) =	vadd.scan.msk.s32 $0xffff, v6;
	(pc) =	sbr.rel @p1 .LBB2_24-.Ltmp12, $4  }
0x2be: {  	_ = 	snop  }
0x2bf: {  	v8, _, _ =	vpop (xrf0)  }
0x2c0: {  	v9 =	vadd.s32 v8, v7;
	v7 =	vperm.xlane v8, v3  }
0x2c1: {  	s25 =	sadd.s32 $0x20, s25;
	[tilespmem:s23+$0xFFFFFFF0] =	vst v9  }
.Ltmp13:
0x2c2: {  	(pc) =	sbr.rel @!p0 .LBB2_28-.Ltmp13, $4  }
0x2c3: {  	v5 =	vadd.s32 v5, v7  }
0x2c4: {  	v5 =	vsub.s32 v5, v6;
	v6, _, _ =	vpop (xrf0)  }
0x2c5: {  	v5 =	vadd.s32 v6, v5  }
0x2c6: {  	[tilespmem:s23+$0x0] =	vst v5  }
0x2c7: {  	s23 =	simm.s32 $0x8840;
	s24 =	simm.s32 $0x9840;
	s25 =	smov.u32 s22  }
.LBB2_27:
0x2c8: {  	v5 =	vld [tilespmem:s23+$0xFFFFFFC0];
	_ =	sdelay $0x4  }
0x2c9: {  	v6 =	vandn.u32 $0x7FF, v5  }
0x2ca: {  	(xrf1) =	vunique.msk.u32 $0xffff, v6;
	_ =	sdelay $0x9  }
0x2cb: {  	v7 =	vld.idx.msk [tilespmem:v6+s14+$0x0], $0xffff;
	_ =	sdelay $0x3  }
0x2cc: {  	_, v8, vm0 =	vpop (xrf1)  }
0x2cd: {  	v7 =	vadd.s32 v8, v7  }
0x2ce: {  	v7 =	vadd.s32 $0xFFFFFFFF, v7  }
0x2cf: {  	v9 =	vld [tilespmem:s24+$0xFFFFFFC0];
	_ =	sdelay $0x3  }
0x2d0: {  	[tilespmem:v7+s15+$0x0] =	vst.idx.msk $0xffff, v5  }
0x2d1: {  	[tilespmem:v7+s16+$0x0] =	vst.idx.msk $0xffff, v9  }
0x2d2: {  	[tilespmem:v6+s14+$0x0] =	vst.idx.add.s32.msk vm0, v8  }
0x2d3: {  	v5 =	vld [tilespmem:s23+$0xFFFFFFD0];
	_ =	sdelay $0x4  }
0x2d4: {  	v6 =	vandn.u32 $0x7FF, v5  }
0x2d5: {  	(xrf1) =	vunique.msk.u32 $0xffff, v6;
	_ =	sdelay $0x9  }
0x2d6: {  	v7 =	vld.idx.msk [tilespmem:v6+s14+$0x0], $0xffff;
	_ =	sdelay $0x3  }
0x2d7: {  	_, v8, vm0 =	vpop (xrf1)  }
0x2d8: {  	v7 =	vadd.s32 v8, v7  }
0x2d9: {  	v7 =	vadd.s32 $0xFFFFFFFF, v7  }
0x2da: {  	v9 =	vld [tilespmem:s24+$0xFFFFFFD0];
	_ =	sdelay $0x3  }
0x2db: {  	[tilespmem:v7+s15+$0x0] =	vst.idx.msk $0xffff, v5  }
0x2dc: {  	[tilespmem:v7+s16+$0x0] =	vst.idx.msk $0xffff, v9  }
0x2dd: {  	[tilespmem:v6+s14+$0x0] =	vst.idx.add.s32.msk vm0, v8  }
0x2de: {  	v5 =	vld [tilespmem:s23+$0xFFFFFFE0];
	_ =	sdelay $0x4  }
0x2df: {  	v6 =	vandn.u32 $0x7FF, v5  }
0x2e0: {  	(xrf1) =	vunique.msk.u32 $0xffff, v6;
	_ =	sdelay $0x9  }
0x2e1: {  	v7 =	vld.idx.msk [tilespmem:v6+s14+$0x0], $0xffff;
	_ =	sdelay $0x3  }
0x2e2: {  	_, v8, vm0 =	vpop (xrf1)  }
0x2e3: {  	v7 =	vadd.s32 v8, v7  }
0x2e4: {  	v7 =	vadd.s32 $0xFFFFFFFF, v7  }
0x2e5: {  	v9 =	vld [tilespmem:s24+$0xFFFFFFE0];
	_ =	sdelay $0x3  }
0x2e6: {  	[tilespmem:v7+s15+$0x0] =	vst.idx.msk $0xffff, v5  }
0x2e7: {  	[tilespmem:v7+s16+$0x0] =	vst.idx.msk $0xffff, v9  }
0x2e8: {  	[tilespmem:v6+s14+$0x0] =	vst.idx.add.s32.msk vm0, v8  }
0x2e9: {  	v5 =	vld [tilespmem:s23+$0xFFFFFFF0];
	_ =	sdelay $0x4  }
0x2ea: {  	v6 =	vandn.u32 $0x7FF, v5  }
0x2eb: {  	(xrf1) =	vunique.msk.u32 $0xffff, v6;
	_ =	sdelay $0x9  }
0x2ec: {  	v7 =	vld.idx.msk [tilespmem:v6+s14+$0x0], $0xffff;
	_ =	sdelay $0x3  }
0x2ed: {  	_, v8, vm0 =	vpop (xrf1)  }
0x2ee: {  	v7 =	vadd.s32 v8, v7  }
0x2ef: {  	v7 =	vadd.s32 $0xFFFFFFFF, v7  }
0x2f0: {  	v9 =	vld [tilespmem:s24+$0xFFFFFFF0];
	_ =	sdelay $0x3  }
0x2f1: {  	[tilespmem:v7+s15+$0x0] =	vst.idx.msk $0xffff, v5  }
0x2f2: {  	[tilespmem:v7+s16+$0x0] =	vst.idx.msk $0xffff, v9  }
0x2f3: {  	[tilespmem:v6+s14+$0x0] =	vst.idx.add.s32.msk vm0, v8  }
0x2f4: {  	v5 =	vld [tilespmem:s23+$0x0];
	_ =	sdelay $0x4  }
0x2f5: {  	v6 =	vandn.u32 $0x7FF, v5  }
0x2f6: {  	(xrf1) =	vunique.msk.u32 $0xffff, v6;
	_ =	sdelay $0x9  }
0x2f7: {  	v7 =	vld.idx.msk [tilespmem:v6+s14+$0x0], $0xffff;
	_ =	sdelay $0x3  }
0x2f8: {  	_, v8, vm0 =	vpop (xrf1)  }
0x2f9: {  	v7 =	vadd.s32 v8, v7  }
0x2fa: {  	v7 =	vadd.s32 $0xFFFFFFFF, v7  }
0x2fb: {  	v9 =	vld [tilespmem:s24+$0x0];
	_ =	sdelay $0x3  }
0x2fc: {  	[tilespmem:v7+s15+$0x0] =	vst.idx.msk $0xffff, v5  }
0x2fd: {  	[tilespmem:v7+s16+$0x0] =	vst.idx.msk $0xffff, v9  }
0x2fe: {  	[tilespmem:v6+s14+$0x0] =	vst.idx.add.s32.msk vm0, v8  }
0x2ff: {  	v5 =	vld [tilespmem:s23+$0x10];
	_ =	sdelay $0x4  }
0x300: {  	v6 =	vandn.u32 $0x7FF, v5  }
0x301: {  	(xrf1) =	vunique.msk.u32 $0xffff, v6;
	_ =	sdelay $0x9  }
0x302: {  	v7 =	vld.idx.msk [tilespmem:v6+s14+$0x0], $0xffff;
	_ =	sdelay $0x3  }
0x303: {  	_, v8, vm0 =	vpop (xrf1)  }
0x304: {  	v7 =	vadd.s32 v8, v7  }
0x305: {  	v7 =	vadd.s32 $0xFFFFFFFF, v7  }
0x306: {  	v9 =	vld [tilespmem:s24+$0x10];
	_ =	sdelay $0x3  }
0x307: {  	[tilespmem:v7+s15+$0x0] =	vst.idx.msk $0xffff, v5  }
0x308: {  	[tilespmem:v7+s16+$0x0] =	vst.idx.msk $0xffff, v9  }
0x309: {  	[tilespmem:v6+s14+$0x0] =	vst.idx.add.s32.msk vm0, v8  }
0x30a: {  	v5 =	vld [tilespmem:s23+$0x20];
	_ =	sdelay $0x4  }
0x30b: {  	v6 =	vandn.u32 $0x7FF, v5  }
0x30c: {  	(xrf1) =	vunique.msk.u32 $0xffff, v6;
	_ =	sdelay $0x9  }
0x30d: {  	v7 =	vld.idx.msk [tilespmem:v6+s14+$0x0], $0xffff;
	_ =	sdelay $0x3  }
0x30e: {  	_, v8, vm0 =	vpop (xrf1)  }
0x30f: {  	v7 =	vadd.s32 v8, v7  }
0x310: {  	v7 =	vadd.s32 $0xFFFFFFFF, v7  }
0x311: {  	v9 =	vld [tilespmem:s24+$0x20];
	_ =	sdelay $0x3  }
0x312: {  	[tilespmem:v7+s15+$0x0] =	vst.idx.msk $0xffff, v5  }
0x313: {  	[tilespmem:v7+s16+$0x0] =	vst.idx.msk $0xffff, v9  }
0x314: {  	[tilespmem:v6+s14+$0x0] =	vst.idx.add.s32.msk vm0, v8  }
0x315: {  	v5 =	vld [tilespmem:s23+$0x30];
	_ =	sdelay $0x4  }
0x316: {  	v6 =	vandn.u32 $0x7FF, v5  }
0x317: {  	(xrf1) =	vunique.msk.u32 $0xffff, v6;
	_ =	sdelay $0x9  }
0x318: {  	v7 =	vld.idx.msk [tilespmem:v6+s14+$0x0], $0xffff;
	_ =	sdelay $0x3  }
0x319: {  	_, v8, vm0 =	vpop (xrf1)  }
0x31a: {  	v7 =	vadd.s32 v8, v7  }
0x31b: {  	v7 =	vadd.s32 $0xFFFFFFFF, v7  }
0x31c: {  	v9 =	vld [tilespmem:s24+$0x30]  }
0x31d: {  	p1 =	seq.s32 s25, $0x1  }
.Ltmp14:
0x31e: {  	_ = 	snop;
	(pc) =	sbr.rel @!p1 .LBB2_27-.Ltmp14, $4  }
0x31f: {  	_ = 	snop  }
0x320: {  	[tilespmem:v7+s15+$0x0] =	vst.idx.msk $0xffff, v5  }
0x321: {  	[tilespmem:v7+s16+$0x0] =	vst.idx.msk $0xffff, v9  }
0x322: {  	s25 =	sadd.s32 $0xFFFFFFFF, s25;
	s23 =	sadd.s32 $0x80, s23;
	s24 =	sadd.s32 $0x80, s24;
	[tilespmem:v6+s14+$0x0] =	vst.idx.add.s32.msk vm0, v8  }
.LBB2_28:
0x323: {  	s23 =	simm.s32 $0xC840  }
0x324: {  	[tilespmem:s23+$0xFFFFFFC0] =	vst v0  }
0x325: {  	[tilespmem:s23+$0x30] =	vst v0  }
0x326: {  	[tilespmem:s23+$0x20] =	vst v0  }
0x327: {  	[tilespmem:s23+$0x10] =	vst v0  }
0x328: {  	[tilespmem:s23+$0x0] =	vst v0  }
0x329: {  	[tilespmem:s23+$0xFFFFFFF0] =	vst v0  }
0x32a: {  	s24 =	simm.s32 $0x0;
	[tilespmem:s23+$0xFFFFFFE0] =	vst v0  }
.LBB2_29:
0x32b: {  	s24 =	sadd.s32 $0x8, s24;
	[tilespmem:s23+$0xFFFFFFD0] =	vst v0;
	s23 =	sadd.s32 $0x80, s23  }
0x32c: {  	[tilespmem:s23+$0xFFFFFFC0] =	vst v0;
	p1 =	slt.u32 s24, $0x78  }
0x32d: {  	[tilespmem:s23+$0x30] =	vst v0  }
.Ltmp15:
0x32e: {  	[tilespmem:s23+$0x20] =	vst v0;
	(pc) =	sbr.rel @p1 .LBB2_29-.Ltmp15, $4  }
0x32f: {  	[tilespmem:s23+$0x10] =	vst v0  }
0x330: {  	[tilespmem:s23+$0x0] =	vst v0  }
0x331: {  	[tilespmem:s23+$0xFFFFFFF0] =	vst v0  }
0x332: {  	[tilespmem:s23+$0xFFFFFFE0] =	vst v0  }
.Ltmp16:
0x333: {  	(pc) =	sbr.rel @!p0 .LBB2_31-.Ltmp16, $2  }
0x334: {  	_ =	sdelay $0x2  }
0x335: {  	[tilespmem:s23+$0xFFFFFFD0] =	vst v0;
	s23 =	simm.s32 $0xA840;
	s24 =	smov.u32 s22  }
.LBB2_48:
0x336: {  	v5 =	vld [tilespmem:s23+$0xFFFFFFC0];
	_ =	sdelay $0x4  }
0x337: {  	v5 =	vxor.u32 $0xFFFFFFFF, v5  }
0x338: {  	v5 =	vshrl.u32 v5, $0xB  }
0x339: {  	v5 =	vand.u32 $0x7FF, v5  }
0x33a: {  	(xrf1) =	vunique.msk.u32 $0xffff, v5;
	_ =	sdelay $0xd  }
0x33b: {  	_, v6, vm0 =	vpop (xrf1);
	_ =	sdelay $0x5  }
0x33c: {  	[tilespmem:v5+s14+$0x0] =	vst.idx.add.s32.msk vm0, v6  }
0x33d: {  	v5 =	vld [tilespmem:s23+$0xFFFFFFD0];
	_ =	sdelay $0x4  }
0x33e: {  	v5 =	vxor.u32 $0xFFFFFFFF, v5  }
0x33f: {  	v5 =	vshrl.u32 v5, $0xB  }
0x340: {  	v5 =	vand.u32 $0x7FF, v5  }
0x341: {  	(xrf1) =	vunique.msk.u32 $0xffff, v5;
	_ =	sdelay $0xd  }
0x342: {  	_, v6, vm0 =	vpop (xrf1);
	_ =	sdelay $0x5  }
0x343: {  	[tilespmem:v5+s14+$0x0] =	vst.idx.add.s32.msk vm0, v6  }
0x344: {  	v5 =	vld [tilespmem:s23+$0xFFFFFFE0];
	_ =	sdelay $0x4  }
0x345: {  	v5 =	vxor.u32 $0xFFFFFFFF, v5  }
0x346: {  	v5 =	vshrl.u32 v5, $0xB  }
0x347: {  	v5 =	vand.u32 $0x7FF, v5  }
0x348: {  	(xrf1) =	vunique.msk.u32 $0xffff, v5;
	_ =	sdelay $0xd  }
0x349: {  	_, v6, vm0 =	vpop (xrf1);
	_ =	sdelay $0x5  }
0x34a: {  	[tilespmem:v5+s14+$0x0] =	vst.idx.add.s32.msk vm0, v6  }
0x34b: {  	v5 =	vld [tilespmem:s23+$0xFFFFFFF0];
	_ =	sdelay $0x4  }
0x34c: {  	v5 =	vxor.u32 $0xFFFFFFFF, v5  }
0x34d: {  	v5 =	vshrl.u32 v5, $0xB  }
0x34e: {  	v5 =	vand.u32 $0x7FF, v5  }
0x34f: {  	(xrf1) =	vunique.msk.u32 $0xffff, v5;
	_ =	sdelay $0xd  }
0x350: {  	_, v6, vm0 =	vpop (xrf1);
	_ =	sdelay $0x5  }
0x351: {  	[tilespmem:v5+s14+$0x0] =	vst.idx.add.s32.msk vm0, v6  }
0x352: {  	v5 =	vld [tilespmem:s23+$0x0];
	_ =	sdelay $0x4  }
0x353: {  	v5 =	vxor.u32 $0xFFFFFFFF, v5  }
0x354: {  	v5 =	vshrl.u32 v5, $0xB  }
0x355: {  	v5 =	vand.u32 $0x7FF, v5  }
0x356: {  	(xrf1) =	vunique.msk.u32 $0xffff, v5;
	_ =	sdelay $0xd  }
0x357: {  	_, v6, vm0 =	vpop (xrf1);
	_ =	sdelay $0x5  }
0x358: {  	[tilespmem:v5+s14+$0x0] =	vst.idx.add.s32.msk vm0, v6  }
0x359: {  	v5 =	vld [tilespmem:s23+$0x10];
	_ =	sdelay $0x4  }
0x35a: {  	v5 =	vxor.u32 $0xFFFFFFFF, v5  }
0x35b: {  	v5 =	vshrl.u32 v5, $0xB  }
0x35c: {  	v5 =	vand.u32 $0x7FF, v5  }
0x35d: {  	(xrf1) =	vunique.msk.u32 $0xffff, v5;
	_ =	sdelay $0xd  }
0x35e: {  	_, v6, vm0 =	vpop (xrf1);
	_ =	sdelay $0x5  }
0x35f: {  	[tilespmem:v5+s14+$0x0] =	vst.idx.add.s32.msk vm0, v6  }
0x360: {  	v5 =	vld [tilespmem:s23+$0x20];
	_ =	sdelay $0x4  }
0x361: {  	v5 =	vxor.u32 $0xFFFFFFFF, v5  }
0x362: {  	v5 =	vshrl.u32 v5, $0xB  }
0x363: {  	v5 =	vand.u32 $0x7FF, v5  }
0x364: {  	(xrf1) =	vunique.msk.u32 $0xffff, v5;
	_ =	sdelay $0xd  }
0x365: {  	_, v6, vm0 =	vpop (xrf1);
	_ =	sdelay $0x5  }
0x366: {  	[tilespmem:v5+s14+$0x0] =	vst.idx.add.s32.msk vm0, v6  }
0x367: {  	v5 =	vld [tilespmem:s23+$0x30];
	_ =	sdelay $0x4  }
0x368: {  	v5 =	vxor.u32 $0xFFFFFFFF, v5  }
0x369: {  	v5 =	vshrl.u32 v5, $0xB  }
0x36a: {  	v5 =	vand.u32 $0x7FF, v5  }
0x36b: {  	(xrf1) =	vunique.msk.u32 $0xffff, v5;
	_ =	sdelay $0xd  }
0x36c: {  	_, v6, vm0 =	vpop (xrf1)  }
0x36d: {  	p1 =	seq.s32 s24, $0x1  }
.Ltmp17:
0x36e: {  	_ = 	snop;
	(pc) =	sbr.rel @!p1 .LBB2_48-.Ltmp17, $2  }
0x36f: {  	_ =	sdelay $0x2  }
0x370: {  	s24 =	sadd.s32 $0xFFFFFFFF, s24;
	s23 =	sadd.s32 $0x80, s23;
	[tilespmem:v5+s14+$0x0] =	vst.idx.add.s32.msk vm0, v6  }
.LBB2_31:
0x371: {  	s23 =	simm.s32 $0xC810  }
0x372: {  	v7 =	vld [tilespmem:s23+$0xFFFFFFF0];
	_ =	sdelay $0x4  }
0x373: {  	(xrf0) =	vadd.scan.msk.s32 $0xffff, v7  }
0x374: {  	v6 =	vld [tilespmem:s23+$0x0];
	_ =	sdelay $0x4  }
0x375: {  	v8, _, _ =	vpop (xrf0);
	(xrf0) =	vadd.scan.msk.s32 $0xffff, v6  }
0x376: {  	v5 =	vimm.s32 $0x0  }
0x377: {  	v7 =	vsub.s32 v5, v7  }
0x378: {  	v9 =	vadd.s32 v8, v7;
	v7 =	vperm.xlane v8, v3  }
0x379: {  	s24 =	simm.s32 $0x0;
	s25 =	simm.s32 $0xC830;
	[tilespmem:s23+$0xFFFFFFF0] =	vst v9  }
.LBB2_32:
0x37a: {  	v8 =	vld [tilespmem:s25+$0xFFFFFFF0];
	s24 =	sadd.s32 $0x2, s24;
	v5 =	vadd.s32 v5, v7  }
0x37b: {  	p1 =	slt.u32 s24, $0x7E;
	v6 =	vsub.s32 v5, v6;
	v7, _, _ =	vpop (xrf0)  }
0x37c: {  	v6 =	vadd.s32 v7, v6;
	v7 =	vperm.xlane v7, v3  }
0x37d: {  	[tilespmem:s23+$0x0] =	vst v6;
	s23 =	smov.u32 s25  }
0x37e: {  	v6 =	vld [tilespmem:s25+$0x0];
	v5 =	vadd.s32 v5, v7  }
0x37f: {  	v7 =	vsub.s32 v5, v8;
	(xrf0) =	vadd.scan.msk.s32 $0xffff, v8;
	_ =	sdelay $0x3  }
.Ltmp18:
0x380: {  	(xrf0) =	vadd.scan.msk.s32 $0xffff, v6;
	(pc) =	sbr.rel @p1 .LBB2_32-.Ltmp18, $4  }
0x381: {  	_ = 	snop  }
0x382: {  	v8, _, _ =	vpop (xrf0)  }
0x383: {  	v9 =	vadd.s32 v8, v7;
	v7 =	vperm.xlane v8, v3  }
0x384: {  	s25 =	sadd.s32 $0x20, s25;
	[tilespmem:s23+$0xFFFFFFF0] =	vst v9  }
.Ltmp19:
0x385: {  	(pc) =	sbr.rel @!p0 .LBB2_36-.Ltmp19, $4  }
0x386: {  	v5 =	vadd.s32 v5, v7  }
0x387: {  	v5 =	vsub.s32 v5, v6;
	v6, _, _ =	vpop (xrf0)  }
0x388: {  	v5 =	vadd.s32 v6, v5  }
0x389: {  	[tilespmem:s23+$0x0] =	vst v5  }
0x38a: {  	s23 =	simm.s32 $0xA840;
	s24 =	simm.s32 $0xB840;
	s25 =	smov.u32 s22  }
.LBB2_35:
0x38b: {  	v5 =	vld [tilespmem:s23+$0xFFFFFFC0];
	_ =	sdelay $0x4  }
0x38c: {  	v6 =	vxor.u32 $0xFFFFFFFF, v5  }
0x38d: {  	v6 =	vshrl.u32 v6, $0xB  }
0x38e: {  	v6 =	vand.u32 $0x7FF, v6  }
0x38f: {  	(xrf1) =	vunique.msk.u32 $0xffff, v6;
	_ =	sdelay $0x9  }
0x390: {  	v7 =	vld.idx.msk [tilespmem:v6+s14+$0x0], $0xffff;
	_ =	sdelay $0x3  }
0x391: {  	_, v8, vm0 =	vpop (xrf1)  }
0x392: {  	v7 =	vadd.s32 v8, v7  }
0x393: {  	v7 =	vadd.s32 $0xFFFFFFFF, v7  }
0x394: {  	v9 =	vld [tilespmem:s24+$0xFFFFFFC0];
	_ =	sdelay $0x3  }
0x395: {  	[tilespmem:v7+s12+$0x0] =	vst.idx.msk $0xffff, v5  }
0x396: {  	[tilespmem:v7+s13+$0x0] =	vst.idx.msk $0xffff, v9  }
0x397: {  	[tilespmem:v6+s14+$0x0] =	vst.idx.add.s32.msk vm0, v8  }
0x398: {  	v5 =	vld [tilespmem:s23+$0xFFFFFFD0];
	_ =	sdelay $0x4  }
0x399: {  	v6 =	vxor.u32 $0xFFFFFFFF, v5  }
0x39a: {  	v6 =	vshrl.u32 v6, $0xB  }
0x39b: {  	v6 =	vand.u32 $0x7FF, v6  }
0x39c: {  	(xrf1) =	vunique.msk.u32 $0xffff, v6;
	_ =	sdelay $0x9  }
0x39d: {  	v7 =	vld.idx.msk [tilespmem:v6+s14+$0x0], $0xffff;
	_ =	sdelay $0x3  }
0x39e: {  	_, v8, vm0 =	vpop (xrf1)  }
0x39f: {  	v7 =	vadd.s32 v8, v7  }
0x3a0: {  	v7 =	vadd.s32 $0xFFFFFFFF, v7  }
0x3a1: {  	v9 =	vld [tilespmem:s24+$0xFFFFFFD0];
	_ =	sdelay $0x3  }
0x3a2: {  	[tilespmem:v7+s12+$0x0] =	vst.idx.msk $0xffff, v5  }
0x3a3: {  	[tilespmem:v7+s13+$0x0] =	vst.idx.msk $0xffff, v9  }
0x3a4: {  	[tilespmem:v6+s14+$0x0] =	vst.idx.add.s32.msk vm0, v8  }
0x3a5: {  	v5 =	vld [tilespmem:s23+$0xFFFFFFE0];
	_ =	sdelay $0x4  }
0x3a6: {  	v6 =	vxor.u32 $0xFFFFFFFF, v5  }
0x3a7: {  	v6 =	vshrl.u32 v6, $0xB  }
0x3a8: {  	v6 =	vand.u32 $0x7FF, v6  }
0x3a9: {  	(xrf1) =	vunique.msk.u32 $0xffff, v6;
	_ =	sdelay $0x9  }
0x3aa: {  	v7 =	vld.idx.msk [tilespmem:v6+s14+$0x0], $0xffff;
	_ =	sdelay $0x3  }
0x3ab: {  	_, v8, vm0 =	vpop (xrf1)  }
0x3ac: {  	v7 =	vadd.s32 v8, v7  }
0x3ad: {  	v7 =	vadd.s32 $0xFFFFFFFF, v7  }
0x3ae: {  	v9 =	vld [tilespmem:s24+$0xFFFFFFE0];
	_ =	sdelay $0x3  }
0x3af: {  	[tilespmem:v7+s12+$0x0] =	vst.idx.msk $0xffff, v5  }
0x3b0: {  	[tilespmem:v7+s13+$0x0] =	vst.idx.msk $0xffff, v9  }
0x3b1: {  	[tilespmem:v6+s14+$0x0] =	vst.idx.add.s32.msk vm0, v8  }
0x3b2: {  	v5 =	vld [tilespmem:s23+$0xFFFFFFF0];
	_ =	sdelay $0x4  }
0x3b3: {  	v6 =	vxor.u32 $0xFFFFFFFF, v5  }
0x3b4: {  	v6 =	vshrl.u32 v6, $0xB  }
0x3b5: {  	v6 =	vand.u32 $0x7FF, v6  }
0x3b6: {  	(xrf1) =	vunique.msk.u32 $0xffff, v6;
	_ =	sdelay $0x9  }
0x3b7: {  	v7 =	vld.idx.msk [tilespmem:v6+s14+$0x0], $0xffff;
	_ =	sdelay $0x3  }
0x3b8: {  	_, v8, vm0 =	vpop (xrf1)  }
0x3b9: {  	v7 =	vadd.s32 v8, v7  }
0x3ba: {  	v7 =	vadd.s32 $0xFFFFFFFF, v7  }
0x3bb: {  	v9 =	vld [tilespmem:s24+$0xFFFFFFF0];
	_ =	sdelay $0x3  }
0x3bc: {  	[tilespmem:v7+s12+$0x0] =	vst.idx.msk $0xffff, v5  }
0x3bd: {  	[tilespmem:v7+s13+$0x0] =	vst.idx.msk $0xffff, v9  }
0x3be: {  	[tilespmem:v6+s14+$0x0] =	vst.idx.add.s32.msk vm0, v8  }
0x3bf: {  	v5 =	vld [tilespmem:s23+$0x0];
	_ =	sdelay $0x4  }
0x3c0: {  	v6 =	vxor.u32 $0xFFFFFFFF, v5  }
0x3c1: {  	v6 =	vshrl.u32 v6, $0xB  }
0x3c2: {  	v6 =	vand.u32 $0x7FF, v6  }
0x3c3: {  	(xrf1) =	vunique.msk.u32 $0xffff, v6;
	_ =	sdelay $0x9  }
0x3c4: {  	v7 =	vld.idx.msk [tilespmem:v6+s14+$0x0], $0xffff;
	_ =	sdelay $0x3  }
0x3c5: {  	_, v8, vm0 =	vpop (xrf1)  }
0x3c6: {  	v7 =	vadd.s32 v8, v7  }
0x3c7: {  	v7 =	vadd.s32 $0xFFFFFFFF, v7  }
0x3c8: {  	v9 =	vld [tilespmem:s24+$0x0];
	_ =	sdelay $0x3  }
0x3c9: {  	[tilespmem:v7+s12+$0x0] =	vst.idx.msk $0xffff, v5  }
0x3ca: {  	[tilespmem:v7+s13+$0x0] =	vst.idx.msk $0xffff, v9  }
0x3cb: {  	[tilespmem:v6+s14+$0x0] =	vst.idx.add.s32.msk vm0, v8  }
0x3cc: {  	v5 =	vld [tilespmem:s23+$0x10];
	_ =	sdelay $0x4  }
0x3cd: {  	v6 =	vxor.u32 $0xFFFFFFFF, v5  }
0x3ce: {  	v6 =	vshrl.u32 v6, $0xB  }
0x3cf: {  	v6 =	vand.u32 $0x7FF, v6  }
0x3d0: {  	(xrf1) =	vunique.msk.u32 $0xffff, v6;
	_ =	sdelay $0x9  }
0x3d1: {  	v7 =	vld.idx.msk [tilespmem:v6+s14+$0x0], $0xffff;
	_ =	sdelay $0x3  }
0x3d2: {  	_, v8, vm0 =	vpop (xrf1)  }
0x3d3: {  	v7 =	vadd.s32 v8, v7  }
0x3d4: {  	v7 =	vadd.s32 $0xFFFFFFFF, v7  }
0x3d5: {  	v9 =	vld [tilespmem:s24+$0x10];
	_ =	sdelay $0x3  }
0x3d6: {  	[tilespmem:v7+s12+$0x0] =	vst.idx.msk $0xffff, v5  }
0x3d7: {  	[tilespmem:v7+s13+$0x0] =	vst.idx.msk $0xffff, v9  }
0x3d8: {  	[tilespmem:v6+s14+$0x0] =	vst.idx.add.s32.msk vm0, v8  }
0x3d9: {  	v5 =	vld [tilespmem:s23+$0x20];
	_ =	sdelay $0x4  }
0x3da: {  	v6 =	vxor.u32 $0xFFFFFFFF, v5  }
0x3db: {  	v6 =	vshrl.u32 v6, $0xB  }
0x3dc: {  	v6 =	vand.u32 $0x7FF, v6  }
0x3dd: {  	(xrf1) =	vunique.msk.u32 $0xffff, v6;
	_ =	sdelay $0x9  }
0x3de: {  	v7 =	vld.idx.msk [tilespmem:v6+s14+$0x0], $0xffff;
	_ =	sdelay $0x3  }
0x3df: {  	_, v8, vm0 =	vpop (xrf1)  }
0x3e0: {  	v7 =	vadd.s32 v8, v7  }
0x3e1: {  	v7 =	vadd.s32 $0xFFFFFFFF, v7  }
0x3e2: {  	v9 =	vld [tilespmem:s24+$0x20];
	_ =	sdelay $0x3  }
0x3e3: {  	[tilespmem:v7+s12+$0x0] =	vst.idx.msk $0xffff, v5  }
0x3e4: {  	[tilespmem:v7+s13+$0x0] =	vst.idx.msk $0xffff, v9  }
0x3e5: {  	[tilespmem:v6+s14+$0x0] =	vst.idx.add.s32.msk vm0, v8  }
0x3e6: {  	v5 =	vld [tilespmem:s23+$0x30];
	_ =	sdelay $0x4  }
0x3e7: {  	v6 =	vxor.u32 $0xFFFFFFFF, v5  }
0x3e8: {  	v6 =	vshrl.u32 v6, $0xB  }
0x3e9: {  	v6 =	vand.u32 $0x7FF, v6  }
0x3ea: {  	(xrf1) =	vunique.msk.u32 $0xffff, v6;
	_ =	sdelay $0x9  }
0x3eb: {  	v7 =	vld.idx.msk [tilespmem:v6+s14+$0x0], $0xffff;
	_ =	sdelay $0x3  }
0x3ec: {  	_, v8, vm0 =	vpop (xrf1)  }
0x3ed: {  	v7 =	vadd.s32 v8, v7  }
0x3ee: {  	v7 =	vadd.s32 $0xFFFFFFFF, v7  }
0x3ef: {  	v9 =	vld [tilespmem:s24+$0x30]  }
0x3f0: {  	p1 =	seq.s32 s25, $0x1  }
.Ltmp20:
0x3f1: {  	_ = 	snop;
	(pc) =	sbr.rel @!p1 .LBB2_35-.Ltmp20, $4  }
0x3f2: {  	_ = 	snop  }
0x3f3: {  	[tilespmem:v7+s12+$0x0] =	vst.idx.msk $0xffff, v5  }
0x3f4: {  	[tilespmem:v7+s13+$0x0] =	vst.idx.msk $0xffff, v9  }
0x3f5: {  	s25 =	sadd.s32 $0xFFFFFFFF, s25;
	s23 =	sadd.s32 $0x80, s23;
	s24 =	sadd.s32 $0x80, s24;
	[tilespmem:v6+s14+$0x0] =	vst.idx.add.s32.msk vm0, v8  }
.LBB2_36:
0x3f6: {  	[tilespmem:$0xC800] =	vst v0  }
0x3f7: {  	[tilespmem:$0xC810] =	vst v0  }
0x3f8: {  	[tilespmem:$0xC820] =	vst v0  }
0x3f9: {  	[tilespmem:$0xC830] =	vst v0  }
0x3fa: {  	[tilespmem:$0xC840] =	vst v0  }
0x3fb: {  	[tilespmem:$0xC850] =	vst v0  }
0x3fc: {  	[tilespmem:$0xC860] =	vst v0  }
0x3fd: {  	[tilespmem:$0xC870] =	vst v0  }
0x3fe: {  	[tilespmem:$0xC880] =	vst v0  }
0x3ff: {  	[tilespmem:$0xC890] =	vst v0  }
0x400: {  	[tilespmem:$0xC8A0] =	vst v0  }
0x401: {  	[tilespmem:$0xC8B0] =	vst v0  }
0x402: {  	[tilespmem:$0xC8C0] =	vst v0  }
0x403: {  	[tilespmem:$0xC8D0] =	vst v0  }
0x404: {  	[tilespmem:$0xC8E0] =	vst v0  }
0x405: {  	[tilespmem:$0xC8F0] =	vst v0  }
0x406: {  	[tilespmem:$0xC900] =	vst v0  }
0x407: {  	[tilespmem:$0xC910] =	vst v0  }
0x408: {  	[tilespmem:$0xC920] =	vst v0  }
0x409: {  	[tilespmem:$0xC930] =	vst v0  }
0x40a: {  	[tilespmem:$0xC940] =	vst v0  }
0x40b: {  	[tilespmem:$0xC950] =	vst v0  }
0x40c: {  	[tilespmem:$0xC960] =	vst v0  }
0x40d: {  	[tilespmem:$0xC970] =	vst v0  }
0x40e: {  	[tilespmem:$0xC980] =	vst v0  }
0x40f: {  	[tilespmem:$0xC990] =	vst v0  }
0x410: {  	[tilespmem:$0xC9A0] =	vst v0  }
0x411: {  	[tilespmem:$0xC9B0] =	vst v0  }
0x412: {  	[tilespmem:$0xC9C0] =	vst v0  }
0x413: {  	[tilespmem:$0xC9D0] =	vst v0  }
0x414: {  	[tilespmem:$0xC9E0] =	vst v0  }
0x415: {  	[tilespmem:$0xC9F0] =	vst v0  }
0x416: {  	[tilespmem:$0xCA00] =	vst v0  }
0x417: {  	[tilespmem:$0xCA10] =	vst v0  }
0x418: {  	[tilespmem:$0xCA20] =	vst v0  }
0x419: {  	[tilespmem:$0xCA30] =	vst v0  }
0x41a: {  	[tilespmem:$0xCA40] =	vst v0  }
0x41b: {  	[tilespmem:$0xCA50] =	vst v0  }
0x41c: {  	[tilespmem:$0xCA60] =	vst v0  }
0x41d: {  	[tilespmem:$0xCA70] =	vst v0  }
0x41e: {  	[tilespmem:$0xCA80] =	vst v0  }
0x41f: {  	[tilespmem:$0xCA90] =	vst v0  }
0x420: {  	[tilespmem:$0xCAA0] =	vst v0  }
0x421: {  	[tilespmem:$0xCAB0] =	vst v0  }
0x422: {  	[tilespmem:$0xCAC0] =	vst v0  }
0x423: {  	[tilespmem:$0xCAD0] =	vst v0  }
0x424: {  	[tilespmem:$0xCAE0] =	vst v0  }
0x425: {  	[tilespmem:$0xCAF0] =	vst v0  }
0x426: {  	[tilespmem:$0xCB00] =	vst v0  }
0x427: {  	[tilespmem:$0xCB10] =	vst v0  }
0x428: {  	[tilespmem:$0xCB20] =	vst v0  }
0x429: {  	[tilespmem:$0xCB30] =	vst v0  }
0x42a: {  	[tilespmem:$0xCB40] =	vst v0  }
0x42b: {  	[tilespmem:$0xCB50] =	vst v0  }
0x42c: {  	[tilespmem:$0xCB60] =	vst v0  }
0x42d: {  	[tilespmem:$0xCB70] =	vst v0  }
0x42e: {  	[tilespmem:$0xCB80] =	vst v0  }
0x42f: {  	[tilespmem:$0xCB90] =	vst v0  }
0x430: {  	[tilespmem:$0xCBA0] =	vst v0  }
.Ltmp21:
0x431: {  	[tilespmem:$0xCBB0] =	vst v0;
	(pc) =	sbr.rel @!p0 .LBB2_37-.Ltmp21, $4  }
0x432: {  	[tilespmem:$0xCBC0] =	vst v0  }
0x433: {  	[tilespmem:$0xCBD0] =	vst v0  }
0x434: {  	[tilespmem:$0xCBE0] =	vst v0  }
0x435: {  	[tilespmem:$0xCBF0] =	vst v0;
	s23 =	simm.s32 $0x8840;
	s24 =	smov.u32 s22  }
.LBB2_49:
0x436: {  	v5 =	vld [tilespmem:s23+$0xFFFFFFC0];
	_ =	sdelay $0x4  }
0x437: {  	v5 =	vshra.s32 v5, $0x16  }
0x438: {  	v5 =	vsub.s32 $0x1FF, v5  }
0x439: {  	(xrf1) =	vunique.msk.u32 $0xffff, v5;
	_ =	sdelay $0xd  }
0x43a: {  	_, v6, vm0 =	vpop (xrf1);
	_ =	sdelay $0x5  }
0x43b: {  	[tilespmem:v5+s14+$0x0] =	vst.idx.add.s32.msk vm0, v6  }
0x43c: {  	v5 =	vld [tilespmem:s23+$0xFFFFFFD0];
	_ =	sdelay $0x4  }
0x43d: {  	v5 =	vshra.s32 v5, $0x16  }
0x43e: {  	v5 =	vsub.s32 $0x1FF, v5  }
0x43f: {  	(xrf1) =	vunique.msk.u32 $0xffff, v5;
	_ =	sdelay $0xd  }
0x440: {  	_, v6, vm0 =	vpop (xrf1);
	_ =	sdelay $0x5  }
0x441: {  	[tilespmem:v5+s14+$0x0] =	vst.idx.add.s32.msk vm0, v6  }
0x442: {  	v5 =	vld [tilespmem:s23+$0xFFFFFFE0];
	_ =	sdelay $0x4  }
0x443: {  	v5 =	vshra.s32 v5, $0x16  }
0x444: {  	v5 =	vsub.s32 $0x1FF, v5  }
0x445: {  	(xrf1) =	vunique.msk.u32 $0xffff, v5;
	_ =	sdelay $0xd  }
0x446: {  	_, v6, vm0 =	vpop (xrf1);
	_ =	sdelay $0x5  }
0x447: {  	[tilespmem:v5+s14+$0x0] =	vst.idx.add.s32.msk vm0, v6  }
0x448: {  	v5 =	vld [tilespmem:s23+$0xFFFFFFF0];
	_ =	sdelay $0x4  }
0x449: {  	v5 =	vshra.s32 v5, $0x16  }
0x44a: {  	v5 =	vsub.s32 $0x1FF, v5  }
0x44b: {  	(xrf1) =	vunique.msk.u32 $0xffff, v5;
	_ =	sdelay $0xd  }
0x44c: {  	_, v6, vm0 =	vpop (xrf1);
	_ =	sdelay $0x5  }
0x44d: {  	[tilespmem:v5+s14+$0x0] =	vst.idx.add.s32.msk vm0, v6  }
0x44e: {  	v5 =	vld [tilespmem:s23+$0x0];
	_ =	sdelay $0x4  }
0x44f: {  	v5 =	vshra.s32 v5, $0x16  }
0x450: {  	v5 =	vsub.s32 $0x1FF, v5  }
0x451: {  	(xrf1) =	vunique.msk.u32 $0xffff, v5;
	_ =	sdelay $0xd  }
0x452: {  	_, v6, vm0 =	vpop (xrf1);
	_ =	sdelay $0x5  }
0x453: {  	[tilespmem:v5+s14+$0x0] =	vst.idx.add.s32.msk vm0, v6  }
0x454: {  	v5 =	vld [tilespmem:s23+$0x10];
	_ =	sdelay $0x4  }
0x455: {  	v5 =	vshra.s32 v5, $0x16  }
0x456: {  	v5 =	vsub.s32 $0x1FF, v5  }
0x457: {  	(xrf1) =	vunique.msk.u32 $0xffff, v5;
	_ =	sdelay $0xd  }
0x458: {  	_, v6, vm0 =	vpop (xrf1);
	_ =	sdelay $0x5  }
0x459: {  	[tilespmem:v5+s14+$0x0] =	vst.idx.add.s32.msk vm0, v6  }
0x45a: {  	v5 =	vld [tilespmem:s23+$0x20];
	_ =	sdelay $0x4  }
0x45b: {  	v5 =	vshra.s32 v5, $0x16  }
0x45c: {  	v5 =	vsub.s32 $0x1FF, v5  }
0x45d: {  	(xrf1) =	vunique.msk.u32 $0xffff, v5;
	_ =	sdelay $0xd  }
0x45e: {  	_, v6, vm0 =	vpop (xrf1);
	_ =	sdelay $0x5  }
0x45f: {  	[tilespmem:v5+s14+$0x0] =	vst.idx.add.s32.msk vm0, v6  }
0x460: {  	v5 =	vld [tilespmem:s23+$0x30];
	_ =	sdelay $0x4  }
0x461: {  	v5 =	vshra.s32 v5, $0x16  }
0x462: {  	v5 =	vsub.s32 $0x1FF, v5  }
0x463: {  	(xrf1) =	vunique.msk.u32 $0xffff, v5;
	_ =	sdelay $0xd  }
0x464: {  	_, v6, vm0 =	vpop (xrf1)  }
0x465: {  	p1 =	seq.s32 s24, $0x1  }
.Ltmp22:
0x466: {  	_ = 	snop;
	(pc) =	sbr.rel @!p1 .LBB2_49-.Ltmp22, $2  }
0x467: {  	_ =	sdelay $0x2  }
0x468: {  	s24 =	sadd.s32 $0xFFFFFFFF, s24;
	s23 =	sadd.s32 $0x80, s23;
	[tilespmem:v5+s14+$0x0] =	vst.idx.add.s32.msk vm0, v6  }
.LBB2_37:
0x469: {  	s23 =	simm.s32 $0xC810  }
0x46a: {  	v7 =	vld [tilespmem:s23+$0xFFFFFFF0];
	_ =	sdelay $0x4  }
0x46b: {  	(xrf0) =	vadd.scan.msk.s32 $0xffff, v7  }
0x46c: {  	v6 =	vld [tilespmem:s23+$0x0];
	_ =	sdelay $0x4  }
0x46d: {  	v8, _, _ =	vpop (xrf0);
	(xrf0) =	vadd.scan.msk.s32 $0xffff, v6  }
0x46e: {  	v5 =	vimm.s32 $0x0  }
0x46f: {  	v7 =	vsub.s32 v5, v7  }
0x470: {  	v9 =	vadd.s32 v8, v7;
	v7 =	vperm.xlane v8, v3  }
0x471: {  	s24 =	simm.s32 $0x0;
	s25 =	simm.s32 $0xC830;
	[tilespmem:s23+$0xFFFFFFF0] =	vst v9  }
.LBB2_38:
0x472: {  	v8 =	vld [tilespmem:s25+$0xFFFFFFF0];
	s24 =	sadd.s32 $0x2, s24;
	v5 =	vadd.s32 v5, v7  }
0x473: {  	p1 =	slt.u32 s24, $0x3E;
	v6 =	vsub.s32 v5, v6;
	v7, _, _ =	vpop (xrf0)  }
0x474: {  	v6 =	vadd.s32 v7, v6;
	v7 =	vperm.xlane v7, v3  }
0x475: {  	[tilespmem:s23+$0x0] =	vst v6;
	s23 =	smov.u32 s25  }
0x476: {  	v6 =	vld [tilespmem:s25+$0x0];
	v5 =	vadd.s32 v5, v7  }
0x477: {  	v7 =	vsub.s32 v5, v8;
	(xrf0) =	vadd.scan.msk.s32 $0xffff, v8;
	_ =	sdelay $0x3  }
.Ltmp23:
0x478: {  	(xrf0) =	vadd.scan.msk.s32 $0xffff, v6;
	(pc) =	sbr.rel @p1 .LBB2_38-.Ltmp23, $4  }
0x479: {  	_ = 	snop  }
0x47a: {  	v8, _, _ =	vpop (xrf0)  }
0x47b: {  	v9 =	vadd.s32 v8, v7;
	v7 =	vperm.xlane v8, v3  }
0x47c: {  	s25 =	sadd.s32 $0x20, s25;
	[tilespmem:s23+$0xFFFFFFF0] =	vst v9  }
.Ltmp24:
0x47d: {  	(pc) =	sbr.rel @!p0 .LBB2_42-.Ltmp24, $4  }
0x47e: {  	v5 =	vadd.s32 v5, v7  }
0x47f: {  	v5 =	vsub.s32 v5, v6;
	v6, _, _ =	vpop (xrf0)  }
0x480: {  	v5 =	vadd.s32 v6, v5  }
0x481: {  	[tilespmem:s23+$0x0] =	vst v5  }
0x482: {  	s23 =	simm.s32 $0x8840;
	s24 =	simm.s32 $0x9840  }
.LBB2_41:
0x483: {  	v5 =	vld [tilespmem:s23+$0xFFFFFFC0];
	_ =	sdelay $0x4  }
0x484: {  	v6 =	vshra.s32 v5, $0x16  }
0x485: {  	v6 =	vsub.s32 $0x1FF, v6  }
0x486: {  	(xrf1) =	vunique.msk.u32 $0xffff, v6;
	_ =	sdelay $0x9  }
0x487: {  	v7 =	vld.idx.msk [tilespmem:v6+s14+$0x0], $0xffff;
	_ =	sdelay $0x3  }
0x488: {  	_, v8, vm0 =	vpop (xrf1)  }
0x489: {  	v7 =	vadd.s32 v8, v7  }
0x48a: {  	v7 =	vadd.s32 $0xFFFFFFFF, v7  }
0x48b: {  	v9 =	vld [tilespmem:s24+$0xFFFFFFC0];
	_ =	sdelay $0x3  }
0x48c: {  	[tilespmem:v7+s15+$0x0] =	vst.idx.msk $0xffff, v5  }
0x48d: {  	[tilespmem:v7+s16+$0x0] =	vst.idx.msk $0xffff, v9  }
0x48e: {  	[tilespmem:v6+s14+$0x0] =	vst.idx.add.s32.msk vm0, v8  }
0x48f: {  	v5 =	vld [tilespmem:s23+$0xFFFFFFD0];
	_ =	sdelay $0x4  }
0x490: {  	v6 =	vshra.s32 v5, $0x16  }
0x491: {  	v6 =	vsub.s32 $0x1FF, v6  }
0x492: {  	(xrf1) =	vunique.msk.u32 $0xffff, v6;
	_ =	sdelay $0x9  }
0x493: {  	v7 =	vld.idx.msk [tilespmem:v6+s14+$0x0], $0xffff;
	_ =	sdelay $0x3  }
0x494: {  	_, v8, vm0 =	vpop (xrf1)  }
0x495: {  	v7 =	vadd.s32 v8, v7  }
0x496: {  	v7 =	vadd.s32 $0xFFFFFFFF, v7  }
0x497: {  	v9 =	vld [tilespmem:s24+$0xFFFFFFD0];
	_ =	sdelay $0x3  }
0x498: {  	[tilespmem:v7+s15+$0x0] =	vst.idx.msk $0xffff, v5  }
0x499: {  	[tilespmem:v7+s16+$0x0] =	vst.idx.msk $0xffff, v9  }
0x49a: {  	[tilespmem:v6+s14+$0x0] =	vst.idx.add.s32.msk vm0, v8  }
0x49b: {  	v5 =	vld [tilespmem:s23+$0xFFFFFFE0];
	_ =	sdelay $0x4  }
0x49c: {  	v6 =	vshra.s32 v5, $0x16  }
0x49d: {  	v6 =	vsub.s32 $0x1FF, v6  }
0x49e: {  	(xrf1) =	vunique.msk.u32 $0xffff, v6;
	_ =	sdelay $0x9  }
0x49f: {  	v7 =	vld.idx.msk [tilespmem:v6+s14+$0x0], $0xffff;
	_ =	sdelay $0x3  }
0x4a0: {  	_, v8, vm0 =	vpop (xrf1)  }
0x4a1: {  	v7 =	vadd.s32 v8, v7  }
0x4a2: {  	v7 =	vadd.s32 $0xFFFFFFFF, v7  }
0x4a3: {  	v9 =	vld [tilespmem:s24+$0xFFFFFFE0];
	_ =	sdelay $0x3  }
0x4a4: {  	[tilespmem:v7+s15+$0x0] =	vst.idx.msk $0xffff, v5  }
0x4a5: {  	[tilespmem:v7+s16+$0x0] =	vst.idx.msk $0xffff, v9  }
0x4a6: {  	[tilespmem:v6+s14+$0x0] =	vst.idx.add.s32.msk vm0, v8  }
0x4a7: {  	v5 =	vld [tilespmem:s23+$0xFFFFFFF0];
	_ =	sdelay $0x4  }
0x4a8: {  	v6 =	vshra.s32 v5, $0x16  }
0x4a9: {  	v6 =	vsub.s32 $0x1FF, v6  }
0x4aa: {  	(xrf1) =	vunique.msk.u32 $0xffff, v6;
	_ =	sdelay $0x9  }
0x4ab: {  	v7 =	vld.idx.msk [tilespmem:v6+s14+$0x0], $0xffff;
	_ =	sdelay $0x3  }
0x4ac: {  	_, v8, vm0 =	vpop (xrf1)  }
0x4ad: {  	v7 =	vadd.s32 v8, v7  }
0x4ae: {  	v7 =	vadd.s32 $0xFFFFFFFF, v7  }
0x4af: {  	v9 =	vld [tilespmem:s24+$0xFFFFFFF0];
	_ =	sdelay $0x3  }
0x4b0: {  	[tilespmem:v7+s15+$0x0] =	vst.idx.msk $0xffff, v5  }
0x4b1: {  	[tilespmem:v7+s16+$0x0] =	vst.idx.msk $0xffff, v9  }
0x4b2: {  	[tilespmem:v6+s14+$0x0] =	vst.idx.add.s32.msk vm0, v8  }
0x4b3: {  	v5 =	vld [tilespmem:s23+$0x0];
	_ =	sdelay $0x4  }
0x4b4: {  	v6 =	vshra.s32 v5, $0x16  }
0x4b5: {  	v6 =	vsub.s32 $0x1FF, v6  }
0x4b6: {  	(xrf1) =	vunique.msk.u32 $0xffff, v6;
	_ =	sdelay $0x9  }
0x4b7: {  	v7 =	vld.idx.msk [tilespmem:v6+s14+$0x0], $0xffff;
	_ =	sdelay $0x3  }
0x4b8: {  	_, v8, vm0 =	vpop (xrf1)  }
0x4b9: {  	v7 =	vadd.s32 v8, v7  }
0x4ba: {  	v7 =	vadd.s32 $0xFFFFFFFF, v7  }
0x4bb: {  	v9 =	vld [tilespmem:s24+$0x0];
	_ =	sdelay $0x3  }
0x4bc: {  	[tilespmem:v7+s15+$0x0] =	vst.idx.msk $0xffff, v5  }
0x4bd: {  	[tilespmem:v7+s16+$0x0] =	vst.idx.msk $0xffff, v9  }
0x4be: {  	[tilespmem:v6+s14+$0x0] =	vst.idx.add.s32.msk vm0, v8  }
0x4bf: {  	v5 =	vld [tilespmem:s23+$0x10];
	_ =	sdelay $0x4  }
0x4c0: {  	v6 =	vshra.s32 v5, $0x16  }
0x4c1: {  	v6 =	vsub.s32 $0x1FF, v6  }
0x4c2: {  	(xrf1) =	vunique.msk.u32 $0xffff, v6;
	_ =	sdelay $0x9  }
0x4c3: {  	v7 =	vld.idx.msk [tilespmem:v6+s14+$0x0], $0xffff;
	_ =	sdelay $0x3  }
0x4c4: {  	_, v8, vm0 =	vpop (xrf1)  }
0x4c5: {  	v7 =	vadd.s32 v8, v7  }
0x4c6: {  	v7 =	vadd.s32 $0xFFFFFFFF, v7  }
0x4c7: {  	v9 =	vld [tilespmem:s24+$0x10];
	_ =	sdelay $0x3  }
0x4c8: {  	[tilespmem:v7+s15+$0x0] =	vst.idx.msk $0xffff, v5  }
0x4c9: {  	[tilespmem:v7+s16+$0x0] =	vst.idx.msk $0xffff, v9  }
0x4ca: {  	[tilespmem:v6+s14+$0x0] =	vst.idx.add.s32.msk vm0, v8  }
0x4cb: {  	v5 =	vld [tilespmem:s23+$0x20];
	_ =	sdelay $0x4  }
0x4cc: {  	v6 =	vshra.s32 v5, $0x16  }
0x4cd: {  	v6 =	vsub.s32 $0x1FF, v6  }
0x4ce: {  	(xrf1) =	vunique.msk.u32 $0xffff, v6;
	_ =	sdelay $0x9  }
0x4cf: {  	v7 =	vld.idx.msk [tilespmem:v6+s14+$0x0], $0xffff;
	_ =	sdelay $0x3  }
0x4d0: {  	_, v8, vm0 =	vpop (xrf1)  }
0x4d1: {  	v7 =	vadd.s32 v8, v7  }
0x4d2: {  	v7 =	vadd.s32 $0xFFFFFFFF, v7  }
0x4d3: {  	v9 =	vld [tilespmem:s24+$0x20];
	_ =	sdelay $0x3  }
0x4d4: {  	[tilespmem:v7+s15+$0x0] =	vst.idx.msk $0xffff, v5  }
0x4d5: {  	[tilespmem:v7+s16+$0x0] =	vst.idx.msk $0xffff, v9  }
0x4d6: {  	[tilespmem:v6+s14+$0x0] =	vst.idx.add.s32.msk vm0, v8  }
0x4d7: {  	v5 =	vld [tilespmem:s23+$0x30];
	_ =	sdelay $0x4  }
0x4d8: {  	v6 =	vshra.s32 v5, $0x16  }
0x4d9: {  	v6 =	vsub.s32 $0x1FF, v6  }
0x4da: {  	(xrf1) =	vunique.msk.u32 $0xffff, v6;
	_ =	sdelay $0x9  }
0x4db: {  	v7 =	vld.idx.msk [tilespmem:v6+s14+$0x0], $0xffff;
	_ =	sdelay $0x3  }
0x4dc: {  	_, v8, vm0 =	vpop (xrf1)  }
0x4dd: {  	v7 =	vadd.s32 v8, v7  }
0x4de: {  	v7 =	vadd.s32 $0xFFFFFFFF, v7  }
0x4df: {  	v9 =	vld [tilespmem:s24+$0x30]  }
0x4e0: {  	p0 =	sne.s32 s22, $0x1  }
.Ltmp25:
0x4e1: {  	_ = 	snop;
	(pc) =	sbr.rel @p0 .LBB2_41-.Ltmp25, $4  }
0x4e2: {  	_ = 	snop  }
0x4e3: {  	[tilespmem:v7+s15+$0x0] =	vst.idx.msk $0xffff, v5  }
0x4e4: {  	[tilespmem:v7+s16+$0x0] =	vst.idx.msk $0xffff, v9  }
0x4e5: {  	s22 =	sadd.s32 $0xFFFFFFFF, s22;
	s23 =	sadd.s32 $0x80, s23;
	s24 =	sadd.s32 $0x80, s24;
	[tilespmem:v6+s14+$0x0] =	vst.idx.add.s32.msk vm0, v8  }
.LBB2_42:
0x4e6: {  	s23 =	simm.s32 $0xA820  }
0x4e7: {  	v5 =	vld [tilespmem:s23+$0xFFFFFFE0];
	_ =	sdelay $0x4  }
0x4e8: {  	v6 =	vshra.s32 v5, $0x1F  }
0x4e9: {  	v6 =	vand.u32 $0x7FFFFFFF, v6  }
0x4ea: {  	s22 =	simm.s32 $0xD020;
	v5 =	vxor.u32 v5, v6  }
0x4eb: {  	[tilespmem:s22+$0xFFFFFFE0] =	vst v5  }
0x4ec: {  	v5 =	vld [tilespmem:s23+$0xFFFFFFF0];
	_ =	sdelay $0x4  }
0x4ed: {  	v6 =	vshra.s32 v5, $0x1F  }
0x4ee: {  	v6 =	vand.u32 $0x7FFFFFFF, v6  }
0x4ef: {  	v5 =	vxor.u32 v5, v6  }
0x4f0: {  	[tilespmem:s22+$0xFFFFFFF0] =	vst v5  }
0x4f1: {  	v5 =	vld [tilespmem:s23+$0x0];
	_ =	sdelay $0x4  }
0x4f2: {  	v6 =	vshra.s32 v5, $0x1F  }
0x4f3: {  	v6 =	vand.u32 $0x7FFFFFFF, v6  }
0x4f4: {  	v5 =	vxor.u32 v5, v6  }
0x4f5: {  	[tilespmem:s22+$0x0] =	vst v5  }
0x4f6: {  	v5 =	vld [tilespmem:s23+$0x10];
	_ =	sdelay $0x4  }
0x4f7: {  	v6 =	vshra.s32 v5, $0x1F  }
0x4f8: {  	v6 =	vand.u32 $0x7FFFFFFF, v6  }
0x4f9: {  	v5 =	vxor.u32 v5, v6  }
0x4fa: {  	s24 =	simm.s32 $0xA860;
	s23 =	simm.s32 $0x0;
	[tilespmem:s22+$0x10] =	vst v5  }
.LBB2_43:
0x4fb: {  	v5 =	vld [tilespmem:s24+$0xFFFFFFE0];
	s23 =	sadd.s32 $0x4, s23  }
0x4fc: {  	p0 =	slt.u32 s23, $0x7C;
	_ =	sdelay $0x3  }
0x4fd: {  	v6 =	vshra.s32 v5, $0x1F  }
0x4fe: {  	v6 =	vand.u32 $0x7FFFFFFF, v6  }
0x4ff: {  	s22 =	sadd.s32 $0x40, s22;
	v5 =	vxor.u32 v5, v6  }
0x500: {  	[tilespmem:s22+$0xFFFFFFE0] =	vst v5  }
0x501: {  	v5 =	vld [tilespmem:s24+$0xFFFFFFF0];
	_ =	sdelay $0x4  }
0x502: {  	v6 =	vshra.s32 v5, $0x1F  }
0x503: {  	v6 =	vand.u32 $0x7FFFFFFF, v6  }
0x504: {  	v5 =	vxor.u32 v5, v6  }
0x505: {  	[tilespmem:s22+$0xFFFFFFF0] =	vst v5  }
0x506: {  	v5 =	vld [tilespmem:s24+$0x0];
	_ =	sdelay $0x4  }
0x507: {  	v6 =	vshra.s32 v5, $0x1F  }
0x508: {  	v6 =	vand.u32 $0x7FFFFFFF, v6  }
0x509: {  	v5 =	vxor.u32 v5, v6  }
0x50a: {  	[tilespmem:s22+$0x0] =	vst v5  }
0x50b: {  	v5 =	vld [tilespmem:s24+$0x10];
	_ =	sdelay $0x3  }
.Ltmp26:
0x50c: {  	(pc) =	sbr.rel @p0 .LBB2_43-.Ltmp26, $4  }
0x50d: {  	v6 =	vshra.s32 v5, $0x1F  }
0x50e: {  	v6 =	vand.u32 $0x7FFFFFFF, v6  }
0x50f: {  	v5 =	vxor.u32 v5, v6  }
0x510: {  	s24 =	sadd.s32 $0x40, s24;
	[tilespmem:s22+$0x10] =	vst v5  }
0x511: {  	s20 =	sshll.u32 s20, $0xE  }
0x512: {  	s20 =	sor.u32 s21, s20  }
0x513: {  	s20 =	sshrl.u32 s20, $0x3  }
0x514: {  	s31 =	sadd.s32 s2, s20  }
0x515: {  	[hbm4b:s31+s8] =	stream.strided.scatter [tilespmem:s16], [sflag:$0x1], $0x800, s9, s8, $0x38;
	[tilespmem:$0xD800] =	vst v63  }
0x516: {  	s19 =	sadd.s32 $0x1, s19;
	_ =	swait.ge [sflag:s10], $0x800  }
0x517: {  	p0 =	sne.s32 s19, $0x10;
	[sflag:s10] =	ssyncset.done $0x0  }
.Ltmp27:
0x518: {  	s20 =	sadd.s32 s3, s20;
	[sflag:s10] =	ssyncadd.s32 $0xFFFFF800;
	(pc) =	sbr.rel @p0 .LBB2_2-.Ltmp27, $4  }
0x519: {  	[hbm4b:s20+s8] =	stream.strided.scatter [tilespmem:s17], [sflag:$0x1], $0x800, s9, s8, $0x38;
	[tilespmem:$0xD800] =	vst v63  }
0x51a: {  	_ =	swait.ge [sflag:s10], $0x800  }
0x51b: {  	[sflag:s10] =	ssyncset.done $0x0  }
0x51c: {  	[sflag:s10] =	ssyncadd.s32 $0xFFFFF800  }
0x51d: {  	s18 =	sadd.s32 $0x1, s18  }
0x51e: {  	p0 =	sne.s32 s18, s7  }
.Ltmp28:
0x51f: {  	_ = 	snop;
	(pc) =	sbr.rel @p0 .LBB2_1-.Ltmp28, $1  }
0x520: {  	_ =	sdelay $0x3  }
0x521: {  	_ =	sfence.sel $0x180000  }
0x522: {  	[bflag:$0x0] =	sbarrier.arrive $0xFFFF  }
0x523: {  	p0 =	sne.s32 s4, $0x0;
	_ =	strace $0x90000047  }
0x524: {  	s0 =	sadd.s32 @!p0 $0x100000, s0;
	[bflag:$0x2] =	sbarrier.arrive $0xFFFF  }
0x525: {  	[sflag:s0] =	ssyncadd.tile.s32 @!p0 $0x1;
	_ =	shalt  }
.Lfunc_end2:
_tile_overlayer_lowered:
.L_overlay_start_2:
0x526: {  	(tag) =	ssettag $0x2  }
0x527: {  	s0 =	rddreg [dreg:$0x0];
	s2 =	stileid.u32  }
0x528: {  	s1 =	rddreg [dreg:$0x1];
	p0 =	sne.s32 s2, $0x0  }
0x529: {  	s3 =	rddreg [dreg:$0x2];
	[bflag:$0x3] =	sbarrier.arrive $0xFFFF;
	s2 =	simm.s32 @!p0 $0x1C01  }
0x52a: {  	[timem:s3], [sflag:s2] =	dma.local @!p0 [hbm:s0], s1  }
0x52b: {  	s0 =	simm.s32 @!p0 $0x1  }
0x52c: {  	_ =	swait.ge @!p0 [sflag:s0], s1  }
0x52d: {  	s1 =	ssub.s32 @!p0 $0x0, s1;
	[sflag:s0] =	ssyncset.done @!p0 $0x0  }
0x52e: {  	[sflag:s0] =	ssyncadd.s32 @!p0 s1  }
0x52f: {  	[bflag:$0x3] =	sbarrier.arrive $0xFFFF  }
0x530: {  	_ =	shalt  }

</sc_bundles>
